<compile_context>
chip_gen: v7x
topology: tpu7x:2x2x1
jax: 0.10.2.dev20260603
libtpu: 0.0.44.dev20260713+nightly
codegen_flags: <defaults>
</compile_context>

<pallas_src>
import functools

import jax
import jax.numpy as jnp
from jax import lax
from jax.experimental import pallas as pl
from jax.experimental.pallas import tpu as pltpu
from jax.experimental.pallas import tpu_sc as plsc

LANES = 16


def _sum_splat(v):
    idx = lax.iota(jnp.int32, 16)
    for k in (8, 4, 2, 1):
        v = v + v.at[jnp.bitwise_xor(idx, jnp.int32(k))].get(
            mode="promise_in_bounds")
    return v


def _rsqrt_newton(x):
    i = lax.bitcast_convert_type(x, jnp.int32)
    i = jnp.int32(0x5F3759DF) - (i >> 1)
    y = lax.bitcast_convert_type(i, jnp.float32)
    half = x * jnp.float32(0.5)
    for _ in range(3):
        y = y * (jnp.float32(1.5) - half * y * y)
    return y


def _make_sc_kernel(B, L, V, D):
    info = plsc.get_sparse_core_info()
    NC, NS = info.num_cores, info.num_subcores
    NW = NC * NS
    assert B % NW == 0
    bpw = B // NW
    rows_per_chunk = 2
    assert bpw % rows_per_chunk == 0
    chunks = bpw // rows_per_chunk
    assert chunks % 2 == 0
    clen = rows_per_chunk * L
    ngrp = D // LANES

    mesh = plsc.VectorSubcoreMesh(core_axis_name="c", subcore_axis_name="s")

    @functools.partial(
        pl.kernel,
        mesh=mesh,
        out_type=jax.ShapeDtypeStruct((B, D), jnp.float32),
        compiler_params=pltpu.CompilerParams(use_tc_tiling_on_sc=False),
        scratch_types=[
            pltpu.VMEM((chunks, clen), jnp.int32),
            pltpu.VMEM((clen, D), jnp.float32),
            pltpu.VMEM((clen, D), jnp.float32),
            pltpu.VMEM((bpw, D), jnp.float32),
            pltpu.SemaphoreType.DMA,
            pltpu.SemaphoreType.DMA,
        ],
    )
    def sc_kernel(idx_hbm, table_hbm, out_hbm, idx_v, rows0, rows1, out_v,
                  sem0, sem1):
        wid = lax.axis_index("s") * NC + lax.axis_index("c")
        pltpu.sync_copy(idx_hbm.at[pl.ds(wid * chunks, chunks)], idx_v)

        def compute(buf, out_base):
            for r in range(rows_per_chunk):
                accs = [buf[r * L, pl.ds(LANES * c, LANES)]
                        for c in range(ngrp)]
                for j in range(1, L):
                    for c in range(ngrp):
                        accs[c] = accs[c] + buf[r * L + j,
                                                pl.ds(LANES * c, LANES)]
                sq = accs[0] * accs[0]
                for c in range(1, ngrp):
                    sq = sq + accs[c] * accs[c]
                n2 = jnp.maximum(_sum_splat(sq), jnp.float32(1e-24))
                inv = _rsqrt_newton(n2)
                for c in range(ngrp):
                    out_v[out_base + r, pl.ds(LANES * c, LANES)] = accs[c] * inv

        pltpu.async_copy(table_hbm.at[idx_v.at[0]], rows0, sem0)

        def pair_body(h, _):
            g0 = 2 * h
            pltpu.async_copy(table_hbm.at[idx_v.at[g0 + 1]], rows1, sem1)
            pltpu.make_async_copy(table_hbm.at[idx_v.at[g0]], rows0,
                                  sem0).wait()
            compute(rows0, g0 * rows_per_chunk)
            gnext = jnp.minimum(g0 + 2, chunks - 1)
            pltpu.async_copy(table_hbm.at[idx_v.at[gnext]], rows0, sem0)
            pltpu.make_async_copy(table_hbm.at[idx_v.at[g0 + 1]], rows1,
                                  sem1).wait()
            compute(rows1, (g0 + 1) * rows_per_chunk)
            return 0

        lax.fori_loop(0, chunks // 2, pair_body, 0)
        pltpu.make_async_copy(table_hbm.at[idx_v.at[0]], rows0, sem0).wait()
        pltpu.sync_copy(out_v, out_hbm.at[pl.ds(wid * bpw, bpw)])

    return sc_kernel


def kernel(text_idxs, text_len, embedding_table):
    del text_len
    B, L = text_idxs.shape
    V, D = embedding_table.shape
    rows_per_chunk = 2
    clen = rows_per_chunk * L
    idx2d = text_idxs.astype(jnp.int32).reshape(B * L // clen, clen)
    sc = _make_sc_kernel(B, L, V, D)
    return sc(idx2d, embedding_table)

# --- scband reference (transcript-rebuilt; emitter-appended) ---
"""Pipeline reference for scband-mean-embedding-interface-8813272892038 (READ-ONLY COPY).

The authoritative reference and input builder live on the scoring server;
editing this copy changes nothing except your own understanding.
"""

import jax, jax.numpy as jnp
import numpy as np


def setup_inputs(seed: int = 0) -> dict:
    key = jax.random.key(seed)
    k1, k2, k3 = jax.random.split(key, 3)
    text_idxs = jax.random.randint(k1, (4096, 50), 0, 100000, dtype=jnp.int64 if jax.config.jax_enable_x64 else jnp.int32)
    text_len = jax.random.randint(k2, (4096,), 0, 50, dtype=jnp.int64 if jax.config.jax_enable_x64 else jnp.int32)
    embedding_table = jax.random.normal(k3, (100000, 64), dtype=jnp.float32)
    return {"text_idxs": text_idxs, "text_len": text_len, "embedding_table": embedding_table}


def reference(text_idxs, text_len, embedding_table):
    # emb = self.embedding(text_idxs)  -> gather rows from frozen table
    emb = jnp.take(embedding_table, text_idxs, axis=0)  # [B, L, D]
    # emb = torch.sum(emb, dim=1)
    emb = jnp.sum(emb, axis=1)  # [B, D]
    # emb = F.normalize(emb, dim=1)  (L2, eps=1e-12)
    norm = jnp.linalg.norm(emb, ord=2, axis=1, keepdims=True)
    norm = jnp.maximum(norm, 1e-12)
    return emb / norm

if __name__ == "__main__":
    import jax
    _d = setup_inputs()
    print(jax.jit(kernel)(*tuple(_d.values())))

</pallas_src>

<mosaic_0001>
#map = affine_map<(d0, d1) -> (0, 0)>
module attributes {stable_mosaic.version = 14 : i64} {
  func.func @sc_kernel(%arg0: i32, %arg1: i32, %arg2: memref<2048x100xi32, #tpu.memory_space<hbm>>, %arg3: memref<100000x64xf32, #tpu.memory_space<hbm>>, %arg4: memref<4096x64xf32, #tpu.memory_space<hbm>>, %arg5: memref<64x100xi32, #tpu.memory_space<vmem>>, %arg6: memref<100x64xf32, #tpu.memory_space<vmem>>, %arg7: memref<100x64xf32, #tpu.memory_space<vmem>>, %arg8: memref<128x64xf32, #tpu.memory_space<vmem>>, %arg9: memref<!tpu.dma_semaphore, #tpu.memory_space<semaphore_mem>>, %arg10: memref<!tpu.dma_semaphore, #tpu.memory_space<semaphore_mem>>) attributes {dimension_semantics = [#tpu.dimension_semantics<core_parallel>, #tpu.dimension_semantics<subcore_parallel>], iteration_bounds = array<i64: 2, 16>, scalar_prefetch = 0 : i64, scratch_operands = 6 : i64, tpu.core_type = #tpu.core_type<sc_vector_subcore>, window_params = [{transform_indices = #map}, {transform_indices = #map}, {transform_indices = #map}]} {
    %mul3A = arith.constant 2 : i32
    %mul3A_0 = arith.muli %arg1, %mul3A : i32
    %add3A = arith.addi %mul3A_0, %arg0 : i32
    %mul3A_1 = arith.constant 64 : i32
    %mul3A_2 = arith.muli %add3A, %mul3A_1 : i32
    "tpu.region"() ({
      %run_scoped3A = tpu.sem_alloc : memref<!tpu.dma_semaphore, #tpu.memory_space<semaphore_mem>>
      %dma_start3A_23 = arith.constant 0 : i32
      %dma_start3A_24 = tpu.memref_slice %arg2[%mul3A_2, %dma_start3A_23] : memref<2048x100xi32, #tpu.memory_space<hbm>> -> memref<64x100xi32, #tpu.memory_space<hbm>>
      %dma_start3A_25 = arith.constant 0 : i32
      %dma_start3A_26 = tpu.memref_slice %arg2[%mul3A_2, %dma_start3A_25] : memref<2048x100xi32, #tpu.memory_space<hbm>> -> memref<64x100xi32, #tpu.memory_space<hbm>>
      tpu.enqueue_dma source(%dma_start3A_26 : memref<64x100xi32, #tpu.memory_space<hbm>>) target(%arg5 : memref<64x100xi32, #tpu.memory_space<vmem>>) target_semaphore(%run_scoped3A : memref<!tpu.dma_semaphore, #tpu.memory_space<semaphore_mem>>)
      %dma_wait3A_27 = arith.constant 0 : i32
      %dma_wait3A_28 = tpu.memref_slice %arg2[%mul3A_2, %dma_wait3A_27] : memref<2048x100xi32, #tpu.memory_space<hbm>> -> memref<64x100xi32, #tpu.memory_space<hbm>>
      %dma_wait3A_29 = arith.constant 0 : i32
      %dma_wait3A_30 = tpu.memref_slice %arg2[%mul3A_2, %dma_wait3A_29] : memref<2048x100xi32, #tpu.memory_space<hbm>> -> memref<64x100xi32, #tpu.memory_space<hbm>>
      tpu.wait_dma2 semaphore(%run_scoped3A : memref<!tpu.dma_semaphore, #tpu.memory_space<semaphore_mem>>) src(%dma_wait3A_30 : memref<64x100xi32, #tpu.memory_space<hbm>>) dst(%arg5 : memref<64x100xi32, #tpu.memory_space<vmem>>)
      tpu.yield
    }) : () -> ()
    %dma_start3A = arith.constant 0 : i32
    %dma_start3A_3 = arith.constant 0 : i32
    %dma_start3A_4 = tpu.memref_slice %arg5[%dma_start3A, %dma_start3A_3] : memref<64x100xi32, #tpu.memory_space<vmem>> -> memref<1x100xi32, #tpu.memory_space<vmem>>
    %dma_start3A_5 = tpu.memref_squeeze %dma_start3A_4 : memref<1x100xi32, #tpu.memory_space<vmem>> -> memref<100xi32, #tpu.memory_space<vmem>>
    %dma_start3A_6 = arith.constant 0 : i32
    %dma_start3A_7 = arith.constant 0 : i32
    %dma_start3A_8 = tpu.memref_slice %arg3[%dma_start3A_6, %dma_start3A_7] : memref<100000x64xf32, #tpu.memory_space<hbm>> -> memref<100000x64xf32, #tpu.memory_space<hbm>>
    tpu.enqueue_indirect_dma source(%dma_start3A_8 : memref<100000x64xf32, #tpu.memory_space<hbm>>) target(%arg6 : memref<100x64xf32, #tpu.memory_space<vmem>>) offsets(%dma_start3A_5 : memref<100xi32, #tpu.memory_space<vmem>>) semaphore(%arg9 : memref<!tpu.dma_semaphore, #tpu.memory_space<semaphore_mem>>)
    %scan3A = arith.constant 0 : i32
    %scan3A_9 = arith.constant 0 : i32
    %scan3A_10 = arith.constant 32 : i32
    %scan3A_11 = arith.addi %scan3A_9, %scan3A_10 : i32
    %scan3A_12 = arith.constant 1 : i32
    %scan3A_13 = scf.for %scan3A_23 = %scan3A_9 to %scan3A_11 step %scan3A_12 iter_args(%scan3A_24 = %scan3A) -> (i32)  : i32 {
      %mul3A_25 = arith.constant 2 : i32
      %mul3A_26 = arith.muli %mul3A_25, %scan3A_23 : i32
      %add3A_27 = arith.constant 1 : i32
      %add3A_28 = arith.addi %mul3A_26, %add3A_27 : i32
      %dma_start3A_29 = arith.constant 0 : i32
      %dma_start3A_30 = tpu.memref_slice %arg5[%add3A_28, %dma_start3A_29] : memref<64x100xi32, #tpu.memory_space<vmem>> -> memref<1x100xi32, #tpu.memory_space<vmem>>
      %dma_start3A_31 = tpu.memref_squeeze %dma_start3A_30 : memref<1x100xi32, #tpu.memory_space<vmem>> -> memref<100xi32, #tpu.memory_space<vmem>>
      %dma_start3A_32 = arith.constant 0 : i32
      %dma_start3A_33 = arith.constant 0 : i32
      %dma_start3A_34 = tpu.memref_slice %arg3[%dma_start3A_32, %dma_start3A_33] : memref<100000x64xf32, #tpu.memory_space<hbm>> -> memref<100000x64xf32, #tpu.memory_space<hbm>>
      tpu.enqueue_indirect_dma source(%dma_start3A_34 : memref<100000x64xf32, #tpu.memory_space<hbm>>) target(%arg7 : memref<100x64xf32, #tpu.memory_space<vmem>>) offsets(%dma_start3A_31 : memref<100xi32, #tpu.memory_space<vmem>>) semaphore(%arg10 : memref<!tpu.dma_semaphore, #tpu.memory_space<semaphore_mem>>)
      %dma_wait3A_35 = arith.constant 0 : i32
      %dma_wait3A_36 = tpu.memref_slice %arg5[%mul3A_26, %dma_wait3A_35] : memref<64x100xi32, #tpu.memory_space<vmem>> -> memref<1x100xi32, #tpu.memory_space<vmem>>
      %dma_wait3A_37 = tpu.memref_squeeze %dma_wait3A_36 : memref<1x100xi32, #tpu.memory_space<vmem>> -> memref<100xi32, #tpu.memory_space<vmem>>
      %dma_wait3A_38 = arith.constant 0 : i32
      %dma_wait3A_39 = arith.constant 0 : i32
      %dma_wait3A_40 = tpu.memref_slice %arg3[%dma_wait3A_38, %dma_wait3A_39] : memref<100000x64xf32, #tpu.memory_space<hbm>> -> memref<100000x64xf32, #tpu.memory_space<hbm>>
      tpu.wait_indirect_dma semaphore(%arg9 : memref<!tpu.dma_semaphore, #tpu.memory_space<semaphore_mem>>) src(%dma_wait3A_40 : memref<100000x64xf32, #tpu.memory_space<hbm>>) dst(%arg6 : memref<100x64xf32, #tpu.memory_space<vmem>>)
      %mul3A_41 = arith.constant 2 : i32
      %mul3A_42 = arith.muli %mul3A_26, %mul3A_41 : i32
      %get3A = arith.constant 0 : i32
      %get3A_43 = arith.index_cast %get3A : i32 to index
      %get3A_44 = arith.constant 0 : index
      %get3A_45 = tpu.vector_load %arg6[%get3A_43, %get3A_44] {strides = array<i32>} : memref<100x64xf32, #tpu.memory_space<vmem>>, vector<1x16xf32>,
      %get3A_46 = vector.shape_cast %get3A_45 : vector<1x16xf32> to vector<16xf32>
      %get3A_47 = arith.constant 0 : i32
      %get3A_48 = arith.index_cast %get3A_47 : i32 to index
      %get3A_49 = arith.constant 16 : index
      %get3A_50 = tpu.vector_load %arg6[%get3A_48, %get3A_49] {strides = array<i32>} : memref<100x64xf32, #tpu.memory_space<vmem>>, vector<1x16xf32>,
      %get3A_51 = vector.shape_cast %get3A_50 : vector<1x16xf32> to vector<16xf32>
      %get3A_52 = arith.constant 0 : i32
      %get3A_53 = arith.index_cast %get3A_52 : i32 to index
      %get3A_54 = arith.constant 32 : index
      %get3A_55 = tpu.vector_load %arg6[%get3A_53, %get3A_54] {strides = array<i32>} : memref<100x64xf32, #tpu.memory_space<vmem>>, vector<1x16xf32>,
      %get3A_56 = vector.shape_cast %get3A_55 : vector<1x16xf32> to vector<16xf32>
      %get3A_57 = arith.constant 0 : i32
      %get3A_58 = arith.index_cast %get3A_57 : i32 to index
      %get3A_59 = arith.constant 48 : index
      %get3A_60 = tpu.vector_load %arg6[%get3A_58, %get3A_59] {strides = array<i32>} : memref<100x64xf32, #tpu.memory_space<vmem>>, vector<1x16xf32>,
      %get3A_61 = vector.shape_cast %get3A_60 : vector<1x16xf32> to vector<16xf32>
      %get3A_62 = arith.constant 1 : i32
      %get3A_63 = arith.index_cast %get3A_62 : i32 to index
      %get3A_64 = arith.constant 0 : index
      %get3A_65 = tpu.vector_load %arg6[%get3A_63, %get3A_64] {strides = array<i32>} : memref<100x64xf32, #tpu.memory_space<vmem>>, vector<1x16xf32>,
      %get3A_66 = vector.shape_cast %get3A_65 : vector<1x16xf32> to vector<16xf32>
      %add3A_67 = arith.addf %get3A_46, %get3A_66 : vector<16xf32>
      %get3A_68 = arith.constant 1 : i32
      %get3A_69 = arith.index_cast %get3A_68 : i32 to index
      %get3A_70 = arith.constant 16 : index
      %get3A_71 = tpu.vector_load %arg6[%get3A_69, %get3A_70] {strides = array<i32>} : memref<100x64xf32, #tpu.memory_space<vmem>>, vector<1x16xf32>,
      %get3A_72 = vector.shape_cast %get3A_71 : vector<1x16xf32> to vector<16xf32>
      %add3A_73 = arith.addf %get3A_51, %get3A_72 : vector<16xf32>
      %get3A_74 = arith.constant 1 : i32
      %get3A_75 = arith.index_cast %get3A_74 : i32 to index
      %get3A_76 = arith.constant 32 : index
      %get3A_77 = tpu.vector_load %arg6[%get3A_75, %get3A_76] {strides = array<i32>} : memref<100x64xf32, #tpu.memory_space<vmem>>, vector<1x16xf32>,
      %get3A_78 = vector.shape_cast %get3A_77 : vector<1x16xf32> to vector<16xf32>
      %add3A_79 = arith.addf %get3A_56, %get3A_78 : vector<16xf32>
      %get3A_80 = arith.constant 1 : i32
      %get3A_81 = arith.index_cast %get3A_80 : i32 to index
      %get3A_82 = arith.constant 48 : index
      %get3A_83 = tpu.vector_load %arg6[%get3A_81, %get3A_82] {strides = array<i32>} : memref<100x64xf32, #tpu.memory_space<vmem>>, vector<1x16xf32>,
      %get3A_84 = vector.shape_cast %get3A_83 : vector<1x16xf32> to vector<16xf32>
      %add3A_85 = arith.addf %get3A_61, %get3A_84 : vector<16xf32>
      %get3A_86 = arith.constant 2 : i32
      %get3A_87 = arith.index_cast %get3A_86 : i32 to index
      %get3A_88 = arith.constant 0 : index
      %get3A_89 = tpu.vector_load %arg6[%get3A_87, %get3A_88] {strides = array<i32>} : memref<100x64xf32, #tpu.memory_space<vmem>>, vector<1x16xf32>,
      %get3A_90 = vector.shape_cast %get3A_89 : vector<1x16xf32> to vector<16xf32>
      %add3A_91 = arith.addf %add3A_67, %get3A_90 : vector<16xf32>
      %get3A_92 = arith.constant 2 : i32
      %get3A_93 = arith.index_cast %get3A_92 : i32 to index
      %get3A_94 = arith.constant 16 : index
      %get3A_95 = tpu.vector_load %arg6[%get3A_93, %get3A_94] {strides = array<i32>} : memref<100x64xf32, #tpu.memory_space<vmem>>, vector<1x16xf32>,
      %get3A_96 = vector.shape_cast %get3A_95 : vector<1x16xf32> to vector<16xf32>
      %add3A_97 = arith.addf %add3A_73, %get3A_96 : vector<16xf32>
      %get3A_98 = arith.constant 2 : i32
      %get3A_99 = arith.index_cast %get3A_98 : i32 to index
      %get3A_100 = arith.constant 32 : index
      %get3A_101 = tpu.vector_load %arg6[%get3A_99, %get3A_100] {strides = array<i32>} : memref<100x64xf32, #tpu.memory_space<vmem>>, vector<1x16xf32>,
      %get3A_102 = vector.shape_cast %get3A_101 : vector<1x16xf32> to vector<16xf32>
      %add3A_103 = arith.addf %add3A_79, %get3A_102 : vector<16xf32>
      %get3A_104 = arith.constant 2 : i32
      %get3A_105 = arith.index_cast %get3A_104 : i32 to index
      %get3A_106 = arith.constant 48 : index
      %get3A_107 = tpu.vector_load %arg6[%get3A_105, %get3A_106] {strides = array<i32>} : memref<100x64xf32, #tpu.memory_space<vmem>>, vector<1x16xf32>,
      %get3A_108 = vector.shape_cast %get3A_107 : vector<1x16xf32> to vector<16xf32>
      %add3A_109 = arith.addf %add3A_85, %get3A_108 : vector<16xf32>
      %get3A_110 = arith.constant 3 : i32
      %get3A_111 = arith.index_cast %get3A_110 : i32 to index
      %get3A_112 = arith.constant 0 : index
      %get3A_113 = tpu.vector_load %arg6[%get3A_111, %get3A_112] {strides = array<i32>} : memref<100x64xf32, #tpu.memory_space<vmem>>, vector<1x16xf32>,
      %get3A_114 = vector.shape_cast %get3A_113 : vector<1x16xf32> to vector<16xf32>
      %add3A_115 = arith.addf %add3A_91, %get3A_114 : vector<16xf32>
      %get3A_116 = arith.constant 3 : i32
      %get3A_117 = arith.index_cast %get3A_116 : i32 to index
      %get3A_118 = arith.constant 16 : index
      %get3A_119 = tpu.vector_load %arg6[%get3A_117, %get3A_118] {strides = array<i32>} : memref<100x64xf32, #tpu.memory_space<vmem>>, vector<1x16xf32>,
      %get3A_120 = vector.shape_cast %get3A_119 : vector<1x16xf32> to vector<16xf32>
      %add3A_121 = arith.addf %add3A_97, %get3A_120 : vector<16xf32>
      %get3A_122 = arith.constant 3 : i32
      %get3A_123 = arith.index_cast %get3A_122 : i32 to index
      %get3A_124 = arith.constant 32 : index
      %get3A_125 = tpu.vector_load %arg6[%get3A_123, %get3A_124] {strides = array<i32>} : memref<100x64xf32, #tpu.memory_space<vmem>>, vector<1x16xf32>,
      %get3A_126 = vector.shape_cast %get3A_125 : vector<1x16xf32> to vector<16xf32>
      %add3A_127 = arith.addf %add3A_103, %get3A_126 : vector<16xf32>
      %get3A_128 = arith.constant 3 : i32
      %get3A_129 = arith.index_cast %get3A_128 : i32 to index
      %get3A_130 = arith.constant 48 : index
      %get3A_131 = tpu.vector_load %arg6[%get3A_129, %get3A_130] {strides = array<i32>} : memref<100x64xf32, #tpu.memory_space<vmem>>, vector<1x16xf32>,
      %get3A_132 = vector.shape_cast %get3A_131 : vector<1x16xf32> to vector<16xf32>
      %add3A_133 = arith.addf %add3A_109, %get3A_132 : vector<16xf32>
      %get3A_134 = arith.constant 4 : i32
      %get3A_135 = arith.index_cast %get3A_134 : i32 to index
      %get3A_136 = arith.constant 0 : index
      %get3A_137 = tpu.vector_load %arg6[%get3A_135, %get3A_136] {strides = array<i32>} : memref<100x64xf32, #tpu.memory_space<vmem>>, vector<1x16xf32>,
      %get3A_138 = vector.shape_cast %get3A_137 : vector<1x16xf32> to vector<16xf32>
      %add3A_139 = arith.addf %add3A_115, %get3A_138 : vector<16xf32>
      %get3A_140 = arith.constant 4 : i32
      %get3A_141 = arith.index_cast %get3A_140 : i32 to index
      %get3A_142 = arith.constant 16 : index
      %get3A_143 = tpu.vector_load %arg6[%get3A_141, %get3A_142] {strides = array<i32>} : memref<100x64xf32, #tpu.memory_space<vmem>>, vector<1x16xf32>,
      %get3A_144 = vector.shape_cast %get3A_143 : vector<1x16xf32> to vector<16xf32>
      %add3A_145 = arith.addf %add3A_121, %get3A_144 : vector<16xf32>
      %get3A_146 = arith.constant 4 : i32
      %get3A_147 = arith.index_cast %get3A_146 : i32 to index
      %get3A_148 = arith.constant 32 : index
      %get3A_149 = tpu.vector_load %arg6[%get3A_147, %get3A_148] {strides = array<i32>} : memref<100x64xf32, #tpu.memory_space<vmem>>, vector<1x16xf32>,
      %get3A_150 = vector.shape_cast %get3A_149 : vector<1x16xf32> to vector<16xf32>
      %add3A_151 = arith.addf %add3A_127, %get3A_150 : vector<16xf32>
      %get3A_152 = arith.constant 4 : i32
      %get3A_153 = arith.index_cast %get3A_152 : i32 to index
      %get3A_154 = arith.constant 48 : index
      %get3A_155 = tpu.vector_load %arg6[%get3A_153, %get3A_154] {strides = array<i32>} : memref<100x64xf32, #tpu.memory_space<vmem>>, vector<1x16xf32>,
      %get3A_156 = vector.shape_cast %get3A_155 : vector<1x16xf32> to vector<16xf32>
      %add3A_157 = arith.addf %add3A_133, %get3A_156 : vector<16xf32>
      %get3A_158 = arith.constant 5 : i32
      %get3A_159 = arith.index_cast %get3A_158 : i32 to index
      %get3A_160 = arith.constant 0 : index
      %get3A_161 = tpu.vector_load %arg6[%get3A_159, %get3A_160] {strides = array<i32>} : memref<100x64xf32, #tpu.memory_space<vmem>>, vector<1x16xf32>,
      %get3A_162 = vector.shape_cast %get3A_161 : vector<1x16xf32> to vector<16xf32>
      %add3A_163 = arith.addf %add3A_139, %get3A_162 : vector<16xf32>
      %get3A_164 = arith.constant 5 : i32
      %get3A_165 = arith.index_cast %get3A_164 : i32 to index
      %get3A_166 = arith.constant 16 : index
      %get3A_167 = tpu.vector_load %arg6[%get3A_165, %get3A_166] {strides = array<i32>} : memref<100x64xf32, #tpu.memory_space<vmem>>, vector<1x16xf32>,
      %get3A_168 = vector.shape_cast %get3A_167 : vector<1x16xf32> to vector<16xf32>
      %add3A_169 = arith.addf %add3A_145, %get3A_168 : vector<16xf32>
      %get3A_170 = arith.constant 5 : i32
      %get3A_171 = arith.index_cast %get3A_170 : i32 to index
      %get3A_172 = arith.constant 32 : index
      %get3A_173 = tpu.vector_load %arg6[%get3A_171, %get3A_172] {strides = array<i32>} : memref<100x64xf32, #tpu.memory_space<vmem>>, vector<1x16xf32>,
      %get3A_174 = vector.shape_cast %get3A_173 : vector<1x16xf32> to vector<16xf32>
      %add3A_175 = arith.addf %add3A_151, %get3A_174 : vector<16xf32>
      %get3A_176 = arith.constant 5 : i32
      %get3A_177 = arith.index_cast %get3A_176 : i32 to index
      %get3A_178 = arith.constant 48 : index
      %get3A_179 = tpu.vector_load %arg6[%get3A_177, %get3A_178] {strides = array<i32>} : memref<100x64xf32, #tpu.memory_space<vmem>>, vector<1x16xf32>,
      %get3A_180 = vector.shape_cast %get3A_179 : vector<1x16xf32> to vector<16xf32>
      %add3A_181 = arith.addf %add3A_157, %get3A_180 : vector<16xf32>
      %get3A_182 = arith.constant 6 : i32
      %get3A_183 = arith.index_cast %get3A_182 : i32 to index
      %get3A_184 = arith.constant 0 : index
      %get3A_185 = tpu.vector_load %arg6[%get3A_183, %get3A_184] {strides = array<i32>} : memref<100x64xf32, #tpu.memory_space<vmem>>, vector<1x16xf32>,
      %get3A_186 = vector.shape_cast %get3A_185 : vector<1x16xf32> to vector<16xf32>
      %add3A_187 = arith.addf %add3A_163, %get3A_186 : vector<16xf32>
      %get3A_188 = arith.constant 6 : i32
      %get3A_189 = arith.index_cast %get3A_188 : i32 to index
      %get3A_190 = arith.constant 16 : index
      %get3A_191 = tpu.vector_load %arg6[%get3A_189, %get3A_190] {strides = array<i32>} : memref<100x64xf32, #tpu.memory_space<vmem>>, vector<1x16xf32>,
      %get3A_192 = vector.shape_cast %get3A_191 : vector<1x16xf32> to vector<16xf32>
      %add3A_193 = arith.addf %add3A_169, %get3A_192 : vector<16xf32>
      %get3A_194 = arith.constant 6 : i32
      %get3A_195 = arith.index_cast %get3A_194 : i32 to index
      %get3A_196 = arith.constant 32 : index
      %get3A_197 = tpu.vector_load %arg6[%get3A_195, %get3A_196] {strides = array<i32>} : memref<100x64xf32, #tpu.memory_space<vmem>>, vector<1x16xf32>,
      %get3A_198 = vector.shape_cast %get3A_197 : vector<1x16xf32> to vector<16xf32>
      %add3A_199 = arith.addf %add3A_175, %get3A_198 : vector<16xf32>
      %get3A_200 = arith.constant 6 : i32
      %get3A_201 = arith.index_cast %get3A_200 : i32 to index
      %get3A_202 = arith.constant 48 : index
      %get3A_203 = tpu.vector_load %arg6[%get3A_201, %get3A_202] {strides = array<i32>} : memref<100x64xf32, #tpu.memory_space<vmem>>, vector<1x16xf32>,
      %get3A_204 = vector.shape_cast %get3A_203 : vector<1x16xf32> to vector<16xf32>
      %add3A_205 = arith.addf %add3A_181, %get3A_204 : vector<16xf32>
      %get3A_206 = arith.constant 7 : i32
      %get3A_207 = arith.index_cast %get3A_206 : i32 to index
      %get3A_208 = arith.constant 0 : index
      %get3A_209 = tpu.vector_load %arg6[%get3A_207, %get3A_208] {strides = array<i32>} : memref<100x64xf32, #tpu.memory_space<vmem>>, vector<1x16xf32>,
      %get3A_210 = vector.shape_cast %get3A_209 : vector<1x16xf32> to vector<16xf32>
      %add3A_211 = arith.addf %add3A_187, %get3A_210 : vector<16xf32>
      %get3A_212 = arith.constant 7 : i32
      %get3A_213 = arith.index_cast %get3A_212 : i32 to index
      %get3A_214 = arith.constant 16 : index
      %get3A_215 = tpu.vector_load %arg6[%get3A_213, %get3A_214] {strides = array<i32>} : memref<100x64xf32, #tpu.memory_space<vmem>>, vector<1x16xf32>,
      %get3A_216 = vector.shape_cast %get3A_215 : vector<1x16xf32> to vector<16xf32>
      %add3A_217 = arith.addf %add3A_193, %get3A_216 : vector<16xf32>
      %get3A_218 = arith.constant 7 : i32
      %get3A_219 = arith.index_cast %get3A_218 : i32 to index
      %get3A_220 = arith.constant 32 : index
      %get3A_221 = tpu.vector_load %arg6[%get3A_219, %get3A_220] {strides = array<i32>} : memref<100x64xf32, #tpu.memory_space<vmem>>, vector<1x16xf32>,
      %get3A_222 = vector.shape_cast %get3A_221 : vector<1x16xf32> to vector<16xf32>
      %add3A_223 = arith.addf %add3A_199, %get3A_222 : vector<16xf32>
      %get3A_224 = arith.constant 7 : i32
      %get3A_225 = arith.index_cast %get3A_224 : i32 to index
      %get3A_226 = arith.constant 48 : index
      %get3A_227 = tpu.vector_load %arg6[%get3A_225, %get3A_226] {strides = array<i32>} : memref<100x64xf32, #tpu.memory_space<vmem>>, vector<1x16xf32>,
      %get3A_228 = vector.shape_cast %get3A_227 : vector<1x16xf32> to vector<16xf32>
      %add3A_229 = arith.addf %add3A_205, %get3A_228 : vector<16xf32>
      %get3A_230 = arith.constant 8 : i32
      %get3A_231 = arith.index_cast %get3A_230 : i32 to index
      %get3A_232 = arith.constant 0 : index
      %get3A_233 = tpu.vector_load %arg6[%get3A_231, %get3A_232] {strides = array<i32>} : memref<100x64xf32, #tpu.memory_space<vmem>>, vector<1x16xf32>,
      %get3A_234 = vector.shape_cast %get3A_233 : vector<1x16xf32> to vector<16xf32>
      %add3A_235 = arith.addf %add3A_211, %get3A_234 : vector<16xf32>
      %get3A_236 = arith.constant 8 : i32
      %get3A_237 = arith.index_cast %get3A_236 : i32 to index
      %get3A_238 = arith.constant 16 : index
      %get3A_239 = tpu.vector_load %arg6[%get3A_237, %get3A_238] {strides = array<i32>} : memref<100x64xf32, #tpu.memory_space<vmem>>, vector<1x16xf32>,
      %get3A_240 = vector.shape_cast %get3A_239 : vector<1x16xf32> to vector<16xf32>
      %add3A_241 = arith.addf %add3A_217, %get3A_240 : vector<16xf32>
      %get3A_242 = arith.constant 8 : i32
      %get3A_243 = arith.index_cast %get3A_242 : i32 to index
      %get3A_244 = arith.constant 32 : index
      %get3A_245 = tpu.vector_load %arg6[%get3A_243, %get3A_244] {strides = array<i32>} : memref<100x64xf32, #tpu.memory_space<vmem>>, vector<1x16xf32>,
      %get3A_246 = vector.shape_cast %get3A_245 : vector<1x16xf32> to vector<16xf32>
      %add3A_247 = arith.addf %add3A_223, %get3A_246 : vector<16xf32>
      %get3A_248 = arith.constant 8 : i32
      %get3A_249 = arith.index_cast %get3A_248 : i32 to index
      %get3A_250 = arith.constant 48 : index
      %get3A_251 = tpu.vector_load %arg6[%get3A_249, %get3A_250] {strides = array<i32>} : memref<100x64xf32, #tpu.memory_space<vmem>>, vector<1x16xf32>,
      %get3A_252 = vector.shape_cast %get3A_251 : vector<1x16xf32> to vector<16xf32>
      %add3A_253 = arith.addf %add3A_229, %get3A_252 : vector<16xf32>
      %get3A_254 = arith.constant 9 : i32
      %get3A_255 = arith.index_cast %get3A_254 : i32 to index
      %get3A_256 = arith.constant 0 : index
      %get3A_257 = tpu.vector_load %arg6[%get3A_255, %get3A_256] {strides = array<i32>} : memref<100x64xf32, #tpu.memory_space<vmem>>, vector<1x16xf32>,
      %get3A_258 = vector.shape_cast %get3A_257 : vector<1x16xf32> to vector<16xf32>
      %add3A_259 = arith.addf %add3A_235, %get3A_258 : vector<16xf32>
      %get3A_260 = arith.constant 9 : i32
      %get3A_261 = arith.index_cast %get3A_260 : i32 to index
      %get3A_262 = arith.constant 16 : index
      %get3A_263 = tpu.vector_load %arg6[%get3A_261, %get3A_262] {strides = array<i32>} : memref<100x64xf32, #tpu.memory_space<vmem>>, vector<1x16xf32>,
      %get3A_264 = vector.shape_cast %get3A_263 : vector<1x16xf32> to vector<16xf32>
      %add3A_265 = arith.addf %add3A_241, %get3A_264 : vector<16xf32>
      %get3A_266 = arith.constant 9 : i32
      %get3A_267 = arith.index_cast %get3A_266 : i32 to index
      %get3A_268 = arith.constant 32 : index
      %get3A_269 = tpu.vector_load %arg6[%get3A_267, %get3A_268] {strides = array<i32>} : memref<100x64xf32, #tpu.memory_space<vmem>>, vector<1x16xf32>,
      %get3A_270 = vector.shape_cast %get3A_269 : vector<1x16xf32> to vector<16xf32>
      %add3A_271 = arith.addf %add3A_247, %get3A_270 : vector<16xf32>
      %get3A_272 = arith.constant 9 : i32
      %get3A_273 = arith.index_cast %get3A_272 : i32 to index
      %get3A_274 = arith.constant 48 : index
      %get3A_275 = tpu.vector_load %arg6[%get3A_273, %get3A_274] {strides = array<i32>} : memref<100x64xf32, #tpu.memory_space<vmem>>, vector<1x16xf32>,
      %get3A_276 = vector.shape_cast %get3A_275 : vector<1x16xf32> to vector<16xf32>
      %add3A_277 = arith.addf %add3A_253, %get3A_276 : vector<16xf32>
      %get3A_278 = arith.constant 10 : i32
      %get3A_279 = arith.index_cast %get3A_278 : i32 to index
      %get3A_280 = arith.constant 0 : index
      %get3A_281 = tpu.vector_load %arg6[%get3A_279, %get3A_280] {strides = array<i32>} : memref<100x64xf32, #tpu.memory_space<vmem>>, vector<1x16xf32>,
      %get3A_282 = vector.shape_cast %get3A_281 : vector<1x16xf32> to vector<16xf32>
      %add3A_283 = arith.addf %add3A_259, %get3A_282 : vector<16xf32>
      %get3A_284 = arith.constant 10 : i32
      %get3A_285 = arith.index_cast %get3A_284 : i32 to index
      %get3A_286 = arith.constant 16 : index
      %get3A_287 = tpu.vector_load %arg6[%get3A_285, %get3A_286] {strides = array<i32>} : memref<100x64xf32, #tpu.memory_space<vmem>>, vector<1x16xf32>,
      %get3A_288 = vector.shape_cast %get3A_287 : vector<1x16xf32> to vector<16xf32>
      %add3A_289 = arith.addf %add3A_265, %get3A_288 : vector<16xf32>
      %get3A_290 = arith.constant 10 : i32
      %get3A_291 = arith.index_cast %get3A_290 : i32 to index
      %get3A_292 = arith.constant 32 : index
      %get3A_293 = tpu.vector_load %arg6[%get3A_291, %get3A_292] {strides = array<i32>} : memref<100x64xf32, #tpu.memory_space<vmem>>, vector<1x16xf32>,
      %get3A_294 = vector.shape_cast %get3A_293 : vector<1x16xf32> to vector<16xf32>
      %add3A_295 = arith.addf %add3A_271, %get3A_294 : vector<16xf32>
      %get3A_296 = arith.constant 10 : i32
      %get3A_297 = arith.index_cast %get3A_296 : i32 to index
      %get3A_298 = arith.constant 48 : index
      %get3A_299 = tpu.vector_load %arg6[%get3A_297, %get3A_298] {strides = array<i32>} : memref<100x64xf32, #tpu.memory_space<vmem>>, vector<1x16xf32>,
      %get3A_300 = vector.shape_cast %get3A_299 : vector<1x16xf32> to vector<16xf32>
      %add3A_301 = arith.addf %add3A_277, %get3A_300 : vector<16xf32>
      %get3A_302 = arith.constant 11 : i32
      %get3A_303 = arith.index_cast %get3A_302 : i32 to index
      %get3A_304 = arith.constant 0 : index
      %get3A_305 = tpu.vector_load %arg6[%get3A_303, %get3A_304] {strides = array<i32>} : memref<100x64xf32, #tpu.memory_space<vmem>>, vector<1x16xf32>,
      %get3A_306 = vector.shape_cast %get3A_305 : vector<1x16xf32> to vector<16xf32>
      %add3A_307 = arith.addf %add3A_283, %get3A_306 : vector<16xf32>
      %get3A_308 = arith.constant 11 : i32
      %get3A_309 = arith.index_cast %get3A_308 : i32 to index
      %get3A_310 = arith.constant 16 : index
      %get3A_311 = tpu.vector_load %arg6[%get3A_309, %get3A_310] {strides = array<i32>} : memref<100x64xf32, #tpu.memory_space<vmem>>, vector<1x16xf32>,
      %get3A_312 = vector.shape_cast %get3A_311 : vector<1x16xf32> to vector<16xf32>
      %add3A_313 = arith.addf %add3A_289, %get3A_312 : vector<16xf32>
      %get3A_314 = arith.constant 11 : i32
      %get3A_315 = arith.index_cast %get3A_314 : i32 to index
      %get3A_316 = arith.constant 32 : index
      %get3A_317 = tpu.vector_load %arg6[%get3A_315, %get3A_316] {strides = array<i32>} : memref<100x64xf32, #tpu.memory_space<vmem>>, vector<1x16xf32>,
      %get3A_318 = vector.shape_cast %get3A_317 : vector<1x16xf32> to vector<16xf32>
      %add3A_319 = arith.addf %add3A_295, %get3A_318 : vector<16xf32>
      %get3A_320 = arith.constant 11 : i32
      %get3A_321 = arith.index_cast %get3A_320 : i32 to index
      %get3A_322 = arith.constant 48 : index
      %get3A_323 = tpu.vector_load %arg6[%get3A_321, %get3A_322] {strides = array<i32>} : memref<100x64xf32, #tpu.memory_space<vmem>>, vector<1x16xf32>,
      %get3A_324 = vector.shape_cast %get3A_323 : vector<1x16xf32> to vector<16xf32>
      %add3A_325 = arith.addf %add3A_301, %get3A_324 : vector<16xf32>
      %get3A_326 = arith.constant 12 : i32
      %get3A_327 = arith.index_cast %get3A_326 : i32 to index
      %get3A_328 = arith.constant 0 : index
      %get3A_329 = tpu.vector_load %arg6[%get3A_327, %get3A_328] {strides = array<i32>} : memref<100x64xf32, #tpu.memory_space<vmem>>, vector<1x16xf32>,
      %get3A_330 = vector.shape_cast %get3A_329 : vector<1x16xf32> to vector<16xf32>
      %add3A_331 = arith.addf %add3A_307, %get3A_330 : vector<16xf32>
      %get3A_332 = arith.constant 12 : i32
      %get3A_333 = arith.index_cast %get3A_332 : i32 to index
      %get3A_334 = arith.constant 16 : index
      %get3A_335 = tpu.vector_load %arg6[%get3A_333, %get3A_334] {strides = array<i32>} : memref<100x64xf32, #tpu.memory_space<vmem>>, vector<1x16xf32>,
      %get3A_336 = vector.shape_cast %get3A_335 : vector<1x16xf32> to vector<16xf32>
      %add3A_337 = arith.addf %add3A_313, %get3A_336 : vector<16xf32>
      %get3A_338 = arith.constant 12 : i32
      %get3A_339 = arith.index_cast %get3A_338 : i32 to index
      %get3A_340 = arith.constant 32 : index
      %get3A_341 = tpu.vector_load %arg6[%get3A_339, %get3A_340] {strides = array<i32>} : memref<100x64xf32, #tpu.memory_space<vmem>>, vector<1x16xf32>,
      %get3A_342 = vector.shape_cast %get3A_341 : vector<1x16xf32> to vector<16xf32>
      %add3A_343 = arith.addf %add3A_319, %get3A_342 : vector<16xf32>
      %get3A_344 = arith.constant 12 : i32
      %get3A_345 = arith.index_cast %get3A_344 : i32 to index
      %get3A_346 = arith.constant 48 : index
      %get3A_347 = tpu.vector_load %arg6[%get3A_345, %get3A_346] {strides = array<i32>} : memref<100x64xf32, #tpu.memory_space<vmem>>, vector<1x16xf32>,
      %get3A_348 = vector.shape_cast %get3A_347 : vector<1x16xf32> to vector<16xf32>
      %add3A_349 = arith.addf %add3A_325, %get3A_348 : vector<16xf32>
      %get3A_350 = arith.constant 13 : i32
      %get3A_351 = arith.index_cast %get3A_350 : i32 to index
      %get3A_352 = arith.constant 0 : index
      %get3A_353 = tpu.vector_load %arg6[%get3A_351, %get3A_352] {strides = array<i32>} : memref<100x64xf32, #tpu.memory_space<vmem>>, vector<1x16xf32>,
      %get3A_354 = vector.shape_cast %get3A_353 : vector<1x16xf32> to vector<16xf32>
      %add3A_355 = arith.addf %add3A_331, %get3A_354 : vector<16xf32>
      %get3A_356 = arith.constant 13 : i32
      %get3A_357 = arith.index_cast %get3A_356 : i32 to index
      %get3A_358 = arith.constant 16 : index
      %get3A_359 = tpu.vector_load %arg6[%get3A_357, %get3A_358] {strides = array<i32>} : memref<100x64xf32, #tpu.memory_space<vmem>>, vector<1x16xf32>,
      %get3A_360 = vector.shape_cast %get3A_359 : vector<1x16xf32> to vector<16xf32>
      %add3A_361 = arith.addf %add3A_337, %get3A_360 : vector<16xf32>
      %get3A_362 = arith.constant 13 : i32
      %get3A_363 = arith.index_cast %get3A_362 : i32 to index
      %get3A_364 = arith.constant 32 : index
      %get3A_365 = tpu.vector_load %arg6[%get3A_363, %get3A_364] {strides = array<i32>} : memref<100x64xf32, #tpu.memory_space<vmem>>, vector<1x16xf32>,
      %get3A_366 = vector.shape_cast %get3A_365 : vector<1x16xf32> to vector<16xf32>
      %add3A_367 = arith.addf %add3A_343, %get3A_366 : vector<16xf32>
      %get3A_368 = arith.constant 13 : i32
      %get3A_369 = arith.index_cast %get3A_368 : i32 to index
      %get3A_370 = arith.constant 48 : index
      %get3A_371 = tpu.vector_load %arg6[%get3A_369, %get3A_370] {strides = array<i32>} : memref<100x64xf32, #tpu.memory_space<vmem>>, vector<1x16xf32>,
      %get3A_372 = vector.shape_cast %get3A_371 : vector<1x16xf32> to vector<16xf32>
      %add3A_373 = arith.addf %add3A_349, %get3A_372 : vector<16xf32>
      %get3A_374 = arith.constant 14 : i32
      %get3A_375 = arith.index_cast %get3A_374 : i32 to index
      %get3A_376 = arith.constant 0 : index
      %get3A_377 = tpu.vector_load %arg6[%get3A_375, %get3A_376] {strides = array<i32>} : memref<100x64xf32, #tpu.memory_space<vmem>>, vector<1x16xf32>,
      %get3A_378 = vector.shape_cast %get3A_377 : vector<1x16xf32> to vector<16xf32>
      %add3A_379 = arith.addf %add3A_355, %get3A_378 : vector<16xf32>
      %get3A_380 = arith.constant 14 : i32
      %get3A_381 = arith.index_cast %get3A_380 : i32 to index
      %get3A_382 = arith.constant 16 : index
      %get3A_383 = tpu.vector_load %arg6[%get3A_381, %get3A_382] {strides = array<i32>} : memref<100x64xf32, #tpu.memory_space<vmem>>, vector<1x16xf32>,
      %get3A_384 = vector.shape_cast %get3A_383 : vector<1x16xf32> to vector<16xf32>
      %add3A_385 = arith.addf %add3A_361, %get3A_384 : vector<16xf32>
      %get3A_386 = arith.constant 14 : i32
      %get3A_387 = arith.index_cast %get3A_386 : i32 to index
      %get3A_388 = arith.constant 32 : index
      %get3A_389 = tpu.vector_load %arg6[%get3A_387, %get3A_388] {strides = array<i32>} : memref<100x64xf32, #tpu.memory_space<vmem>>, vector<1x16xf32>,
      %get3A_390 = vector.shape_cast %get3A_389 : vector<1x16xf32> to vector<16xf32>
      %add3A_391 = arith.addf %add3A_367, %get3A_390 : vector<16xf32>
      %get3A_392 = arith.constant 14 : i32
      %get3A_393 = arith.index_cast %get3A_392 : i32 to index
      %get3A_394 = arith.constant 48 : index
      %get3A_395 = tpu.vector_load %arg6[%get3A_393, %get3A_394] {strides = array<i32>} : memref<100x64xf32, #tpu.memory_space<vmem>>, vector<1x16xf32>,
      %get3A_396 = vector.shape_cast %get3A_395 : vector<1x16xf32> to vector<16xf32>
      %add3A_397 = arith.addf %add3A_373, %get3A_396 : vector<16xf32>
      %get3A_398 = arith.constant 15 : i32
      %get3A_399 = arith.index_cast %get3A_398 : i32 to index
      %get3A_400 = arith.constant 0 : index
      %get3A_401 = tpu.vector_load %arg6[%get3A_399, %get3A_400] {strides = array<i32>} : memref<100x64xf32, #tpu.memory_space<vmem>>, vector<1x16xf32>,
      %get3A_402 = vector.shape_cast %get3A_401 : vector<1x16xf32> to vector<16xf32>
      %add3A_403 = arith.addf %add3A_379, %get3A_402 : vector<16xf32>
      %get3A_404 = arith.constant 15 : i32
      %get3A_405 = arith.index_cast %get3A_404 : i32 to index
      %get3A_406 = arith.constant 16 : index
      %get3A_407 = tpu.vector_load %arg6[%get3A_405, %get3A_406] {strides = array<i32>} : memref<100x64xf32, #tpu.memory_space<vmem>>, vector<1x16xf32>,
      %get3A_408 = vector.shape_cast %get3A_407 : vector<1x16xf32> to vector<16xf32>
      %add3A_409 = arith.addf %add3A_385, %get3A_408 : vector<16xf32>
      %get3A_410 = arith.constant 15 : i32
      %get3A_411 = arith.index_cast %get3A_410 : i32 to index
      %get3A_412 = arith.constant 32 : index
      %get3A_413 = tpu.vector_load %arg6[%get3A_411, %get3A_412] {strides = array<i32>} : memref<100x64xf32, #tpu.memory_space<vmem>>, vector<1x16xf32>,
      %get3A_414 = vector.shape_cast %get3A_413 : vector<1x16xf32> to vector<16xf32>
      %add3A_415 = arith.addf %add3A_391, %get3A_414 : vector<16xf32>
      %get3A_416 = arith.constant 15 : i32
      %get3A_417 = arith.index_cast %get3A_416 : i32 to index
      %get3A_418 = arith.constant 48 : index
      %get3A_419 = tpu.vector_load %arg6[%get3A_417, %get3A_418] {strides = array<i32>} : memref<100x64xf32, #tpu.memory_space<vmem>>, vector<1x16xf32>,
      %get3A_420 = vector.shape_cast %get3A_419 : vector<1x16xf32> to vector<16xf32>
      %add3A_421 = arith.addf %add3A_397, %get3A_420 : vector<16xf32>
      %get3A_422 = arith.constant 16 : i32
      %get3A_423 = arith.index_cast %get3A_422 : i32 to index
      %get3A_424 = arith.constant 0 : index
      %get3A_425 = tpu.vector_load %arg6[%get3A_423, %get3A_424] {strides = array<i32>} : memref<100x64xf32, #tpu.memory_space<vmem>>, vector<1x16xf32>,
      %get3A_426 = vector.shape_cast %get3A_425 : vector<1x16xf32> to vector<16xf32>
      %add3A_427 = arith.addf %add3A_403, %get3A_426 : vector<16xf32>
      %get3A_428 = arith.constant 16 : i32
      %get3A_429 = arith.index_cast %get3A_428 : i32 to index
      %get3A_430 = arith.constant 16 : index
      %get3A_431 = tpu.vector_load %arg6[%get3A_429, %get3A_430] {strides = array<i32>} : memref<100x64xf32, #tpu.memory_space<vmem>>, vector<1x16xf32>,
      %get3A_432 = vector.shape_cast %get3A_431 : vector<1x16xf32> to vector<16xf32>
      %add3A_433 = arith.addf %add3A_409, %get3A_432 : vector<16xf32>
      %get3A_434 = arith.constant 16 : i32
      %get3A_435 = arith.index_cast %get3A_434 : i32 to index
      %get3A_436 = arith.constant 32 : index
      %get3A_437 = tpu.vector_load %arg6[%get3A_435, %get3A_436] {strides = array<i32>} : memref<100x64xf32, #tpu.memory_space<vmem>>, vector<1x16xf32>,
      %get3A_438 = vector.shape_cast %get3A_437 : vector<1x16xf32> to vector<16xf32>
      %add3A_439 = arith.addf %add3A_415, %get3A_438 : vector<16xf32>
      %get3A_440 = arith.constant 16 : i32
      %get3A_441 = arith.index_cast %get3A_440 : i32 to index
      %get3A_442 = arith.constant 48 : index
      %get3A_443 = tpu.vector_load %arg6[%get3A_441, %get3A_442] {strides = array<i32>} : memref<100x64xf32, #tpu.memory_space<vmem>>, vector<1x16xf32>,
      %get3A_444 = vector.shape_cast %get3A_443 : vector<1x16xf32> to vector<16xf32>
      %add3A_445 = arith.addf %add3A_421, %get3A_444 : vector<16xf32>
      %get3A_446 = arith.constant 17 : i32
      %get3A_447 = arith.index_cast %get3A_446 : i32 to index
      %get3A_448 = arith.constant 0 : index
      %get3A_449 = tpu.vector_load %arg6[%get3A_447, %get3A_448] {strides = array<i32>} : memref<100x64xf32, #tpu.memory_space<vmem>>, vector<1x16xf32>,
      %get3A_450 = vector.shape_cast %get3A_449 : vector<1x16xf32> to vector<16xf32>
      %add3A_451 = arith.addf %add3A_427, %get3A_450 : vector<16xf32>
      %get3A_452 = arith.constant 17 : i32
      %get3A_453 = arith.index_cast %get3A_452 : i32 to index
      %get3A_454 = arith.constant 16 : index
      %get3A_455 = tpu.vector_load %arg6[%get3A_453, %get3A_454] {strides = array<i32>} : memref<100x64xf32, #tpu.memory_space<vmem>>, vector<1x16xf32>,
      %get3A_456 = vector.shape_cast %get3A_455 : vector<1x16xf32> to vector<16xf32>
      %add3A_457 = arith.addf %add3A_433, %get3A_456 : vector<16xf32>
      %get3A_458 = arith.constant 17 : i32
      %get3A_459 = arith.index_cast %get3A_458 : i32 to index
      %get3A_460 = arith.constant 32 : index
      %get3A_461 = tpu.vector_load %arg6[%get3A_459, %get3A_460] {strides = array<i32>} : memref<100x64xf32, #tpu.memory_space<vmem>>, vector<1x16xf32>,
      %get3A_462 = vector.shape_cast %get3A_461 : vector<1x16xf32> to vector<16xf32>
      %add3A_463 = arith.addf %add3A_439, %get3A_462 : vector<16xf32>
      %get3A_464 = arith.constant 17 : i32
      %get3A_465 = arith.index_cast %get3A_464 : i32 to index
      %get3A_466 = arith.constant 48 : index
      %get3A_467 = tpu.vector_load %arg6[%get3A_465, %get3A_466] {strides = array<i32>} : memref<100x64xf32, #tpu.memory_space<vmem>>, vector<1x16xf32>,
      %get3A_468 = vector.shape_cast %get3A_467 : vector<1x16xf32> to vector<16xf32>
      %add3A_469 = arith.addf %add3A_445, %get3A_468 : vector<16xf32>
      %get3A_470 = arith.constant 18 : i32
      %get3A_471 = arith.index_cast %get3A_470 : i32 to index
      %get3A_472 = arith.constant 0 : index
      %get3A_473 = tpu.vector_load %arg6[%get3A_471, %get3A_472] {strides = array<i32>} : memref<100x64xf32, #tpu.memory_space<vmem>>, vector<1x16xf32>,
      %get3A_474 = vector.shape_cast %get3A_473 : vector<1x16xf32> to vector<16xf32>
      %add3A_475 = arith.addf %add3A_451, %get3A_474 : vector<16xf32>
      %get3A_476 = arith.constant 18 : i32
      %get3A_477 = arith.index_cast %get3A_476 : i32 to index
      %get3A_478 = arith.constant 16 : index
      %get3A_479 = tpu.vector_load %arg6[%get3A_477, %get3A_478] {strides = array<i32>} : memref<100x64xf32, #tpu.memory_space<vmem>>, vector<1x16xf32>,
      %get3A_480 = vector.shape_cast %get3A_479 : vector<1x16xf32> to vector<16xf32>
      %add3A_481 = arith.addf %add3A_457, %get3A_480 : vector<16xf32>
      %get3A_482 = arith.constant 18 : i32
      %get3A_483 = arith.index_cast %get3A_482 : i32 to index
      %get3A_484 = arith.constant 32 : index
      %get3A_485 = tpu.vector_load %arg6[%get3A_483, %get3A_484] {strides = array<i32>} : memref<100x64xf32, #tpu.memory_space<vmem>>, vector<1x16xf32>,
      %get3A_486 = vector.shape_cast %get3A_485 : vector<1x16xf32> to vector<16xf32>
      %add3A_487 = arith.addf %add3A_463, %get3A_486 : vector<16xf32>
      %get3A_488 = arith.constant 18 : i32
      %get3A_489 = arith.index_cast %get3A_488 : i32 to index
      %get3A_490 = arith.constant 48 : index
      %get3A_491 = tpu.vector_load %arg6[%get3A_489, %get3A_490] {strides = array<i32>} : memref<100x64xf32, #tpu.memory_space<vmem>>, vector<1x16xf32>,
      %get3A_492 = vector.shape_cast %get3A_491 : vector<1x16xf32> to vector<16xf32>
      %add3A_493 = arith.addf %add3A_469, %get3A_492 : vector<16xf32>
      %get3A_494 = arith.constant 19 : i32
      %get3A_495 = arith.index_cast %get3A_494 : i32 to index
      %get3A_496 = arith.constant 0 : index
      %get3A_497 = tpu.vector_load %arg6[%get3A_495, %get3A_496] {strides = array<i32>} : memref<100x64xf32, #tpu.memory_space<vmem>>, vector<1x16xf32>,
      %get3A_498 = vector.shape_cast %get3A_497 : vector<1x16xf32> to vector<16xf32>
      %add3A_499 = arith.addf %add3A_475, %get3A_498 : vector<16xf32>
      %get3A_500 = arith.constant 19 : i32
      %get3A_501 = arith.index_cast %get3A_500 : i32 to index
      %get3A_502 = arith.constant 16 : index
      %get3A_503 = tpu.vector_load %arg6[%get3A_501, %get3A_502] {strides = array<i32>} : memref<100x64xf32, #tpu.memory_space<vmem>>, vector<1x16xf32>,
      %get3A_504 = vector.shape_cast %get3A_503 : vector<1x16xf32> to vector<16xf32>
      %add3A_505 = arith.addf %add3A_481, %get3A_504 : vector<16xf32>
      %get3A_506 = arith.constant 19 : i32
      %get3A_507 = arith.index_cast %get3A_506 : i32 to index
      %get3A_508 = arith.constant 32 : index
      %get3A_509 = tpu.vector_load %arg6[%get3A_507, %get3A_508] {strides = array<i32>} : memref<100x64xf32, #tpu.memory_space<vmem>>, vector<1x16xf32>,
      %get3A_510 = vector.shape_cast %get3A_509 : vector<1x16xf32> to vector<16xf32>
      %add3A_511 = arith.addf %add3A_487, %get3A_510 : vector<16xf32>
      %get3A_512 = arith.constant 19 : i32
      %get3A_513 = arith.index_cast %get3A_512 : i32 to index
      %get3A_514 = arith.constant 48 : index
      %get3A_515 = tpu.vector_load %arg6[%get3A_513, %get3A_514] {strides = array<i32>} : memref<100x64xf32, #tpu.memory_space<vmem>>, vector<1x16xf32>,
      %get3A_516 = vector.shape_cast %get3A_515 : vector<1x16xf32> to vector<16xf32>
      %add3A_517 = arith.addf %add3A_493, %get3A_516 : vector<16xf32>
      %get3A_518 = arith.constant 20 : i32
      %get3A_519 = arith.index_cast %get3A_518 : i32 to index
      %get3A_520 = arith.constant 0 : index
      %get3A_521 = tpu.vector_load %arg6[%get3A_519, %get3A_520] {strides = array<i32>} : memref<100x64xf32, #tpu.memory_space<vmem>>, vector<1x16xf32>,
      %get3A_522 = vector.shape_cast %get3A_521 : vector<1x16xf32> to vector<16xf32>
      %add3A_523 = arith.addf %add3A_499, %get3A_522 : vector<16xf32>
      %get3A_524 = arith.constant 20 : i32
      %get3A_525 = arith.index_cast %get3A_524 : i32 to index
      %get3A_526 = arith.constant 16 : index
      %get3A_527 = tpu.vector_load %arg6[%get3A_525, %get3A_526] {strides = array<i32>} : memref<100x64xf32, #tpu.memory_space<vmem>>, vector<1x16xf32>,
      %get3A_528 = vector.shape_cast %get3A_527 : vector<1x16xf32> to vector<16xf32>
      %add3A_529 = arith.addf %add3A_505, %get3A_528 : vector<16xf32>
      %get3A_530 = arith.constant 20 : i32
      %get3A_531 = arith.index_cast %get3A_530 : i32 to index
      %get3A_532 = arith.constant 32 : index
      %get3A_533 = tpu.vector_load %arg6[%get3A_531, %get3A_532] {strides = array<i32>} : memref<100x64xf32, #tpu.memory_space<vmem>>, vector<1x16xf32>,
      %get3A_534 = vector.shape_cast %get3A_533 : vector<1x16xf32> to vector<16xf32>
      %add3A_535 = arith.addf %add3A_511, %get3A_534 : vector<16xf32>
      %get3A_536 = arith.constant 20 : i32
      %get3A_537 = arith.index_cast %get3A_536 : i32 to index
      %get3A_538 = arith.constant 48 : index
      %get3A_539 = tpu.vector_load %arg6[%get3A_537, %get3A_538] {strides = array<i32>} : memref<100x64xf32, #tpu.memory_space<vmem>>, vector<1x16xf32>,
      %get3A_540 = vector.shape_cast %get3A_539 : vector<1x16xf32> to vector<16xf32>
      %add3A_541 = arith.addf %add3A_517, %get3A_540 : vector<16xf32>
      %get3A_542 = arith.constant 21 : i32
      %get3A_543 = arith.index_cast %get3A_542 : i32 to index
      %get3A_544 = arith.constant 0 : index
      %get3A_545 = tpu.vector_load %arg6[%get3A_543, %get3A_544] {strides = array<i32>} : memref<100x64xf32, #tpu.memory_space<vmem>>, vector<1x16xf32>,
      %get3A_546 = vector.shape_cast %get3A_545 : vector<1x16xf32> to vector<16xf32>
      %add3A_547 = arith.addf %add3A_523, %get3A_546 : vector<16xf32>
      %get3A_548 = arith.constant 21 : i32
      %get3A_549 = arith.index_cast %get3A_548 : i32 to index
      %get3A_550 = arith.constant 16 : index
      %get3A_551 = tpu.vector_load %arg6[%get3A_549, %get3A_550] {strides = array<i32>} : memref<100x64xf32, #tpu.memory_space<vmem>>, vector<1x16xf32>,
      %get3A_552 = vector.shape_cast %get3A_551 : vector<1x16xf32> to vector<16xf32>
      %add3A_553 = arith.addf %add3A_529, %get3A_552 : vector<16xf32>
      %get3A_554 = arith.constant 21 : i32
      %get3A_555 = arith.index_cast %get3A_554 : i32 to index
      %get3A_556 = arith.constant 32 : index
      %get3A_557 = tpu.vector_load %arg6[%get3A_555, %get3A_556] {strides = array<i32>} : memref<100x64xf32, #tpu.memory_space<vmem>>, vector<1x16xf32>,
      %get3A_558 = vector.shape_cast %get3A_557 : vector<1x16xf32> to vector<16xf32>
      %add3A_559 = arith.addf %add3A_535, %get3A_558 : vector<16xf32>
      %get3A_560 = arith.constant 21 : i32
      %get3A_561 = arith.index_cast %get3A_560 : i32 to index
      %get3A_562 = arith.constant 48 : index
      %get3A_563 = tpu.vector_load %arg6[%get3A_561, %get3A_562] {strides = array<i32>} : memref<100x64xf32, #tpu.memory_space<vmem>>, vector<1x16xf32>,
      %get3A_564 = vector.shape_cast %get3A_563 : vector<1x16xf32> to vector<16xf32>
      %add3A_565 = arith.addf %add3A_541, %get3A_564 : vector<16xf32>
      %get3A_566 = arith.constant 22 : i32
      %get3A_567 = arith.index_cast %get3A_566 : i32 to index
      %get3A_568 = arith.constant 0 : index
      %get3A_569 = tpu.vector_load %arg6[%get3A_567, %get3A_568] {strides = array<i32>} : memref<100x64xf32, #tpu.memory_space<vmem>>, vector<1x16xf32>,
      %get3A_570 = vector.shape_cast %get3A_569 : vector<1x16xf32> to vector<16xf32>
      %add3A_571 = arith.addf %add3A_547, %get3A_570 : vector<16xf32>
      %get3A_572 = arith.constant 22 : i32
      %get3A_573 = arith.index_cast %get3A_572 : i32 to index
      %get3A_574 = arith.constant 16 : index
      %get3A_575 = tpu.vector_load %arg6[%get3A_573, %get3A_574] {strides = array<i32>} : memref<100x64xf32, #tpu.memory_space<vmem>>, vector<1x16xf32>,
      %get3A_576 = vector.shape_cast %get3A_575 : vector<1x16xf32> to vector<16xf32>
      %add3A_577 = arith.addf %add3A_553, %get3A_576 : vector<16xf32>
      %get3A_578 = arith.constant 22 : i32
      %get3A_579 = arith.index_cast %get3A_578 : i32 to index
      %get3A_580 = arith.constant 32 : index
      %get3A_581 = tpu.vector_load %arg6[%get3A_579, %get3A_580] {strides = array<i32>} : memref<100x64xf32, #tpu.memory_space<vmem>>, vector<1x16xf32>,
      %get3A_582 = vector.shape_cast %get3A_581 : vector<1x16xf32> to vector<16xf32>
      %add3A_583 = arith.addf %add3A_559, %get3A_582 : vector<16xf32>
      %get3A_584 = arith.constant 22 : i32
      %get3A_585 = arith.index_cast %get3A_584 : i32 to index
      %get3A_586 = arith.constant 48 : index
      %get3A_587 = tpu.vector_load %arg6[%get3A_585, %get3A_586] {strides = array<i32>} : memref<100x64xf32, #tpu.memory_space<vmem>>, vector<1x16xf32>,
      %get3A_588 = vector.shape_cast %get3A_587 : vector<1x16xf32> to vector<16xf32>
      %add3A_589 = arith.addf %add3A_565, %get3A_588 : vector<16xf32>
      %get3A_590 = arith.constant 23 : i32
      %get3A_591 = arith.index_cast %get3A_590 : i32 to index
      %get3A_592 = arith.constant 0 : index
      %get3A_593 = tpu.vector_load %arg6[%get3A_591, %get3A_592] {strides = array<i32>} : memref<100x64xf32, #tpu.memory_space<vmem>>, vector<1x16xf32>,
      %get3A_594 = vector.shape_cast %get3A_593 : vector<1x16xf32> to vector<16xf32>
      %add3A_595 = arith.addf %add3A_571, %get3A_594 : vector<16xf32>
      %get3A_596 = arith.constant 23 : i32
      %get3A_597 = arith.index_cast %get3A_596 : i32 to index
      %get3A_598 = arith.constant 16 : index
      %get3A_599 = tpu.vector_load %arg6[%get3A_597, %get3A_598] {strides = array<i32>} : memref<100x64xf32, #tpu.memory_space<vmem>>, vector<1x16xf32>,
      %get3A_600 = vector.shape_cast %get3A_599 : vector<1x16xf32> to vector<16xf32>
      %add3A_601 = arith.addf %add3A_577, %get3A_600 : vector<16xf32>
      %get3A_602 = arith.constant 23 : i32
      %get3A_603 = arith.index_cast %get3A_602 : i32 to index
      %get3A_604 = arith.constant 32 : index
      %get3A_605 = tpu.vector_load %arg6[%get3A_603, %get3A_604] {strides = array<i32>} : memref<100x64xf32, #tpu.memory_space<vmem>>, vector<1x16xf32>,
      %get3A_606 = vector.shape_cast %get3A_605 : vector<1x16xf32> to vector<16xf32>
      %add3A_607 = arith.addf %add3A_583, %get3A_606 : vector<16xf32>
      %get3A_608 = arith.constant 23 : i32
      %get3A_609 = arith.index_cast %get3A_608 : i32 to index
      %get3A_610 = arith.constant 48 : index
      %get3A_611 = tpu.vector_load %arg6[%get3A_609, %get3A_610] {strides = array<i32>} : memref<100x64xf32, #tpu.memory_space<vmem>>, vector<1x16xf32>,
      %get3A_612 = vector.shape_cast %get3A_611 : vector<1x16xf32> to vector<16xf32>
      %add3A_613 = arith.addf %add3A_589, %get3A_612 : vector<16xf32>
      %get3A_614 = arith.constant 24 : i32
      %get3A_615 = arith.index_cast %get3A_614 : i32 to index
      %get3A_616 = arith.constant 0 : index
      %get3A_617 = tpu.vector_load %arg6[%get3A_615, %get3A_616] {strides = array<i32>} : memref<100x64xf32, #tpu.memory_space<vmem>>, vector<1x16xf32>,
      %get3A_618 = vector.shape_cast %get3A_617 : vector<1x16xf32> to vector<16xf32>
      %add3A_619 = arith.addf %add3A_595, %get3A_618 : vector<16xf32>
      %get3A_620 = arith.constant 24 : i32
      %get3A_621 = arith.index_cast %get3A_620 : i32 to index
      %get3A_622 = arith.constant 16 : index
      %get3A_623 = tpu.vector_load %arg6[%get3A_621, %get3A_622] {strides = array<i32>} : memref<100x64xf32, #tpu.memory_space<vmem>>, vector<1x16xf32>,
      %get3A_624 = vector.shape_cast %get3A_623 : vector<1x16xf32> to vector<16xf32>
      %add3A_625 = arith.addf %add3A_601, %get3A_624 : vector<16xf32>
      %get3A_626 = arith.constant 24 : i32
      %get3A_627 = arith.index_cast %get3A_626 : i32 to index
      %get3A_628 = arith.constant 32 : index
      %get3A_629 = tpu.vector_load %arg6[%get3A_627, %get3A_628] {strides = array<i32>} : memref<100x64xf32, #tpu.memory_space<vmem>>, vector<1x16xf32>,
      %get3A_630 = vector.shape_cast %get3A_629 : vector<1x16xf32> to vector<16xf32>
      %add3A_631 = arith.addf %add3A_607, %get3A_630 : vector<16xf32>
      %get3A_632 = arith.constant 24 : i32
      %get3A_633 = arith.index_cast %get3A_632 : i32 to index
      %get3A_634 = arith.constant 48 : index
      %get3A_635 = tpu.vector_load %arg6[%get3A_633, %get3A_634] {strides = array<i32>} : memref<100x64xf32, #tpu.memory_space<vmem>>, vector<1x16xf32>,
      %get3A_636 = vector.shape_cast %get3A_635 : vector<1x16xf32> to vector<16xf32>
      %add3A_637 = arith.addf %add3A_613, %get3A_636 : vector<16xf32>
      %get3A_638 = arith.constant 25 : i32
      %get3A_639 = arith.index_cast %get3A_638 : i32 to index
      %get3A_640 = arith.constant 0 : index
      %get3A_641 = tpu.vector_load %arg6[%get3A_639, %get3A_640] {strides = array<i32>} : memref<100x64xf32, #tpu.memory_space<vmem>>, vector<1x16xf32>,
      %get3A_642 = vector.shape_cast %get3A_641 : vector<1x16xf32> to vector<16xf32>
      %add3A_643 = arith.addf %add3A_619, %get3A_642 : vector<16xf32>
      %get3A_644 = arith.constant 25 : i32
      %get3A_645 = arith.index_cast %get3A_644 : i32 to index
      %get3A_646 = arith.constant 16 : index
      %get3A_647 = tpu.vector_load %arg6[%get3A_645, %get3A_646] {strides = array<i32>} : memref<100x64xf32, #tpu.memory_space<vmem>>, vector<1x16xf32>,
      %get3A_648 = vector.shape_cast %get3A_647 : vector<1x16xf32> to vector<16xf32>
      %add3A_649 = arith.addf %add3A_625, %get3A_648 : vector<16xf32>
      %get3A_650 = arith.constant 25 : i32
      %get3A_651 = arith.index_cast %get3A_650 : i32 to index
      %get3A_652 = arith.constant 32 : index
      %get3A_653 = tpu.vector_load %arg6[%get3A_651, %get3A_652] {strides = array<i32>} : memref<100x64xf32, #tpu.memory_space<vmem>>, vector<1x16xf32>,
      %get3A_654 = vector.shape_cast %get3A_653 : vector<1x16xf32> to vector<16xf32>
      %add3A_655 = arith.addf %add3A_631, %get3A_654 : vector<16xf32>
      %get3A_656 = arith.constant 25 : i32
      %get3A_657 = arith.index_cast %get3A_656 : i32 to index
      %get3A_658 = arith.constant 48 : index
      %get3A_659 = tpu.vector_load %arg6[%get3A_657, %get3A_658] {strides = array<i32>} : memref<100x64xf32, #tpu.memory_space<vmem>>, vector<1x16xf32>,
      %get3A_660 = vector.shape_cast %get3A_659 : vector<1x16xf32> to vector<16xf32>
      %add3A_661 = arith.addf %add3A_637, %get3A_660 : vector<16xf32>
      %get3A_662 = arith.constant 26 : i32
      %get3A_663 = arith.index_cast %get3A_662 : i32 to index
      %get3A_664 = arith.constant 0 : index
      %get3A_665 = tpu.vector_load %arg6[%get3A_663, %get3A_664] {strides = array<i32>} : memref<100x64xf32, #tpu.memory_space<vmem>>, vector<1x16xf32>,
      %get3A_666 = vector.shape_cast %get3A_665 : vector<1x16xf32> to vector<16xf32>
      %add3A_667 = arith.addf %add3A_643, %get3A_666 : vector<16xf32>
      %get3A_668 = arith.constant 26 : i32
      %get3A_669 = arith.index_cast %get3A_668 : i32 to index
      %get3A_670 = arith.constant 16 : index
      %get3A_671 = tpu.vector_load %arg6[%get3A_669, %get3A_670] {strides = array<i32>} : memref<100x64xf32, #tpu.memory_space<vmem>>, vector<1x16xf32>,
      %get3A_672 = vector.shape_cast %get3A_671 : vector<1x16xf32> to vector<16xf32>
      %add3A_673 = arith.addf %add3A_649, %get3A_672 : vector<16xf32>
      %get3A_674 = arith.constant 26 : i32
      %get3A_675 = arith.index_cast %get3A_674 : i32 to index
      %get3A_676 = arith.constant 32 : index
      %get3A_677 = tpu.vector_load %arg6[%get3A_675, %get3A_676] {strides = array<i32>} : memref<100x64xf32, #tpu.memory_space<vmem>>, vector<1x16xf32>,
      %get3A_678 = vector.shape_cast %get3A_677 : vector<1x16xf32> to vector<16xf32>
      %add3A_679 = arith.addf %add3A_655, %get3A_678 : vector<16xf32>
      %get3A_680 = arith.constant 26 : i32
      %get3A_681 = arith.index_cast %get3A_680 : i32 to index
      %get3A_682 = arith.constant 48 : index
      %get3A_683 = tpu.vector_load %arg6[%get3A_681, %get3A_682] {strides = array<i32>} : memref<100x64xf32, #tpu.memory_space<vmem>>, vector<1x16xf32>,
      %get3A_684 = vector.shape_cast %get3A_683 : vector<1x16xf32> to vector<16xf32>
      %add3A_685 = arith.addf %add3A_661, %get3A_684 : vector<16xf32>
      %get3A_686 = arith.constant 27 : i32
      %get3A_687 = arith.index_cast %get3A_686 : i32 to index
      %get3A_688 = arith.constant 0 : index
      %get3A_689 = tpu.vector_load %arg6[%get3A_687, %get3A_688] {strides = array<i32>} : memref<100x64xf32, #tpu.memory_space<vmem>>, vector<1x16xf32>,
      %get3A_690 = vector.shape_cast %get3A_689 : vector<1x16xf32> to vector<16xf32>
      %add3A_691 = arith.addf %add3A_667, %get3A_690 : vector<16xf32>
      %get3A_692 = arith.constant 27 : i32
      %get3A_693 = arith.index_cast %get3A_692 : i32 to index
      %get3A_694 = arith.constant 16 : index
      %get3A_695 = tpu.vector_load %arg6[%get3A_693, %get3A_694] {strides = array<i32>} : memref<100x64xf32, #tpu.memory_space<vmem>>, vector<1x16xf32>,
      %get3A_696 = vector.shape_cast %get3A_695 : vector<1x16xf32> to vector<16xf32>
      %add3A_697 = arith.addf %add3A_673, %get3A_696 : vector<16xf32>
      %get3A_698 = arith.constant 27 : i32
      %get3A_699 = arith.index_cast %get3A_698 : i32 to index
      %get3A_700 = arith.constant 32 : index
      %get3A_701 = tpu.vector_load %arg6[%get3A_699, %get3A_700] {strides = array<i32>} : memref<100x64xf32, #tpu.memory_space<vmem>>, vector<1x16xf32>,
      %get3A_702 = vector.shape_cast %get3A_701 : vector<1x16xf32> to vector<16xf32>
      %add3A_703 = arith.addf %add3A_679, %get3A_702 : vector<16xf32>
      %get3A_704 = arith.constant 27 : i32
      %get3A_705 = arith.index_cast %get3A_704 : i32 to index
      %get3A_706 = arith.constant 48 : index
      %get3A_707 = tpu.vector_load %arg6[%get3A_705, %get3A_706] {strides = array<i32>} : memref<100x64xf32, #tpu.memory_space<vmem>>, vector<1x16xf32>,
      %get3A_708 = vector.shape_cast %get3A_707 : vector<1x16xf32> to vector<16xf32>
      %add3A_709 = arith.addf %add3A_685, %get3A_708 : vector<16xf32>
      %get3A_710 = arith.constant 28 : i32
      %get3A_711 = arith.index_cast %get3A_710 : i32 to index
      %get3A_712 = arith.constant 0 : index
      %get3A_713 = tpu.vector_load %arg6[%get3A_711, %get3A_712] {strides = array<i32>} : memref<100x64xf32, #tpu.memory_space<vmem>>, vector<1x16xf32>,
      %get3A_714 = vector.shape_cast %get3A_713 : vector<1x16xf32> to vector<16xf32>
      %add3A_715 = arith.addf %add3A_691, %get3A_714 : vector<16xf32>
      %get3A_716 = arith.constant 28 : i32
      %get3A_717 = arith.index_cast %get3A_716 : i32 to index
      %get3A_718 = arith.constant 16 : index
      %get3A_719 = tpu.vector_load %arg6[%get3A_717, %get3A_718] {strides = array<i32>} : memref<100x64xf32, #tpu.memory_space<vmem>>, vector<1x16xf32>,
      %get3A_720 = vector.shape_cast %get3A_719 : vector<1x16xf32> to vector<16xf32>
      %add3A_721 = arith.addf %add3A_697, %get3A_720 : vector<16xf32>
      %get3A_722 = arith.constant 28 : i32
      %get3A_723 = arith.index_cast %get3A_722 : i32 to index
      %get3A_724 = arith.constant 32 : index
      %get3A_725 = tpu.vector_load %arg6[%get3A_723, %get3A_724] {strides = array<i32>} : memref<100x64xf32, #tpu.memory_space<vmem>>, vector<1x16xf32>,
      %get3A_726 = vector.shape_cast %get3A_725 : vector<1x16xf32> to vector<16xf32>
      %add3A_727 = arith.addf %add3A_703, %get3A_726 : vector<16xf32>
      %get3A_728 = arith.constant 28 : i32
      %get3A_729 = arith.index_cast %get3A_728 : i32 to index
      %get3A_730 = arith.constant 48 : index
      %get3A_731 = tpu.vector_load %arg6[%get3A_729, %get3A_730] {strides = array<i32>} : memref<100x64xf32, #tpu.memory_space<vmem>>, vector<1x16xf32>,
      %get3A_732 = vector.shape_cast %get3A_731 : vector<1x16xf32> to vector<16xf32>
      %add3A_733 = arith.addf %add3A_709, %get3A_732 : vector<16xf32>
      %get3A_734 = arith.constant 29 : i32
      %get3A_735 = arith.index_cast %get3A_734 : i32 to index
      %get3A_736 = arith.constant 0 : index
      %get3A_737 = tpu.vector_load %arg6[%get3A_735, %get3A_736] {strides = array<i32>} : memref<100x64xf32, #tpu.memory_space<vmem>>, vector<1x16xf32>,
      %get3A_738 = vector.shape_cast %get3A_737 : vector<1x16xf32> to vector<16xf32>
      %add3A_739 = arith.addf %add3A_715, %get3A_738 : vector<16xf32>
      %get3A_740 = arith.constant 29 : i32
      %get3A_741 = arith.index_cast %get3A_740 : i32 to index
      %get3A_742 = arith.constant 16 : index
      %get3A_743 = tpu.vector_load %arg6[%get3A_741, %get3A_742] {strides = array<i32>} : memref<100x64xf32, #tpu.memory_space<vmem>>, vector<1x16xf32>,
      %get3A_744 = vector.shape_cast %get3A_743 : vector<1x16xf32> to vector<16xf32>
      %add3A_745 = arith.addf %add3A_721, %get3A_744 : vector<16xf32>
      %get3A_746 = arith.constant 29 : i32
      %get3A_747 = arith.index_cast %get3A_746 : i32 to index
      %get3A_748 = arith.constant 32 : index
      %get3A_749 = tpu.vector_load %arg6[%get3A_747, %get3A_748] {strides = array<i32>} : memref<100x64xf32, #tpu.memory_space<vmem>>, vector<1x16xf32>,
      %get3A_750 = vector.shape_cast %get3A_749 : vector<1x16xf32> to vector<16xf32>
      %add3A_751 = arith.addf %add3A_727, %get3A_750 : vector<16xf32>
      %get3A_752 = arith.constant 29 : i32
      %get3A_753 = arith.index_cast %get3A_752 : i32 to index
      %get3A_754 = arith.constant 48 : index
      %get3A_755 = tpu.vector_load %arg6[%get3A_753, %get3A_754] {strides = array<i32>} : memref<100x64xf32, #tpu.memory_space<vmem>>, vector<1x16xf32>,
      %get3A_756 = vector.shape_cast %get3A_755 : vector<1x16xf32> to vector<16xf32>
      %add3A_757 = arith.addf %add3A_733, %get3A_756 : vector<16xf32>
      %get3A_758 = arith.constant 30 : i32
      %get3A_759 = arith.index_cast %get3A_758 : i32 to index
      %get3A_760 = arith.constant 0 : index
      %get3A_761 = tpu.vector_load %arg6[%get3A_759, %get3A_760] {strides = array<i32>} : memref<100x64xf32, #tpu.memory_space<vmem>>, vector<1x16xf32>,
      %get3A_762 = vector.shape_cast %get3A_761 : vector<1x16xf32> to vector<16xf32>
      %add3A_763 = arith.addf %add3A_739, %get3A_762 : vector<16xf32>
      %get3A_764 = arith.constant 30 : i32
      %get3A_765 = arith.index_cast %get3A_764 : i32 to index
      %get3A_766 = arith.constant 16 : index
      %get3A_767 = tpu.vector_load %arg6[%get3A_765, %get3A_766] {strides = array<i32>} : memref<100x64xf32, #tpu.memory_space<vmem>>, vector<1x16xf32>,
      %get3A_768 = vector.shape_cast %get3A_767 : vector<1x16xf32> to vector<16xf32>
      %add3A_769 = arith.addf %add3A_745, %get3A_768 : vector<16xf32>
      %get3A_770 = arith.constant 30 : i32
      %get3A_771 = arith.index_cast %get3A_770 : i32 to index
      %get3A_772 = arith.constant 32 : index
      %get3A_773 = tpu.vector_load %arg6[%get3A_771, %get3A_772] {strides = array<i32>} : memref<100x64xf32, #tpu.memory_space<vmem>>, vector<1x16xf32>,
      %get3A_774 = vector.shape_cast %get3A_773 : vector<1x16xf32> to vector<16xf32>
      %add3A_775 = arith.addf %add3A_751, %get3A_774 : vector<16xf32>
      %get3A_776 = arith.constant 30 : i32
      %get3A_777 = arith.index_cast %get3A_776 : i32 to index
      %get3A_778 = arith.constant 48 : index
      %get3A_779 = tpu.vector_load %arg6[%get3A_777, %get3A_778] {strides = array<i32>} : memref<100x64xf32, #tpu.memory_space<vmem>>, vector<1x16xf32>,
      %get3A_780 = vector.shape_cast %get3A_779 : vector<1x16xf32> to vector<16xf32>
      %add3A_781 = arith.addf %add3A_757, %get3A_780 : vector<16xf32>
      %get3A_782 = arith.constant 31 : i32
      %get3A_783 = arith.index_cast %get3A_782 : i32 to index
      %get3A_784 = arith.constant 0 : index
      %get3A_785 = tpu.vector_load %arg6[%get3A_783, %get3A_784] {strides = array<i32>} : memref<100x64xf32, #tpu.memory_space<vmem>>, vector<1x16xf32>,
      %get3A_786 = vector.shape_cast %get3A_785 : vector<1x16xf32> to vector<16xf32>
      %add3A_787 = arith.addf %add3A_763, %get3A_786 : vector<16xf32>
      %get3A_788 = arith.constant 31 : i32
      %get3A_789 = arith.index_cast %get3A_788 : i32 to index
      %get3A_790 = arith.constant 16 : index
      %get3A_791 = tpu.vector_load %arg6[%get3A_789, %get3A_790] {strides = array<i32>} : memref<100x64xf32, #tpu.memory_space<vmem>>, vector<1x16xf32>,
      %get3A_792 = vector.shape_cast %get3A_791 : vector<1x16xf32> to vector<16xf32>
      %add3A_793 = arith.addf %add3A_769, %get3A_792 : vector<16xf32>
      %get3A_794 = arith.constant 31 : i32
      %get3A_795 = arith.index_cast %get3A_794 : i32 to index
      %get3A_796 = arith.constant 32 : index
      %get3A_797 = tpu.vector_load %arg6[%get3A_795, %get3A_796] {strides = array<i32>} : memref<100x64xf32, #tpu.memory_space<vmem>>, vector<1x16xf32>,
      %get3A_798 = vector.shape_cast %get3A_797 : vector<1x16xf32> to vector<16xf32>
      %add3A_799 = arith.addf %add3A_775, %get3A_798 : vector<16xf32>
      %get3A_800 = arith.constant 31 : i32
      %get3A_801 = arith.index_cast %get3A_800 : i32 to index
      %get3A_802 = arith.constant 48 : index
      %get3A_803 = tpu.vector_load %arg6[%get3A_801, %get3A_802] {strides = array<i32>} : memref<100x64xf32, #tpu.memory_space<vmem>>, vector<1x16xf32>,
      %get3A_804 = vector.shape_cast %get3A_803 : vector<1x16xf32> to vector<16xf32>
      %add3A_805 = arith.addf %add3A_781, %get3A_804 : vector<16xf32>
      %get3A_806 = arith.constant 32 : i32
      %get3A_807 = arith.index_cast %get3A_806 : i32 to index
      %get3A_808 = arith.constant 0 : index
      %get3A_809 = tpu.vector_load %arg6[%get3A_807, %get3A_808] {strides = array<i32>} : memref<100x64xf32, #tpu.memory_space<vmem>>, vector<1x16xf32>,
      %get3A_810 = vector.shape_cast %get3A_809 : vector<1x16xf32> to vector<16xf32>
      %add3A_811 = arith.addf %add3A_787, %get3A_810 : vector<16xf32>
      %get3A_812 = arith.constant 32 : i32
      %get3A_813 = arith.index_cast %get3A_812 : i32 to index
      %get3A_814 = arith.constant 16 : index
      %get3A_815 = tpu.vector_load %arg6[%get3A_813, %get3A_814] {strides = array<i32>} : memref<100x64xf32, #tpu.memory_space<vmem>>, vector<1x16xf32>,
      %get3A_816 = vector.shape_cast %get3A_815 : vector<1x16xf32> to vector<16xf32>
      %add3A_817 = arith.addf %add3A_793, %get3A_816 : vector<16xf32>
      %get3A_818 = arith.constant 32 : i32
      %get3A_819 = arith.index_cast %get3A_818 : i32 to index
      %get3A_820 = arith.constant 32 : index
      %get3A_821 = tpu.vector_load %arg6[%get3A_819, %get3A_820] {strides = array<i32>} : memref<100x64xf32, #tpu.memory_space<vmem>>, vector<1x16xf32>,
      %get3A_822 = vector.shape_cast %get3A_821 : vector<1x16xf32> to vector<16xf32>
      %add3A_823 = arith.addf %add3A_799, %get3A_822 : vector<16xf32>
      %get3A_824 = arith.constant 32 : i32
      %get3A_825 = arith.index_cast %get3A_824 : i32 to index
      %get3A_826 = arith.constant 48 : index
      %get3A_827 = tpu.vector_load %arg6[%get3A_825, %get3A_826] {strides = array<i32>} : memref<100x64xf32, #tpu.memory_space<vmem>>, vector<1x16xf32>,
      %get3A_828 = vector.shape_cast %get3A_827 : vector<1x16xf32> to vector<16xf32>
      %add3A_829 = arith.addf %add3A_805, %get3A_828 : vector<16xf32>
      %get3A_830 = arith.constant 33 : i32
      %get3A_831 = arith.index_cast %get3A_830 : i32 to index
      %get3A_832 = arith.constant 0 : index
      %get3A_833 = tpu.vector_load %arg6[%get3A_831, %get3A_832] {strides = array<i32>} : memref<100x64xf32, #tpu.memory_space<vmem>>, vector<1x16xf32>,
      %get3A_834 = vector.shape_cast %get3A_833 : vector<1x16xf32> to vector<16xf32>
      %add3A_835 = arith.addf %add3A_811, %get3A_834 : vector<16xf32>
      %get3A_836 = arith.constant 33 : i32
      %get3A_837 = arith.index_cast %get3A_836 : i32 to index
      %get3A_838 = arith.constant 16 : index
      %get3A_839 = tpu.vector_load %arg6[%get3A_837, %get3A_838] {strides = array<i32>} : memref<100x64xf32, #tpu.memory_space<vmem>>, vector<1x16xf32>,
      %get3A_840 = vector.shape_cast %get3A_839 : vector<1x16xf32> to vector<16xf32>
      %add3A_841 = arith.addf %add3A_817, %get3A_840 : vector<16xf32>
      %get3A_842 = arith.constant 33 : i32
      %get3A_843 = arith.index_cast %get3A_842 : i32 to index
      %get3A_844 = arith.constant 32 : index
      %get3A_845 = tpu.vector_load %arg6[%get3A_843, %get3A_844] {strides = array<i32>} : memref<100x64xf32, #tpu.memory_space<vmem>>, vector<1x16xf32>,
      %get3A_846 = vector.shape_cast %get3A_845 : vector<1x16xf32> to vector<16xf32>
      %add3A_847 = arith.addf %add3A_823, %get3A_846 : vector<16xf32>
      %get3A_848 = arith.constant 33 : i32
      %get3A_849 = arith.index_cast %get3A_848 : i32 to index
      %get3A_850 = arith.constant 48 : index
      %get3A_851 = tpu.vector_load %arg6[%get3A_849, %get3A_850] {strides = array<i32>} : memref<100x64xf32, #tpu.memory_space<vmem>>, vector<1x16xf32>,
      %get3A_852 = vector.shape_cast %get3A_851 : vector<1x16xf32> to vector<16xf32>
      %add3A_853 = arith.addf %add3A_829, %get3A_852 : vector<16xf32>
      %get3A_854 = arith.constant 34 : i32
      %get3A_855 = arith.index_cast %get3A_854 : i32 to index
      %get3A_856 = arith.constant 0 : index
      %get3A_857 = tpu.vector_load %arg6[%get3A_855, %get3A_856] {strides = array<i32>} : memref<100x64xf32, #tpu.memory_space<vmem>>, vector<1x16xf32>,
      %get3A_858 = vector.shape_cast %get3A_857 : vector<1x16xf32> to vector<16xf32>
      %add3A_859 = arith.addf %add3A_835, %get3A_858 : vector<16xf32>
      %get3A_860 = arith.constant 34 : i32
      %get3A_861 = arith.index_cast %get3A_860 : i32 to index
      %get3A_862 = arith.constant 16 : index
      %get3A_863 = tpu.vector_load %arg6[%get3A_861, %get3A_862] {strides = array<i32>} : memref<100x64xf32, #tpu.memory_space<vmem>>, vector<1x16xf32>,
      %get3A_864 = vector.shape_cast %get3A_863 : vector<1x16xf32> to vector<16xf32>
      %add3A_865 = arith.addf %add3A_841, %get3A_864 : vector<16xf32>
      %get3A_866 = arith.constant 34 : i32
      %get3A_867 = arith.index_cast %get3A_866 : i32 to index
      %get3A_868 = arith.constant 32 : index
      %get3A_869 = tpu.vector_load %arg6[%get3A_867, %get3A_868] {strides = array<i32>} : memref<100x64xf32, #tpu.memory_space<vmem>>, vector<1x16xf32>,
      %get3A_870 = vector.shape_cast %get3A_869 : vector<1x16xf32> to vector<16xf32>
      %add3A_871 = arith.addf %add3A_847, %get3A_870 : vector<16xf32>
      %get3A_872 = arith.constant 34 : i32
      %get3A_873 = arith.index_cast %get3A_872 : i32 to index
      %get3A_874 = arith.constant 48 : index
      %get3A_875 = tpu.vector_load %arg6[%get3A_873, %get3A_874] {strides = array<i32>} : memref<100x64xf32, #tpu.memory_space<vmem>>, vector<1x16xf32>,
      %get3A_876 = vector.shape_cast %get3A_875 : vector<1x16xf32> to vector<16xf32>
      %add3A_877 = arith.addf %add3A_853, %get3A_876 : vector<16xf32>
      %get3A_878 = arith.constant 35 : i32
      %get3A_879 = arith.index_cast %get3A_878 : i32 to index
      %get3A_880 = arith.constant 0 : index
      %get3A_881 = tpu.vector_load %arg6[%get3A_879, %get3A_880] {strides = array<i32>} : memref<100x64xf32, #tpu.memory_space<vmem>>, vector<1x16xf32>,
      %get3A_882 = vector.shape_cast %get3A_881 : vector<1x16xf32> to vector<16xf32>
      %add3A_883 = arith.addf %add3A_859, %get3A_882 : vector<16xf32>
      %get3A_884 = arith.constant 35 : i32
      %get3A_885 = arith.index_cast %get3A_884 : i32 to index
      %get3A_886 = arith.constant 16 : index
      %get3A_887 = tpu.vector_load %arg6[%get3A_885, %get3A_886] {strides = array<i32>} : memref<100x64xf32, #tpu.memory_space<vmem>>, vector<1x16xf32>,
      %get3A_888 = vector.shape_cast %get3A_887 : vector<1x16xf32> to vector<16xf32>
      %add3A_889 = arith.addf %add3A_865, %get3A_888 : vector<16xf32>
      %get3A_890 = arith.constant 35 : i32
      %get3A_891 = arith.index_cast %get3A_890 : i32 to index
      %get3A_892 = arith.constant 32 : index
      %get3A_893 = tpu.vector_load %arg6[%get3A_891, %get3A_892] {strides = array<i32>} : memref<100x64xf32, #tpu.memory_space<vmem>>, vector<1x16xf32>,
      %get3A_894 = vector.shape_cast %get3A_893 : vector<1x16xf32> to vector<16xf32>
      %add3A_895 = arith.addf %add3A_871, %get3A_894 : vector<16xf32>
      %get3A_896 = arith.constant 35 : i32
      %get3A_897 = arith.index_cast %get3A_896 : i32 to index
      %get3A_898 = arith.constant 48 : index
      %get3A_899 = tpu.vector_load %arg6[%get3A_897, %get3A_898] {strides = array<i32>} : memref<100x64xf32, #tpu.memory_space<vmem>>, vector<1x16xf32>,
      %get3A_900 = vector.shape_cast %get3A_899 : vector<1x16xf32> to vector<16xf32>
      %add3A_901 = arith.addf %add3A_877, %get3A_900 : vector<16xf32>
      %get3A_902 = arith.constant 36 : i32
      %get3A_903 = arith.index_cast %get3A_902 : i32 to index
      %get3A_904 = arith.constant 0 : index
      %get3A_905 = tpu.vector_load %arg6[%get3A_903, %get3A_904] {strides = array<i32>} : memref<100x64xf32, #tpu.memory_space<vmem>>, vector<1x16xf32>,
      %get3A_906 = vector.shape_cast %get3A_905 : vector<1x16xf32> to vector<16xf32>
      %add3A_907 = arith.addf %add3A_883, %get3A_906 : vector<16xf32>
      %get3A_908 = arith.constant 36 : i32
      %get3A_909 = arith.index_cast %get3A_908 : i32 to index
      %get3A_910 = arith.constant 16 : index
      %get3A_911 = tpu.vector_load %arg6[%get3A_909, %get3A_910] {strides = array<i32>} : memref<100x64xf32, #tpu.memory_space<vmem>>, vector<1x16xf32>,
      %get3A_912 = vector.shape_cast %get3A_911 : vector<1x16xf32> to vector<16xf32>
      %add3A_913 = arith.addf %add3A_889, %get3A_912 : vector<16xf32>
      %get3A_914 = arith.constant 36 : i32
      %get3A_915 = arith.index_cast %get3A_914 : i32 to index
      %get3A_916 = arith.constant 32 : index
      %get3A_917 = tpu.vector_load %arg6[%get3A_915, %get3A_916] {strides = array<i32>} : memref<100x64xf32, #tpu.memory_space<vmem>>, vector<1x16xf32>,
      %get3A_918 = vector.shape_cast %get3A_917 : vector<1x16xf32> to vector<16xf32>
      %add3A_919 = arith.addf %add3A_895, %get3A_918 : vector<16xf32>
      %get3A_920 = arith.constant 36 : i32
      %get3A_921 = arith.index_cast %get3A_920 : i32 to index
      %get3A_922 = arith.constant 48 : index
      %get3A_923 = tpu.vector_load %arg6[%get3A_921, %get3A_922] {strides = array<i32>} : memref<100x64xf32, #tpu.memory_space<vmem>>, vector<1x16xf32>,
      %get3A_924 = vector.shape_cast %get3A_923 : vector<1x16xf32> to vector<16xf32>
      %add3A_925 = arith.addf %add3A_901, %get3A_924 : vector<16xf32>
      %get3A_926 = arith.constant 37 : i32
      %get3A_927 = arith.index_cast %get3A_926 : i32 to index
      %get3A_928 = arith.constant 0 : index
      %get3A_929 = tpu.vector_load %arg6[%get3A_927, %get3A_928] {strides = array<i32>} : memref<100x64xf32, #tpu.memory_space<vmem>>, vector<1x16xf32>,
      %get3A_930 = vector.shape_cast %get3A_929 : vector<1x16xf32> to vector<16xf32>
      %add3A_931 = arith.addf %add3A_907, %get3A_930 : vector<16xf32>
      %get3A_932 = arith.constant 37 : i32
      %get3A_933 = arith.index_cast %get3A_932 : i32 to index
      %get3A_934 = arith.constant 16 : index
      %get3A_935 = tpu.vector_load %arg6[%get3A_933, %get3A_934] {strides = array<i32>} : memref<100x64xf32, #tpu.memory_space<vmem>>, vector<1x16xf32>,
      %get3A_936 = vector.shape_cast %get3A_935 : vector<1x16xf32> to vector<16xf32>
      %add3A_937 = arith.addf %add3A_913, %get3A_936 : vector<16xf32>
      %get3A_938 = arith.constant 37 : i32
      %get3A_939 = arith.index_cast %get3A_938 : i32 to index
      %get3A_940 = arith.constant 32 : index
      %get3A_941 = tpu.vector_load %arg6[%get3A_939, %get3A_940] {strides = array<i32>} : memref<100x64xf32, #tpu.memory_space<vmem>>, vector<1x16xf32>,
      %get3A_942 = vector.shape_cast %get3A_941 : vector<1x16xf32> to vector<16xf32>
      %add3A_943 = arith.addf %add3A_919, %get3A_942 : vector<16xf32>
      %get3A_944 = arith.constant 37 : i32
      %get3A_945 = arith.index_cast %get3A_944 : i32 to index
      %get3A_946 = arith.constant 48 : index
      %get3A_947 = tpu.vector_load %arg6[%get3A_945, %get3A_946] {strides = array<i32>} : memref<100x64xf32, #tpu.memory_space<vmem>>, vector<1x16xf32>,
      %get3A_948 = vector.shape_cast %get3A_947 : vector<1x16xf32> to vector<16xf32>
      %add3A_949 = arith.addf %add3A_925, %get3A_948 : vector<16xf32>
      %get3A_950 = arith.constant 38 : i32
      %get3A_951 = arith.index_cast %get3A_950 : i32 to index
      %get3A_952 = arith.constant 0 : index
      %get3A_953 = tpu.vector_load %arg6[%get3A_951, %get3A_952] {strides = array<i32>} : memref<100x64xf32, #tpu.memory_space<vmem>>, vector<1x16xf32>,
      %get3A_954 = vector.shape_cast %get3A_953 : vector<1x16xf32> to vector<16xf32>
      %add3A_955 = arith.addf %add3A_931, %get3A_954 : vector<16xf32>
      %get3A_956 = arith.constant 38 : i32
      %get3A_957 = arith.index_cast %get3A_956 : i32 to index
      %get3A_958 = arith.constant 16 : index
      %get3A_959 = tpu.vector_load %arg6[%get3A_957, %get3A_958] {strides = array<i32>} : memref<100x64xf32, #tpu.memory_space<vmem>>, vector<1x16xf32>,
      %get3A_960 = vector.shape_cast %get3A_959 : vector<1x16xf32> to vector<16xf32>
      %add3A_961 = arith.addf %add3A_937, %get3A_960 : vector<16xf32>
      %get3A_962 = arith.constant 38 : i32
      %get3A_963 = arith.index_cast %get3A_962 : i32 to index
      %get3A_964 = arith.constant 32 : index
      %get3A_965 = tpu.vector_load %arg6[%get3A_963, %get3A_964] {strides = array<i32>} : memref<100x64xf32, #tpu.memory_space<vmem>>, vector<1x16xf32>,
      %get3A_966 = vector.shape_cast %get3A_965 : vector<1x16xf32> to vector<16xf32>
      %add3A_967 = arith.addf %add3A_943, %get3A_966 : vector<16xf32>
      %get3A_968 = arith.constant 38 : i32
      %get3A_969 = arith.index_cast %get3A_968 : i32 to index
      %get3A_970 = arith.constant 48 : index
      %get3A_971 = tpu.vector_load %arg6[%get3A_969, %get3A_970] {strides = array<i32>} : memref<100x64xf32, #tpu.memory_space<vmem>>, vector<1x16xf32>,
      %get3A_972 = vector.shape_cast %get3A_971 : vector<1x16xf32> to vector<16xf32>
      %add3A_973 = arith.addf %add3A_949, %get3A_972 : vector<16xf32>
      %get3A_974 = arith.constant 39 : i32
      %get3A_975 = arith.index_cast %get3A_974 : i32 to index
      %get3A_976 = arith.constant 0 : index
      %get3A_977 = tpu.vector_load %arg6[%get3A_975, %get3A_976] {strides = array<i32>} : memref<100x64xf32, #tpu.memory_space<vmem>>, vector<1x16xf32>,
      %get3A_978 = vector.shape_cast %get3A_977 : vector<1x16xf32> to vector<16xf32>
      %add3A_979 = arith.addf %add3A_955, %get3A_978 : vector<16xf32>
      %get3A_980 = arith.constant 39 : i32
      %get3A_981 = arith.index_cast %get3A_980 : i32 to index
      %get3A_982 = arith.constant 16 : index
      %get3A_983 = tpu.vector_load %arg6[%get3A_981, %get3A_982] {strides = array<i32>} : memref<100x64xf32, #tpu.memory_space<vmem>>, vector<1x16xf32>,
      %get3A_984 = vector.shape_cast %get3A_983 : vector<1x16xf32> to vector<16xf32>
      %add3A_985 = arith.addf %add3A_961, %get3A_984 : vector<16xf32>
      %get3A_986 = arith.constant 39 : i32
      %get3A_987 = arith.index_cast %get3A_986 : i32 to index
      %get3A_988 = arith.constant 32 : index
      %get3A_989 = tpu.vector_load %arg6[%get3A_987, %get3A_988] {strides = array<i32>} : memref<100x64xf32, #tpu.memory_space<vmem>>, vector<1x16xf32>,
      %get3A_990 = vector.shape_cast %get3A_989 : vector<1x16xf32> to vector<16xf32>
      %add3A_991 = arith.addf %add3A_967, %get3A_990 : vector<16xf32>
      %get3A_992 = arith.constant 39 : i32
      %get3A_993 = arith.index_cast %get3A_992 : i32 to index
      %get3A_994 = arith.constant 48 : index
      %get3A_995 = tpu.vector_load %arg6[%get3A_993, %get3A_994] {strides = array<i32>} : memref<100x64xf32, #tpu.memory_space<vmem>>, vector<1x16xf32>,
      %get3A_996 = vector.shape_cast %get3A_995 : vector<1x16xf32> to vector<16xf32>
      %add3A_997 = arith.addf %add3A_973, %get3A_996 : vector<16xf32>
      %get3A_998 = arith.constant 40 : i32
      %get3A_999 = arith.index_cast %get3A_998 : i32 to index
      %get3A_1000 = arith.constant 0 : index
      %get3A_1001 = tpu.vector_load %arg6[%get3A_999, %get3A_1000] {strides = array<i32>} : memref<100x64xf32, #tpu.memory_space<vmem>>, vector<1x16xf32>,
      %get3A_1002 = vector.shape_cast %get3A_1001 : vector<1x16xf32> to vector<16xf32>
      %add3A_1003 = arith.addf %add3A_979, %get3A_1002 : vector<16xf32>
      %get3A_1004 = arith.constant 40 : i32
      %get3A_1005 = arith.index_cast %get3A_1004 : i32 to index
      %get3A_1006 = arith.constant 16 : index
      %get3A_1007 = tpu.vector_load %arg6[%get3A_1005, %get3A_1006] {strides = array<i32>} : memref<100x64xf32, #tpu.memory_space<vmem>>, vector<1x16xf32>,
      %get3A_1008 = vector.shape_cast %get3A_1007 : vector<1x16xf32> to vector<16xf32>
      %add3A_1009 = arith.addf %add3A_985, %get3A_1008 : vector<16xf32>
      %get3A_1010 = arith.constant 40 : i32
      %get3A_1011 = arith.index_cast %get3A_1010 : i32 to index
      %get3A_1012 = arith.constant 32 : index
      %get3A_1013 = tpu.vector_load %arg6[%get3A_1011, %get3A_1012] {strides = array<i32>} : memref<100x64xf32, #tpu.memory_space<vmem>>, vector<1x16xf32>,
      %get3A_1014 = vector.shape_cast %get3A_1013 : vector<1x16xf32> to vector<16xf32>
      %add3A_1015 = arith.addf %add3A_991, %get3A_1014 : vector<16xf32>
      %get3A_1016 = arith.constant 40 : i32
      %get3A_1017 = arith.index_cast %get3A_1016 : i32 to index
      %get3A_1018 = arith.constant 48 : index
      %get3A_1019 = tpu.vector_load %arg6[%get3A_1017, %get3A_1018] {strides = array<i32>} : memref<100x64xf32, #tpu.memory_space<vmem>>, vector<1x16xf32>,
      %get3A_1020 = vector.shape_cast %get3A_1019 : vector<1x16xf32> to vector<16xf32>
      %add3A_1021 = arith.addf %add3A_997, %get3A_1020 : vector<16xf32>
      %get3A_1022 = arith.constant 41 : i32
      %get3A_1023 = arith.index_cast %get3A_1022 : i32 to index
      %get3A_1024 = arith.constant 0 : index
      %get3A_1025 = tpu.vector_load %arg6[%get3A_1023, %get3A_1024] {strides = array<i32>} : memref<100x64xf32, #tpu.memory_space<vmem>>, vector<1x16xf32>,
      %get3A_1026 = vector.shape_cast %get3A_1025 : vector<1x16xf32> to vector<16xf32>
      %add3A_1027 = arith.addf %add3A_1003, %get3A_1026 : vector<16xf32>
      %get3A_1028 = arith.constant 41 : i32
      %get3A_1029 = arith.index_cast %get3A_1028 : i32 to index
      %get3A_1030 = arith.constant 16 : index
      %get3A_1031 = tpu.vector_load %arg6[%get3A_1029, %get3A_1030] {strides = array<i32>} : memref<100x64xf32, #tpu.memory_space<vmem>>, vector<1x16xf32>,
      %get3A_1032 = vector.shape_cast %get3A_1031 : vector<1x16xf32> to vector<16xf32>
      %add3A_1033 = arith.addf %add3A_1009, %get3A_1032 : vector<16xf32>
      %get3A_1034 = arith.constant 41 : i32
      %get3A_1035 = arith.index_cast %get3A_1034 : i32 to index
      %get3A_1036 = arith.constant 32 : index
      %get3A_1037 = tpu.vector_load %arg6[%get3A_1035, %get3A_1036] {strides = array<i32>} : memref<100x64xf32, #tpu.memory_space<vmem>>, vector<1x16xf32>,
      %get3A_1038 = vector.shape_cast %get3A_1037 : vector<1x16xf32> to vector<16xf32>
      %add3A_1039 = arith.addf %add3A_1015, %get3A_1038 : vector<16xf32>
      %get3A_1040 = arith.constant 41 : i32
      %get3A_1041 = arith.index_cast %get3A_1040 : i32 to index
      %get3A_1042 = arith.constant 48 : index
      %get3A_1043 = tpu.vector_load %arg6[%get3A_1041, %get3A_1042] {strides = array<i32>} : memref<100x64xf32, #tpu.memory_space<vmem>>, vector<1x16xf32>,
      %get3A_1044 = vector.shape_cast %get3A_1043 : vector<1x16xf32> to vector<16xf32>
      %add3A_1045 = arith.addf %add3A_1021, %get3A_1044 : vector<16xf32>
      %get3A_1046 = arith.constant 42 : i32
      %get3A_1047 = arith.index_cast %get3A_1046 : i32 to index
      %get3A_1048 = arith.constant 0 : index
      %get3A_1049 = tpu.vector_load %arg6[%get3A_1047, %get3A_1048] {strides = array<i32>} : memref<100x64xf32, #tpu.memory_space<vmem>>, vector<1x16xf32>,
      %get3A_1050 = vector.shape_cast %get3A_1049 : vector<1x16xf32> to vector<16xf32>
      %add3A_1051 = arith.addf %add3A_1027, %get3A_1050 : vector<16xf32>
      %get3A_1052 = arith.constant 42 : i32
      %get3A_1053 = arith.index_cast %get3A_1052 : i32 to index
      %get3A_1054 = arith.constant 16 : index
      %get3A_1055 = tpu.vector_load %arg6[%get3A_1053, %get3A_1054] {strides = array<i32>} : memref<100x64xf32, #tpu.memory_space<vmem>>, vector<1x16xf32>,
      %get3A_1056 = vector.shape_cast %get3A_1055 : vector<1x16xf32> to vector<16xf32>
      %add3A_1057 = arith.addf %add3A_1033, %get3A_1056 : vector<16xf32>
      %get3A_1058 = arith.constant 42 : i32
      %get3A_1059 = arith.index_cast %get3A_1058 : i32 to index
      %get3A_1060 = arith.constant 32 : index
      %get3A_1061 = tpu.vector_load %arg6[%get3A_1059, %get3A_1060] {strides = array<i32>} : memref<100x64xf32, #tpu.memory_space<vmem>>, vector<1x16xf32>,
      %get3A_1062 = vector.shape_cast %get3A_1061 : vector<1x16xf32> to vector<16xf32>
      %add3A_1063 = arith.addf %add3A_1039, %get3A_1062 : vector<16xf32>
      %get3A_1064 = arith.constant 42 : i32
      %get3A_1065 = arith.index_cast %get3A_1064 : i32 to index
      %get3A_1066 = arith.constant 48 : index
      %get3A_1067 = tpu.vector_load %arg6[%get3A_1065, %get3A_1066] {strides = array<i32>} : memref<100x64xf32, #tpu.memory_space<vmem>>, vector<1x16xf32>,
      %get3A_1068 = vector.shape_cast %get3A_1067 : vector<1x16xf32> to vector<16xf32>
      %add3A_1069 = arith.addf %add3A_1045, %get3A_1068 : vector<16xf32>
      %get3A_1070 = arith.constant 43 : i32
      %get3A_1071 = arith.index_cast %get3A_1070 : i32 to index
      %get3A_1072 = arith.constant 0 : index
      %get3A_1073 = tpu.vector_load %arg6[%get3A_1071, %get3A_1072] {strides = array<i32>} : memref<100x64xf32, #tpu.memory_space<vmem>>, vector<1x16xf32>,
      %get3A_1074 = vector.shape_cast %get3A_1073 : vector<1x16xf32> to vector<16xf32>
      %add3A_1075 = arith.addf %add3A_1051, %get3A_1074 : vector<16xf32>
      %get3A_1076 = arith.constant 43 : i32
      %get3A_1077 = arith.index_cast %get3A_1076 : i32 to index
      %get3A_1078 = arith.constant 16 : index
      %get3A_1079 = tpu.vector_load %arg6[%get3A_1077, %get3A_1078] {strides = array<i32>} : memref<100x64xf32, #tpu.memory_space<vmem>>, vector<1x16xf32>,
      %get3A_1080 = vector.shape_cast %get3A_1079 : vector<1x16xf32> to vector<16xf32>
      %add3A_1081 = arith.addf %add3A_1057, %get3A_1080 : vector<16xf32>
      %get3A_1082 = arith.constant 43 : i32
      %get3A_1083 = arith.index_cast %get3A_1082 : i32 to index
      %get3A_1084 = arith.constant 32 : index
      %get3A_1085 = tpu.vector_load %arg6[%get3A_1083, %get3A_1084] {strides = array<i32>} : memref<100x64xf32, #tpu.memory_space<vmem>>, vector<1x16xf32>,
      %get3A_1086 = vector.shape_cast %get3A_1085 : vector<1x16xf32> to vector<16xf32>
      %add3A_1087 = arith.addf %add3A_1063, %get3A_1086 : vector<16xf32>
      %get3A_1088 = arith.constant 43 : i32
      %get3A_1089 = arith.index_cast %get3A_1088 : i32 to index
      %get3A_1090 = arith.constant 48 : index
      %get3A_1091 = tpu.vector_load %arg6[%get3A_1089, %get3A_1090] {strides = array<i32>} : memref<100x64xf32, #tpu.memory_space<vmem>>, vector<1x16xf32>,
      %get3A_1092 = vector.shape_cast %get3A_1091 : vector<1x16xf32> to vector<16xf32>
      %add3A_1093 = arith.addf %add3A_1069, %get3A_1092 : vector<16xf32>
      %get3A_1094 = arith.constant 44 : i32
      %get3A_1095 = arith.index_cast %get3A_1094 : i32 to index
      %get3A_1096 = arith.constant 0 : index
      %get3A_1097 = tpu.vector_load %arg6[%get3A_1095, %get3A_1096] {strides = array<i32>} : memref<100x64xf32, #tpu.memory_space<vmem>>, vector<1x16xf32>,
      %get3A_1098 = vector.shape_cast %get3A_1097 : vector<1x16xf32> to vector<16xf32>
      %add3A_1099 = arith.addf %add3A_1075, %get3A_1098 : vector<16xf32>
      %get3A_1100 = arith.constant 44 : i32
      %get3A_1101 = arith.index_cast %get3A_1100 : i32 to index
      %get3A_1102 = arith.constant 16 : index
      %get3A_1103 = tpu.vector_load %arg6[%get3A_1101, %get3A_1102] {strides = array<i32>} : memref<100x64xf32, #tpu.memory_space<vmem>>, vector<1x16xf32>,
      %get3A_1104 = vector.shape_cast %get3A_1103 : vector<1x16xf32> to vector<16xf32>
      %add3A_1105 = arith.addf %add3A_1081, %get3A_1104 : vector<16xf32>
      %get3A_1106 = arith.constant 44 : i32
      %get3A_1107 = arith.index_cast %get3A_1106 : i32 to index
      %get3A_1108 = arith.constant 32 : index
      %get3A_1109 = tpu.vector_load %arg6[%get3A_1107, %get3A_1108] {strides = array<i32>} : memref<100x64xf32, #tpu.memory_space<vmem>>, vector<1x16xf32>,
      %get3A_1110 = vector.shape_cast %get3A_1109 : vector<1x16xf32> to vector<16xf32>
      %add3A_1111 = arith.addf %add3A_1087, %get3A_1110 : vector<16xf32>
      %get3A_1112 = arith.constant 44 : i32
      %get3A_1113 = arith.index_cast %get3A_1112 : i32 to index
      %get3A_1114 = arith.constant 48 : index
      %get3A_1115 = tpu.vector_load %arg6[%get3A_1113, %get3A_1114] {strides = array<i32>} : memref<100x64xf32, #tpu.memory_space<vmem>>, vector<1x16xf32>,
      %get3A_1116 = vector.shape_cast %get3A_1115 : vector<1x16xf32> to vector<16xf32>
      %add3A_1117 = arith.addf %add3A_1093, %get3A_1116 : vector<16xf32>
      %get3A_1118 = arith.constant 45 : i32
      %get3A_1119 = arith.index_cast %get3A_1118 : i32 to index
      %get3A_1120 = arith.constant 0 : index
      %get3A_1121 = tpu.vector_load %arg6[%get3A_1119, %get3A_1120] {strides = array<i32>} : memref<100x64xf32, #tpu.memory_space<vmem>>, vector<1x16xf32>,
      %get3A_1122 = vector.shape_cast %get3A_1121 : vector<1x16xf32> to vector<16xf32>
      %add3A_1123 = arith.addf %add3A_1099, %get3A_1122 : vector<16xf32>
      %get3A_1124 = arith.constant 45 : i32
      %get3A_1125 = arith.index_cast %get3A_1124 : i32 to index
      %get3A_1126 = arith.constant 16 : index
      %get3A_1127 = tpu.vector_load %arg6[%get3A_1125, %get3A_1126] {strides = array<i32>} : memref<100x64xf32, #tpu.memory_space<vmem>>, vector<1x16xf32>,
      %get3A_1128 = vector.shape_cast %get3A_1127 : vector<1x16xf32> to vector<16xf32>
      %add3A_1129 = arith.addf %add3A_1105, %get3A_1128 : vector<16xf32>
      %get3A_1130 = arith.constant 45 : i32
      %get3A_1131 = arith.index_cast %get3A_1130 : i32 to index
      %get3A_1132 = arith.constant 32 : index
      %get3A_1133 = tpu.vector_load %arg6[%get3A_1131, %get3A_1132] {strides = array<i32>} : memref<100x64xf32, #tpu.memory_space<vmem>>, vector<1x16xf32>,
      %get3A_1134 = vector.shape_cast %get3A_1133 : vector<1x16xf32> to vector<16xf32>
      %add3A_1135 = arith.addf %add3A_1111, %get3A_1134 : vector<16xf32>
      %get3A_1136 = arith.constant 45 : i32
      %get3A_1137 = arith.index_cast %get3A_1136 : i32 to index
      %get3A_1138 = arith.constant 48 : index
      %get3A_1139 = tpu.vector_load %arg6[%get3A_1137, %get3A_1138] {strides = array<i32>} : memref<100x64xf32, #tpu.memory_space<vmem>>, vector<1x16xf32>,
      %get3A_1140 = vector.shape_cast %get3A_1139 : vector<1x16xf32> to vector<16xf32>
      %add3A_1141 = arith.addf %add3A_1117, %get3A_1140 : vector<16xf32>
      %get3A_1142 = arith.constant 46 : i32
      %get3A_1143 = arith.index_cast %get3A_1142 : i32 to index
      %get3A_1144 = arith.constant 0 : index
      %get3A_1145 = tpu.vector_load %arg6[%get3A_1143, %get3A_1144] {strides = array<i32>} : memref<100x64xf32, #tpu.memory_space<vmem>>, vector<1x16xf32>,
      %get3A_1146 = vector.shape_cast %get3A_1145 : vector<1x16xf32> to vector<16xf32>
      %add3A_1147 = arith.addf %add3A_1123, %get3A_1146 : vector<16xf32>
      %get3A_1148 = arith.constant 46 : i32
      %get3A_1149 = arith.index_cast %get3A_1148 : i32 to index
      %get3A_1150 = arith.constant 16 : index
      %get3A_1151 = tpu.vector_load %arg6[%get3A_1149, %get3A_1150] {strides = array<i32>} : memref<100x64xf32, #tpu.memory_space<vmem>>, vector<1x16xf32>,
      %get3A_1152 = vector.shape_cast %get3A_1151 : vector<1x16xf32> to vector<16xf32>
      %add3A_1153 = arith.addf %add3A_1129, %get3A_1152 : vector<16xf32>
      %get3A_1154 = arith.constant 46 : i32
      %get3A_1155 = arith.index_cast %get3A_1154 : i32 to index
      %get3A_1156 = arith.constant 32 : index
      %get3A_1157 = tpu.vector_load %arg6[%get3A_1155, %get3A_1156] {strides = array<i32>} : memref<100x64xf32, #tpu.memory_space<vmem>>, vector<1x16xf32>,
      %get3A_1158 = vector.shape_cast %get3A_1157 : vector<1x16xf32> to vector<16xf32>
      %add3A_1159 = arith.addf %add3A_1135, %get3A_1158 : vector<16xf32>
      %get3A_1160 = arith.constant 46 : i32
      %get3A_1161 = arith.index_cast %get3A_1160 : i32 to index
      %get3A_1162 = arith.constant 48 : index
      %get3A_1163 = tpu.vector_load %arg6[%get3A_1161, %get3A_1162] {strides = array<i32>} : memref<100x64xf32, #tpu.memory_space<vmem>>, vector<1x16xf32>,
      %get3A_1164 = vector.shape_cast %get3A_1163 : vector<1x16xf32> to vector<16xf32>
      %add3A_1165 = arith.addf %add3A_1141, %get3A_1164 : vector<16xf32>
      %get3A_1166 = arith.constant 47 : i32
      %get3A_1167 = arith.index_cast %get3A_1166 : i32 to index
      %get3A_1168 = arith.constant 0 : index
      %get3A_1169 = tpu.vector_load %arg6[%get3A_1167, %get3A_1168] {strides = array<i32>} : memref<100x64xf32, #tpu.memory_space<vmem>>, vector<1x16xf32>,
      %get3A_1170 = vector.shape_cast %get3A_1169 : vector<1x16xf32> to vector<16xf32>
      %add3A_1171 = arith.addf %add3A_1147, %get3A_1170 : vector<16xf32>
      %get3A_1172 = arith.constant 47 : i32
      %get3A_1173 = arith.index_cast %get3A_1172 : i32 to index
      %get3A_1174 = arith.constant 16 : index
      %get3A_1175 = tpu.vector_load %arg6[%get3A_1173, %get3A_1174] {strides = array<i32>} : memref<100x64xf32, #tpu.memory_space<vmem>>, vector<1x16xf32>,
      %get3A_1176 = vector.shape_cast %get3A_1175 : vector<1x16xf32> to vector<16xf32>
      %add3A_1177 = arith.addf %add3A_1153, %get3A_1176 : vector<16xf32>
      %get3A_1178 = arith.constant 47 : i32
      %get3A_1179 = arith.index_cast %get3A_1178 : i32 to index
      %get3A_1180 = arith.constant 32 : index
      %get3A_1181 = tpu.vector_load %arg6[%get3A_1179, %get3A_1180] {strides = array<i32>} : memref<100x64xf32, #tpu.memory_space<vmem>>, vector<1x16xf32>,
      %get3A_1182 = vector.shape_cast %get3A_1181 : vector<1x16xf32> to vector<16xf32>
      %add3A_1183 = arith.addf %add3A_1159, %get3A_1182 : vector<16xf32>
      %get3A_1184 = arith.constant 47 : i32
      %get3A_1185 = arith.index_cast %get3A_1184 : i32 to index
      %get3A_1186 = arith.constant 48 : index
      %get3A_1187 = tpu.vector_load %arg6[%get3A_1185, %get3A_1186] {strides = array<i32>} : memref<100x64xf32, #tpu.memory_space<vmem>>, vector<1x16xf32>,
      %get3A_1188 = vector.shape_cast %get3A_1187 : vector<1x16xf32> to vector<16xf32>
      %add3A_1189 = arith.addf %add3A_1165, %get3A_1188 : vector<16xf32>
      %get3A_1190 = arith.constant 48 : i32
      %get3A_1191 = arith.index_cast %get3A_1190 : i32 to index
      %get3A_1192 = arith.constant 0 : index
      %get3A_1193 = tpu.vector_load %arg6[%get3A_1191, %get3A_1192] {strides = array<i32>} : memref<100x64xf32, #tpu.memory_space<vmem>>, vector<1x16xf32>,
      %get3A_1194 = vector.shape_cast %get3A_1193 : vector<1x16xf32> to vector<16xf32>
      %add3A_1195 = arith.addf %add3A_1171, %get3A_1194 : vector<16xf32>
      %get3A_1196 = arith.constant 48 : i32
      %get3A_1197 = arith.index_cast %get3A_1196 : i32 to index
      %get3A_1198 = arith.constant 16 : index
      %get3A_1199 = tpu.vector_load %arg6[%get3A_1197, %get3A_1198] {strides = array<i32>} : memref<100x64xf32, #tpu.memory_space<vmem>>, vector<1x16xf32>,
      %get3A_1200 = vector.shape_cast %get3A_1199 : vector<1x16xf32> to vector<16xf32>
      %add3A_1201 = arith.addf %add3A_1177, %get3A_1200 : vector<16xf32>
      %get3A_1202 = arith.constant 48 : i32
      %get3A_1203 = arith.index_cast %get3A_1202 : i32 to index
      %get3A_1204 = arith.constant 32 : index
      %get3A_1205 = tpu.vector_load %arg6[%get3A_1203, %get3A_1204] {strides = array<i32>} : memref<100x64xf32, #tpu.memory_space<vmem>>, vector<1x16xf32>,
      %get3A_1206 = vector.shape_cast %get3A_1205 : vector<1x16xf32> to vector<16xf32>
      %add3A_1207 = arith.addf %add3A_1183, %get3A_1206 : vector<16xf32>
      %get3A_1208 = arith.constant 48 : i32
      %get3A_1209 = arith.index_cast %get3A_1208 : i32 to index
      %get3A_1210 = arith.constant 48 : index
      %get3A_1211 = tpu.vector_load %arg6[%get3A_1209, %get3A_1210] {strides = array<i32>} : memref<100x64xf32, #tpu.memory_space<vmem>>, vector<1x16xf32>,
      %get3A_1212 = vector.shape_cast %get3A_1211 : vector<1x16xf32> to vector<16xf32>
      %add3A_1213 = arith.addf %add3A_1189, %get3A_1212 : vector<16xf32>
      %get3A_1214 = arith.constant 49 : i32
      %get3A_1215 = arith.index_cast %get3A_1214 : i32 to index
      %get3A_1216 = arith.constant 0 : index
      %get3A_1217 = tpu.vector_load %arg6[%get3A_1215, %get3A_1216] {strides = array<i32>} : memref<100x64xf32, #tpu.memory_space<vmem>>, vector<1x16xf32>,
      %get3A_1218 = vector.shape_cast %get3A_1217 : vector<1x16xf32> to vector<16xf32>
      %add3A_1219 = arith.addf %add3A_1195, %get3A_1218 : vector<16xf32>
      %get3A_1220 = arith.constant 49 : i32
      %get3A_1221 = arith.index_cast %get3A_1220 : i32 to index
      %get3A_1222 = arith.constant 16 : index
      %get3A_1223 = tpu.vector_load %arg6[%get3A_1221, %get3A_1222] {strides = array<i32>} : memref<100x64xf32, #tpu.memory_space<vmem>>, vector<1x16xf32>,
      %get3A_1224 = vector.shape_cast %get3A_1223 : vector<1x16xf32> to vector<16xf32>
      %add3A_1225 = arith.addf %add3A_1201, %get3A_1224 : vector<16xf32>
      %get3A_1226 = arith.constant 49 : i32
      %get3A_1227 = arith.index_cast %get3A_1226 : i32 to index
      %get3A_1228 = arith.constant 32 : index
      %get3A_1229 = tpu.vector_load %arg6[%get3A_1227, %get3A_1228] {strides = array<i32>} : memref<100x64xf32, #tpu.memory_space<vmem>>, vector<1x16xf32>,
      %get3A_1230 = vector.shape_cast %get3A_1229 : vector<1x16xf32> to vector<16xf32>
      %add3A_1231 = arith.addf %add3A_1207, %get3A_1230 : vector<16xf32>
      %get3A_1232 = arith.constant 49 : i32
      %get3A_1233 = arith.index_cast %get3A_1232 : i32 to index
      %get3A_1234 = arith.constant 48 : index
      %get3A_1235 = tpu.vector_load %arg6[%get3A_1233, %get3A_1234] {strides = array<i32>} : memref<100x64xf32, #tpu.memory_space<vmem>>, vector<1x16xf32>,
      %get3A_1236 = vector.shape_cast %get3A_1235 : vector<1x16xf32> to vector<16xf32>
      %add3A_1237 = arith.addf %add3A_1213, %get3A_1236 : vector<16xf32>
      %mul3A_1238 = arith.mulf %add3A_1219, %add3A_1219 : vector<16xf32>
      %mul3A_1239 = arith.mulf %add3A_1225, %add3A_1225 : vector<16xf32>
      %add3A_1240 = arith.addf %mul3A_1238, %mul3A_1239 : vector<16xf32>
      %mul3A_1241 = arith.mulf %add3A_1231, %add3A_1231 : vector<16xf32>
      %add3A_1242 = arith.addf %add3A_1240, %mul3A_1241 : vector<16xf32>
      %mul3A_1243 = arith.mulf %add3A_1237, %add3A_1237 : vector<16xf32>
      %add3A_1244 = arith.addf %add3A_1242, %mul3A_1243 : vector<16xf32>
      %iota3A = tpu.iota {dimensions = array<i32: 0>} : vector<16xi32>
      %xor3A = arith.constant 8 : i32
      %xor3A_1245 = vector.broadcast %xor3A : i32 to vector<16xi32>
      %xor3A_1246 = arith.xori %iota3A, %xor3A_1245 : vector<16xi32>
      %lt3A = arith.constant 0 : i32
      %lt3A_1247 = vector.broadcast %lt3A : i32 to vector<16xi32>
      %lt3A_1248 = arith.cmpi slt, %xor3A_1246, %lt3A_1247 : vector<16xi32>
      %add3A_1249 = arith.constant 16 : i32
      %add3A_1250 = vector.broadcast %add3A_1249 : i32 to vector<16xi32>
      %add3A_1251 = arith.addi %xor3A_1246, %add3A_1250 : vector<16xi32>
      %select_n3A = arith.select %lt3A_1248, %add3A_1251, %xor3A_1246 : vector<16xi1>, vector<16xi32>
      %broadcast_in_dim3A = vector.shape_cast %select_n3A : vector<16xi32> to vector<16x1xi32>
      %gather3A = vector.shape_cast %broadcast_in_dim3A : vector<16x1xi32> to vector<16xi32>
      %gather3A_1252 = tpu.dynamic_gather %add3A_1244[%gather3A] in [0] : vector<16xf32>, vector<16xi32> -> vector<16xf32>
      %add3A_1253 = arith.addf %add3A_1244, %gather3A_1252 : vector<16xf32>
      %xor3A_1254 = arith.constant 4 : i32
      %xor3A_1255 = vector.broadcast %xor3A_1254 : i32 to vector<16xi32>
      %xor3A_1256 = arith.xori %iota3A, %xor3A_1255 : vector<16xi32>
      %lt3A_1257 = arith.constant 0 : i32
      %lt3A_1258 = vector.broadcast %lt3A_1257 : i32 to vector<16xi32>
      %lt3A_1259 = arith.cmpi slt, %xor3A_1256, %lt3A_1258 : vector<16xi32>
      %add3A_1260 = arith.constant 16 : i32
      %add3A_1261 = vector.broadcast %add3A_1260 : i32 to vector<16xi32>
      %add3A_1262 = arith.addi %xor3A_1256, %add3A_1261 : vector<16xi32>
      %select_n3A_1263 = arith.select %lt3A_1259, %add3A_1262, %xor3A_1256 : vector<16xi1>, vector<16xi32>
      %broadcast_in_dim3A_1264 = vector.shape_cast %select_n3A_1263 : vector<16xi32> to vector<16x1xi32>
      %gather3A_1265 = vector.shape_cast %broadcast_in_dim3A_1264 : vector<16x1xi32> to vector<16xi32>
      %gather3A_1266 = tpu.dynamic_gather %add3A_1253[%gather3A_1265] in [0] : vector<16xf32>, vector<16xi32> -> vector<16xf32>
      %add3A_1267 = arith.addf %add3A_1253, %gather3A_1266 : vector<16xf32>
      %xor3A_1268 = arith.constant 2 : i32
      %xor3A_1269 = vector.broadcast %xor3A_1268 : i32 to vector<16xi32>
      %xor3A_1270 = arith.xori %iota3A, %xor3A_1269 : vector<16xi32>
      %lt3A_1271 = arith.constant 0 : i32
      %lt3A_1272 = vector.broadcast %lt3A_1271 : i32 to vector<16xi32>
      %lt3A_1273 = arith.cmpi slt, %xor3A_1270, %lt3A_1272 : vector<16xi32>
      %add3A_1274 = arith.constant 16 : i32
      %add3A_1275 = vector.broadcast %add3A_1274 : i32 to vector<16xi32>
      %add3A_1276 = arith.addi %xor3A_1270, %add3A_1275 : vector<16xi32>
      %select_n3A_1277 = arith.select %lt3A_1273, %add3A_1276, %xor3A_1270 : vector<16xi1>, vector<16xi32>
      %broadcast_in_dim3A_1278 = vector.shape_cast %select_n3A_1277 : vector<16xi32> to vector<16x1xi32>
      %gather3A_1279 = vector.shape_cast %broadcast_in_dim3A_1278 : vector<16x1xi32> to vector<16xi32>
      %gather3A_1280 = tpu.dynamic_gather %add3A_1267[%gather3A_1279] in [0] : vector<16xf32>, vector<16xi32> -> vector<16xf32>
      %add3A_1281 = arith.addf %add3A_1267, %gather3A_1280 : vector<16xf32>
      %xor3A_1282 = arith.constant 1 : i32
      %xor3A_1283 = vector.broadcast %xor3A_1282 : i32 to vector<16xi32>
      %xor3A_1284 = arith.xori %iota3A, %xor3A_1283 : vector<16xi32>
      %lt3A_1285 = arith.constant 0 : i32
      %lt3A_1286 = vector.broadcast %lt3A_1285 : i32 to vector<16xi32>
      %lt3A_1287 = arith.cmpi slt, %xor3A_1284, %lt3A_1286 : vector<16xi32>
      %add3A_1288 = arith.constant 16 : i32
      %add3A_1289 = vector.broadcast %add3A_1288 : i32 to vector<16xi32>
      %add3A_1290 = arith.addi %xor3A_1284, %add3A_1289 : vector<16xi32>
      %select_n3A_1291 = arith.select %lt3A_1287, %add3A_1290, %xor3A_1284 : vector<16xi1>, vector<16xi32>
      %broadcast_in_dim3A_1292 = vector.shape_cast %select_n3A_1291 : vector<16xi32> to vector<16x1xi32>
      %gather3A_1293 = vector.shape_cast %broadcast_in_dim3A_1292 : vector<16x1xi32> to vector<16xi32>
      %gather3A_1294 = tpu.dynamic_gather %add3A_1281[%gather3A_1293] in [0] : vector<16xf32>, vector<16xi32> -> vector<16xf32>
      %add3A_1295 = arith.addf %add3A_1281, %gather3A_1294 : vector<16xf32>
      %max3A = arith.constant 1.000000e-24 : f32
      %max3A_1296 = vector.broadcast %max3A : f32 to vector<16xf32>
      %max3A_1297 = arith.maximumf %add3A_1295, %max3A_1296 : vector<16xf32>
      %bitcast_convert_type3A = tpu.bitcast %max3A_1297 : vector<16xf32> -> vector<16xi32>
      %shift_right_arithmetic3A = arith.constant 1 : i32
      %shift_right_arithmetic3A_1298 = vector.broadcast %shift_right_arithmetic3A : i32 to vector<16xi32>
      %shift_right_arithmetic3A_1299 = arith.shrsi %bitcast_convert_type3A, %shift_right_arithmetic3A_1298 : vector<16xi32>
      %sub3A = arith.constant 1597463007 : i32
      %sub3A_1300 = vector.broadcast %sub3A : i32 to vector<16xi32>
      %sub3A_1301 = arith.subi %sub3A_1300, %shift_right_arithmetic3A_1299 : vector<16xi32>
      %bitcast_convert_type3A_1302 = tpu.bitcast %sub3A_1301 : vector<16xi32> -> vector<16xf32>
      %mul3A_1303 = arith.constant 5.000000e-01 : f32
      %mul3A_1304 = vector.broadcast %mul3A_1303 : f32 to vector<16xf32>
      %mul3A_1305 = arith.mulf %max3A_1297, %mul3A_1304 : vector<16xf32>
      %mul3A_1306 = arith.mulf %mul3A_1305, %bitcast_convert_type3A_1302 : vector<16xf32>
      %mul3A_1307 = arith.mulf %mul3A_1306, %bitcast_convert_type3A_1302 : vector<16xf32>
      %sub3A_1308 = arith.constant 1.500000e+00 : f32
      %sub3A_1309 = vector.broadcast %sub3A_1308 : f32 to vector<16xf32>
      %sub3A_1310 = arith.subf %sub3A_1309, %mul3A_1307 : vector<16xf32>
      %mul3A_1311 = arith.mulf %bitcast_convert_type3A_1302, %sub3A_1310 : vector<16xf32>
      %mul3A_1312 = arith.mulf %mul3A_1305, %mul3A_1311 : vector<16xf32>
      %mul3A_1313 = arith.mulf %mul3A_1312, %mul3A_1311 : vector<16xf32>
      %sub3A_1314 = arith.constant 1.500000e+00 : f32
      %sub3A_1315 = vector.broadcast %sub3A_1314 : f32 to vector<16xf32>
      %sub3A_1316 = arith.subf %sub3A_1315, %mul3A_1313 : vector<16xf32>
      %mul3A_1317 = arith.mulf %mul3A_1311, %sub3A_1316 : vector<16xf32>
      %mul3A_1318 = arith.mulf %mul3A_1305, %mul3A_1317 : vector<16xf32>
      %mul3A_1319 = arith.mulf %mul3A_1318, %mul3A_1317 : vector<16xf32>
      %sub3A_1320 = arith.constant 1.500000e+00 : f32
      %sub3A_1321 = vector.broadcast %sub3A_1320 : f32 to vector<16xf32>
      %sub3A_1322 = arith.subf %sub3A_1321, %mul3A_1319 : vector<16xf32>
      %mul3A_1323 = arith.mulf %mul3A_1317, %sub3A_1322 : vector<16xf32>
      %mul3A_1324 = arith.mulf %add3A_1219, %mul3A_1323 : vector<16xf32>
      %add3A_1325 = arith.constant 0 : i32
      %add3A_1326 = arith.addi %mul3A_42, %add3A_1325 : i32
      %swap3A = arith.index_cast %add3A_1326 : i32 to index
      %swap3A_1327 = arith.constant 0 : index
      %swap3A_1328 = tpu.vector_load %arg8[%swap3A, %swap3A_1327] {strides = array<i32>} : memref<128x64xf32, #tpu.memory_space<vmem>>, vector<1x16xf32>,
      %swap3A_1329 = vector.shape_cast %swap3A_1328 : vector<1x16xf32> to vector<16xf32>
      %swap3A_1330 = vector.shape_cast %mul3A_1324 : vector<16xf32> to vector<1x16xf32>
      tpu.vector_store %arg8[%swap3A, %swap3A_1327], %swap3A_1330 {strides = array<i32>} : memref<128x64xf32, #tpu.memory_space<vmem>>, vector<1x16xf32>,
      %mul3A_1331 = arith.mulf %add3A_1225, %mul3A_1323 : vector<16xf32>
      %add3A_1332 = arith.constant 0 : i32
      %add3A_1333 = arith.addi %mul3A_42, %add3A_1332 : i32
      %swap3A_1334 = arith.index_cast %add3A_1333 : i32 to index
      %swap3A_1335 = arith.constant 16 : index
      %swap3A_1336 = tpu.vector_load %arg8[%swap3A_1334, %swap3A_1335] {strides = array<i32>} : memref<128x64xf32, #tpu.memory_space<vmem>>, vector<1x16xf32>,
      %swap3A_1337 = vector.shape_cast %swap3A_1336 : vector<1x16xf32> to vector<16xf32>
      %swap3A_1338 = vector.shape_cast %mul3A_1331 : vector<16xf32> to vector<1x16xf32>
      tpu.vector_store %arg8[%swap3A_1334, %swap3A_1335], %swap3A_1338 {strides = array<i32>} : memref<128x64xf32, #tpu.memory_space<vmem>>, vector<1x16xf32>,
      %mul3A_1339 = arith.mulf %add3A_1231, %mul3A_1323 : vector<16xf32>
      %add3A_1340 = arith.constant 0 : i32
      %add3A_1341 = arith.addi %mul3A_42, %add3A_1340 : i32
      %swap3A_1342 = arith.index_cast %add3A_1341 : i32 to index
      %swap3A_1343 = arith.constant 32 : index
      %swap3A_1344 = tpu.vector_load %arg8[%swap3A_1342, %swap3A_1343] {strides = array<i32>} : memref<128x64xf32, #tpu.memory_space<vmem>>, vector<1x16xf32>,
      %swap3A_1345 = vector.shape_cast %swap3A_1344 : vector<1x16xf32> to vector<16xf32>
      %swap3A_1346 = vector.shape_cast %mul3A_1339 : vector<16xf32> to vector<1x16xf32>
      tpu.vector_store %arg8[%swap3A_1342, %swap3A_1343], %swap3A_1346 {strides = array<i32>} : memref<128x64xf32, #tpu.memory_space<vmem>>, vector<1x16xf32>,
      %mul3A_1347 = arith.mulf %add3A_1237, %mul3A_1323 : vector<16xf32>
      %add3A_1348 = arith.constant 0 : i32
      %add3A_1349 = arith.addi %mul3A_42, %add3A_1348 : i32
      %swap3A_1350 = arith.index_cast %add3A_1349 : i32 to index
      %swap3A_1351 = arith.constant 48 : index
      %swap3A_1352 = tpu.vector_load %arg8[%swap3A_1350, %swap3A_1351] {strides = array<i32>} : memref<128x64xf32, #tpu.memory_space<vmem>>, vector<1x16xf32>,
      %swap3A_1353 = vector.shape_cast %swap3A_1352 : vector<1x16xf32> to vector<16xf32>
      %swap3A_1354 = vector.shape_cast %mul3A_1347 : vector<16xf32> to vector<1x16xf32>
      tpu.vector_store %arg8[%swap3A_1350, %swap3A_1351], %swap3A_1354 {strides = array<i32>} : memref<128x64xf32, #tpu.memory_space<vmem>>, vector<1x16xf32>,
      %get3A_1355 = arith.constant 50 : i32
      %get3A_1356 = arith.index_cast %get3A_1355 : i32 to index
      %get3A_1357 = arith.constant 0 : index
      %get3A_1358 = tpu.vector_load %arg6[%get3A_1356, %get3A_1357] {strides = array<i32>} : memref<100x64xf32, #tpu.memory_space<vmem>>, vector<1x16xf32>,
      %get3A_1359 = vector.shape_cast %get3A_1358 : vector<1x16xf32> to vector<16xf32>
      %get3A_1360 = arith.constant 50 : i32
      %get3A_1361 = arith.index_cast %get3A_1360 : i32 to index
      %get3A_1362 = arith.constant 16 : index
      %get3A_1363 = tpu.vector_load %arg6[%get3A_1361, %get3A_1362] {strides = array<i32>} : memref<100x64xf32, #tpu.memory_space<vmem>>, vector<1x16xf32>,
      %get3A_1364 = vector.shape_cast %get3A_1363 : vector<1x16xf32> to vector<16xf32>
      %get3A_1365 = arith.constant 50 : i32
      %get3A_1366 = arith.index_cast %get3A_1365 : i32 to index
      %get3A_1367 = arith.constant 32 : index
      %get3A_1368 = tpu.vector_load %arg6[%get3A_1366, %get3A_1367] {strides = array<i32>} : memref<100x64xf32, #tpu.memory_space<vmem>>, vector<1x16xf32>,
      %get3A_1369 = vector.shape_cast %get3A_1368 : vector<1x16xf32> to vector<16xf32>
      %get3A_1370 = arith.constant 50 : i32
      %get3A_1371 = arith.index_cast %get3A_1370 : i32 to index
      %get3A_1372 = arith.constant 48 : index
      %get3A_1373 = tpu.vector_load %arg6[%get3A_1371, %get3A_1372] {strides = array<i32>} : memref<100x64xf32, #tpu.memory_space<vmem>>, vector<1x16xf32>,
      %get3A_1374 = vector.shape_cast %get3A_1373 : vector<1x16xf32> to vector<16xf32>
      %get3A_1375 = arith.constant 51 : i32
      %get3A_1376 = arith.index_cast %get3A_1375 : i32 to index
      %get3A_1377 = arith.constant 0 : index
      %get3A_1378 = tpu.vector_load %arg6[%get3A_1376, %get3A_1377] {strides = array<i32>} : memref<100x64xf32, #tpu.memory_space<vmem>>, vector<1x16xf32>,
      %get3A_1379 = vector.shape_cast %get3A_1378 : vector<1x16xf32> to vector<16xf32>
      %add3A_1380 = arith.addf %get3A_1359, %get3A_1379 : vector<16xf32>
      %get3A_1381 = arith.constant 51 : i32
      %get3A_1382 = arith.index_cast %get3A_1381 : i32 to index
      %get3A_1383 = arith.constant 16 : index
      %get3A_1384 = tpu.vector_load %arg6[%get3A_1382, %get3A_1383] {strides = array<i32>} : memref<100x64xf32, #tpu.memory_space<vmem>>, vector<1x16xf32>,
      %get3A_1385 = vector.shape_cast %get3A_1384 : vector<1x16xf32> to vector<16xf32>
      %add3A_1386 = arith.addf %get3A_1364, %get3A_1385 : vector<16xf32>
      %get3A_1387 = arith.constant 51 : i32
      %get3A_1388 = arith.index_cast %get3A_1387 : i32 to index
      %get3A_1389 = arith.constant 32 : index
      %get3A_1390 = tpu.vector_load %arg6[%get3A_1388, %get3A_1389] {strides = array<i32>} : memref<100x64xf32, #tpu.memory_space<vmem>>, vector<1x16xf32>,
      %get3A_1391 = vector.shape_cast %get3A_1390 : vector<1x16xf32> to vector<16xf32>
      %add3A_1392 = arith.addf %get3A_1369, %get3A_1391 : vector<16xf32>
      %get3A_1393 = arith.constant 51 : i32
      %get3A_1394 = arith.index_cast %get3A_1393 : i32 to index
      %get3A_1395 = arith.constant 48 : index
      %get3A_1396 = tpu.vector_load %arg6[%get3A_1394, %get3A_1395] {strides = array<i32>} : memref<100x64xf32, #tpu.memory_space<vmem>>, vector<1x16xf32>,
      %get3A_1397 = vector.shape_cast %get3A_1396 : vector<1x16xf32> to vector<16xf32>
      %add3A_1398 = arith.addf %get3A_1374, %get3A_1397 : vector<16xf32>
      %get3A_1399 = arith.constant 52 : i32
      %get3A_1400 = arith.index_cast %get3A_1399 : i32 to index
      %get3A_1401 = arith.constant 0 : index
      %get3A_1402 = tpu.vector_load %arg6[%get3A_1400, %get3A_1401] {strides = array<i32>} : memref<100x64xf32, #tpu.memory_space<vmem>>, vector<1x16xf32>,
      %get3A_1403 = vector.shape_cast %get3A_1402 : vector<1x16xf32> to vector<16xf32>
      %add3A_1404 = arith.addf %add3A_1380, %get3A_1403 : vector<16xf32>
      %get3A_1405 = arith.constant 52 : i32
      %get3A_1406 = arith.index_cast %get3A_1405 : i32 to index
      %get3A_1407 = arith.constant 16 : index
      %get3A_1408 = tpu.vector_load %arg6[%get3A_1406, %get3A_1407] {strides = array<i32>} : memref<100x64xf32, #tpu.memory_space<vmem>>, vector<1x16xf32>,
      %get3A_1409 = vector.shape_cast %get3A_1408 : vector<1x16xf32> to vector<16xf32>
      %add3A_1410 = arith.addf %add3A_1386, %get3A_1409 : vector<16xf32>
      %get3A_1411 = arith.constant 52 : i32
      %get3A_1412 = arith.index_cast %get3A_1411 : i32 to index
      %get3A_1413 = arith.constant 32 : index
      %get3A_1414 = tpu.vector_load %arg6[%get3A_1412, %get3A_1413] {strides = array<i32>} : memref<100x64xf32, #tpu.memory_space<vmem>>, vector<1x16xf32>,
      %get3A_1415 = vector.shape_cast %get3A_1414 : vector<1x16xf32> to vector<16xf32>
      %add3A_1416 = arith.addf %add3A_1392, %get3A_1415 : vector<16xf32>
      %get3A_1417 = arith.constant 52 : i32
      %get3A_1418 = arith.index_cast %get3A_1417 : i32 to index
      %get3A_1419 = arith.constant 48 : index
      %get3A_1420 = tpu.vector_load %arg6[%get3A_1418, %get3A_1419] {strides = array<i32>} : memref<100x64xf32, #tpu.memory_space<vmem>>, vector<1x16xf32>,
      %get3A_1421 = vector.shape_cast %get3A_1420 : vector<1x16xf32> to vector<16xf32>
      %add3A_1422 = arith.addf %add3A_1398, %get3A_1421 : vector<16xf32>
      %get3A_1423 = arith.constant 53 : i32
      %get3A_1424 = arith.index_cast %get3A_1423 : i32 to index
      %get3A_1425 = arith.constant 0 : index
      %get3A_1426 = tpu.vector_load %arg6[%get3A_1424, %get3A_1425] {strides = array<i32>} : memref<100x64xf32, #tpu.memory_space<vmem>>, vector<1x16xf32>,
      %get3A_1427 = vector.shape_cast %get3A_1426 : vector<1x16xf32> to vector<16xf32>
      %add3A_1428 = arith.addf %add3A_1404, %get3A_1427 : vector<16xf32>
      %get3A_1429 = arith.constant 53 : i32
      %get3A_1430 = arith.index_cast %get3A_1429 : i32 to index
      %get3A_1431 = arith.constant 16 : index
      %get3A_1432 = tpu.vector_load %arg6[%get3A_1430, %get3A_1431] {strides = array<i32>} : memref<100x64xf32, #tpu.memory_space<vmem>>, vector<1x16xf32>,
      %get3A_1433 = vector.shape_cast %get3A_1432 : vector<1x16xf32> to vector<16xf32>
      %add3A_1434 = arith.addf %add3A_1410, %get3A_1433 : vector<16xf32>
      %get3A_1435 = arith.constant 53 : i32
      %get3A_1436 = arith.index_cast %get3A_1435 : i32 to index
      %get3A_1437 = arith.constant 32 : index
      %get3A_1438 = tpu.vector_load %arg6[%get3A_1436, %get3A_1437] {strides = array<i32>} : memref<100x64xf32, #tpu.memory_space<vmem>>, vector<1x16xf32>,
      %get3A_1439 = vector.shape_cast %get3A_1438 : vector<1x16xf32> to vector<16xf32>
      %add3A_1440 = arith.addf %add3A_1416, %get3A_1439 : vector<16xf32>
      %get3A_1441 = arith.constant 53 : i32
      %get3A_1442 = arith.index_cast %get3A_1441 : i32 to index
      %get3A_1443 = arith.constant 48 : index
      %get3A_1444 = tpu.vector_load %arg6[%get3A_1442, %get3A_1443] {strides = array<i32>} : memref<100x64xf32, #tpu.memory_space<vmem>>, vector<1x16xf32>,
      %get3A_1445 = vector.shape_cast %get3A_1444 : vector<1x16xf32> to vector<16xf32>
      %add3A_1446 = arith.addf %add3A_1422, %get3A_1445 : vector<16xf32>
      %get3A_1447 = arith.constant 54 : i32
      %get3A_1448 = arith.index_cast %get3A_1447 : i32 to index
      %get3A_1449 = arith.constant 0 : index
      %get3A_1450 = tpu.vector_load %arg6[%get3A_1448, %get3A_1449] {strides = array<i32>} : memref<100x64xf32, #tpu.memory_space<vmem>>, vector<1x16xf32>,
      %get3A_1451 = vector.shape_cast %get3A_1450 : vector<1x16xf32> to vector<16xf32>
      %add3A_1452 = arith.addf %add3A_1428, %get3A_1451 : vector<16xf32>
      %get3A_1453 = arith.constant 54 : i32
      %get3A_1454 = arith.index_cast %get3A_1453 : i32 to index
      %get3A_1455 = arith.constant 16 : index
      %get3A_1456 = tpu.vector_load %arg6[%get3A_1454, %get3A_1455] {strides = array<i32>} : memref<100x64xf32, #tpu.memory_space<vmem>>, vector<1x16xf32>,
      %get3A_1457 = vector.shape_cast %get3A_1456 : vector<1x16xf32> to vector<16xf32>
      %add3A_1458 = arith.addf %add3A_1434, %get3A_1457 : vector<16xf32>
      %get3A_1459 = arith.constant 54 : i32
      %get3A_1460 = arith.index_cast %get3A_1459 : i32 to index
      %get3A_1461 = arith.constant 32 : index
      %get3A_1462 = tpu.vector_load %arg6[%get3A_1460, %get3A_1461] {strides = array<i32>} : memref<100x64xf32, #tpu.memory_space<vmem>>, vector<1x16xf32>,
      %get3A_1463 = vector.shape_cast %get3A_1462 : vector<1x16xf32> to vector<16xf32>
      %add3A_1464 = arith.addf %add3A_1440, %get3A_1463 : vector<16xf32>
      %get3A_1465 = arith.constant 54 : i32
      %get3A_1466 = arith.index_cast %get3A_1465 : i32 to index
      %get3A_1467 = arith.constant 48 : index
      %get3A_1468 = tpu.vector_load %arg6[%get3A_1466, %get3A_1467] {strides = array<i32>} : memref<100x64xf32, #tpu.memory_space<vmem>>, vector<1x16xf32>,
      %get3A_1469 = vector.shape_cast %get3A_1468 : vector<1x16xf32> to vector<16xf32>
      %add3A_1470 = arith.addf %add3A_1446, %get3A_1469 : vector<16xf32>
      %get3A_1471 = arith.constant 55 : i32
      %get3A_1472 = arith.index_cast %get3A_1471 : i32 to index
      %get3A_1473 = arith.constant 0 : index
      %get3A_1474 = tpu.vector_load %arg6[%get3A_1472, %get3A_1473] {strides = array<i32>} : memref<100x64xf32, #tpu.memory_space<vmem>>, vector<1x16xf32>,
      %get3A_1475 = vector.shape_cast %get3A_1474 : vector<1x16xf32> to vector<16xf32>
      %add3A_1476 = arith.addf %add3A_1452, %get3A_1475 : vector<16xf32>
      %get3A_1477 = arith.constant 55 : i32
      %get3A_1478 = arith.index_cast %get3A_1477 : i32 to index
      %get3A_1479 = arith.constant 16 : index
      %get3A_1480 = tpu.vector_load %arg6[%get3A_1478, %get3A_1479] {strides = array<i32>} : memref<100x64xf32, #tpu.memory_space<vmem>>, vector<1x16xf32>,
      %get3A_1481 = vector.shape_cast %get3A_1480 : vector<1x16xf32> to vector<16xf32>
      %add3A_1482 = arith.addf %add3A_1458, %get3A_1481 : vector<16xf32>
      %get3A_1483 = arith.constant 55 : i32
      %get3A_1484 = arith.index_cast %get3A_1483 : i32 to index
      %get3A_1485 = arith.constant 32 : index
      %get3A_1486 = tpu.vector_load %arg6[%get3A_1484, %get3A_1485] {strides = array<i32>} : memref<100x64xf32, #tpu.memory_space<vmem>>, vector<1x16xf32>,
      %get3A_1487 = vector.shape_cast %get3A_1486 : vector<1x16xf32> to vector<16xf32>
      %add3A_1488 = arith.addf %add3A_1464, %get3A_1487 : vector<16xf32>
      %get3A_1489 = arith.constant 55 : i32
      %get3A_1490 = arith.index_cast %get3A_1489 : i32 to index
      %get3A_1491 = arith.constant 48 : index
      %get3A_1492 = tpu.vector_load %arg6[%get3A_1490, %get3A_1491] {strides = array<i32>} : memref<100x64xf32, #tpu.memory_space<vmem>>, vector<1x16xf32>,
      %get3A_1493 = vector.shape_cast %get3A_1492 : vector<1x16xf32> to vector<16xf32>
      %add3A_1494 = arith.addf %add3A_1470, %get3A_1493 : vector<16xf32>
      %get3A_1495 = arith.constant 56 : i32
      %get3A_1496 = arith.index_cast %get3A_1495 : i32 to index
      %get3A_1497 = arith.constant 0 : index
      %get3A_1498 = tpu.vector_load %arg6[%get3A_1496, %get3A_1497] {strides = array<i32>} : memref<100x64xf32, #tpu.memory_space<vmem>>, vector<1x16xf32>,
      %get3A_1499 = vector.shape_cast %get3A_1498 : vector<1x16xf32> to vector<16xf32>
      %add3A_1500 = arith.addf %add3A_1476, %get3A_1499 : vector<16xf32>
      %get3A_1501 = arith.constant 56 : i32
      %get3A_1502 = arith.index_cast %get3A_1501 : i32 to index
      %get3A_1503 = arith.constant 16 : index
      %get3A_1504 = tpu.vector_load %arg6[%get3A_1502, %get3A_1503] {strides = array<i32>} : memref<100x64xf32, #tpu.memory_space<vmem>>, vector<1x16xf32>,
      %get3A_1505 = vector.shape_cast %get3A_1504 : vector<1x16xf32> to vector<16xf32>
      %add3A_1506 = arith.addf %add3A_1482, %get3A_1505 : vector<16xf32>
      %get3A_1507 = arith.constant 56 : i32
      %get3A_1508 = arith.index_cast %get3A_1507 : i32 to index
      %get3A_1509 = arith.constant 32 : index
      %get3A_1510 = tpu.vector_load %arg6[%get3A_1508, %get3A_1509] {strides = array<i32>} : memref<100x64xf32, #tpu.memory_space<vmem>>, vector<1x16xf32>,
      %get3A_1511 = vector.shape_cast %get3A_1510 : vector<1x16xf32> to vector<16xf32>
      %add3A_1512 = arith.addf %add3A_1488, %get3A_1511 : vector<16xf32>
      %get3A_1513 = arith.constant 56 : i32
      %get3A_1514 = arith.index_cast %get3A_1513 : i32 to index
      %get3A_1515 = arith.constant 48 : index
      %get3A_1516 = tpu.vector_load %arg6[%get3A_1514, %get3A_1515] {strides = array<i32>} : memref<100x64xf32, #tpu.memory_space<vmem>>, vector<1x16xf32>,
      %get3A_1517 = vector.shape_cast %get3A_1516 : vector<1x16xf32> to vector<16xf32>
      %add3A_1518 = arith.addf %add3A_1494, %get3A_1517 : vector<16xf32>
      %get3A_1519 = arith.constant 57 : i32
      %get3A_1520 = arith.index_cast %get3A_1519 : i32 to index
      %get3A_1521 = arith.constant 0 : index
      %get3A_1522 = tpu.vector_load %arg6[%get3A_1520, %get3A_1521] {strides = array<i32>} : memref<100x64xf32, #tpu.memory_space<vmem>>, vector<1x16xf32>,
      %get3A_1523 = vector.shape_cast %get3A_1522 : vector<1x16xf32> to vector<16xf32>
      %add3A_1524 = arith.addf %add3A_1500, %get3A_1523 : vector<16xf32>
      %get3A_1525 = arith.constant 57 : i32
      %get3A_1526 = arith.index_cast %get3A_1525 : i32 to index
      %get3A_1527 = arith.constant 16 : index
      %get3A_1528 = tpu.vector_load %arg6[%get3A_1526, %get3A_1527] {strides = array<i32>} : memref<100x64xf32, #tpu.memory_space<vmem>>, vector<1x16xf32>,
      %get3A_1529 = vector.shape_cast %get3A_1528 : vector<1x16xf32> to vector<16xf32>
      %add3A_1530 = arith.addf %add3A_1506, %get3A_1529 : vector<16xf32>
      %get3A_1531 = arith.constant 57 : i32
      %get3A_1532 = arith.index_cast %get3A_1531 : i32 to index
      %get3A_1533 = arith.constant 32 : index
      %get3A_1534 = tpu.vector_load %arg6[%get3A_1532, %get3A_1533] {strides = array<i32>} : memref<100x64xf32, #tpu.memory_space<vmem>>, vector<1x16xf32>,
      %get3A_1535 = vector.shape_cast %get3A_1534 : vector<1x16xf32> to vector<16xf32>
      %add3A_1536 = arith.addf %add3A_1512, %get3A_1535 : vector<16xf32>
      %get3A_1537 = arith.constant 57 : i32
      %get3A_1538 = arith.index_cast %get3A_1537 : i32 to index
      %get3A_1539 = arith.constant 48 : index
      %get3A_1540 = tpu.vector_load %arg6[%get3A_1538, %get3A_1539] {strides = array<i32>} : memref<100x64xf32, #tpu.memory_space<vmem>>, vector<1x16xf32>,
      %get3A_1541 = vector.shape_cast %get3A_1540 : vector<1x16xf32> to vector<16xf32>
      %add3A_1542 = arith.addf %add3A_1518, %get3A_1541 : vector<16xf32>
      %get3A_1543 = arith.constant 58 : i32
      %get3A_1544 = arith.index_cast %get3A_1543 : i32 to index
      %get3A_1545 = arith.constant 0 : index
      %get3A_1546 = tpu.vector_load %arg6[%get3A_1544, %get3A_1545] {strides = array<i32>} : memref<100x64xf32, #tpu.memory_space<vmem>>, vector<1x16xf32>,
      %get3A_1547 = vector.shape_cast %get3A_1546 : vector<1x16xf32> to vector<16xf32>
      %add3A_1548 = arith.addf %add3A_1524, %get3A_1547 : vector<16xf32>
      %get3A_1549 = arith.constant 58 : i32
      %get3A_1550 = arith.index_cast %get3A_1549 : i32 to index
      %get3A_1551 = arith.constant 16 : index
      %get3A_1552 = tpu.vector_load %arg6[%get3A_1550, %get3A_1551] {strides = array<i32>} : memref<100x64xf32, #tpu.memory_space<vmem>>, vector<1x16xf32>,
      %get3A_1553 = vector.shape_cast %get3A_1552 : vector<1x16xf32> to vector<16xf32>
      %add3A_1554 = arith.addf %add3A_1530, %get3A_1553 : vector<16xf32>
      %get3A_1555 = arith.constant 58 : i32
      %get3A_1556 = arith.index_cast %get3A_1555 : i32 to index
      %get3A_1557 = arith.constant 32 : index
      %get3A_1558 = tpu.vector_load %arg6[%get3A_1556, %get3A_1557] {strides = array<i32>} : memref<100x64xf32, #tpu.memory_space<vmem>>, vector<1x16xf32>,
      %get3A_1559 = vector.shape_cast %get3A_1558 : vector<1x16xf32> to vector<16xf32>
      %add3A_1560 = arith.addf %add3A_1536, %get3A_1559 : vector<16xf32>
      %get3A_1561 = arith.constant 58 : i32
      %get3A_1562 = arith.index_cast %get3A_1561 : i32 to index
      %get3A_1563 = arith.constant 48 : index
      %get3A_1564 = tpu.vector_load %arg6[%get3A_1562, %get3A_1563] {strides = array<i32>} : memref<100x64xf32, #tpu.memory_space<vmem>>, vector<1x16xf32>,
      %get3A_1565 = vector.shape_cast %get3A_1564 : vector<1x16xf32> to vector<16xf32>
      %add3A_1566 = arith.addf %add3A_1542, %get3A_1565 : vector<16xf32>
      %get3A_1567 = arith.constant 59 : i32
      %get3A_1568 = arith.index_cast %get3A_1567 : i32 to index
      %get3A_1569 = arith.constant 0 : index
      %get3A_1570 = tpu.vector_load %arg6[%get3A_1568, %get3A_1569] {strides = array<i32>} : memref<100x64xf32, #tpu.memory_space<vmem>>, vector<1x16xf32>,
      %get3A_1571 = vector.shape_cast %get3A_1570 : vector<1x16xf32> to vector<16xf32>
      %add3A_1572 = arith.addf %add3A_1548, %get3A_1571 : vector<16xf32>
      %get3A_1573 = arith.constant 59 : i32
      %get3A_1574 = arith.index_cast %get3A_1573 : i32 to index
      %get3A_1575 = arith.constant 16 : index
      %get3A_1576 = tpu.vector_load %arg6[%get3A_1574, %get3A_1575] {strides = array<i32>} : memref<100x64xf32, #tpu.memory_space<vmem>>, vector<1x16xf32>,
      %get3A_1577 = vector.shape_cast %get3A_1576 : vector<1x16xf32> to vector<16xf32>
      %add3A_1578 = arith.addf %add3A_1554, %get3A_1577 : vector<16xf32>
      %get3A_1579 = arith.constant 59 : i32
      %get3A_1580 = arith.index_cast %get3A_1579 : i32 to index
      %get3A_1581 = arith.constant 32 : index
      %get3A_1582 = tpu.vector_load %arg6[%get3A_1580, %get3A_1581] {strides = array<i32>} : memref<100x64xf32, #tpu.memory_space<vmem>>, vector<1x16xf32>,
      %get3A_1583 = vector.shape_cast %get3A_1582 : vector<1x16xf32> to vector<16xf32>
      %add3A_1584 = arith.addf %add3A_1560, %get3A_1583 : vector<16xf32>
      %get3A_1585 = arith.constant 59 : i32
      %get3A_1586 = arith.index_cast %get3A_1585 : i32 to index
      %get3A_1587 = arith.constant 48 : index
      %get3A_1588 = tpu.vector_load %arg6[%get3A_1586, %get3A_1587] {strides = array<i32>} : memref<100x64xf32, #tpu.memory_space<vmem>>, vector<1x16xf32>,
      %get3A_1589 = vector.shape_cast %get3A_1588 : vector<1x16xf32> to vector<16xf32>
      %add3A_1590 = arith.addf %add3A_1566, %get3A_1589 : vector<16xf32>
      %get3A_1591 = arith.constant 60 : i32
      %get3A_1592 = arith.index_cast %get3A_1591 : i32 to index
      %get3A_1593 = arith.constant 0 : index
      %get3A_1594 = tpu.vector_load %arg6[%get3A_1592, %get3A_1593] {strides = array<i32>} : memref<100x64xf32, #tpu.memory_space<vmem>>, vector<1x16xf32>,
      %get3A_1595 = vector.shape_cast %get3A_1594 : vector<1x16xf32> to vector<16xf32>
      %add3A_1596 = arith.addf %add3A_1572, %get3A_1595 : vector<16xf32>
      %get3A_1597 = arith.constant 60 : i32
      %get3A_1598 = arith.index_cast %get3A_1597 : i32 to index
      %get3A_1599 = arith.constant 16 : index
      %get3A_1600 = tpu.vector_load %arg6[%get3A_1598, %get3A_1599] {strides = array<i32>} : memref<100x64xf32, #tpu.memory_space<vmem>>, vector<1x16xf32>,
      %get3A_1601 = vector.shape_cast %get3A_1600 : vector<1x16xf32> to vector<16xf32>
      %add3A_1602 = arith.addf %add3A_1578, %get3A_1601 : vector<16xf32>
      %get3A_1603 = arith.constant 60 : i32
      %get3A_1604 = arith.index_cast %get3A_1603 : i32 to index
      %get3A_1605 = arith.constant 32 : index
      %get3A_1606 = tpu.vector_load %arg6[%get3A_1604, %get3A_1605] {strides = array<i32>} : memref<100x64xf32, #tpu.memory_space<vmem>>, vector<1x16xf32>,
      %get3A_1607 = vector.shape_cast %get3A_1606 : vector<1x16xf32> to vector<16xf32>
      %add3A_1608 = arith.addf %add3A_1584, %get3A_1607 : vector<16xf32>
      %get3A_1609 = arith.constant 60 : i32
      %get3A_1610 = arith.index_cast %get3A_1609 : i32 to index
      %get3A_1611 = arith.constant 48 : index
      %get3A_1612 = tpu.vector_load %arg6[%get3A_1610, %get3A_1611] {strides = array<i32>} : memref<100x64xf32, #tpu.memory_space<vmem>>, vector<1x16xf32>,
      %get3A_1613 = vector.shape_cast %get3A_1612 : vector<1x16xf32> to vector<16xf32>
      %add3A_1614 = arith.addf %add3A_1590, %get3A_1613 : vector<16xf32>
      %get3A_1615 = arith.constant 61 : i32
      %get3A_1616 = arith.index_cast %get3A_1615 : i32 to index
      %get3A_1617 = arith.constant 0 : index
      %get3A_1618 = tpu.vector_load %arg6[%get3A_1616, %get3A_1617] {strides = array<i32>} : memref<100x64xf32, #tpu.memory_space<vmem>>, vector<1x16xf32>,
      %get3A_1619 = vector.shape_cast %get3A_1618 : vector<1x16xf32> to vector<16xf32>
      %add3A_1620 = arith.addf %add3A_1596, %get3A_1619 : vector<16xf32>
      %get3A_1621 = arith.constant 61 : i32
      %get3A_1622 = arith.index_cast %get3A_1621 : i32 to index
      %get3A_1623 = arith.constant 16 : index
      %get3A_1624 = tpu.vector_load %arg6[%get3A_1622, %get3A_1623] {strides = array<i32>} : memref<100x64xf32, #tpu.memory_space<vmem>>, vector<1x16xf32>,
      %get3A_1625 = vector.shape_cast %get3A_1624 : vector<1x16xf32> to vector<16xf32>
      %add3A_1626 = arith.addf %add3A_1602, %get3A_1625 : vector<16xf32>
      %get3A_1627 = arith.constant 61 : i32
      %get3A_1628 = arith.index_cast %get3A_1627 : i32 to index
      %get3A_1629 = arith.constant 32 : index
      %get3A_1630 = tpu.vector_load %arg6[%get3A_1628, %get3A_1629] {strides = array<i32>} : memref<100x64xf32, #tpu.memory_space<vmem>>, vector<1x16xf32>,
      %get3A_1631 = vector.shape_cast %get3A_1630 : vector<1x16xf32> to vector<16xf32>
      %add3A_1632 = arith.addf %add3A_1608, %get3A_1631 : vector<16xf32>
      %get3A_1633 = arith.constant 61 : i32
      %get3A_1634 = arith.index_cast %get3A_1633 : i32 to index
      %get3A_1635 = arith.constant 48 : index
      %get3A_1636 = tpu.vector_load %arg6[%get3A_1634, %get3A_1635] {strides = array<i32>} : memref<100x64xf32, #tpu.memory_space<vmem>>, vector<1x16xf32>,
      %get3A_1637 = vector.shape_cast %get3A_1636 : vector<1x16xf32> to vector<16xf32>
      %add3A_1638 = arith.addf %add3A_1614, %get3A_1637 : vector<16xf32>
      %get3A_1639 = arith.constant 62 : i32
      %get3A_1640 = arith.index_cast %get3A_1639 : i32 to index
      %get3A_1641 = arith.constant 0 : index
      %get3A_1642 = tpu.vector_load %arg6[%get3A_1640, %get3A_1641] {strides = array<i32>} : memref<100x64xf32, #tpu.memory_space<vmem>>, vector<1x16xf32>,
      %get3A_1643 = vector.shape_cast %get3A_1642 : vector<1x16xf32> to vector<16xf32>
      %add3A_1644 = arith.addf %add3A_1620, %get3A_1643 : vector<16xf32>
      %get3A_1645 = arith.constant 62 : i32
      %get3A_1646 = arith.index_cast %get3A_1645 : i32 to index
      %get3A_1647 = arith.constant 16 : index
      %get3A_1648 = tpu.vector_load %arg6[%get3A_1646, %get3A_1647] {strides = array<i32>} : memref<100x64xf32, #tpu.memory_space<vmem>>, vector<1x16xf32>,
      %get3A_1649 = vector.shape_cast %get3A_1648 : vector<1x16xf32> to vector<16xf32>
      %add3A_1650 = arith.addf %add3A_1626, %get3A_1649 : vector<16xf32>
      %get3A_1651 = arith.constant 62 : i32
      %get3A_1652 = arith.index_cast %get3A_1651 : i32 to index
      %get3A_1653 = arith.constant 32 : index
      %get3A_1654 = tpu.vector_load %arg6[%get3A_1652, %get3A_1653] {strides = array<i32>} : memref<100x64xf32, #tpu.memory_space<vmem>>, vector<1x16xf32>,
      %get3A_1655 = vector.shape_cast %get3A_1654 : vector<1x16xf32> to vector<16xf32>
      %add3A_1656 = arith.addf %add3A_1632, %get3A_1655 : vector<16xf32>
      %get3A_1657 = arith.constant 62 : i32
      %get3A_1658 = arith.index_cast %get3A_1657 : i32 to index
      %get3A_1659 = arith.constant 48 : index
      %get3A_1660 = tpu.vector_load %arg6[%get3A_1658, %get3A_1659] {strides = array<i32>} : memref<100x64xf32, #tpu.memory_space<vmem>>, vector<1x16xf32>,
      %get3A_1661 = vector.shape_cast %get3A_1660 : vector<1x16xf32> to vector<16xf32>
      %add3A_1662 = arith.addf %add3A_1638, %get3A_1661 : vector<16xf32>
      %get3A_1663 = arith.constant 63 : i32
      %get3A_1664 = arith.index_cast %get3A_1663 : i32 to index
      %get3A_1665 = arith.constant 0 : index
      %get3A_1666 = tpu.vector_load %arg6[%get3A_1664, %get3A_1665] {strides = array<i32>} : memref<100x64xf32, #tpu.memory_space<vmem>>, vector<1x16xf32>,
      %get3A_1667 = vector.shape_cast %get3A_1666 : vector<1x16xf32> to vector<16xf32>
      %add3A_1668 = arith.addf %add3A_1644, %get3A_1667 : vector<16xf32>
      %get3A_1669 = arith.constant 63 : i32
      %get3A_1670 = arith.index_cast %get3A_1669 : i32 to index
      %get3A_1671 = arith.constant 16 : index
      %get3A_1672 = tpu.vector_load %arg6[%get3A_1670, %get3A_1671] {strides = array<i32>} : memref<100x64xf32, #tpu.memory_space<vmem>>, vector<1x16xf32>,
      %get3A_1673 = vector.shape_cast %get3A_1672 : vector<1x16xf32> to vector<16xf32>
      %add3A_1674 = arith.addf %add3A_1650, %get3A_1673 : vector<16xf32>
      %get3A_1675 = arith.constant 63 : i32
      %get3A_1676 = arith.index_cast %get3A_1675 : i32 to index
      %get3A_1677 = arith.constant 32 : index
      %get3A_1678 = tpu.vector_load %arg6[%get3A_1676, %get3A_1677] {strides = array<i32>} : memref<100x64xf32, #tpu.memory_space<vmem>>, vector<1x16xf32>,
      %get3A_1679 = vector.shape_cast %get3A_1678 : vector<1x16xf32> to vector<16xf32>
      %add3A_1680 = arith.addf %add3A_1656, %get3A_1679 : vector<16xf32>
      %get3A_1681 = arith.constant 63 : i32
      %get3A_1682 = arith.index_cast %get3A_1681 : i32 to index
      %get3A_1683 = arith.constant 48 : index
      %get3A_1684 = tpu.vector_load %arg6[%get3A_1682, %get3A_1683] {strides = array<i32>} : memref<100x64xf32, #tpu.memory_space<vmem>>, vector<1x16xf32>,
      %get3A_1685 = vector.shape_cast %get3A_1684 : vector<1x16xf32> to vector<16xf32>
      %add3A_1686 = arith.addf %add3A_1662, %get3A_1685 : vector<16xf32>
      %get3A_1687 = arith.constant 64 : i32
      %get3A_1688 = arith.index_cast %get3A_1687 : i32 to index
      %get3A_1689 = arith.constant 0 : index
      %get3A_1690 = tpu.vector_load %arg6[%get3A_1688, %get3A_1689] {strides = array<i32>} : memref<100x64xf32, #tpu.memory_space<vmem>>, vector<1x16xf32>,
      %get3A_1691 = vector.shape_cast %get3A_1690 : vector<1x16xf32> to vector<16xf32>
      %add3A_1692 = arith.addf %add3A_1668, %get3A_1691 : vector<16xf32>
      %get3A_1693 = arith.constant 64 : i32
      %get3A_1694 = arith.index_cast %get3A_1693 : i32 to index
      %get3A_1695 = arith.constant 16 : index
      %get3A_1696 = tpu.vector_load %arg6[%get3A_1694, %get3A_1695] {strides = array<i32>} : memref<100x64xf32, #tpu.memory_space<vmem>>, vector<1x16xf32>,
      %get3A_1697 = vector.shape_cast %get3A_1696 : vector<1x16xf32> to vector<16xf32>
      %add3A_1698 = arith.addf %add3A_1674, %get3A_1697 : vector<16xf32>
      %get3A_1699 = arith.constant 64 : i32
      %get3A_1700 = arith.index_cast %get3A_1699 : i32 to index
      %get3A_1701 = arith.constant 32 : index
      %get3A_1702 = tpu.vector_load %arg6[%get3A_1700, %get3A_1701] {strides = array<i32>} : memref<100x64xf32, #tpu.memory_space<vmem>>, vector<1x16xf32>,
      %get3A_1703 = vector.shape_cast %get3A_1702 : vector<1x16xf32> to vector<16xf32>
      %add3A_1704 = arith.addf %add3A_1680, %get3A_1703 : vector<16xf32>
      %get3A_1705 = arith.constant 64 : i32
      %get3A_1706 = arith.index_cast %get3A_1705 : i32 to index
      %get3A_1707 = arith.constant 48 : index
      %get3A_1708 = tpu.vector_load %arg6[%get3A_1706, %get3A_1707] {strides = array<i32>} : memref<100x64xf32, #tpu.memory_space<vmem>>, vector<1x16xf32>,
      %get3A_1709 = vector.shape_cast %get3A_1708 : vector<1x16xf32> to vector<16xf32>
      %add3A_1710 = arith.addf %add3A_1686, %get3A_1709 : vector<16xf32>
      %get3A_1711 = arith.constant 65 : i32
      %get3A_1712 = arith.index_cast %get3A_1711 : i32 to index
      %get3A_1713 = arith.constant 0 : index
      %get3A_1714 = tpu.vector_load %arg6[%get3A_1712, %get3A_1713] {strides = array<i32>} : memref<100x64xf32, #tpu.memory_space<vmem>>, vector<1x16xf32>,
      %get3A_1715 = vector.shape_cast %get3A_1714 : vector<1x16xf32> to vector<16xf32>
      %add3A_1716 = arith.addf %add3A_1692, %get3A_1715 : vector<16xf32>
      %get3A_1717 = arith.constant 65 : i32
      %get3A_1718 = arith.index_cast %get3A_1717 : i32 to index
      %get3A_1719 = arith.constant 16 : index
      %get3A_1720 = tpu.vector_load %arg6[%get3A_1718, %get3A_1719] {strides = array<i32>} : memref<100x64xf32, #tpu.memory_space<vmem>>, vector<1x16xf32>,
      %get3A_1721 = vector.shape_cast %get3A_1720 : vector<1x16xf32> to vector<16xf32>
      %add3A_1722 = arith.addf %add3A_1698, %get3A_1721 : vector<16xf32>
      %get3A_1723 = arith.constant 65 : i32
      %get3A_1724 = arith.index_cast %get3A_1723 : i32 to index
      %get3A_1725 = arith.constant 32 : index
      %get3A_1726 = tpu.vector_load %arg6[%get3A_1724, %get3A_1725] {strides = array<i32>} : memref<100x64xf32, #tpu.memory_space<vmem>>, vector<1x16xf32>,
      %get3A_1727 = vector.shape_cast %get3A_1726 : vector<1x16xf32> to vector<16xf32>
      %add3A_1728 = arith.addf %add3A_1704, %get3A_1727 : vector<16xf32>
      %get3A_1729 = arith.constant 65 : i32
      %get3A_1730 = arith.index_cast %get3A_1729 : i32 to index
      %get3A_1731 = arith.constant 48 : index
      %get3A_1732 = tpu.vector_load %arg6[%get3A_1730, %get3A_1731] {strides = array<i32>} : memref<100x64xf32, #tpu.memory_space<vmem>>, vector<1x16xf32>,
      %get3A_1733 = vector.shape_cast %get3A_1732 : vector<1x16xf32> to vector<16xf32>
      %add3A_1734 = arith.addf %add3A_1710, %get3A_1733 : vector<16xf32>
      %get3A_1735 = arith.constant 66 : i32
      %get3A_1736 = arith.index_cast %get3A_1735 : i32 to index
      %get3A_1737 = arith.constant 0 : index
      %get3A_1738 = tpu.vector_load %arg6[%get3A_1736, %get3A_1737] {strides = array<i32>} : memref<100x64xf32, #tpu.memory_space<vmem>>, vector<1x16xf32>,
      %get3A_1739 = vector.shape_cast %get3A_1738 : vector<1x16xf32> to vector<16xf32>
      %add3A_1740 = arith.addf %add3A_1716, %get3A_1739 : vector<16xf32>
      %get3A_1741 = arith.constant 66 : i32
      %get3A_1742 = arith.index_cast %get3A_1741 : i32 to index
      %get3A_1743 = arith.constant 16 : index
      %get3A_1744 = tpu.vector_load %arg6[%get3A_1742, %get3A_1743] {strides = array<i32>} : memref<100x64xf32, #tpu.memory_space<vmem>>, vector<1x16xf32>,
      %get3A_1745 = vector.shape_cast %get3A_1744 : vector<1x16xf32> to vector<16xf32>
      %add3A_1746 = arith.addf %add3A_1722, %get3A_1745 : vector<16xf32>
      %get3A_1747 = arith.constant 66 : i32
      %get3A_1748 = arith.index_cast %get3A_1747 : i32 to index
      %get3A_1749 = arith.constant 32 : index
      %get3A_1750 = tpu.vector_load %arg6[%get3A_1748, %get3A_1749] {strides = array<i32>} : memref<100x64xf32, #tpu.memory_space<vmem>>, vector<1x16xf32>,
      %get3A_1751 = vector.shape_cast %get3A_1750 : vector<1x16xf32> to vector<16xf32>
      %add3A_1752 = arith.addf %add3A_1728, %get3A_1751 : vector<16xf32>
      %get3A_1753 = arith.constant 66 : i32
      %get3A_1754 = arith.index_cast %get3A_1753 : i32 to index
      %get3A_1755 = arith.constant 48 : index
      %get3A_1756 = tpu.vector_load %arg6[%get3A_1754, %get3A_1755] {strides = array<i32>} : memref<100x64xf32, #tpu.memory_space<vmem>>, vector<1x16xf32>,
      %get3A_1757 = vector.shape_cast %get3A_1756 : vector<1x16xf32> to vector<16xf32>
      %add3A_1758 = arith.addf %add3A_1734, %get3A_1757 : vector<16xf32>
      %get3A_1759 = arith.constant 67 : i32
      %get3A_1760 = arith.index_cast %get3A_1759 : i32 to index
      %get3A_1761 = arith.constant 0 : index
      %get3A_1762 = tpu.vector_load %arg6[%get3A_1760, %get3A_1761] {strides = array<i32>} : memref<100x64xf32, #tpu.memory_space<vmem>>, vector<1x16xf32>,
      %get3A_1763 = vector.shape_cast %get3A_1762 : vector<1x16xf32> to vector<16xf32>
      %add3A_1764 = arith.addf %add3A_1740, %get3A_1763 : vector<16xf32>
      %get3A_1765 = arith.constant 67 : i32
      %get3A_1766 = arith.index_cast %get3A_1765 : i32 to index
      %get3A_1767 = arith.constant 16 : index
      %get3A_1768 = tpu.vector_load %arg6[%get3A_1766, %get3A_1767] {strides = array<i32>} : memref<100x64xf32, #tpu.memory_space<vmem>>, vector<1x16xf32>,
      %get3A_1769 = vector.shape_cast %get3A_1768 : vector<1x16xf32> to vector<16xf32>
      %add3A_1770 = arith.addf %add3A_1746, %get3A_1769 : vector<16xf32>
      %get3A_1771 = arith.constant 67 : i32
      %get3A_1772 = arith.index_cast %get3A_1771 : i32 to index
      %get3A_1773 = arith.constant 32 : index
      %get3A_1774 = tpu.vector_load %arg6[%get3A_1772, %get3A_1773] {strides = array<i32>} : memref<100x64xf32, #tpu.memory_space<vmem>>, vector<1x16xf32>,
      %get3A_1775 = vector.shape_cast %get3A_1774 : vector<1x16xf32> to vector<16xf32>
      %add3A_1776 = arith.addf %add3A_1752, %get3A_1775 : vector<16xf32>
      %get3A_1777 = arith.constant 67 : i32
      %get3A_1778 = arith.index_cast %get3A_1777 : i32 to index
      %get3A_1779 = arith.constant 48 : index
      %get3A_1780 = tpu.vector_load %arg6[%get3A_1778, %get3A_1779] {strides = array<i32>} : memref<100x64xf32, #tpu.memory_space<vmem>>, vector<1x16xf32>,
      %get3A_1781 = vector.shape_cast %get3A_1780 : vector<1x16xf32> to vector<16xf32>
      %add3A_1782 = arith.addf %add3A_1758, %get3A_1781 : vector<16xf32>
      %get3A_1783 = arith.constant 68 : i32
      %get3A_1784 = arith.index_cast %get3A_1783 : i32 to index
      %get3A_1785 = arith.constant 0 : index
      %get3A_1786 = tpu.vector_load %arg6[%get3A_1784, %get3A_1785] {strides = array<i32>} : memref<100x64xf32, #tpu.memory_space<vmem>>, vector<1x16xf32>,
      %get3A_1787 = vector.shape_cast %get3A_1786 : vector<1x16xf32> to vector<16xf32>
      %add3A_1788 = arith.addf %add3A_1764, %get3A_1787 : vector<16xf32>
      %get3A_1789 = arith.constant 68 : i32
      %get3A_1790 = arith.index_cast %get3A_1789 : i32 to index
      %get3A_1791 = arith.constant 16 : index
      %get3A_1792 = tpu.vector_load %arg6[%get3A_1790, %get3A_1791] {strides = array<i32>} : memref<100x64xf32, #tpu.memory_space<vmem>>, vector<1x16xf32>,
      %get3A_1793 = vector.shape_cast %get3A_1792 : vector<1x16xf32> to vector<16xf32>
      %add3A_1794 = arith.addf %add3A_1770, %get3A_1793 : vector<16xf32>
      %get3A_1795 = arith.constant 68 : i32
      %get3A_1796 = arith.index_cast %get3A_1795 : i32 to index
      %get3A_1797 = arith.constant 32 : index
      %get3A_1798 = tpu.vector_load %arg6[%get3A_1796, %get3A_1797] {strides = array<i32>} : memref<100x64xf32, #tpu.memory_space<vmem>>, vector<1x16xf32>,
      %get3A_1799 = vector.shape_cast %get3A_1798 : vector<1x16xf32> to vector<16xf32>
      %add3A_1800 = arith.addf %add3A_1776, %get3A_1799 : vector<16xf32>
      %get3A_1801 = arith.constant 68 : i32
      %get3A_1802 = arith.index_cast %get3A_1801 : i32 to index
      %get3A_1803 = arith.constant 48 : index
      %get3A_1804 = tpu.vector_load %arg6[%get3A_1802, %get3A_1803] {strides = array<i32>} : memref<100x64xf32, #tpu.memory_space<vmem>>, vector<1x16xf32>,
      %get3A_1805 = vector.shape_cast %get3A_1804 : vector<1x16xf32> to vector<16xf32>
      %add3A_1806 = arith.addf %add3A_1782, %get3A_1805 : vector<16xf32>
      %get3A_1807 = arith.constant 69 : i32
      %get3A_1808 = arith.index_cast %get3A_1807 : i32 to index
      %get3A_1809 = arith.constant 0 : index
      %get3A_1810 = tpu.vector_load %arg6[%get3A_1808, %get3A_1809] {strides = array<i32>} : memref<100x64xf32, #tpu.memory_space<vmem>>, vector<1x16xf32>,
      %get3A_1811 = vector.shape_cast %get3A_1810 : vector<1x16xf32> to vector<16xf32>
      %add3A_1812 = arith.addf %add3A_1788, %get3A_1811 : vector<16xf32>
      %get3A_1813 = arith.constant 69 : i32
      %get3A_1814 = arith.index_cast %get3A_1813 : i32 to index
      %get3A_1815 = arith.constant 16 : index
      %get3A_1816 = tpu.vector_load %arg6[%get3A_1814, %get3A_1815] {strides = array<i32>} : memref<100x64xf32, #tpu.memory_space<vmem>>, vector<1x16xf32>,
      %get3A_1817 = vector.shape_cast %get3A_1816 : vector<1x16xf32> to vector<16xf32>
      %add3A_1818 = arith.addf %add3A_1794, %get3A_1817 : vector<16xf32>
      %get3A_1819 = arith.constant 69 : i32
      %get3A_1820 = arith.index_cast %get3A_1819 : i32 to index
      %get3A_1821 = arith.constant 32 : index
      %get3A_1822 = tpu.vector_load %arg6[%get3A_1820, %get3A_1821] {strides = array<i32>} : memref<100x64xf32, #tpu.memory_space<vmem>>, vector<1x16xf32>,
      %get3A_1823 = vector.shape_cast %get3A_1822 : vector<1x16xf32> to vector<16xf32>
      %add3A_1824 = arith.addf %add3A_1800, %get3A_1823 : vector<16xf32>
      %get3A_1825 = arith.constant 69 : i32
      %get3A_1826 = arith.index_cast %get3A_1825 : i32 to index
      %get3A_1827 = arith.constant 48 : index
      %get3A_1828 = tpu.vector_load %arg6[%get3A_1826, %get3A_1827] {strides = array<i32>} : memref<100x64xf32, #tpu.memory_space<vmem>>, vector<1x16xf32>,
      %get3A_1829 = vector.shape_cast %get3A_1828 : vector<1x16xf32> to vector<16xf32>
      %add3A_1830 = arith.addf %add3A_1806, %get3A_1829 : vector<16xf32>
      %get3A_1831 = arith.constant 70 : i32
      %get3A_1832 = arith.index_cast %get3A_1831 : i32 to index
      %get3A_1833 = arith.constant 0 : index
      %get3A_1834 = tpu.vector_load %arg6[%get3A_1832, %get3A_1833] {strides = array<i32>} : memref<100x64xf32, #tpu.memory_space<vmem>>, vector<1x16xf32>,
      %get3A_1835 = vector.shape_cast %get3A_1834 : vector<1x16xf32> to vector<16xf32>
      %add3A_1836 = arith.addf %add3A_1812, %get3A_1835 : vector<16xf32>
      %get3A_1837 = arith.constant 70 : i32
      %get3A_1838 = arith.index_cast %get3A_1837 : i32 to index
      %get3A_1839 = arith.constant 16 : index
      %get3A_1840 = tpu.vector_load %arg6[%get3A_1838, %get3A_1839] {strides = array<i32>} : memref<100x64xf32, #tpu.memory_space<vmem>>, vector<1x16xf32>,
      %get3A_1841 = vector.shape_cast %get3A_1840 : vector<1x16xf32> to vector<16xf32>
      %add3A_1842 = arith.addf %add3A_1818, %get3A_1841 : vector<16xf32>
      %get3A_1843 = arith.constant 70 : i32
      %get3A_1844 = arith.index_cast %get3A_1843 : i32 to index
      %get3A_1845 = arith.constant 32 : index
      %get3A_1846 = tpu.vector_load %arg6[%get3A_1844, %get3A_1845] {strides = array<i32>} : memref<100x64xf32, #tpu.memory_space<vmem>>, vector<1x16xf32>,
      %get3A_1847 = vector.shape_cast %get3A_1846 : vector<1x16xf32> to vector<16xf32>
      %add3A_1848 = arith.addf %add3A_1824, %get3A_1847 : vector<16xf32>
      %get3A_1849 = arith.constant 70 : i32
      %get3A_1850 = arith.index_cast %get3A_1849 : i32 to index
      %get3A_1851 = arith.constant 48 : index
      %get3A_1852 = tpu.vector_load %arg6[%get3A_1850, %get3A_1851] {strides = array<i32>} : memref<100x64xf32, #tpu.memory_space<vmem>>, vector<1x16xf32>,
      %get3A_1853 = vector.shape_cast %get3A_1852 : vector<1x16xf32> to vector<16xf32>
      %add3A_1854 = arith.addf %add3A_1830, %get3A_1853 : vector<16xf32>
      %get3A_1855 = arith.constant 71 : i32
      %get3A_1856 = arith.index_cast %get3A_1855 : i32 to index
      %get3A_1857 = arith.constant 0 : index
      %get3A_1858 = tpu.vector_load %arg6[%get3A_1856, %get3A_1857] {strides = array<i32>} : memref<100x64xf32, #tpu.memory_space<vmem>>, vector<1x16xf32>,
      %get3A_1859 = vector.shape_cast %get3A_1858 : vector<1x16xf32> to vector<16xf32>
      %add3A_1860 = arith.addf %add3A_1836, %get3A_1859 : vector<16xf32>
      %get3A_1861 = arith.constant 71 : i32
      %get3A_1862 = arith.index_cast %get3A_1861 : i32 to index
      %get3A_1863 = arith.constant 16 : index
      %get3A_1864 = tpu.vector_load %arg6[%get3A_1862, %get3A_1863] {strides = array<i32>} : memref<100x64xf32, #tpu.memory_space<vmem>>, vector<1x16xf32>,
      %get3A_1865 = vector.shape_cast %get3A_1864 : vector<1x16xf32> to vector<16xf32>
      %add3A_1866 = arith.addf %add3A_1842, %get3A_1865 : vector<16xf32>
      %get3A_1867 = arith.constant 71 : i32
      %get3A_1868 = arith.index_cast %get3A_1867 : i32 to index
      %get3A_1869 = arith.constant 32 : index
      %get3A_1870 = tpu.vector_load %arg6[%get3A_1868, %get3A_1869] {strides = array<i32>} : memref<100x64xf32, #tpu.memory_space<vmem>>, vector<1x16xf32>,
      %get3A_1871 = vector.shape_cast %get3A_1870 : vector<1x16xf32> to vector<16xf32>
      %add3A_1872 = arith.addf %add3A_1848, %get3A_1871 : vector<16xf32>
      %get3A_1873 = arith.constant 71 : i32
      %get3A_1874 = arith.index_cast %get3A_1873 : i32 to index
      %get3A_1875 = arith.constant 48 : index
      %get3A_1876 = tpu.vector_load %arg6[%get3A_1874, %get3A_1875] {strides = array<i32>} : memref<100x64xf32, #tpu.memory_space<vmem>>, vector<1x16xf32>,
      %get3A_1877 = vector.shape_cast %get3A_1876 : vector<1x16xf32> to vector<16xf32>
      %add3A_1878 = arith.addf %add3A_1854, %get3A_1877 : vector<16xf32>
      %get3A_1879 = arith.constant 72 : i32
      %get3A_1880 = arith.index_cast %get3A_1879 : i32 to index
      %get3A_1881 = arith.constant 0 : index
      %get3A_1882 = tpu.vector_load %arg6[%get3A_1880, %get3A_1881] {strides = array<i32>} : memref<100x64xf32, #tpu.memory_space<vmem>>, vector<1x16xf32>,
      %get3A_1883 = vector.shape_cast %get3A_1882 : vector<1x16xf32> to vector<16xf32>
      %add3A_1884 = arith.addf %add3A_1860, %get3A_1883 : vector<16xf32>
      %get3A_1885 = arith.constant 72 : i32
      %get3A_1886 = arith.index_cast %get3A_1885 : i32 to index
      %get3A_1887 = arith.constant 16 : index
      %get3A_1888 = tpu.vector_load %arg6[%get3A_1886, %get3A_1887] {strides = array<i32>} : memref<100x64xf32, #tpu.memory_space<vmem>>, vector<1x16xf32>,
      %get3A_1889 = vector.shape_cast %get3A_1888 : vector<1x16xf32> to vector<16xf32>
      %add3A_1890 = arith.addf %add3A_1866, %get3A_1889 : vector<16xf32>
      %get3A_1891 = arith.constant 72 : i32
      %get3A_1892 = arith.index_cast %get3A_1891 : i32 to index
      %get3A_1893 = arith.constant 32 : index
      %get3A_1894 = tpu.vector_load %arg6[%get3A_1892, %get3A_1893] {strides = array<i32>} : memref<100x64xf32, #tpu.memory_space<vmem>>, vector<1x16xf32>,
      %get3A_1895 = vector.shape_cast %get3A_1894 : vector<1x16xf32> to vector<16xf32>
      %add3A_1896 = arith.addf %add3A_1872, %get3A_1895 : vector<16xf32>
      %get3A_1897 = arith.constant 72 : i32
      %get3A_1898 = arith.index_cast %get3A_1897 : i32 to index
      %get3A_1899 = arith.constant 48 : index
      %get3A_1900 = tpu.vector_load %arg6[%get3A_1898, %get3A_1899] {strides = array<i32>} : memref<100x64xf32, #tpu.memory_space<vmem>>, vector<1x16xf32>,
      %get3A_1901 = vector.shape_cast %get3A_1900 : vector<1x16xf32> to vector<16xf32>
      %add3A_1902 = arith.addf %add3A_1878, %get3A_1901 : vector<16xf32>
      %get3A_1903 = arith.constant 73 : i32
      %get3A_1904 = arith.index_cast %get3A_1903 : i32 to index
      %get3A_1905 = arith.constant 0 : index
      %get3A_1906 = tpu.vector_load %arg6[%get3A_1904, %get3A_1905] {strides = array<i32>} : memref<100x64xf32, #tpu.memory_space<vmem>>, vector<1x16xf32>,
      %get3A_1907 = vector.shape_cast %get3A_1906 : vector<1x16xf32> to vector<16xf32>
      %add3A_1908 = arith.addf %add3A_1884, %get3A_1907 : vector<16xf32>
      %get3A_1909 = arith.constant 73 : i32
      %get3A_1910 = arith.index_cast %get3A_1909 : i32 to index
      %get3A_1911 = arith.constant 16 : index
      %get3A_1912 = tpu.vector_load %arg6[%get3A_1910, %get3A_1911] {strides = array<i32>} : memref<100x64xf32, #tpu.memory_space<vmem>>, vector<1x16xf32>,
      %get3A_1913 = vector.shape_cast %get3A_1912 : vector<1x16xf32> to vector<16xf32>
      %add3A_1914 = arith.addf %add3A_1890, %get3A_1913 : vector<16xf32>
      %get3A_1915 = arith.constant 73 : i32
      %get3A_1916 = arith.index_cast %get3A_1915 : i32 to index
      %get3A_1917 = arith.constant 32 : index
      %get3A_1918 = tpu.vector_load %arg6[%get3A_1916, %get3A_1917] {strides = array<i32>} : memref<100x64xf32, #tpu.memory_space<vmem>>, vector<1x16xf32>,
      %get3A_1919 = vector.shape_cast %get3A_1918 : vector<1x16xf32> to vector<16xf32>
      %add3A_1920 = arith.addf %add3A_1896, %get3A_1919 : vector<16xf32>
      %get3A_1921 = arith.constant 73 : i32
      %get3A_1922 = arith.index_cast %get3A_1921 : i32 to index
      %get3A_1923 = arith.constant 48 : index
      %get3A_1924 = tpu.vector_load %arg6[%get3A_1922, %get3A_1923] {strides = array<i32>} : memref<100x64xf32, #tpu.memory_space<vmem>>, vector<1x16xf32>,
      %get3A_1925 = vector.shape_cast %get3A_1924 : vector<1x16xf32> to vector<16xf32>
      %add3A_1926 = arith.addf %add3A_1902, %get3A_1925 : vector<16xf32>
      %get3A_1927 = arith.constant 74 : i32
      %get3A_1928 = arith.index_cast %get3A_1927 : i32 to index
      %get3A_1929 = arith.constant 0 : index
      %get3A_1930 = tpu.vector_load %arg6[%get3A_1928, %get3A_1929] {strides = array<i32>} : memref<100x64xf32, #tpu.memory_space<vmem>>, vector<1x16xf32>,
      %get3A_1931 = vector.shape_cast %get3A_1930 : vector<1x16xf32> to vector<16xf32>
      %add3A_1932 = arith.addf %add3A_1908, %get3A_1931 : vector<16xf32>
      %get3A_1933 = arith.constant 74 : i32
      %get3A_1934 = arith.index_cast %get3A_1933 : i32 to index
      %get3A_1935 = arith.constant 16 : index
      %get3A_1936 = tpu.vector_load %arg6[%get3A_1934, %get3A_1935] {strides = array<i32>} : memref<100x64xf32, #tpu.memory_space<vmem>>, vector<1x16xf32>,
      %get3A_1937 = vector.shape_cast %get3A_1936 : vector<1x16xf32> to vector<16xf32>
      %add3A_1938 = arith.addf %add3A_1914, %get3A_1937 : vector<16xf32>
      %get3A_1939 = arith.constant 74 : i32
      %get3A_1940 = arith.index_cast %get3A_1939 : i32 to index
      %get3A_1941 = arith.constant 32 : index
      %get3A_1942 = tpu.vector_load %arg6[%get3A_1940, %get3A_1941] {strides = array<i32>} : memref<100x64xf32, #tpu.memory_space<vmem>>, vector<1x16xf32>,
      %get3A_1943 = vector.shape_cast %get3A_1942 : vector<1x16xf32> to vector<16xf32>
      %add3A_1944 = arith.addf %add3A_1920, %get3A_1943 : vector<16xf32>
      %get3A_1945 = arith.constant 74 : i32
      %get3A_1946 = arith.index_cast %get3A_1945 : i32 to index
      %get3A_1947 = arith.constant 48 : index
      %get3A_1948 = tpu.vector_load %arg6[%get3A_1946, %get3A_1947] {strides = array<i32>} : memref<100x64xf32, #tpu.memory_space<vmem>>, vector<1x16xf32>,
      %get3A_1949 = vector.shape_cast %get3A_1948 : vector<1x16xf32> to vector<16xf32>
      %add3A_1950 = arith.addf %add3A_1926, %get3A_1949 : vector<16xf32>
      %get3A_1951 = arith.constant 75 : i32
      %get3A_1952 = arith.index_cast %get3A_1951 : i32 to index
      %get3A_1953 = arith.constant 0 : index
      %get3A_1954 = tpu.vector_load %arg6[%get3A_1952, %get3A_1953] {strides = array<i32>} : memref<100x64xf32, #tpu.memory_space<vmem>>, vector<1x16xf32>,
      %get3A_1955 = vector.shape_cast %get3A_1954 : vector<1x16xf32> to vector<16xf32>
      %add3A_1956 = arith.addf %add3A_1932, %get3A_1955 : vector<16xf32>
      %get3A_1957 = arith.constant 75 : i32
      %get3A_1958 = arith.index_cast %get3A_1957 : i32 to index
      %get3A_1959 = arith.constant 16 : index
      %get3A_1960 = tpu.vector_load %arg6[%get3A_1958, %get3A_1959] {strides = array<i32>} : memref<100x64xf32, #tpu.memory_space<vmem>>, vector<1x16xf32>,
      %get3A_1961 = vector.shape_cast %get3A_1960 : vector<1x16xf32> to vector<16xf32>
      %add3A_1962 = arith.addf %add3A_1938, %get3A_1961 : vector<16xf32>
      %get3A_1963 = arith.constant 75 : i32
      %get3A_1964 = arith.index_cast %get3A_1963 : i32 to index
      %get3A_1965 = arith.constant 32 : index
      %get3A_1966 = tpu.vector_load %arg6[%get3A_1964, %get3A_1965] {strides = array<i32>} : memref<100x64xf32, #tpu.memory_space<vmem>>, vector<1x16xf32>,
      %get3A_1967 = vector.shape_cast %get3A_1966 : vector<1x16xf32> to vector<16xf32>
      %add3A_1968 = arith.addf %add3A_1944, %get3A_1967 : vector<16xf32>
      %get3A_1969 = arith.constant 75 : i32
      %get3A_1970 = arith.index_cast %get3A_1969 : i32 to index
      %get3A_1971 = arith.constant 48 : index
      %get3A_1972 = tpu.vector_load %arg6[%get3A_1970, %get3A_1971] {strides = array<i32>} : memref<100x64xf32, #tpu.memory_space<vmem>>, vector<1x16xf32>,
      %get3A_1973 = vector.shape_cast %get3A_1972 : vector<1x16xf32> to vector<16xf32>
      %add3A_1974 = arith.addf %add3A_1950, %get3A_1973 : vector<16xf32>
      %get3A_1975 = arith.constant 76 : i32
      %get3A_1976 = arith.index_cast %get3A_1975 : i32 to index
      %get3A_1977 = arith.constant 0 : index
      %get3A_1978 = tpu.vector_load %arg6[%get3A_1976, %get3A_1977] {strides = array<i32>} : memref<100x64xf32, #tpu.memory_space<vmem>>, vector<1x16xf32>,
      %get3A_1979 = vector.shape_cast %get3A_1978 : vector<1x16xf32> to vector<16xf32>
      %add3A_1980 = arith.addf %add3A_1956, %get3A_1979 : vector<16xf32>
      %get3A_1981 = arith.constant 76 : i32
      %get3A_1982 = arith.index_cast %get3A_1981 : i32 to index
      %get3A_1983 = arith.constant 16 : index
      %get3A_1984 = tpu.vector_load %arg6[%get3A_1982, %get3A_1983] {strides = array<i32>} : memref<100x64xf32, #tpu.memory_space<vmem>>, vector<1x16xf32>,
      %get3A_1985 = vector.shape_cast %get3A_1984 : vector<1x16xf32> to vector<16xf32>
      %add3A_1986 = arith.addf %add3A_1962, %get3A_1985 : vector<16xf32>
      %get3A_1987 = arith.constant 76 : i32
      %get3A_1988 = arith.index_cast %get3A_1987 : i32 to index
      %get3A_1989 = arith.constant 32 : index
      %get3A_1990 = tpu.vector_load %arg6[%get3A_1988, %get3A_1989] {strides = array<i32>} : memref<100x64xf32, #tpu.memory_space<vmem>>, vector<1x16xf32>,
      %get3A_1991 = vector.shape_cast %get3A_1990 : vector<1x16xf32> to vector<16xf32>
      %add3A_1992 = arith.addf %add3A_1968, %get3A_1991 : vector<16xf32>
      %get3A_1993 = arith.constant 76 : i32
      %get3A_1994 = arith.index_cast %get3A_1993 : i32 to index
      %get3A_1995 = arith.constant 48 : index
      %get3A_1996 = tpu.vector_load %arg6[%get3A_1994, %get3A_1995] {strides = array<i32>} : memref<100x64xf32, #tpu.memory_space<vmem>>, vector<1x16xf32>,
      %get3A_1997 = vector.shape_cast %get3A_1996 : vector<1x16xf32> to vector<16xf32>
      %add3A_1998 = arith.addf %add3A_1974, %get3A_1997 : vector<16xf32>
      %get3A_1999 = arith.constant 77 : i32
      %get3A_2000 = arith.index_cast %get3A_1999 : i32 to index
      %get3A_2001 = arith.constant 0 : index
      %get3A_2002 = tpu.vector_load %arg6[%get3A_2000, %get3A_2001] {strides = array<i32>} : memref<100x64xf32, #tpu.memory_space<vmem>>, vector<1x16xf32>,
      %get3A_2003 = vector.shape_cast %get3A_2002 : vector<1x16xf32> to vector<16xf32>
      %add3A_2004 = arith.addf %add3A_1980, %get3A_2003 : vector<16xf32>
      %get3A_2005 = arith.constant 77 : i32
      %get3A_2006 = arith.index_cast %get3A_2005 : i32 to index
      %get3A_2007 = arith.constant 16 : index
      %get3A_2008 = tpu.vector_load %arg6[%get3A_2006, %get3A_2007] {strides = array<i32>} : memref<100x64xf32, #tpu.memory_space<vmem>>, vector<1x16xf32>,
      %get3A_2009 = vector.shape_cast %get3A_2008 : vector<1x16xf32> to vector<16xf32>
      %add3A_2010 = arith.addf %add3A_1986, %get3A_2009 : vector<16xf32>
      %get3A_2011 = arith.constant 77 : i32
      %get3A_2012 = arith.index_cast %get3A_2011 : i32 to index
      %get3A_2013 = arith.constant 32 : index
      %get3A_2014 = tpu.vector_load %arg6[%get3A_2012, %get3A_2013] {strides = array<i32>} : memref<100x64xf32, #tpu.memory_space<vmem>>, vector<1x16xf32>,
      %get3A_2015 = vector.shape_cast %get3A_2014 : vector<1x16xf32> to vector<16xf32>
      %add3A_2016 = arith.addf %add3A_1992, %get3A_2015 : vector<16xf32>
      %get3A_2017 = arith.constant 77 : i32
      %get3A_2018 = arith.index_cast %get3A_2017 : i32 to index
      %get3A_2019 = arith.constant 48 : index
      %get3A_2020 = tpu.vector_load %arg6[%get3A_2018, %get3A_2019] {strides = array<i32>} : memref<100x64xf32, #tpu.memory_space<vmem>>, vector<1x16xf32>,
      %get3A_2021 = vector.shape_cast %get3A_2020 : vector<1x16xf32> to vector<16xf32>
      %add3A_2022 = arith.addf %add3A_1998, %get3A_2021 : vector<16xf32>
      %get3A_2023 = arith.constant 78 : i32
      %get3A_2024 = arith.index_cast %get3A_2023 : i32 to index
      %get3A_2025 = arith.constant 0 : index
      %get3A_2026 = tpu.vector_load %arg6[%get3A_2024, %get3A_2025] {strides = array<i32>} : memref<100x64xf32, #tpu.memory_space<vmem>>, vector<1x16xf32>,
      %get3A_2027 = vector.shape_cast %get3A_2026 : vector<1x16xf32> to vector<16xf32>
      %add3A_2028 = arith.addf %add3A_2004, %get3A_2027 : vector<16xf32>
      %get3A_2029 = arith.constant 78 : i32
      %get3A_2030 = arith.index_cast %get3A_2029 : i32 to index
      %get3A_2031 = arith.constant 16 : index
      %get3A_2032 = tpu.vector_load %arg6[%get3A_2030, %get3A_2031] {strides = array<i32>} : memref<100x64xf32, #tpu.memory_space<vmem>>, vector<1x16xf32>,
      %get3A_2033 = vector.shape_cast %get3A_2032 : vector<1x16xf32> to vector<16xf32>
      %add3A_2034 = arith.addf %add3A_2010, %get3A_2033 : vector<16xf32>
      %get3A_2035 = arith.constant 78 : i32
      %get3A_2036 = arith.index_cast %get3A_2035 : i32 to index
      %get3A_2037 = arith.constant 32 : index
      %get3A_2038 = tpu.vector_load %arg6[%get3A_2036, %get3A_2037] {strides = array<i32>} : memref<100x64xf32, #tpu.memory_space<vmem>>, vector<1x16xf32>,
      %get3A_2039 = vector.shape_cast %get3A_2038 : vector<1x16xf32> to vector<16xf32>
      %add3A_2040 = arith.addf %add3A_2016, %get3A_2039 : vector<16xf32>
      %get3A_2041 = arith.constant 78 : i32
      %get3A_2042 = arith.index_cast %get3A_2041 : i32 to index
      %get3A_2043 = arith.constant 48 : index
      %get3A_2044 = tpu.vector_load %arg6[%get3A_2042, %get3A_2043] {strides = array<i32>} : memref<100x64xf32, #tpu.memory_space<vmem>>, vector<1x16xf32>,
      %get3A_2045 = vector.shape_cast %get3A_2044 : vector<1x16xf32> to vector<16xf32>
      %add3A_2046 = arith.addf %add3A_2022, %get3A_2045 : vector<16xf32>
      %get3A_2047 = arith.constant 79 : i32
      %get3A_2048 = arith.index_cast %get3A_2047 : i32 to index
      %get3A_2049 = arith.constant 0 : index
      %get3A_2050 = tpu.vector_load %arg6[%get3A_2048, %get3A_2049] {strides = array<i32>} : memref<100x64xf32, #tpu.memory_space<vmem>>, vector<1x16xf32>,
      %get3A_2051 = vector.shape_cast %get3A_2050 : vector<1x16xf32> to vector<16xf32>
      %add3A_2052 = arith.addf %add3A_2028, %get3A_2051 : vector<16xf32>
      %get3A_2053 = arith.constant 79 : i32
      %get3A_2054 = arith.index_cast %get3A_2053 : i32 to index
      %get3A_2055 = arith.constant 16 : index
      %get3A_2056 = tpu.vector_load %arg6[%get3A_2054, %get3A_2055] {strides = array<i32>} : memref<100x64xf32, #tpu.memory_space<vmem>>, vector<1x16xf32>,
      %get3A_2057 = vector.shape_cast %get3A_2056 : vector<1x16xf32> to vector<16xf32>
      %add3A_2058 = arith.addf %add3A_2034, %get3A_2057 : vector<16xf32>
      %get3A_2059 = arith.constant 79 : i32
      %get3A_2060 = arith.index_cast %get3A_2059 : i32 to index
      %get3A_2061 = arith.constant 32 : index
      %get3A_2062 = tpu.vector_load %arg6[%get3A_2060, %get3A_2061] {strides = array<i32>} : memref<100x64xf32, #tpu.memory_space<vmem>>, vector<1x16xf32>,
      %get3A_2063 = vector.shape_cast %get3A_2062 : vector<1x16xf32> to vector<16xf32>
      %add3A_2064 = arith.addf %add3A_2040, %get3A_2063 : vector<16xf32>
      %get3A_2065 = arith.constant 79 : i32
      %get3A_2066 = arith.index_cast %get3A_2065 : i32 to index
      %get3A_2067 = arith.constant 48 : index
      %get3A_2068 = tpu.vector_load %arg6[%get3A_2066, %get3A_2067] {strides = array<i32>} : memref<100x64xf32, #tpu.memory_space<vmem>>, vector<1x16xf32>,
      %get3A_2069 = vector.shape_cast %get3A_2068 : vector<1x16xf32> to vector<16xf32>
      %add3A_2070 = arith.addf %add3A_2046, %get3A_2069 : vector<16xf32>
      %get3A_2071 = arith.constant 80 : i32
      %get3A_2072 = arith.index_cast %get3A_2071 : i32 to index
      %get3A_2073 = arith.constant 0 : index
      %get3A_2074 = tpu.vector_load %arg6[%get3A_2072, %get3A_2073] {strides = array<i32>} : memref<100x64xf32, #tpu.memory_space<vmem>>, vector<1x16xf32>,
      %get3A_2075 = vector.shape_cast %get3A_2074 : vector<1x16xf32> to vector<16xf32>
      %add3A_2076 = arith.addf %add3A_2052, %get3A_2075 : vector<16xf32>
      %get3A_2077 = arith.constant 80 : i32
      %get3A_2078 = arith.index_cast %get3A_2077 : i32 to index
      %get3A_2079 = arith.constant 16 : index
      %get3A_2080 = tpu.vector_load %arg6[%get3A_2078, %get3A_2079] {strides = array<i32>} : memref<100x64xf32, #tpu.memory_space<vmem>>, vector<1x16xf32>,
      %get3A_2081 = vector.shape_cast %get3A_2080 : vector<1x16xf32> to vector<16xf32>
      %add3A_2082 = arith.addf %add3A_2058, %get3A_2081 : vector<16xf32>
      %get3A_2083 = arith.constant 80 : i32
      %get3A_2084 = arith.index_cast %get3A_2083 : i32 to index
      %get3A_2085 = arith.constant 32 : index
      %get3A_2086 = tpu.vector_load %arg6[%get3A_2084, %get3A_2085] {strides = array<i32>} : memref<100x64xf32, #tpu.memory_space<vmem>>, vector<1x16xf32>,
      %get3A_2087 = vector.shape_cast %get3A_2086 : vector<1x16xf32> to vector<16xf32>
      %add3A_2088 = arith.addf %add3A_2064, %get3A_2087 : vector<16xf32>
      %get3A_2089 = arith.constant 80 : i32
      %get3A_2090 = arith.index_cast %get3A_2089 : i32 to index
      %get3A_2091 = arith.constant 48 : index
      %get3A_2092 = tpu.vector_load %arg6[%get3A_2090, %get3A_2091] {strides = array<i32>} : memref<100x64xf32, #tpu.memory_space<vmem>>, vector<1x16xf32>,
      %get3A_2093 = vector.shape_cast %get3A_2092 : vector<1x16xf32> to vector<16xf32>
      %add3A_2094 = arith.addf %add3A_2070, %get3A_2093 : vector<16xf32>
      %get3A_2095 = arith.constant 81 : i32
      %get3A_2096 = arith.index_cast %get3A_2095 : i32 to index
      %get3A_2097 = arith.constant 0 : index
      %get3A_2098 = tpu.vector_load %arg6[%get3A_2096, %get3A_2097] {strides = array<i32>} : memref<100x64xf32, #tpu.memory_space<vmem>>, vector<1x16xf32>,
      %get3A_2099 = vector.shape_cast %get3A_2098 : vector<1x16xf32> to vector<16xf32>
      %add3A_2100 = arith.addf %add3A_2076, %get3A_2099 : vector<16xf32>
      %get3A_2101 = arith.constant 81 : i32
      %get3A_2102 = arith.index_cast %get3A_2101 : i32 to index
      %get3A_2103 = arith.constant 16 : index
      %get3A_2104 = tpu.vector_load %arg6[%get3A_2102, %get3A_2103] {strides = array<i32>} : memref<100x64xf32, #tpu.memory_space<vmem>>, vector<1x16xf32>,
      %get3A_2105 = vector.shape_cast %get3A_2104 : vector<1x16xf32> to vector<16xf32>
      %add3A_2106 = arith.addf %add3A_2082, %get3A_2105 : vector<16xf32>
      %get3A_2107 = arith.constant 81 : i32
      %get3A_2108 = arith.index_cast %get3A_2107 : i32 to index
      %get3A_2109 = arith.constant 32 : index
      %get3A_2110 = tpu.vector_load %arg6[%get3A_2108, %get3A_2109] {strides = array<i32>} : memref<100x64xf32, #tpu.memory_space<vmem>>, vector<1x16xf32>,
      %get3A_2111 = vector.shape_cast %get3A_2110 : vector<1x16xf32> to vector<16xf32>
      %add3A_2112 = arith.addf %add3A_2088, %get3A_2111 : vector<16xf32>
      %get3A_2113 = arith.constant 81 : i32
      %get3A_2114 = arith.index_cast %get3A_2113 : i32 to index
      %get3A_2115 = arith.constant 48 : index
      %get3A_2116 = tpu.vector_load %arg6[%get3A_2114, %get3A_2115] {strides = array<i32>} : memref<100x64xf32, #tpu.memory_space<vmem>>, vector<1x16xf32>,
      %get3A_2117 = vector.shape_cast %get3A_2116 : vector<1x16xf32> to vector<16xf32>
      %add3A_2118 = arith.addf %add3A_2094, %get3A_2117 : vector<16xf32>
      %get3A_2119 = arith.constant 82 : i32
      %get3A_2120 = arith.index_cast %get3A_2119 : i32 to index
      %get3A_2121 = arith.constant 0 : index
      %get3A_2122 = tpu.vector_load %arg6[%get3A_2120, %get3A_2121] {strides = array<i32>} : memref<100x64xf32, #tpu.memory_space<vmem>>, vector<1x16xf32>,
      %get3A_2123 = vector.shape_cast %get3A_2122 : vector<1x16xf32> to vector<16xf32>
      %add3A_2124 = arith.addf %add3A_2100, %get3A_2123 : vector<16xf32>
      %get3A_2125 = arith.constant 82 : i32
      %get3A_2126 = arith.index_cast %get3A_2125 : i32 to index
      %get3A_2127 = arith.constant 16 : index
      %get3A_2128 = tpu.vector_load %arg6[%get3A_2126, %get3A_2127] {strides = array<i32>} : memref<100x64xf32, #tpu.memory_space<vmem>>, vector<1x16xf32>,
      %get3A_2129 = vector.shape_cast %get3A_2128 : vector<1x16xf32> to vector<16xf32>
      %add3A_2130 = arith.addf %add3A_2106, %get3A_2129 : vector<16xf32>
      %get3A_2131 = arith.constant 82 : i32
      %get3A_2132 = arith.index_cast %get3A_2131 : i32 to index
      %get3A_2133 = arith.constant 32 : index
      %get3A_2134 = tpu.vector_load %arg6[%get3A_2132, %get3A_2133] {strides = array<i32>} : memref<100x64xf32, #tpu.memory_space<vmem>>, vector<1x16xf32>,
      %get3A_2135 = vector.shape_cast %get3A_2134 : vector<1x16xf32> to vector<16xf32>
      %add3A_2136 = arith.addf %add3A_2112, %get3A_2135 : vector<16xf32>
      %get3A_2137 = arith.constant 82 : i32
      %get3A_2138 = arith.index_cast %get3A_2137 : i32 to index
      %get3A_2139 = arith.constant 48 : index
      %get3A_2140 = tpu.vector_load %arg6[%get3A_2138, %get3A_2139] {strides = array<i32>} : memref<100x64xf32, #tpu.memory_space<vmem>>, vector<1x16xf32>,
      %get3A_2141 = vector.shape_cast %get3A_2140 : vector<1x16xf32> to vector<16xf32>
      %add3A_2142 = arith.addf %add3A_2118, %get3A_2141 : vector<16xf32>
      %get3A_2143 = arith.constant 83 : i32
      %get3A_2144 = arith.index_cast %get3A_2143 : i32 to index
      %get3A_2145 = arith.constant 0 : index
      %get3A_2146 = tpu.vector_load %arg6[%get3A_2144, %get3A_2145] {strides = array<i32>} : memref<100x64xf32, #tpu.memory_space<vmem>>, vector<1x16xf32>,
      %get3A_2147 = vector.shape_cast %get3A_2146 : vector<1x16xf32> to vector<16xf32>
      %add3A_2148 = arith.addf %add3A_2124, %get3A_2147 : vector<16xf32>
      %get3A_2149 = arith.constant 83 : i32
      %get3A_2150 = arith.index_cast %get3A_2149 : i32 to index
      %get3A_2151 = arith.constant 16 : index
      %get3A_2152 = tpu.vector_load %arg6[%get3A_2150, %get3A_2151] {strides = array<i32>} : memref<100x64xf32, #tpu.memory_space<vmem>>, vector<1x16xf32>,
      %get3A_2153 = vector.shape_cast %get3A_2152 : vector<1x16xf32> to vector<16xf32>
      %add3A_2154 = arith.addf %add3A_2130, %get3A_2153 : vector<16xf32>
      %get3A_2155 = arith.constant 83 : i32
      %get3A_2156 = arith.index_cast %get3A_2155 : i32 to index
      %get3A_2157 = arith.constant 32 : index
      %get3A_2158 = tpu.vector_load %arg6[%get3A_2156, %get3A_2157] {strides = array<i32>} : memref<100x64xf32, #tpu.memory_space<vmem>>, vector<1x16xf32>,
      %get3A_2159 = vector.shape_cast %get3A_2158 : vector<1x16xf32> to vector<16xf32>
      %add3A_2160 = arith.addf %add3A_2136, %get3A_2159 : vector<16xf32>
      %get3A_2161 = arith.constant 83 : i32
      %get3A_2162 = arith.index_cast %get3A_2161 : i32 to index
      %get3A_2163 = arith.constant 48 : index
      %get3A_2164 = tpu.vector_load %arg6[%get3A_2162, %get3A_2163] {strides = array<i32>} : memref<100x64xf32, #tpu.memory_space<vmem>>, vector<1x16xf32>,
      %get3A_2165 = vector.shape_cast %get3A_2164 : vector<1x16xf32> to vector<16xf32>
      %add3A_2166 = arith.addf %add3A_2142, %get3A_2165 : vector<16xf32>
      %get3A_2167 = arith.constant 84 : i32
      %get3A_2168 = arith.index_cast %get3A_2167 : i32 to index
      %get3A_2169 = arith.constant 0 : index
      %get3A_2170 = tpu.vector_load %arg6[%get3A_2168, %get3A_2169] {strides = array<i32>} : memref<100x64xf32, #tpu.memory_space<vmem>>, vector<1x16xf32>,
      %get3A_2171 = vector.shape_cast %get3A_2170 : vector<1x16xf32> to vector<16xf32>
      %add3A_2172 = arith.addf %add3A_2148, %get3A_2171 : vector<16xf32>
      %get3A_2173 = arith.constant 84 : i32
      %get3A_2174 = arith.index_cast %get3A_2173 : i32 to index
      %get3A_2175 = arith.constant 16 : index
      %get3A_2176 = tpu.vector_load %arg6[%get3A_2174, %get3A_2175] {strides = array<i32>} : memref<100x64xf32, #tpu.memory_space<vmem>>, vector<1x16xf32>,
      %get3A_2177 = vector.shape_cast %get3A_2176 : vector<1x16xf32> to vector<16xf32>
      %add3A_2178 = arith.addf %add3A_2154, %get3A_2177 : vector<16xf32>
      %get3A_2179 = arith.constant 84 : i32
      %get3A_2180 = arith.index_cast %get3A_2179 : i32 to index
      %get3A_2181 = arith.constant 32 : index
      %get3A_2182 = tpu.vector_load %arg6[%get3A_2180, %get3A_2181] {strides = array<i32>} : memref<100x64xf32, #tpu.memory_space<vmem>>, vector<1x16xf32>,
      %get3A_2183 = vector.shape_cast %get3A_2182 : vector<1x16xf32> to vector<16xf32>
      %add3A_2184 = arith.addf %add3A_2160, %get3A_2183 : vector<16xf32>
      %get3A_2185 = arith.constant 84 : i32
      %get3A_2186 = arith.index_cast %get3A_2185 : i32 to index
      %get3A_2187 = arith.constant 48 : index
      %get3A_2188 = tpu.vector_load %arg6[%get3A_2186, %get3A_2187] {strides = array<i32>} : memref<100x64xf32, #tpu.memory_space<vmem>>, vector<1x16xf32>,
      %get3A_2189 = vector.shape_cast %get3A_2188 : vector<1x16xf32> to vector<16xf32>
      %add3A_2190 = arith.addf %add3A_2166, %get3A_2189 : vector<16xf32>
      %get3A_2191 = arith.constant 85 : i32
      %get3A_2192 = arith.index_cast %get3A_2191 : i32 to index
      %get3A_2193 = arith.constant 0 : index
      %get3A_2194 = tpu.vector_load %arg6[%get3A_2192, %get3A_2193] {strides = array<i32>} : memref<100x64xf32, #tpu.memory_space<vmem>>, vector<1x16xf32>,
      %get3A_2195 = vector.shape_cast %get3A_2194 : vector<1x16xf32> to vector<16xf32>
      %add3A_2196 = arith.addf %add3A_2172, %get3A_2195 : vector<16xf32>
      %get3A_2197 = arith.constant 85 : i32
      %get3A_2198 = arith.index_cast %get3A_2197 : i32 to index
      %get3A_2199 = arith.constant 16 : index
      %get3A_2200 = tpu.vector_load %arg6[%get3A_2198, %get3A_2199] {strides = array<i32>} : memref<100x64xf32, #tpu.memory_space<vmem>>, vector<1x16xf32>,
      %get3A_2201 = vector.shape_cast %get3A_2200 : vector<1x16xf32> to vector<16xf32>
      %add3A_2202 = arith.addf %add3A_2178, %get3A_2201 : vector<16xf32>
      %get3A_2203 = arith.constant 85 : i32
      %get3A_2204 = arith.index_cast %get3A_2203 : i32 to index
      %get3A_2205 = arith.constant 32 : index
      %get3A_2206 = tpu.vector_load %arg6[%get3A_2204, %get3A_2205] {strides = array<i32>} : memref<100x64xf32, #tpu.memory_space<vmem>>, vector<1x16xf32>,
      %get3A_2207 = vector.shape_cast %get3A_2206 : vector<1x16xf32> to vector<16xf32>
      %add3A_2208 = arith.addf %add3A_2184, %get3A_2207 : vector<16xf32>
      %get3A_2209 = arith.constant 85 : i32
      %get3A_2210 = arith.index_cast %get3A_2209 : i32 to index
      %get3A_2211 = arith.constant 48 : index
      %get3A_2212 = tpu.vector_load %arg6[%get3A_2210, %get3A_2211] {strides = array<i32>} : memref<100x64xf32, #tpu.memory_space<vmem>>, vector<1x16xf32>,
      %get3A_2213 = vector.shape_cast %get3A_2212 : vector<1x16xf32> to vector<16xf32>
      %add3A_2214 = arith.addf %add3A_2190, %get3A_2213 : vector<16xf32>
      %get3A_2215 = arith.constant 86 : i32
      %get3A_2216 = arith.index_cast %get3A_2215 : i32 to index
      %get3A_2217 = arith.constant 0 : index
      %get3A_2218 = tpu.vector_load %arg6[%get3A_2216, %get3A_2217] {strides = array<i32>} : memref<100x64xf32, #tpu.memory_space<vmem>>, vector<1x16xf32>,
      %get3A_2219 = vector.shape_cast %get3A_2218 : vector<1x16xf32> to vector<16xf32>
      %add3A_2220 = arith.addf %add3A_2196, %get3A_2219 : vector<16xf32>
      %get3A_2221 = arith.constant 86 : i32
      %get3A_2222 = arith.index_cast %get3A_2221 : i32 to index
      %get3A_2223 = arith.constant 16 : index
      %get3A_2224 = tpu.vector_load %arg6[%get3A_2222, %get3A_2223] {strides = array<i32>} : memref<100x64xf32, #tpu.memory_space<vmem>>, vector<1x16xf32>,
      %get3A_2225 = vector.shape_cast %get3A_2224 : vector<1x16xf32> to vector<16xf32>
      %add3A_2226 = arith.addf %add3A_2202, %get3A_2225 : vector<16xf32>
      %get3A_2227 = arith.constant 86 : i32
      %get3A_2228 = arith.index_cast %get3A_2227 : i32 to index
      %get3A_2229 = arith.constant 32 : index
      %get3A_2230 = tpu.vector_load %arg6[%get3A_2228, %get3A_2229] {strides = array<i32>} : memref<100x64xf32, #tpu.memory_space<vmem>>, vector<1x16xf32>,
      %get3A_2231 = vector.shape_cast %get3A_2230 : vector<1x16xf32> to vector<16xf32>
      %add3A_2232 = arith.addf %add3A_2208, %get3A_2231 : vector<16xf32>
      %get3A_2233 = arith.constant 86 : i32
      %get3A_2234 = arith.index_cast %get3A_2233 : i32 to index
      %get3A_2235 = arith.constant 48 : index
      %get3A_2236 = tpu.vector_load %arg6[%get3A_2234, %get3A_2235] {strides = array<i32>} : memref<100x64xf32, #tpu.memory_space<vmem>>, vector<1x16xf32>,
      %get3A_2237 = vector.shape_cast %get3A_2236 : vector<1x16xf32> to vector<16xf32>
      %add3A_2238 = arith.addf %add3A_2214, %get3A_2237 : vector<16xf32>
      %get3A_2239 = arith.constant 87 : i32
      %get3A_2240 = arith.index_cast %get3A_2239 : i32 to index
      %get3A_2241 = arith.constant 0 : index
      %get3A_2242 = tpu.vector_load %arg6[%get3A_2240, %get3A_2241] {strides = array<i32>} : memref<100x64xf32, #tpu.memory_space<vmem>>, vector<1x16xf32>,
      %get3A_2243 = vector.shape_cast %get3A_2242 : vector<1x16xf32> to vector<16xf32>
      %add3A_2244 = arith.addf %add3A_2220, %get3A_2243 : vector<16xf32>
      %get3A_2245 = arith.constant 87 : i32
      %get3A_2246 = arith.index_cast %get3A_2245 : i32 to index
      %get3A_2247 = arith.constant 16 : index
      %get3A_2248 = tpu.vector_load %arg6[%get3A_2246, %get3A_2247] {strides = array<i32>} : memref<100x64xf32, #tpu.memory_space<vmem>>, vector<1x16xf32>,
      %get3A_2249 = vector.shape_cast %get3A_2248 : vector<1x16xf32> to vector<16xf32>
      %add3A_2250 = arith.addf %add3A_2226, %get3A_2249 : vector<16xf32>
      %get3A_2251 = arith.constant 87 : i32
      %get3A_2252 = arith.index_cast %get3A_2251 : i32 to index
      %get3A_2253 = arith.constant 32 : index
      %get3A_2254 = tpu.vector_load %arg6[%get3A_2252, %get3A_2253] {strides = array<i32>} : memref<100x64xf32, #tpu.memory_space<vmem>>, vector<1x16xf32>,
      %get3A_2255 = vector.shape_cast %get3A_2254 : vector<1x16xf32> to vector<16xf32>
      %add3A_2256 = arith.addf %add3A_2232, %get3A_2255 : vector<16xf32>
      %get3A_2257 = arith.constant 87 : i32
      %get3A_2258 = arith.index_cast %get3A_2257 : i32 to index
      %get3A_2259 = arith.constant 48 : index
      %get3A_2260 = tpu.vector_load %arg6[%get3A_2258, %get3A_2259] {strides = array<i32>} : memref<100x64xf32, #tpu.memory_space<vmem>>, vector<1x16xf32>,
      %get3A_2261 = vector.shape_cast %get3A_2260 : vector<1x16xf32> to vector<16xf32>
      %add3A_2262 = arith.addf %add3A_2238, %get3A_2261 : vector<16xf32>
      %get3A_2263 = arith.constant 88 : i32
      %get3A_2264 = arith.index_cast %get3A_2263 : i32 to index
      %get3A_2265 = arith.constant 0 : index
      %get3A_2266 = tpu.vector_load %arg6[%get3A_2264, %get3A_2265] {strides = array<i32>} : memref<100x64xf32, #tpu.memory_space<vmem>>, vector<1x16xf32>,
      %get3A_2267 = vector.shape_cast %get3A_2266 : vector<1x16xf32> to vector<16xf32>
      %add3A_2268 = arith.addf %add3A_2244, %get3A_2267 : vector<16xf32>
      %get3A_2269 = arith.constant 88 : i32
      %get3A_2270 = arith.index_cast %get3A_2269 : i32 to index
      %get3A_2271 = arith.constant 16 : index
      %get3A_2272 = tpu.vector_load %arg6[%get3A_2270, %get3A_2271] {strides = array<i32>} : memref<100x64xf32, #tpu.memory_space<vmem>>, vector<1x16xf32>,
      %get3A_2273 = vector.shape_cast %get3A_2272 : vector<1x16xf32> to vector<16xf32>
      %add3A_2274 = arith.addf %add3A_2250, %get3A_2273 : vector<16xf32>
      %get3A_2275 = arith.constant 88 : i32
      %get3A_2276 = arith.index_cast %get3A_2275 : i32 to index
      %get3A_2277 = arith.constant 32 : index
      %get3A_2278 = tpu.vector_load %arg6[%get3A_2276, %get3A_2277] {strides = array<i32>} : memref<100x64xf32, #tpu.memory_space<vmem>>, vector<1x16xf32>,
      %get3A_2279 = vector.shape_cast %get3A_2278 : vector<1x16xf32> to vector<16xf32>
      %add3A_2280 = arith.addf %add3A_2256, %get3A_2279 : vector<16xf32>
      %get3A_2281 = arith.constant 88 : i32
      %get3A_2282 = arith.index_cast %get3A_2281 : i32 to index
      %get3A_2283 = arith.constant 48 : index
      %get3A_2284 = tpu.vector_load %arg6[%get3A_2282, %get3A_2283] {strides = array<i32>} : memref<100x64xf32, #tpu.memory_space<vmem>>, vector<1x16xf32>,
      %get3A_2285 = vector.shape_cast %get3A_2284 : vector<1x16xf32> to vector<16xf32>
      %add3A_2286 = arith.addf %add3A_2262, %get3A_2285 : vector<16xf32>
      %get3A_2287 = arith.constant 89 : i32
      %get3A_2288 = arith.index_cast %get3A_2287 : i32 to index
      %get3A_2289 = arith.constant 0 : index
      %get3A_2290 = tpu.vector_load %arg6[%get3A_2288, %get3A_2289] {strides = array<i32>} : memref<100x64xf32, #tpu.memory_space<vmem>>, vector<1x16xf32>,
      %get3A_2291 = vector.shape_cast %get3A_2290 : vector<1x16xf32> to vector<16xf32>
      %add3A_2292 = arith.addf %add3A_2268, %get3A_2291 : vector<16xf32>
      %get3A_2293 = arith.constant 89 : i32
      %get3A_2294 = arith.index_cast %get3A_2293 : i32 to index
      %get3A_2295 = arith.constant 16 : index
      %get3A_2296 = tpu.vector_load %arg6[%get3A_2294, %get3A_2295] {strides = array<i32>} : memref<100x64xf32, #tpu.memory_space<vmem>>, vector<1x16xf32>,
      %get3A_2297 = vector.shape_cast %get3A_2296 : vector<1x16xf32> to vector<16xf32>
      %add3A_2298 = arith.addf %add3A_2274, %get3A_2297 : vector<16xf32>
      %get3A_2299 = arith.constant 89 : i32
      %get3A_2300 = arith.index_cast %get3A_2299 : i32 to index
      %get3A_2301 = arith.constant 32 : index
      %get3A_2302 = tpu.vector_load %arg6[%get3A_2300, %get3A_2301] {strides = array<i32>} : memref<100x64xf32, #tpu.memory_space<vmem>>, vector<1x16xf32>,
      %get3A_2303 = vector.shape_cast %get3A_2302 : vector<1x16xf32> to vector<16xf32>
      %add3A_2304 = arith.addf %add3A_2280, %get3A_2303 : vector<16xf32>
      %get3A_2305 = arith.constant 89 : i32
      %get3A_2306 = arith.index_cast %get3A_2305 : i32 to index
      %get3A_2307 = arith.constant 48 : index
      %get3A_2308 = tpu.vector_load %arg6[%get3A_2306, %get3A_2307] {strides = array<i32>} : memref<100x64xf32, #tpu.memory_space<vmem>>, vector<1x16xf32>,
      %get3A_2309 = vector.shape_cast %get3A_2308 : vector<1x16xf32> to vector<16xf32>
      %add3A_2310 = arith.addf %add3A_2286, %get3A_2309 : vector<16xf32>
      %get3A_2311 = arith.constant 90 : i32
      %get3A_2312 = arith.index_cast %get3A_2311 : i32 to index
      %get3A_2313 = arith.constant 0 : index
      %get3A_2314 = tpu.vector_load %arg6[%get3A_2312, %get3A_2313] {strides = array<i32>} : memref<100x64xf32, #tpu.memory_space<vmem>>, vector<1x16xf32>,
      %get3A_2315 = vector.shape_cast %get3A_2314 : vector<1x16xf32> to vector<16xf32>
      %add3A_2316 = arith.addf %add3A_2292, %get3A_2315 : vector<16xf32>
      %get3A_2317 = arith.constant 90 : i32
      %get3A_2318 = arith.index_cast %get3A_2317 : i32 to index
      %get3A_2319 = arith.constant 16 : index
      %get3A_2320 = tpu.vector_load %arg6[%get3A_2318, %get3A_2319] {strides = array<i32>} : memref<100x64xf32, #tpu.memory_space<vmem>>, vector<1x16xf32>,
      %get3A_2321 = vector.shape_cast %get3A_2320 : vector<1x16xf32> to vector<16xf32>
      %add3A_2322 = arith.addf %add3A_2298, %get3A_2321 : vector<16xf32>
      %get3A_2323 = arith.constant 90 : i32
      %get3A_2324 = arith.index_cast %get3A_2323 : i32 to index
      %get3A_2325 = arith.constant 32 : index
      %get3A_2326 = tpu.vector_load %arg6[%get3A_2324, %get3A_2325] {strides = array<i32>} : memref<100x64xf32, #tpu.memory_space<vmem>>, vector<1x16xf32>,
      %get3A_2327 = vector.shape_cast %get3A_2326 : vector<1x16xf32> to vector<16xf32>
      %add3A_2328 = arith.addf %add3A_2304, %get3A_2327 : vector<16xf32>
      %get3A_2329 = arith.constant 90 : i32
      %get3A_2330 = arith.index_cast %get3A_2329 : i32 to index
      %get3A_2331 = arith.constant 48 : index
      %get3A_2332 = tpu.vector_load %arg6[%get3A_2330, %get3A_2331] {strides = array<i32>} : memref<100x64xf32, #tpu.memory_space<vmem>>, vector<1x16xf32>,
      %get3A_2333 = vector.shape_cast %get3A_2332 : vector<1x16xf32> to vector<16xf32>
      %add3A_2334 = arith.addf %add3A_2310, %get3A_2333 : vector<16xf32>
      %get3A_2335 = arith.constant 91 : i32
      %get3A_2336 = arith.index_cast %get3A_2335 : i32 to index
      %get3A_2337 = arith.constant 0 : index
      %get3A_2338 = tpu.vector_load %arg6[%get3A_2336, %get3A_2337] {strides = array<i32>} : memref<100x64xf32, #tpu.memory_space<vmem>>, vector<1x16xf32>,
      %get3A_2339 = vector.shape_cast %get3A_2338 : vector<1x16xf32> to vector<16xf32>
      %add3A_2340 = arith.addf %add3A_2316, %get3A_2339 : vector<16xf32>
      %get3A_2341 = arith.constant 91 : i32
      %get3A_2342 = arith.index_cast %get3A_2341 : i32 to index
      %get3A_2343 = arith.constant 16 : index
      %get3A_2344 = tpu.vector_load %arg6[%get3A_2342, %get3A_2343] {strides = array<i32>} : memref<100x64xf32, #tpu.memory_space<vmem>>, vector<1x16xf32>,
      %get3A_2345 = vector.shape_cast %get3A_2344 : vector<1x16xf32> to vector<16xf32>
      %add3A_2346 = arith.addf %add3A_2322, %get3A_2345 : vector<16xf32>
      %get3A_2347 = arith.constant 91 : i32
      %get3A_2348 = arith.index_cast %get3A_2347 : i32 to index
      %get3A_2349 = arith.constant 32 : index
      %get3A_2350 = tpu.vector_load %arg6[%get3A_2348, %get3A_2349] {strides = array<i32>} : memref<100x64xf32, #tpu.memory_space<vmem>>, vector<1x16xf32>,
      %get3A_2351 = vector.shape_cast %get3A_2350 : vector<1x16xf32> to vector<16xf32>
      %add3A_2352 = arith.addf %add3A_2328, %get3A_2351 : vector<16xf32>
      %get3A_2353 = arith.constant 91 : i32
      %get3A_2354 = arith.index_cast %get3A_2353 : i32 to index
      %get3A_2355 = arith.constant 48 : index
      %get3A_2356 = tpu.vector_load %arg6[%get3A_2354, %get3A_2355] {strides = array<i32>} : memref<100x64xf32, #tpu.memory_space<vmem>>, vector<1x16xf32>,
      %get3A_2357 = vector.shape_cast %get3A_2356 : vector<1x16xf32> to vector<16xf32>
      %add3A_2358 = arith.addf %add3A_2334, %get3A_2357 : vector<16xf32>
      %get3A_2359 = arith.constant 92 : i32
      %get3A_2360 = arith.index_cast %get3A_2359 : i32 to index
      %get3A_2361 = arith.constant 0 : index
      %get3A_2362 = tpu.vector_load %arg6[%get3A_2360, %get3A_2361] {strides = array<i32>} : memref<100x64xf32, #tpu.memory_space<vmem>>, vector<1x16xf32>,
      %get3A_2363 = vector.shape_cast %get3A_2362 : vector<1x16xf32> to vector<16xf32>
      %add3A_2364 = arith.addf %add3A_2340, %get3A_2363 : vector<16xf32>
      %get3A_2365 = arith.constant 92 : i32
      %get3A_2366 = arith.index_cast %get3A_2365 : i32 to index
      %get3A_2367 = arith.constant 16 : index
      %get3A_2368 = tpu.vector_load %arg6[%get3A_2366, %get3A_2367] {strides = array<i32>} : memref<100x64xf32, #tpu.memory_space<vmem>>, vector<1x16xf32>,
      %get3A_2369 = vector.shape_cast %get3A_2368 : vector<1x16xf32> to vector<16xf32>
      %add3A_2370 = arith.addf %add3A_2346, %get3A_2369 : vector<16xf32>
      %get3A_2371 = arith.constant 92 : i32
      %get3A_2372 = arith.index_cast %get3A_2371 : i32 to index
      %get3A_2373 = arith.constant 32 : index
      %get3A_2374 = tpu.vector_load %arg6[%get3A_2372, %get3A_2373] {strides = array<i32>} : memref<100x64xf32, #tpu.memory_space<vmem>>, vector<1x16xf32>,
      %get3A_2375 = vector.shape_cast %get3A_2374 : vector<1x16xf32> to vector<16xf32>
      %add3A_2376 = arith.addf %add3A_2352, %get3A_2375 : vector<16xf32>
      %get3A_2377 = arith.constant 92 : i32
      %get3A_2378 = arith.index_cast %get3A_2377 : i32 to index
      %get3A_2379 = arith.constant 48 : index
      %get3A_2380 = tpu.vector_load %arg6[%get3A_2378, %get3A_2379] {strides = array<i32>} : memref<100x64xf32, #tpu.memory_space<vmem>>, vector<1x16xf32>,
      %get3A_2381 = vector.shape_cast %get3A_2380 : vector<1x16xf32> to vector<16xf32>
      %add3A_2382 = arith.addf %add3A_2358, %get3A_2381 : vector<16xf32>
      %get3A_2383 = arith.constant 93 : i32
      %get3A_2384 = arith.index_cast %get3A_2383 : i32 to index
      %get3A_2385 = arith.constant 0 : index
      %get3A_2386 = tpu.vector_load %arg6[%get3A_2384, %get3A_2385] {strides = array<i32>} : memref<100x64xf32, #tpu.memory_space<vmem>>, vector<1x16xf32>,
      %get3A_2387 = vector.shape_cast %get3A_2386 : vector<1x16xf32> to vector<16xf32>
      %add3A_2388 = arith.addf %add3A_2364, %get3A_2387 : vector<16xf32>
      %get3A_2389 = arith.constant 93 : i32
      %get3A_2390 = arith.index_cast %get3A_2389 : i32 to index
      %get3A_2391 = arith.constant 16 : index
      %get3A_2392 = tpu.vector_load %arg6[%get3A_2390, %get3A_2391] {strides = array<i32>} : memref<100x64xf32, #tpu.memory_space<vmem>>, vector<1x16xf32>,
      %get3A_2393 = vector.shape_cast %get3A_2392 : vector<1x16xf32> to vector<16xf32>
      %add3A_2394 = arith.addf %add3A_2370, %get3A_2393 : vector<16xf32>
      %get3A_2395 = arith.constant 93 : i32
      %get3A_2396 = arith.index_cast %get3A_2395 : i32 to index
      %get3A_2397 = arith.constant 32 : index
      %get3A_2398 = tpu.vector_load %arg6[%get3A_2396, %get3A_2397] {strides = array<i32>} : memref<100x64xf32, #tpu.memory_space<vmem>>, vector<1x16xf32>,
      %get3A_2399 = vector.shape_cast %get3A_2398 : vector<1x16xf32> to vector<16xf32>
      %add3A_2400 = arith.addf %add3A_2376, %get3A_2399 : vector<16xf32>
      %get3A_2401 = arith.constant 93 : i32
      %get3A_2402 = arith.index_cast %get3A_2401 : i32 to index
      %get3A_2403 = arith.constant 48 : index
      %get3A_2404 = tpu.vector_load %arg6[%get3A_2402, %get3A_2403] {strides = array<i32>} : memref<100x64xf32, #tpu.memory_space<vmem>>, vector<1x16xf32>,
      %get3A_2405 = vector.shape_cast %get3A_2404 : vector<1x16xf32> to vector<16xf32>
      %add3A_2406 = arith.addf %add3A_2382, %get3A_2405 : vector<16xf32>
      %get3A_2407 = arith.constant 94 : i32
      %get3A_2408 = arith.index_cast %get3A_2407 : i32 to index
      %get3A_2409 = arith.constant 0 : index
      %get3A_2410 = tpu.vector_load %arg6[%get3A_2408, %get3A_2409] {strides = array<i32>} : memref<100x64xf32, #tpu.memory_space<vmem>>, vector<1x16xf32>,
      %get3A_2411 = vector.shape_cast %get3A_2410 : vector<1x16xf32> to vector<16xf32>
      %add3A_2412 = arith.addf %add3A_2388, %get3A_2411 : vector<16xf32>
      %get3A_2413 = arith.constant 94 : i32
      %get3A_2414 = arith.index_cast %get3A_2413 : i32 to index
      %get3A_2415 = arith.constant 16 : index
      %get3A_2416 = tpu.vector_load %arg6[%get3A_2414, %get3A_2415] {strides = array<i32>} : memref<100x64xf32, #tpu.memory_space<vmem>>, vector<1x16xf32>,
      %get3A_2417 = vector.shape_cast %get3A_2416 : vector<1x16xf32> to vector<16xf32>
      %add3A_2418 = arith.addf %add3A_2394, %get3A_2417 : vector<16xf32>
      %get3A_2419 = arith.constant 94 : i32
      %get3A_2420 = arith.index_cast %get3A_2419 : i32 to index
      %get3A_2421 = arith.constant 32 : index
      %get3A_2422 = tpu.vector_load %arg6[%get3A_2420, %get3A_2421] {strides = array<i32>} : memref<100x64xf32, #tpu.memory_space<vmem>>, vector<1x16xf32>,
      %get3A_2423 = vector.shape_cast %get3A_2422 : vector<1x16xf32> to vector<16xf32>
      %add3A_2424 = arith.addf %add3A_2400, %get3A_2423 : vector<16xf32>
      %get3A_2425 = arith.constant 94 : i32
      %get3A_2426 = arith.index_cast %get3A_2425 : i32 to index
      %get3A_2427 = arith.constant 48 : index
      %get3A_2428 = tpu.vector_load %arg6[%get3A_2426, %get3A_2427] {strides = array<i32>} : memref<100x64xf32, #tpu.memory_space<vmem>>, vector<1x16xf32>,
      %get3A_2429 = vector.shape_cast %get3A_2428 : vector<1x16xf32> to vector<16xf32>
      %add3A_2430 = arith.addf %add3A_2406, %get3A_2429 : vector<16xf32>
      %get3A_2431 = arith.constant 95 : i32
      %get3A_2432 = arith.index_cast %get3A_2431 : i32 to index
      %get3A_2433 = arith.constant 0 : index
      %get3A_2434 = tpu.vector_load %arg6[%get3A_2432, %get3A_2433] {strides = array<i32>} : memref<100x64xf32, #tpu.memory_space<vmem>>, vector<1x16xf32>,
      %get3A_2435 = vector.shape_cast %get3A_2434 : vector<1x16xf32> to vector<16xf32>
      %add3A_2436 = arith.addf %add3A_2412, %get3A_2435 : vector<16xf32>
      %get3A_2437 = arith.constant 95 : i32
      %get3A_2438 = arith.index_cast %get3A_2437 : i32 to index
      %get3A_2439 = arith.constant 16 : index
      %get3A_2440 = tpu.vector_load %arg6[%get3A_2438, %get3A_2439] {strides = array<i32>} : memref<100x64xf32, #tpu.memory_space<vmem>>, vector<1x16xf32>,
      %get3A_2441 = vector.shape_cast %get3A_2440 : vector<1x16xf32> to vector<16xf32>
      %add3A_2442 = arith.addf %add3A_2418, %get3A_2441 : vector<16xf32>
      %get3A_2443 = arith.constant 95 : i32
      %get3A_2444 = arith.index_cast %get3A_2443 : i32 to index
      %get3A_2445 = arith.constant 32 : index
      %get3A_2446 = tpu.vector_load %arg6[%get3A_2444, %get3A_2445] {strides = array<i32>} : memref<100x64xf32, #tpu.memory_space<vmem>>, vector<1x16xf32>,
      %get3A_2447 = vector.shape_cast %get3A_2446 : vector<1x16xf32> to vector<16xf32>
      %add3A_2448 = arith.addf %add3A_2424, %get3A_2447 : vector<16xf32>
      %get3A_2449 = arith.constant 95 : i32
      %get3A_2450 = arith.index_cast %get3A_2449 : i32 to index
      %get3A_2451 = arith.constant 48 : index
      %get3A_2452 = tpu.vector_load %arg6[%get3A_2450, %get3A_2451] {strides = array<i32>} : memref<100x64xf32, #tpu.memory_space<vmem>>, vector<1x16xf32>,
      %get3A_2453 = vector.shape_cast %get3A_2452 : vector<1x16xf32> to vector<16xf32>
      %add3A_2454 = arith.addf %add3A_2430, %get3A_2453 : vector<16xf32>
      %get3A_2455 = arith.constant 96 : i32
      %get3A_2456 = arith.index_cast %get3A_2455 : i32 to index
      %get3A_2457 = arith.constant 0 : index
      %get3A_2458 = tpu.vector_load %arg6[%get3A_2456, %get3A_2457] {strides = array<i32>} : memref<100x64xf32, #tpu.memory_space<vmem>>, vector<1x16xf32>,
      %get3A_2459 = vector.shape_cast %get3A_2458 : vector<1x16xf32> to vector<16xf32>
      %add3A_2460 = arith.addf %add3A_2436, %get3A_2459 : vector<16xf32>
      %get3A_2461 = arith.constant 96 : i32
      %get3A_2462 = arith.index_cast %get3A_2461 : i32 to index
      %get3A_2463 = arith.constant 16 : index
      %get3A_2464 = tpu.vector_load %arg6[%get3A_2462, %get3A_2463] {strides = array<i32>} : memref<100x64xf32, #tpu.memory_space<vmem>>, vector<1x16xf32>,
      %get3A_2465 = vector.shape_cast %get3A_2464 : vector<1x16xf32> to vector<16xf32>
      %add3A_2466 = arith.addf %add3A_2442, %get3A_2465 : vector<16xf32>
      %get3A_2467 = arith.constant 96 : i32
      %get3A_2468 = arith.index_cast %get3A_2467 : i32 to index
      %get3A_2469 = arith.constant 32 : index
      %get3A_2470 = tpu.vector_load %arg6[%get3A_2468, %get3A_2469] {strides = array<i32>} : memref<100x64xf32, #tpu.memory_space<vmem>>, vector<1x16xf32>,
      %get3A_2471 = vector.shape_cast %get3A_2470 : vector<1x16xf32> to vector<16xf32>
      %add3A_2472 = arith.addf %add3A_2448, %get3A_2471 : vector<16xf32>
      %get3A_2473 = arith.constant 96 : i32
      %get3A_2474 = arith.index_cast %get3A_2473 : i32 to index
      %get3A_2475 = arith.constant 48 : index
      %get3A_2476 = tpu.vector_load %arg6[%get3A_2474, %get3A_2475] {strides = array<i32>} : memref<100x64xf32, #tpu.memory_space<vmem>>, vector<1x16xf32>,
      %get3A_2477 = vector.shape_cast %get3A_2476 : vector<1x16xf32> to vector<16xf32>
      %add3A_2478 = arith.addf %add3A_2454, %get3A_2477 : vector<16xf32>
      %get3A_2479 = arith.constant 97 : i32
      %get3A_2480 = arith.index_cast %get3A_2479 : i32 to index
      %get3A_2481 = arith.constant 0 : index
      %get3A_2482 = tpu.vector_load %arg6[%get3A_2480, %get3A_2481] {strides = array<i32>} : memref<100x64xf32, #tpu.memory_space<vmem>>, vector<1x16xf32>,
      %get3A_2483 = vector.shape_cast %get3A_2482 : vector<1x16xf32> to vector<16xf32>
      %add3A_2484 = arith.addf %add3A_2460, %get3A_2483 : vector<16xf32>
      %get3A_2485 = arith.constant 97 : i32
      %get3A_2486 = arith.index_cast %get3A_2485 : i32 to index
      %get3A_2487 = arith.constant 16 : index
      %get3A_2488 = tpu.vector_load %arg6[%get3A_2486, %get3A_2487] {strides = array<i32>} : memref<100x64xf32, #tpu.memory_space<vmem>>, vector<1x16xf32>,
      %get3A_2489 = vector.shape_cast %get3A_2488 : vector<1x16xf32> to vector<16xf32>
      %add3A_2490 = arith.addf %add3A_2466, %get3A_2489 : vector<16xf32>
      %get3A_2491 = arith.constant 97 : i32
      %get3A_2492 = arith.index_cast %get3A_2491 : i32 to index
      %get3A_2493 = arith.constant 32 : index
      %get3A_2494 = tpu.vector_load %arg6[%get3A_2492, %get3A_2493] {strides = array<i32>} : memref<100x64xf32, #tpu.memory_space<vmem>>, vector<1x16xf32>,
      %get3A_2495 = vector.shape_cast %get3A_2494 : vector<1x16xf32> to vector<16xf32>
      %add3A_2496 = arith.addf %add3A_2472, %get3A_2495 : vector<16xf32>
      %get3A_2497 = arith.constant 97 : i32
      %get3A_2498 = arith.index_cast %get3A_2497 : i32 to index
      %get3A_2499 = arith.constant 48 : index
      %get3A_2500 = tpu.vector_load %arg6[%get3A_2498, %get3A_2499] {strides = array<i32>} : memref<100x64xf32, #tpu.memory_space<vmem>>, vector<1x16xf32>,
      %get3A_2501 = vector.shape_cast %get3A_2500 : vector<1x16xf32> to vector<16xf32>
      %add3A_2502 = arith.addf %add3A_2478, %get3A_2501 : vector<16xf32>
      %get3A_2503 = arith.constant 98 : i32
      %get3A_2504 = arith.index_cast %get3A_2503 : i32 to index
      %get3A_2505 = arith.constant 0 : index
      %get3A_2506 = tpu.vector_load %arg6[%get3A_2504, %get3A_2505] {strides = array<i32>} : memref<100x64xf32, #tpu.memory_space<vmem>>, vector<1x16xf32>,
      %get3A_2507 = vector.shape_cast %get3A_2506 : vector<1x16xf32> to vector<16xf32>
      %add3A_2508 = arith.addf %add3A_2484, %get3A_2507 : vector<16xf32>
      %get3A_2509 = arith.constant 98 : i32
      %get3A_2510 = arith.index_cast %get3A_2509 : i32 to index
      %get3A_2511 = arith.constant 16 : index
      %get3A_2512 = tpu.vector_load %arg6[%get3A_2510, %get3A_2511] {strides = array<i32>} : memref<100x64xf32, #tpu.memory_space<vmem>>, vector<1x16xf32>,
      %get3A_2513 = vector.shape_cast %get3A_2512 : vector<1x16xf32> to vector<16xf32>
      %add3A_2514 = arith.addf %add3A_2490, %get3A_2513 : vector<16xf32>
      %get3A_2515 = arith.constant 98 : i32
      %get3A_2516 = arith.index_cast %get3A_2515 : i32 to index
      %get3A_2517 = arith.constant 32 : index
      %get3A_2518 = tpu.vector_load %arg6[%get3A_2516, %get3A_2517] {strides = array<i32>} : memref<100x64xf32, #tpu.memory_space<vmem>>, vector<1x16xf32>,
      %get3A_2519 = vector.shape_cast %get3A_2518 : vector<1x16xf32> to vector<16xf32>
      %add3A_2520 = arith.addf %add3A_2496, %get3A_2519 : vector<16xf32>
      %get3A_2521 = arith.constant 98 : i32
      %get3A_2522 = arith.index_cast %get3A_2521 : i32 to index
      %get3A_2523 = arith.constant 48 : index
      %get3A_2524 = tpu.vector_load %arg6[%get3A_2522, %get3A_2523] {strides = array<i32>} : memref<100x64xf32, #tpu.memory_space<vmem>>, vector<1x16xf32>,
      %get3A_2525 = vector.shape_cast %get3A_2524 : vector<1x16xf32> to vector<16xf32>
      %add3A_2526 = arith.addf %add3A_2502, %get3A_2525 : vector<16xf32>
      %get3A_2527 = arith.constant 99 : i32
      %get3A_2528 = arith.index_cast %get3A_2527 : i32 to index
      %get3A_2529 = arith.constant 0 : index
      %get3A_2530 = tpu.vector_load %arg6[%get3A_2528, %get3A_2529] {strides = array<i32>} : memref<100x64xf32, #tpu.memory_space<vmem>>, vector<1x16xf32>,
      %get3A_2531 = vector.shape_cast %get3A_2530 : vector<1x16xf32> to vector<16xf32>
      %add3A_2532 = arith.addf %add3A_2508, %get3A_2531 : vector<16xf32>
      %get3A_2533 = arith.constant 99 : i32
      %get3A_2534 = arith.index_cast %get3A_2533 : i32 to index
      %get3A_2535 = arith.constant 16 : index
      %get3A_2536 = tpu.vector_load %arg6[%get3A_2534, %get3A_2535] {strides = array<i32>} : memref<100x64xf32, #tpu.memory_space<vmem>>, vector<1x16xf32>,
      %get3A_2537 = vector.shape_cast %get3A_2536 : vector<1x16xf32> to vector<16xf32>
      %add3A_2538 = arith.addf %add3A_2514, %get3A_2537 : vector<16xf32>
      %get3A_2539 = arith.constant 99 : i32
      %get3A_2540 = arith.index_cast %get3A_2539 : i32 to index
      %get3A_2541 = arith.constant 32 : index
      %get3A_2542 = tpu.vector_load %arg6[%get3A_2540, %get3A_2541] {strides = array<i32>} : memref<100x64xf32, #tpu.memory_space<vmem>>, vector<1x16xf32>,
      %get3A_2543 = vector.shape_cast %get3A_2542 : vector<1x16xf32> to vector<16xf32>
      %add3A_2544 = arith.addf %add3A_2520, %get3A_2543 : vector<16xf32>
      %get3A_2545 = arith.constant 99 : i32
      %get3A_2546 = arith.index_cast %get3A_2545 : i32 to index
      %get3A_2547 = arith.constant 48 : index
      %get3A_2548 = tpu.vector_load %arg6[%get3A_2546, %get3A_2547] {strides = array<i32>} : memref<100x64xf32, #tpu.memory_space<vmem>>, vector<1x16xf32>,
      %get3A_2549 = vector.shape_cast %get3A_2548 : vector<1x16xf32> to vector<16xf32>
      %add3A_2550 = arith.addf %add3A_2526, %get3A_2549 : vector<16xf32>
      %mul3A_2551 = arith.mulf %add3A_2532, %add3A_2532 : vector<16xf32>
      %mul3A_2552 = arith.mulf %add3A_2538, %add3A_2538 : vector<16xf32>
      %add3A_2553 = arith.addf %mul3A_2551, %mul3A_2552 : vector<16xf32>
      %mul3A_2554 = arith.mulf %add3A_2544, %add3A_2544 : vector<16xf32>
      %add3A_2555 = arith.addf %add3A_2553, %mul3A_2554 : vector<16xf32>
      %mul3A_2556 = arith.mulf %add3A_2550, %add3A_2550 : vector<16xf32>
      %add3A_2557 = arith.addf %add3A_2555, %mul3A_2556 : vector<16xf32>
      %iota3A_2558 = tpu.iota {dimensions = array<i32: 0>} : vector<16xi32>
      %xor3A_2559 = arith.constant 8 : i32
      %xor3A_2560 = vector.broadcast %xor3A_2559 : i32 to vector<16xi32>
      %xor3A_2561 = arith.xori %iota3A_2558, %xor3A_2560 : vector<16xi32>
      %lt3A_2562 = arith.constant 0 : i32
      %lt3A_2563 = vector.broadcast %lt3A_2562 : i32 to vector<16xi32>
      %lt3A_2564 = arith.cmpi slt, %xor3A_2561, %lt3A_2563 : vector<16xi32>
      %add3A_2565 = arith.constant 16 : i32
      %add3A_2566 = vector.broadcast %add3A_2565 : i32 to vector<16xi32>
      %add3A_2567 = arith.addi %xor3A_2561, %add3A_2566 : vector<16xi32>
      %select_n3A_2568 = arith.select %lt3A_2564, %add3A_2567, %xor3A_2561 : vector<16xi1>, vector<16xi32>
      %broadcast_in_dim3A_2569 = vector.shape_cast %select_n3A_2568 : vector<16xi32> to vector<16x1xi32>
      %gather3A_2570 = vector.shape_cast %broadcast_in_dim3A_2569 : vector<16x1xi32> to vector<16xi32>
      %gather3A_2571 = tpu.dynamic_gather %add3A_2557[%gather3A_2570] in [0] : vector<16xf32>, vector<16xi32> -> vector<16xf32>
      %add3A_2572 = arith.addf %add3A_2557, %gather3A_2571 : vector<16xf32>
      %xor3A_2573 = arith.constant 4 : i32
      %xor3A_2574 = vector.broadcast %xor3A_2573 : i32 to vector<16xi32>
      %xor3A_2575 = arith.xori %iota3A_2558, %xor3A_2574 : vector<16xi32>
      %lt3A_2576 = arith.constant 0 : i32
      %lt3A_2577 = vector.broadcast %lt3A_2576 : i32 to vector<16xi32>
      %lt3A_2578 = arith.cmpi slt, %xor3A_2575, %lt3A_2577 : vector<16xi32>
      %add3A_2579 = arith.constant 16 : i32
      %add3A_2580 = vector.broadcast %add3A_2579 : i32 to vector<16xi32>
      %add3A_2581 = arith.addi %xor3A_2575, %add3A_2580 : vector<16xi32>
      %select_n3A_2582 = arith.select %lt3A_2578, %add3A_2581, %xor3A_2575 : vector<16xi1>, vector<16xi32>
      %broadcast_in_dim3A_2583 = vector.shape_cast %select_n3A_2582 : vector<16xi32> to vector<16x1xi32>
      %gather3A_2584 = vector.shape_cast %broadcast_in_dim3A_2583 : vector<16x1xi32> to vector<16xi32>
      %gather3A_2585 = tpu.dynamic_gather %add3A_2572[%gather3A_2584] in [0] : vector<16xf32>, vector<16xi32> -> vector<16xf32>
      %add3A_2586 = arith.addf %add3A_2572, %gather3A_2585 : vector<16xf32>
      %xor3A_2587 = arith.constant 2 : i32
      %xor3A_2588 = vector.broadcast %xor3A_2587 : i32 to vector<16xi32>
      %xor3A_2589 = arith.xori %iota3A_2558, %xor3A_2588 : vector<16xi32>
      %lt3A_2590 = arith.constant 0 : i32
      %lt3A_2591 = vector.broadcast %lt3A_2590 : i32 to vector<16xi32>
      %lt3A_2592 = arith.cmpi slt, %xor3A_2589, %lt3A_2591 : vector<16xi32>
      %add3A_2593 = arith.constant 16 : i32
      %add3A_2594 = vector.broadcast %add3A_2593 : i32 to vector<16xi32>
      %add3A_2595 = arith.addi %xor3A_2589, %add3A_2594 : vector<16xi32>
      %select_n3A_2596 = arith.select %lt3A_2592, %add3A_2595, %xor3A_2589 : vector<16xi1>, vector<16xi32>
      %broadcast_in_dim3A_2597 = vector.shape_cast %select_n3A_2596 : vector<16xi32> to vector<16x1xi32>
      %gather3A_2598 = vector.shape_cast %broadcast_in_dim3A_2597 : vector<16x1xi32> to vector<16xi32>
      %gather3A_2599 = tpu.dynamic_gather %add3A_2586[%gather3A_2598] in [0] : vector<16xf32>, vector<16xi32> -> vector<16xf32>
      %add3A_2600 = arith.addf %add3A_2586, %gather3A_2599 : vector<16xf32>
      %xor3A_2601 = arith.constant 1 : i32
      %xor3A_2602 = vector.broadcast %xor3A_2601 : i32 to vector<16xi32>
      %xor3A_2603 = arith.xori %iota3A_2558, %xor3A_2602 : vector<16xi32>
      %lt3A_2604 = arith.constant 0 : i32
      %lt3A_2605 = vector.broadcast %lt3A_2604 : i32 to vector<16xi32>
      %lt3A_2606 = arith.cmpi slt, %xor3A_2603, %lt3A_2605 : vector<16xi32>
      %add3A_2607 = arith.constant 16 : i32
      %add3A_2608 = vector.broadcast %add3A_2607 : i32 to vector<16xi32>
      %add3A_2609 = arith.addi %xor3A_2603, %add3A_2608 : vector<16xi32>
      %select_n3A_2610 = arith.select %lt3A_2606, %add3A_2609, %xor3A_2603 : vector<16xi1>, vector<16xi32>
      %broadcast_in_dim3A_2611 = vector.shape_cast %select_n3A_2610 : vector<16xi32> to vector<16x1xi32>
      %gather3A_2612 = vector.shape_cast %broadcast_in_dim3A_2611 : vector<16x1xi32> to vector<16xi32>
      %gather3A_2613 = tpu.dynamic_gather %add3A_2600[%gather3A_2612] in [0] : vector<16xf32>, vector<16xi32> -> vector<16xf32>
      %add3A_2614 = arith.addf %add3A_2600, %gather3A_2613 : vector<16xf32>
      %max3A_2615 = arith.constant 1.000000e-24 : f32
      %max3A_2616 = vector.broadcast %max3A_2615 : f32 to vector<16xf32>
      %max3A_2617 = arith.maximumf %add3A_2614, %max3A_2616 : vector<16xf32>
      %bitcast_convert_type3A_2618 = tpu.bitcast %max3A_2617 : vector<16xf32> -> vector<16xi32>
      %shift_right_arithmetic3A_2619 = arith.constant 1 : i32
      %shift_right_arithmetic3A_2620 = vector.broadcast %shift_right_arithmetic3A_2619 : i32 to vector<16xi32>
      %shift_right_arithmetic3A_2621 = arith.shrsi %bitcast_convert_type3A_2618, %shift_right_arithmetic3A_2620 : vector<16xi32>
      %sub3A_2622 = arith.constant 1597463007 : i32
      %sub3A_2623 = vector.broadcast %sub3A_2622 : i32 to vector<16xi32>
      %sub3A_2624 = arith.subi %sub3A_2623, %shift_right_arithmetic3A_2621 : vector<16xi32>
      %bitcast_convert_type3A_2625 = tpu.bitcast %sub3A_2624 : vector<16xi32> -> vector<16xf32>
      %mul3A_2626 = arith.constant 5.000000e-01 : f32
      %mul3A_2627 = vector.broadcast %mul3A_2626 : f32 to vector<16xf32>
      %mul3A_2628 = arith.mulf %max3A_2617, %mul3A_2627 : vector<16xf32>
      %mul3A_2629 = arith.mulf %mul3A_2628, %bitcast_convert_type3A_2625 : vector<16xf32>
      %mul3A_2630 = arith.mulf %mul3A_2629, %bitcast_convert_type3A_2625 : vector<16xf32>
      %sub3A_2631 = arith.constant 1.500000e+00 : f32
      %sub3A_2632 = vector.broadcast %sub3A_2631 : f32 to vector<16xf32>
      %sub3A_2633 = arith.subf %sub3A_2632, %mul3A_2630 : vector<16xf32>
      %mul3A_2634 = arith.mulf %bitcast_convert_type3A_2625, %sub3A_2633 : vector<16xf32>
      %mul3A_2635 = arith.mulf %mul3A_2628, %mul3A_2634 : vector<16xf32>
      %mul3A_2636 = arith.mulf %mul3A_2635, %mul3A_2634 : vector<16xf32>
      %sub3A_2637 = arith.constant 1.500000e+00 : f32
      %sub3A_2638 = vector.broadcast %sub3A_2637 : f32 to vector<16xf32>
      %sub3A_2639 = arith.subf %sub3A_2638, %mul3A_2636 : vector<16xf32>
      %mul3A_2640 = arith.mulf %mul3A_2634, %sub3A_2639 : vector<16xf32>
      %mul3A_2641 = arith.mulf %mul3A_2628, %mul3A_2640 : vector<16xf32>
      %mul3A_2642 = arith.mulf %mul3A_2641, %mul3A_2640 : vector<16xf32>
      %sub3A_2643 = arith.constant 1.500000e+00 : f32
      %sub3A_2644 = vector.broadcast %sub3A_2643 : f32 to vector<16xf32>
      %sub3A_2645 = arith.subf %sub3A_2644, %mul3A_2642 : vector<16xf32>
      %mul3A_2646 = arith.mulf %mul3A_2640, %sub3A_2645 : vector<16xf32>
      %mul3A_2647 = arith.mulf %add3A_2532, %mul3A_2646 : vector<16xf32>
      %add3A_2648 = arith.constant 1 : i32
      %add3A_2649 = arith.addi %mul3A_42, %add3A_2648 : i32
      %swap3A_2650 = arith.index_cast %add3A_2649 : i32 to index
      %swap3A_2651 = arith.constant 0 : index
      %swap3A_2652 = tpu.vector_load %arg8[%swap3A_2650, %swap3A_2651] {strides = array<i32>} : memref<128x64xf32, #tpu.memory_space<vmem>>, vector<1x16xf32>,
      %swap3A_2653 = vector.shape_cast %swap3A_2652 : vector<1x16xf32> to vector<16xf32>
      %swap3A_2654 = vector.shape_cast %mul3A_2647 : vector<16xf32> to vector<1x16xf32>
      tpu.vector_store %arg8[%swap3A_2650, %swap3A_2651], %swap3A_2654 {strides = array<i32>} : memref<128x64xf32, #tpu.memory_space<vmem>>, vector<1x16xf32>,
      %mul3A_2655 = arith.mulf %add3A_2538, %mul3A_2646 : vector<16xf32>
      %add3A_2656 = arith.constant 1 : i32
      %add3A_2657 = arith.addi %mul3A_42, %add3A_2656 : i32
      %swap3A_2658 = arith.index_cast %add3A_2657 : i32 to index
      %swap3A_2659 = arith.constant 16 : index
      %swap3A_2660 = tpu.vector_load %arg8[%swap3A_2658, %swap3A_2659] {strides = array<i32>} : memref<128x64xf32, #tpu.memory_space<vmem>>, vector<1x16xf32>,
      %swap3A_2661 = vector.shape_cast %swap3A_2660 : vector<1x16xf32> to vector<16xf32>
      %swap3A_2662 = vector.shape_cast %mul3A_2655 : vector<16xf32> to vector<1x16xf32>
      tpu.vector_store %arg8[%swap3A_2658, %swap3A_2659], %swap3A_2662 {strides = array<i32>} : memref<128x64xf32, #tpu.memory_space<vmem>>, vector<1x16xf32>,
      %mul3A_2663 = arith.mulf %add3A_2544, %mul3A_2646 : vector<16xf32>
      %add3A_2664 = arith.constant 1 : i32
      %add3A_2665 = arith.addi %mul3A_42, %add3A_2664 : i32
      %swap3A_2666 = arith.index_cast %add3A_2665 : i32 to index
      %swap3A_2667 = arith.constant 32 : index
      %swap3A_2668 = tpu.vector_load %arg8[%swap3A_2666, %swap3A_2667] {strides = array<i32>} : memref<128x64xf32, #tpu.memory_space<vmem>>, vector<1x16xf32>,
      %swap3A_2669 = vector.shape_cast %swap3A_2668 : vector<1x16xf32> to vector<16xf32>
      %swap3A_2670 = vector.shape_cast %mul3A_2663 : vector<16xf32> to vector<1x16xf32>
      tpu.vector_store %arg8[%swap3A_2666, %swap3A_2667], %swap3A_2670 {strides = array<i32>} : memref<128x64xf32, #tpu.memory_space<vmem>>, vector<1x16xf32>,
      %mul3A_2671 = arith.mulf %add3A_2550, %mul3A_2646 : vector<16xf32>
      %add3A_2672 = arith.constant 1 : i32
      %add3A_2673 = arith.addi %mul3A_42, %add3A_2672 : i32
      %swap3A_2674 = arith.index_cast %add3A_2673 : i32 to index
      %swap3A_2675 = arith.constant 48 : index
      %swap3A_2676 = tpu.vector_load %arg8[%swap3A_2674, %swap3A_2675] {strides = array<i32>} : memref<128x64xf32, #tpu.memory_space<vmem>>, vector<1x16xf32>,
      %swap3A_2677 = vector.shape_cast %swap3A_2676 : vector<1x16xf32> to vector<16xf32>
      %swap3A_2678 = vector.shape_cast %mul3A_2671 : vector<16xf32> to vector<1x16xf32>
      tpu.vector_store %arg8[%swap3A_2674, %swap3A_2675], %swap3A_2678 {strides = array<i32>} : memref<128x64xf32, #tpu.memory_space<vmem>>, vector<1x16xf32>,
      %add3A_2679 = arith.constant 2 : i32
      %add3A_2680 = arith.addi %mul3A_26, %add3A_2679 : i32
      %min3A = arith.constant 63 : i32
      %min3A_2681 = arith.minsi %add3A_2680, %min3A : i32
      %dma_start3A_2682 = arith.constant 0 : i32
      %dma_start3A_2683 = tpu.memref_slice %arg5[%min3A_2681, %dma_start3A_2682] : memref<64x100xi32, #tpu.memory_space<vmem>> -> memref<1x100xi32, #tpu.memory_space<vmem>>
      %dma_start3A_2684 = tpu.memref_squeeze %dma_start3A_2683 : memref<1x100xi32, #tpu.memory_space<vmem>> -> memref<100xi32, #tpu.memory_space<vmem>>
      %dma_start3A_2685 = arith.constant 0 : i32
      %dma_start3A_2686 = arith.constant 0 : i32
      %dma_start3A_2687 = tpu.memref_slice %arg3[%dma_start3A_2685, %dma_start3A_2686] : memref<100000x64xf32, #tpu.memory_space<hbm>> -> memref<100000x64xf32, #tpu.memory_space<hbm>>
      tpu.enqueue_indirect_dma source(%dma_start3A_2687 : memref<100000x64xf32, #tpu.memory_space<hbm>>) target(%arg6 : memref<100x64xf32, #tpu.memory_space<vmem>>) offsets(%dma_start3A_2684 : memref<100xi32, #tpu.memory_space<vmem>>) semaphore(%arg9 : memref<!tpu.dma_semaphore, #tpu.memory_space<semaphore_mem>>)
      %add3A_2688 = arith.constant 1 : i32
      %add3A_2689 = arith.addi %mul3A_26, %add3A_2688 : i32
      %dma_wait3A_2690 = arith.constant 0 : i32
      %dma_wait3A_2691 = tpu.memref_slice %arg5[%add3A_2689, %dma_wait3A_2690] : memref<64x100xi32, #tpu.memory_space<vmem>> -> memref<1x100xi32, #tpu.memory_space<vmem>>
      %dma_wait3A_2692 = tpu.memref_squeeze %dma_wait3A_2691 : memref<1x100xi32, #tpu.memory_space<vmem>> -> memref<100xi32, #tpu.memory_space<vmem>>
      %dma_wait3A_2693 = arith.constant 0 : i32
      %dma_wait3A_2694 = arith.constant 0 : i32
      %dma_wait3A_2695 = tpu.memref_slice %arg3[%dma_wait3A_2693, %dma_wait3A_2694] : memref<100000x64xf32, #tpu.memory_space<hbm>> -> memref<100000x64xf32, #tpu.memory_space<hbm>>
      tpu.wait_indirect_dma semaphore(%arg10 : memref<!tpu.dma_semaphore, #tpu.memory_space<semaphore_mem>>) src(%dma_wait3A_2695 : memref<100000x64xf32, #tpu.memory_space<hbm>>) dst(%arg7 : memref<100x64xf32, #tpu.memory_space<vmem>>)
      %add3A_2696 = arith.constant 1 : i32
      %add3A_2697 = arith.addi %mul3A_26, %add3A_2696 : i32
      %mul3A_2698 = arith.constant 2 : i32
      %mul3A_2699 = arith.muli %add3A_2697, %mul3A_2698 : i32
      %get3A_2700 = arith.constant 0 : i32
      %get3A_2701 = arith.index_cast %get3A_2700 : i32 to index
      %get3A_2702 = arith.constant 0 : index
      %get3A_2703 = tpu.vector_load %arg7[%get3A_2701, %get3A_2702] {strides = array<i32>} : memref<100x64xf32, #tpu.memory_space<vmem>>, vector<1x16xf32>,
      %get3A_2704 = vector.shape_cast %get3A_2703 : vector<1x16xf32> to vector<16xf32>
      %get3A_2705 = arith.constant 0 : i32
      %get3A_2706 = arith.index_cast %get3A_2705 : i32 to index
      %get3A_2707 = arith.constant 16 : index
      %get3A_2708 = tpu.vector_load %arg7[%get3A_2706, %get3A_2707] {strides = array<i32>} : memref<100x64xf32, #tpu.memory_space<vmem>>, vector<1x16xf32>,
      %get3A_2709 = vector.shape_cast %get3A_2708 : vector<1x16xf32> to vector<16xf32>
      %get3A_2710 = arith.constant 0 : i32
      %get3A_2711 = arith.index_cast %get3A_2710 : i32 to index
      %get3A_2712 = arith.constant 32 : index
      %get3A_2713 = tpu.vector_load %arg7[%get3A_2711, %get3A_2712] {strides = array<i32>} : memref<100x64xf32, #tpu.memory_space<vmem>>, vector<1x16xf32>,
      %get3A_2714 = vector.shape_cast %get3A_2713 : vector<1x16xf32> to vector<16xf32>
      %get3A_2715 = arith.constant 0 : i32
      %get3A_2716 = arith.index_cast %get3A_2715 : i32 to index
      %get3A_2717 = arith.constant 48 : index
      %get3A_2718 = tpu.vector_load %arg7[%get3A_2716, %get3A_2717] {strides = array<i32>} : memref<100x64xf32, #tpu.memory_space<vmem>>, vector<1x16xf32>,
      %get3A_2719 = vector.shape_cast %get3A_2718 : vector<1x16xf32> to vector<16xf32>
      %get3A_2720 = arith.constant 1 : i32
      %get3A_2721 = arith.index_cast %get3A_2720 : i32 to index
      %get3A_2722 = arith.constant 0 : index
      %get3A_2723 = tpu.vector_load %arg7[%get3A_2721, %get3A_2722] {strides = array<i32>} : memref<100x64xf32, #tpu.memory_space<vmem>>, vector<1x16xf32>,
      %get3A_2724 = vector.shape_cast %get3A_2723 : vector<1x16xf32> to vector<16xf32>
      %add3A_2725 = arith.addf %get3A_2704, %get3A_2724 : vector<16xf32>
      %get3A_2726 = arith.constant 1 : i32
      %get3A_2727 = arith.index_cast %get3A_2726 : i32 to index
      %get3A_2728 = arith.constant 16 : index
      %get3A_2729 = tpu.vector_load %arg7[%get3A_2727, %get3A_2728] {strides = array<i32>} : memref<100x64xf32, #tpu.memory_space<vmem>>, vector<1x16xf32>,
      %get3A_2730 = vector.shape_cast %get3A_2729 : vector<1x16xf32> to vector<16xf32>
      %add3A_2731 = arith.addf %get3A_2709, %get3A_2730 : vector<16xf32>
      %get3A_2732 = arith.constant 1 : i32
      %get3A_2733 = arith.index_cast %get3A_2732 : i32 to index
      %get3A_2734 = arith.constant 32 : index
      %get3A_2735 = tpu.vector_load %arg7[%get3A_2733, %get3A_2734] {strides = array<i32>} : memref<100x64xf32, #tpu.memory_space<vmem>>, vector<1x16xf32>,
      %get3A_2736 = vector.shape_cast %get3A_2735 : vector<1x16xf32> to vector<16xf32>
      %add3A_2737 = arith.addf %get3A_2714, %get3A_2736 : vector<16xf32>
      %get3A_2738 = arith.constant 1 : i32
      %get3A_2739 = arith.index_cast %get3A_2738 : i32 to index
      %get3A_2740 = arith.constant 48 : index
      %get3A_2741 = tpu.vector_load %arg7[%get3A_2739, %get3A_2740] {strides = array<i32>} : memref<100x64xf32, #tpu.memory_space<vmem>>, vector<1x16xf32>,
      %get3A_2742 = vector.shape_cast %get3A_2741 : vector<1x16xf32> to vector<16xf32>
      %add3A_2743 = arith.addf %get3A_2719, %get3A_2742 : vector<16xf32>
      %get3A_2744 = arith.constant 2 : i32
      %get3A_2745 = arith.index_cast %get3A_2744 : i32 to index
      %get3A_2746 = arith.constant 0 : index
      %get3A_2747 = tpu.vector_load %arg7[%get3A_2745, %get3A_2746] {strides = array<i32>} : memref<100x64xf32, #tpu.memory_space<vmem>>, vector<1x16xf32>,
      %get3A_2748 = vector.shape_cast %get3A_2747 : vector<1x16xf32> to vector<16xf32>
      %add3A_2749 = arith.addf %add3A_2725, %get3A_2748 : vector<16xf32>
      %get3A_2750 = arith.constant 2 : i32
      %get3A_2751 = arith.index_cast %get3A_2750 : i32 to index
      %get3A_2752 = arith.constant 16 : index
      %get3A_2753 = tpu.vector_load %arg7[%get3A_2751, %get3A_2752] {strides = array<i32>} : memref<100x64xf32, #tpu.memory_space<vmem>>, vector<1x16xf32>,
      %get3A_2754 = vector.shape_cast %get3A_2753 : vector<1x16xf32> to vector<16xf32>
      %add3A_2755 = arith.addf %add3A_2731, %get3A_2754 : vector<16xf32>
      %get3A_2756 = arith.constant 2 : i32
      %get3A_2757 = arith.index_cast %get3A_2756 : i32 to index
      %get3A_2758 = arith.constant 32 : index
      %get3A_2759 = tpu.vector_load %arg7[%get3A_2757, %get3A_2758] {strides = array<i32>} : memref<100x64xf32, #tpu.memory_space<vmem>>, vector<1x16xf32>,
      %get3A_2760 = vector.shape_cast %get3A_2759 : vector<1x16xf32> to vector<16xf32>
      %add3A_2761 = arith.addf %add3A_2737, %get3A_2760 : vector<16xf32>
      %get3A_2762 = arith.constant 2 : i32
      %get3A_2763 = arith.index_cast %get3A_2762 : i32 to index
      %get3A_2764 = arith.constant 48 : index
      %get3A_2765 = tpu.vector_load %arg7[%get3A_2763, %get3A_2764] {strides = array<i32>} : memref<100x64xf32, #tpu.memory_space<vmem>>, vector<1x16xf32>,
      %get3A_2766 = vector.shape_cast %get3A_2765 : vector<1x16xf32> to vector<16xf32>
      %add3A_2767 = arith.addf %add3A_2743, %get3A_2766 : vector<16xf32>
      %get3A_2768 = arith.constant 3 : i32
      %get3A_2769 = arith.index_cast %get3A_2768 : i32 to index
      %get3A_2770 = arith.constant 0 : index
      %get3A_2771 = tpu.vector_load %arg7[%get3A_2769, %get3A_2770] {strides = array<i32>} : memref<100x64xf32, #tpu.memory_space<vmem>>, vector<1x16xf32>,
      %get3A_2772 = vector.shape_cast %get3A_2771 : vector<1x16xf32> to vector<16xf32>
      %add3A_2773 = arith.addf %add3A_2749, %get3A_2772 : vector<16xf32>
      %get3A_2774 = arith.constant 3 : i32
      %get3A_2775 = arith.index_cast %get3A_2774 : i32 to index
      %get3A_2776 = arith.constant 16 : index
      %get3A_2777 = tpu.vector_load %arg7[%get3A_2775, %get3A_2776] {strides = array<i32>} : memref<100x64xf32, #tpu.memory_space<vmem>>, vector<1x16xf32>,
      %get3A_2778 = vector.shape_cast %get3A_2777 : vector<1x16xf32> to vector<16xf32>
      %add3A_2779 = arith.addf %add3A_2755, %get3A_2778 : vector<16xf32>
      %get3A_2780 = arith.constant 3 : i32
      %get3A_2781 = arith.index_cast %get3A_2780 : i32 to index
      %get3A_2782 = arith.constant 32 : index
      %get3A_2783 = tpu.vector_load %arg7[%get3A_2781, %get3A_2782] {strides = array<i32>} : memref<100x64xf32, #tpu.memory_space<vmem>>, vector<1x16xf32>,
      %get3A_2784 = vector.shape_cast %get3A_2783 : vector<1x16xf32> to vector<16xf32>
      %add3A_2785 = arith.addf %add3A_2761, %get3A_2784 : vector<16xf32>
      %get3A_2786 = arith.constant 3 : i32
      %get3A_2787 = arith.index_cast %get3A_2786 : i32 to index
      %get3A_2788 = arith.constant 48 : index
      %get3A_2789 = tpu.vector_load %arg7[%get3A_2787, %get3A_2788] {strides = array<i32>} : memref<100x64xf32, #tpu.memory_space<vmem>>, vector<1x16xf32>,
      %get3A_2790 = vector.shape_cast %get3A_2789 : vector<1x16xf32> to vector<16xf32>
      %add3A_2791 = arith.addf %add3A_2767, %get3A_2790 : vector<16xf32>
      %get3A_2792 = arith.constant 4 : i32
      %get3A_2793 = arith.index_cast %get3A_2792 : i32 to index
      %get3A_2794 = arith.constant 0 : index
      %get3A_2795 = tpu.vector_load %arg7[%get3A_2793, %get3A_2794] {strides = array<i32>} : memref<100x64xf32, #tpu.memory_space<vmem>>, vector<1x16xf32>,
      %get3A_2796 = vector.shape_cast %get3A_2795 : vector<1x16xf32> to vector<16xf32>
      %add3A_2797 = arith.addf %add3A_2773, %get3A_2796 : vector<16xf32>
      %get3A_2798 = arith.constant 4 : i32
      %get3A_2799 = arith.index_cast %get3A_2798 : i32 to index
      %get3A_2800 = arith.constant 16 : index
      %get3A_2801 = tpu.vector_load %arg7[%get3A_2799, %get3A_2800] {strides = array<i32>} : memref<100x64xf32, #tpu.memory_space<vmem>>, vector<1x16xf32>,
      %get3A_2802 = vector.shape_cast %get3A_2801 : vector<1x16xf32> to vector<16xf32>
      %add3A_2803 = arith.addf %add3A_2779, %get3A_2802 : vector<16xf32>
      %get3A_2804 = arith.constant 4 : i32
      %get3A_2805 = arith.index_cast %get3A_2804 : i32 to index
      %get3A_2806 = arith.constant 32 : index
      %get3A_2807 = tpu.vector_load %arg7[%get3A_2805, %get3A_2806] {strides = array<i32>} : memref<100x64xf32, #tpu.memory_space<vmem>>, vector<1x16xf32>,
      %get3A_2808 = vector.shape_cast %get3A_2807 : vector<1x16xf32> to vector<16xf32>
      %add3A_2809 = arith.addf %add3A_2785, %get3A_2808 : vector<16xf32>
      %get3A_2810 = arith.constant 4 : i32
      %get3A_2811 = arith.index_cast %get3A_2810 : i32 to index
      %get3A_2812 = arith.constant 48 : index
      %get3A_2813 = tpu.vector_load %arg7[%get3A_2811, %get3A_2812] {strides = array<i32>} : memref<100x64xf32, #tpu.memory_space<vmem>>, vector<1x16xf32>,
      %get3A_2814 = vector.shape_cast %get3A_2813 : vector<1x16xf32> to vector<16xf32>
      %add3A_2815 = arith.addf %add3A_2791, %get3A_2814 : vector<16xf32>
      %get3A_2816 = arith.constant 5 : i32
      %get3A_2817 = arith.index_cast %get3A_2816 : i32 to index
      %get3A_2818 = arith.constant 0 : index
      %get3A_2819 = tpu.vector_load %arg7[%get3A_2817, %get3A_2818] {strides = array<i32>} : memref<100x64xf32, #tpu.memory_space<vmem>>, vector<1x16xf32>,
      %get3A_2820 = vector.shape_cast %get3A_2819 : vector<1x16xf32> to vector<16xf32>
      %add3A_2821 = arith.addf %add3A_2797, %get3A_2820 : vector<16xf32>
      %get3A_2822 = arith.constant 5 : i32
      %get3A_2823 = arith.index_cast %get3A_2822 : i32 to index
      %get3A_2824 = arith.constant 16 : index
      %get3A_2825 = tpu.vector_load %arg7[%get3A_2823, %get3A_2824] {strides = array<i32>} : memref<100x64xf32, #tpu.memory_space<vmem>>, vector<1x16xf32>,
      %get3A_2826 = vector.shape_cast %get3A_2825 : vector<1x16xf32> to vector<16xf32>
      %add3A_2827 = arith.addf %add3A_2803, %get3A_2826 : vector<16xf32>
      %get3A_2828 = arith.constant 5 : i32
      %get3A_2829 = arith.index_cast %get3A_2828 : i32 to index
      %get3A_2830 = arith.constant 32 : index
      %get3A_2831 = tpu.vector_load %arg7[%get3A_2829, %get3A_2830] {strides = array<i32>} : memref<100x64xf32, #tpu.memory_space<vmem>>, vector<1x16xf32>,
      %get3A_2832 = vector.shape_cast %get3A_2831 : vector<1x16xf32> to vector<16xf32>
      %add3A_2833 = arith.addf %add3A_2809, %get3A_2832 : vector<16xf32>
      %get3A_2834 = arith.constant 5 : i32
      %get3A_2835 = arith.index_cast %get3A_2834 : i32 to index
      %get3A_2836 = arith.constant 48 : index
      %get3A_2837 = tpu.vector_load %arg7[%get3A_2835, %get3A_2836] {strides = array<i32>} : memref<100x64xf32, #tpu.memory_space<vmem>>, vector<1x16xf32>,
      %get3A_2838 = vector.shape_cast %get3A_2837 : vector<1x16xf32> to vector<16xf32>
      %add3A_2839 = arith.addf %add3A_2815, %get3A_2838 : vector<16xf32>
      %get3A_2840 = arith.constant 6 : i32
      %get3A_2841 = arith.index_cast %get3A_2840 : i32 to index
      %get3A_2842 = arith.constant 0 : index
      %get3A_2843 = tpu.vector_load %arg7[%get3A_2841, %get3A_2842] {strides = array<i32>} : memref<100x64xf32, #tpu.memory_space<vmem>>, vector<1x16xf32>,
      %get3A_2844 = vector.shape_cast %get3A_2843 : vector<1x16xf32> to vector<16xf32>
      %add3A_2845 = arith.addf %add3A_2821, %get3A_2844 : vector<16xf32>
      %get3A_2846 = arith.constant 6 : i32
      %get3A_2847 = arith.index_cast %get3A_2846 : i32 to index
      %get3A_2848 = arith.constant 16 : index
      %get3A_2849 = tpu.vector_load %arg7[%get3A_2847, %get3A_2848] {strides = array<i32>} : memref<100x64xf32, #tpu.memory_space<vmem>>, vector<1x16xf32>,
      %get3A_2850 = vector.shape_cast %get3A_2849 : vector<1x16xf32> to vector<16xf32>
      %add3A_2851 = arith.addf %add3A_2827, %get3A_2850 : vector<16xf32>
      %get3A_2852 = arith.constant 6 : i32
      %get3A_2853 = arith.index_cast %get3A_2852 : i32 to index
      %get3A_2854 = arith.constant 32 : index
      %get3A_2855 = tpu.vector_load %arg7[%get3A_2853, %get3A_2854] {strides = array<i32>} : memref<100x64xf32, #tpu.memory_space<vmem>>, vector<1x16xf32>,
      %get3A_2856 = vector.shape_cast %get3A_2855 : vector<1x16xf32> to vector<16xf32>
      %add3A_2857 = arith.addf %add3A_2833, %get3A_2856 : vector<16xf32>
      %get3A_2858 = arith.constant 6 : i32
      %get3A_2859 = arith.index_cast %get3A_2858 : i32 to index
      %get3A_2860 = arith.constant 48 : index
      %get3A_2861 = tpu.vector_load %arg7[%get3A_2859, %get3A_2860] {strides = array<i32>} : memref<100x64xf32, #tpu.memory_space<vmem>>, vector<1x16xf32>,
      %get3A_2862 = vector.shape_cast %get3A_2861 : vector<1x16xf32> to vector<16xf32>
      %add3A_2863 = arith.addf %add3A_2839, %get3A_2862 : vector<16xf32>
      %get3A_2864 = arith.constant 7 : i32
      %get3A_2865 = arith.index_cast %get3A_2864 : i32 to index
      %get3A_2866 = arith.constant 0 : index
      %get3A_2867 = tpu.vector_load %arg7[%get3A_2865, %get3A_2866] {strides = array<i32>} : memref<100x64xf32, #tpu.memory_space<vmem>>, vector<1x16xf32>,
      %get3A_2868 = vector.shape_cast %get3A_2867 : vector<1x16xf32> to vector<16xf32>
      %add3A_2869 = arith.addf %add3A_2845, %get3A_2868 : vector<16xf32>
      %get3A_2870 = arith.constant 7 : i32
      %get3A_2871 = arith.index_cast %get3A_2870 : i32 to index
      %get3A_2872 = arith.constant 16 : index
      %get3A_2873 = tpu.vector_load %arg7[%get3A_2871, %get3A_2872] {strides = array<i32>} : memref<100x64xf32, #tpu.memory_space<vmem>>, vector<1x16xf32>,
      %get3A_2874 = vector.shape_cast %get3A_2873 : vector<1x16xf32> to vector<16xf32>
      %add3A_2875 = arith.addf %add3A_2851, %get3A_2874 : vector<16xf32>
      %get3A_2876 = arith.constant 7 : i32
      %get3A_2877 = arith.index_cast %get3A_2876 : i32 to index
      %get3A_2878 = arith.constant 32 : index
      %get3A_2879 = tpu.vector_load %arg7[%get3A_2877, %get3A_2878] {strides = array<i32>} : memref<100x64xf32, #tpu.memory_space<vmem>>, vector<1x16xf32>,
      %get3A_2880 = vector.shape_cast %get3A_2879 : vector<1x16xf32> to vector<16xf32>
      %add3A_2881 = arith.addf %add3A_2857, %get3A_2880 : vector<16xf32>
      %get3A_2882 = arith.constant 7 : i32
      %get3A_2883 = arith.index_cast %get3A_2882 : i32 to index
      %get3A_2884 = arith.constant 48 : index
      %get3A_2885 = tpu.vector_load %arg7[%get3A_2883, %get3A_2884] {strides = array<i32>} : memref<100x64xf32, #tpu.memory_space<vmem>>, vector<1x16xf32>,
      %get3A_2886 = vector.shape_cast %get3A_2885 : vector<1x16xf32> to vector<16xf32>
      %add3A_2887 = arith.addf %add3A_2863, %get3A_2886 : vector<16xf32>
      %get3A_2888 = arith.constant 8 : i32
      %get3A_2889 = arith.index_cast %get3A_2888 : i32 to index
      %get3A_2890 = arith.constant 0 : index
      %get3A_2891 = tpu.vector_load %arg7[%get3A_2889, %get3A_2890] {strides = array<i32>} : memref<100x64xf32, #tpu.memory_space<vmem>>, vector<1x16xf32>,
      %get3A_2892 = vector.shape_cast %get3A_2891 : vector<1x16xf32> to vector<16xf32>
      %add3A_2893 = arith.addf %add3A_2869, %get3A_2892 : vector<16xf32>
      %get3A_2894 = arith.constant 8 : i32
      %get3A_2895 = arith.index_cast %get3A_2894 : i32 to index
      %get3A_2896 = arith.constant 16 : index
      %get3A_2897 = tpu.vector_load %arg7[%get3A_2895, %get3A_2896] {strides = array<i32>} : memref<100x64xf32, #tpu.memory_space<vmem>>, vector<1x16xf32>,
      %get3A_2898 = vector.shape_cast %get3A_2897 : vector<1x16xf32> to vector<16xf32>
      %add3A_2899 = arith.addf %add3A_2875, %get3A_2898 : vector<16xf32>
      %get3A_2900 = arith.constant 8 : i32
      %get3A_2901 = arith.index_cast %get3A_2900 : i32 to index
      %get3A_2902 = arith.constant 32 : index
      %get3A_2903 = tpu.vector_load %arg7[%get3A_2901, %get3A_2902] {strides = array<i32>} : memref<100x64xf32, #tpu.memory_space<vmem>>, vector<1x16xf32>,
      %get3A_2904 = vector.shape_cast %get3A_2903 : vector<1x16xf32> to vector<16xf32>
      %add3A_2905 = arith.addf %add3A_2881, %get3A_2904 : vector<16xf32>
      %get3A_2906 = arith.constant 8 : i32
      %get3A_2907 = arith.index_cast %get3A_2906 : i32 to index
      %get3A_2908 = arith.constant 48 : index
      %get3A_2909 = tpu.vector_load %arg7[%get3A_2907, %get3A_2908] {strides = array<i32>} : memref<100x64xf32, #tpu.memory_space<vmem>>, vector<1x16xf32>,
      %get3A_2910 = vector.shape_cast %get3A_2909 : vector<1x16xf32> to vector<16xf32>
      %add3A_2911 = arith.addf %add3A_2887, %get3A_2910 : vector<16xf32>
      %get3A_2912 = arith.constant 9 : i32
      %get3A_2913 = arith.index_cast %get3A_2912 : i32 to index
      %get3A_2914 = arith.constant 0 : index
      %get3A_2915 = tpu.vector_load %arg7[%get3A_2913, %get3A_2914] {strides = array<i32>} : memref<100x64xf32, #tpu.memory_space<vmem>>, vector<1x16xf32>,
      %get3A_2916 = vector.shape_cast %get3A_2915 : vector<1x16xf32> to vector<16xf32>
      %add3A_2917 = arith.addf %add3A_2893, %get3A_2916 : vector<16xf32>
      %get3A_2918 = arith.constant 9 : i32
      %get3A_2919 = arith.index_cast %get3A_2918 : i32 to index
      %get3A_2920 = arith.constant 16 : index
      %get3A_2921 = tpu.vector_load %arg7[%get3A_2919, %get3A_2920] {strides = array<i32>} : memref<100x64xf32, #tpu.memory_space<vmem>>, vector<1x16xf32>,
      %get3A_2922 = vector.shape_cast %get3A_2921 : vector<1x16xf32> to vector<16xf32>
      %add3A_2923 = arith.addf %add3A_2899, %get3A_2922 : vector<16xf32>
      %get3A_2924 = arith.constant 9 : i32
      %get3A_2925 = arith.index_cast %get3A_2924 : i32 to index
      %get3A_2926 = arith.constant 32 : index
      %get3A_2927 = tpu.vector_load %arg7[%get3A_2925, %get3A_2926] {strides = array<i32>} : memref<100x64xf32, #tpu.memory_space<vmem>>, vector<1x16xf32>,
      %get3A_2928 = vector.shape_cast %get3A_2927 : vector<1x16xf32> to vector<16xf32>
      %add3A_2929 = arith.addf %add3A_2905, %get3A_2928 : vector<16xf32>
      %get3A_2930 = arith.constant 9 : i32
      %get3A_2931 = arith.index_cast %get3A_2930 : i32 to index
      %get3A_2932 = arith.constant 48 : index
      %get3A_2933 = tpu.vector_load %arg7[%get3A_2931, %get3A_2932] {strides = array<i32>} : memref<100x64xf32, #tpu.memory_space<vmem>>, vector<1x16xf32>,
      %get3A_2934 = vector.shape_cast %get3A_2933 : vector<1x16xf32> to vector<16xf32>
      %add3A_2935 = arith.addf %add3A_2911, %get3A_2934 : vector<16xf32>
      %get3A_2936 = arith.constant 10 : i32
      %get3A_2937 = arith.index_cast %get3A_2936 : i32 to index
      %get3A_2938 = arith.constant 0 : index
      %get3A_2939 = tpu.vector_load %arg7[%get3A_2937, %get3A_2938] {strides = array<i32>} : memref<100x64xf32, #tpu.memory_space<vmem>>, vector<1x16xf32>,
      %get3A_2940 = vector.shape_cast %get3A_2939 : vector<1x16xf32> to vector<16xf32>
      %add3A_2941 = arith.addf %add3A_2917, %get3A_2940 : vector<16xf32>
      %get3A_2942 = arith.constant 10 : i32
      %get3A_2943 = arith.index_cast %get3A_2942 : i32 to index
      %get3A_2944 = arith.constant 16 : index
      %get3A_2945 = tpu.vector_load %arg7[%get3A_2943, %get3A_2944] {strides = array<i32>} : memref<100x64xf32, #tpu.memory_space<vmem>>, vector<1x16xf32>,
      %get3A_2946 = vector.shape_cast %get3A_2945 : vector<1x16xf32> to vector<16xf32>
      %add3A_2947 = arith.addf %add3A_2923, %get3A_2946 : vector<16xf32>
      %get3A_2948 = arith.constant 10 : i32
      %get3A_2949 = arith.index_cast %get3A_2948 : i32 to index
      %get3A_2950 = arith.constant 32 : index
      %get3A_2951 = tpu.vector_load %arg7[%get3A_2949, %get3A_2950] {strides = array<i32>} : memref<100x64xf32, #tpu.memory_space<vmem>>, vector<1x16xf32>,
      %get3A_2952 = vector.shape_cast %get3A_2951 : vector<1x16xf32> to vector<16xf32>
      %add3A_2953 = arith.addf %add3A_2929, %get3A_2952 : vector<16xf32>
      %get3A_2954 = arith.constant 10 : i32
      %get3A_2955 = arith.index_cast %get3A_2954 : i32 to index
      %get3A_2956 = arith.constant 48 : index
      %get3A_2957 = tpu.vector_load %arg7[%get3A_2955, %get3A_2956] {strides = array<i32>} : memref<100x64xf32, #tpu.memory_space<vmem>>, vector<1x16xf32>,
      %get3A_2958 = vector.shape_cast %get3A_2957 : vector<1x16xf32> to vector<16xf32>
      %add3A_2959 = arith.addf %add3A_2935, %get3A_2958 : vector<16xf32>
      %get3A_2960 = arith.constant 11 : i32
      %get3A_2961 = arith.index_cast %get3A_2960 : i32 to index
      %get3A_2962 = arith.constant 0 : index
      %get3A_2963 = tpu.vector_load %arg7[%get3A_2961, %get3A_2962] {strides = array<i32>} : memref<100x64xf32, #tpu.memory_space<vmem>>, vector<1x16xf32>,
      %get3A_2964 = vector.shape_cast %get3A_2963 : vector<1x16xf32> to vector<16xf32>
      %add3A_2965 = arith.addf %add3A_2941, %get3A_2964 : vector<16xf32>
      %get3A_2966 = arith.constant 11 : i32
      %get3A_2967 = arith.index_cast %get3A_2966 : i32 to index
      %get3A_2968 = arith.constant 16 : index
      %get3A_2969 = tpu.vector_load %arg7[%get3A_2967, %get3A_2968] {strides = array<i32>} : memref<100x64xf32, #tpu.memory_space<vmem>>, vector<1x16xf32>,
      %get3A_2970 = vector.shape_cast %get3A_2969 : vector<1x16xf32> to vector<16xf32>
      %add3A_2971 = arith.addf %add3A_2947, %get3A_2970 : vector<16xf32>
      %get3A_2972 = arith.constant 11 : i32
      %get3A_2973 = arith.index_cast %get3A_2972 : i32 to index
      %get3A_2974 = arith.constant 32 : index
      %get3A_2975 = tpu.vector_load %arg7[%get3A_2973, %get3A_2974] {strides = array<i32>} : memref<100x64xf32, #tpu.memory_space<vmem>>, vector<1x16xf32>,
      %get3A_2976 = vector.shape_cast %get3A_2975 : vector<1x16xf32> to vector<16xf32>
      %add3A_2977 = arith.addf %add3A_2953, %get3A_2976 : vector<16xf32>
      %get3A_2978 = arith.constant 11 : i32
      %get3A_2979 = arith.index_cast %get3A_2978 : i32 to index
      %get3A_2980 = arith.constant 48 : index
      %get3A_2981 = tpu.vector_load %arg7[%get3A_2979, %get3A_2980] {strides = array<i32>} : memref<100x64xf32, #tpu.memory_space<vmem>>, vector<1x16xf32>,
      %get3A_2982 = vector.shape_cast %get3A_2981 : vector<1x16xf32> to vector<16xf32>
      %add3A_2983 = arith.addf %add3A_2959, %get3A_2982 : vector<16xf32>
      %get3A_2984 = arith.constant 12 : i32
      %get3A_2985 = arith.index_cast %get3A_2984 : i32 to index
      %get3A_2986 = arith.constant 0 : index
      %get3A_2987 = tpu.vector_load %arg7[%get3A_2985, %get3A_2986] {strides = array<i32>} : memref<100x64xf32, #tpu.memory_space<vmem>>, vector<1x16xf32>,
      %get3A_2988 = vector.shape_cast %get3A_2987 : vector<1x16xf32> to vector<16xf32>
      %add3A_2989 = arith.addf %add3A_2965, %get3A_2988 : vector<16xf32>
      %get3A_2990 = arith.constant 12 : i32
      %get3A_2991 = arith.index_cast %get3A_2990 : i32 to index
      %get3A_2992 = arith.constant 16 : index
      %get3A_2993 = tpu.vector_load %arg7[%get3A_2991, %get3A_2992] {strides = array<i32>} : memref<100x64xf32, #tpu.memory_space<vmem>>, vector<1x16xf32>,
      %get3A_2994 = vector.shape_cast %get3A_2993 : vector<1x16xf32> to vector<16xf32>
      %add3A_2995 = arith.addf %add3A_2971, %get3A_2994 : vector<16xf32>
      %get3A_2996 = arith.constant 12 : i32
      %get3A_2997 = arith.index_cast %get3A_2996 : i32 to index
      %get3A_2998 = arith.constant 32 : index
      %get3A_2999 = tpu.vector_load %arg7[%get3A_2997, %get3A_2998] {strides = array<i32>} : memref<100x64xf32, #tpu.memory_space<vmem>>, vector<1x16xf32>,
      %get3A_3000 = vector.shape_cast %get3A_2999 : vector<1x16xf32> to vector<16xf32>
      %add3A_3001 = arith.addf %add3A_2977, %get3A_3000 : vector<16xf32>
      %get3A_3002 = arith.constant 12 : i32
      %get3A_3003 = arith.index_cast %get3A_3002 : i32 to index
      %get3A_3004 = arith.constant 48 : index
      %get3A_3005 = tpu.vector_load %arg7[%get3A_3003, %get3A_3004] {strides = array<i32>} : memref<100x64xf32, #tpu.memory_space<vmem>>, vector<1x16xf32>,
      %get3A_3006 = vector.shape_cast %get3A_3005 : vector<1x16xf32> to vector<16xf32>
      %add3A_3007 = arith.addf %add3A_2983, %get3A_3006 : vector<16xf32>
      %get3A_3008 = arith.constant 13 : i32
      %get3A_3009 = arith.index_cast %get3A_3008 : i32 to index
      %get3A_3010 = arith.constant 0 : index
      %get3A_3011 = tpu.vector_load %arg7[%get3A_3009, %get3A_3010] {strides = array<i32>} : memref<100x64xf32, #tpu.memory_space<vmem>>, vector<1x16xf32>,
      %get3A_3012 = vector.shape_cast %get3A_3011 : vector<1x16xf32> to vector<16xf32>
      %add3A_3013 = arith.addf %add3A_2989, %get3A_3012 : vector<16xf32>
      %get3A_3014 = arith.constant 13 : i32
      %get3A_3015 = arith.index_cast %get3A_3014 : i32 to index
      %get3A_3016 = arith.constant 16 : index
      %get3A_3017 = tpu.vector_load %arg7[%get3A_3015, %get3A_3016] {strides = array<i32>} : memref<100x64xf32, #tpu.memory_space<vmem>>, vector<1x16xf32>,
      %get3A_3018 = vector.shape_cast %get3A_3017 : vector<1x16xf32> to vector<16xf32>
      %add3A_3019 = arith.addf %add3A_2995, %get3A_3018 : vector<16xf32>
      %get3A_3020 = arith.constant 13 : i32
      %get3A_3021 = arith.index_cast %get3A_3020 : i32 to index
      %get3A_3022 = arith.constant 32 : index
      %get3A_3023 = tpu.vector_load %arg7[%get3A_3021, %get3A_3022] {strides = array<i32>} : memref<100x64xf32, #tpu.memory_space<vmem>>, vector<1x16xf32>,
      %get3A_3024 = vector.shape_cast %get3A_3023 : vector<1x16xf32> to vector<16xf32>
      %add3A_3025 = arith.addf %add3A_3001, %get3A_3024 : vector<16xf32>
      %get3A_3026 = arith.constant 13 : i32
      %get3A_3027 = arith.index_cast %get3A_3026 : i32 to index
      %get3A_3028 = arith.constant 48 : index
      %get3A_3029 = tpu.vector_load %arg7[%get3A_3027, %get3A_3028] {strides = array<i32>} : memref<100x64xf32, #tpu.memory_space<vmem>>, vector<1x16xf32>,
      %get3A_3030 = vector.shape_cast %get3A_3029 : vector<1x16xf32> to vector<16xf32>
      %add3A_3031 = arith.addf %add3A_3007, %get3A_3030 : vector<16xf32>
      %get3A_3032 = arith.constant 14 : i32
      %get3A_3033 = arith.index_cast %get3A_3032 : i32 to index
      %get3A_3034 = arith.constant 0 : index
      %get3A_3035 = tpu.vector_load %arg7[%get3A_3033, %get3A_3034] {strides = array<i32>} : memref<100x64xf32, #tpu.memory_space<vmem>>, vector<1x16xf32>,
      %get3A_3036 = vector.shape_cast %get3A_3035 : vector<1x16xf32> to vector<16xf32>
      %add3A_3037 = arith.addf %add3A_3013, %get3A_3036 : vector<16xf32>
      %get3A_3038 = arith.constant 14 : i32
      %get3A_3039 = arith.index_cast %get3A_3038 : i32 to index
      %get3A_3040 = arith.constant 16 : index
      %get3A_3041 = tpu.vector_load %arg7[%get3A_3039, %get3A_3040] {strides = array<i32>} : memref<100x64xf32, #tpu.memory_space<vmem>>, vector<1x16xf32>,
      %get3A_3042 = vector.shape_cast %get3A_3041 : vector<1x16xf32> to vector<16xf32>
      %add3A_3043 = arith.addf %add3A_3019, %get3A_3042 : vector<16xf32>
      %get3A_3044 = arith.constant 14 : i32
      %get3A_3045 = arith.index_cast %get3A_3044 : i32 to index
      %get3A_3046 = arith.constant 32 : index
      %get3A_3047 = tpu.vector_load %arg7[%get3A_3045, %get3A_3046] {strides = array<i32>} : memref<100x64xf32, #tpu.memory_space<vmem>>, vector<1x16xf32>,
      %get3A_3048 = vector.shape_cast %get3A_3047 : vector<1x16xf32> to vector<16xf32>
      %add3A_3049 = arith.addf %add3A_3025, %get3A_3048 : vector<16xf32>
      %get3A_3050 = arith.constant 14 : i32
      %get3A_3051 = arith.index_cast %get3A_3050 : i32 to index
      %get3A_3052 = arith.constant 48 : index
      %get3A_3053 = tpu.vector_load %arg7[%get3A_3051, %get3A_3052] {strides = array<i32>} : memref<100x64xf32, #tpu.memory_space<vmem>>, vector<1x16xf32>,
      %get3A_3054 = vector.shape_cast %get3A_3053 : vector<1x16xf32> to vector<16xf32>
      %add3A_3055 = arith.addf %add3A_3031, %get3A_3054 : vector<16xf32>
      %get3A_3056 = arith.constant 15 : i32
      %get3A_3057 = arith.index_cast %get3A_3056 : i32 to index
      %get3A_3058 = arith.constant 0 : index
      %get3A_3059 = tpu.vector_load %arg7[%get3A_3057, %get3A_3058] {strides = array<i32>} : memref<100x64xf32, #tpu.memory_space<vmem>>, vector<1x16xf32>,
      %get3A_3060 = vector.shape_cast %get3A_3059 : vector<1x16xf32> to vector<16xf32>
      %add3A_3061 = arith.addf %add3A_3037, %get3A_3060 : vector<16xf32>
      %get3A_3062 = arith.constant 15 : i32
      %get3A_3063 = arith.index_cast %get3A_3062 : i32 to index
      %get3A_3064 = arith.constant 16 : index
      %get3A_3065 = tpu.vector_load %arg7[%get3A_3063, %get3A_3064] {strides = array<i32>} : memref<100x64xf32, #tpu.memory_space<vmem>>, vector<1x16xf32>,
      %get3A_3066 = vector.shape_cast %get3A_3065 : vector<1x16xf32> to vector<16xf32>
      %add3A_3067 = arith.addf %add3A_3043, %get3A_3066 : vector<16xf32>
      %get3A_3068 = arith.constant 15 : i32
      %get3A_3069 = arith.index_cast %get3A_3068 : i32 to index
      %get3A_3070 = arith.constant 32 : index
      %get3A_3071 = tpu.vector_load %arg7[%get3A_3069, %get3A_3070] {strides = array<i32>} : memref<100x64xf32, #tpu.memory_space<vmem>>, vector<1x16xf32>,
      %get3A_3072 = vector.shape_cast %get3A_3071 : vector<1x16xf32> to vector<16xf32>
      %add3A_3073 = arith.addf %add3A_3049, %get3A_3072 : vector<16xf32>
      %get3A_3074 = arith.constant 15 : i32
      %get3A_3075 = arith.index_cast %get3A_3074 : i32 to index
      %get3A_3076 = arith.constant 48 : index
      %get3A_3077 = tpu.vector_load %arg7[%get3A_3075, %get3A_3076] {strides = array<i32>} : memref<100x64xf32, #tpu.memory_space<vmem>>, vector<1x16xf32>,
      %get3A_3078 = vector.shape_cast %get3A_3077 : vector<1x16xf32> to vector<16xf32>
      %add3A_3079 = arith.addf %add3A_3055, %get3A_3078 : vector<16xf32>
      %get3A_3080 = arith.constant 16 : i32
      %get3A_3081 = arith.index_cast %get3A_3080 : i32 to index
      %get3A_3082 = arith.constant 0 : index
      %get3A_3083 = tpu.vector_load %arg7[%get3A_3081, %get3A_3082] {strides = array<i32>} : memref<100x64xf32, #tpu.memory_space<vmem>>, vector<1x16xf32>,
      %get3A_3084 = vector.shape_cast %get3A_3083 : vector<1x16xf32> to vector<16xf32>
      %add3A_3085 = arith.addf %add3A_3061, %get3A_3084 : vector<16xf32>
      %get3A_3086 = arith.constant 16 : i32
      %get3A_3087 = arith.index_cast %get3A_3086 : i32 to index
      %get3A_3088 = arith.constant 16 : index
      %get3A_3089 = tpu.vector_load %arg7[%get3A_3087, %get3A_3088] {strides = array<i32>} : memref<100x64xf32, #tpu.memory_space<vmem>>, vector<1x16xf32>,
      %get3A_3090 = vector.shape_cast %get3A_3089 : vector<1x16xf32> to vector<16xf32>
      %add3A_3091 = arith.addf %add3A_3067, %get3A_3090 : vector<16xf32>
      %get3A_3092 = arith.constant 16 : i32
      %get3A_3093 = arith.index_cast %get3A_3092 : i32 to index
      %get3A_3094 = arith.constant 32 : index
      %get3A_3095 = tpu.vector_load %arg7[%get3A_3093, %get3A_3094] {strides = array<i32>} : memref<100x64xf32, #tpu.memory_space<vmem>>, vector<1x16xf32>,
      %get3A_3096 = vector.shape_cast %get3A_3095 : vector<1x16xf32> to vector<16xf32>
      %add3A_3097 = arith.addf %add3A_3073, %get3A_3096 : vector<16xf32>
      %get3A_3098 = arith.constant 16 : i32
      %get3A_3099 = arith.index_cast %get3A_3098 : i32 to index
      %get3A_3100 = arith.constant 48 : index
      %get3A_3101 = tpu.vector_load %arg7[%get3A_3099, %get3A_3100] {strides = array<i32>} : memref<100x64xf32, #tpu.memory_space<vmem>>, vector<1x16xf32>,
      %get3A_3102 = vector.shape_cast %get3A_3101 : vector<1x16xf32> to vector<16xf32>
      %add3A_3103 = arith.addf %add3A_3079, %get3A_3102 : vector<16xf32>
      %get3A_3104 = arith.constant 17 : i32
      %get3A_3105 = arith.index_cast %get3A_3104 : i32 to index
      %get3A_3106 = arith.constant 0 : index
      %get3A_3107 = tpu.vector_load %arg7[%get3A_3105, %get3A_3106] {strides = array<i32>} : memref<100x64xf32, #tpu.memory_space<vmem>>, vector<1x16xf32>,
      %get3A_3108 = vector.shape_cast %get3A_3107 : vector<1x16xf32> to vector<16xf32>
      %add3A_3109 = arith.addf %add3A_3085, %get3A_3108 : vector<16xf32>
      %get3A_3110 = arith.constant 17 : i32
      %get3A_3111 = arith.index_cast %get3A_3110 : i32 to index
      %get3A_3112 = arith.constant 16 : index
      %get3A_3113 = tpu.vector_load %arg7[%get3A_3111, %get3A_3112] {strides = array<i32>} : memref<100x64xf32, #tpu.memory_space<vmem>>, vector<1x16xf32>,
      %get3A_3114 = vector.shape_cast %get3A_3113 : vector<1x16xf32> to vector<16xf32>
      %add3A_3115 = arith.addf %add3A_3091, %get3A_3114 : vector<16xf32>
      %get3A_3116 = arith.constant 17 : i32
      %get3A_3117 = arith.index_cast %get3A_3116 : i32 to index
      %get3A_3118 = arith.constant 32 : index
      %get3A_3119 = tpu.vector_load %arg7[%get3A_3117, %get3A_3118] {strides = array<i32>} : memref<100x64xf32, #tpu.memory_space<vmem>>, vector<1x16xf32>,
      %get3A_3120 = vector.shape_cast %get3A_3119 : vector<1x16xf32> to vector<16xf32>
      %add3A_3121 = arith.addf %add3A_3097, %get3A_3120 : vector<16xf32>
      %get3A_3122 = arith.constant 17 : i32
      %get3A_3123 = arith.index_cast %get3A_3122 : i32 to index
      %get3A_3124 = arith.constant 48 : index
      %get3A_3125 = tpu.vector_load %arg7[%get3A_3123, %get3A_3124] {strides = array<i32>} : memref<100x64xf32, #tpu.memory_space<vmem>>, vector<1x16xf32>,
      %get3A_3126 = vector.shape_cast %get3A_3125 : vector<1x16xf32> to vector<16xf32>
      %add3A_3127 = arith.addf %add3A_3103, %get3A_3126 : vector<16xf32>
      %get3A_3128 = arith.constant 18 : i32
      %get3A_3129 = arith.index_cast %get3A_3128 : i32 to index
      %get3A_3130 = arith.constant 0 : index
      %get3A_3131 = tpu.vector_load %arg7[%get3A_3129, %get3A_3130] {strides = array<i32>} : memref<100x64xf32, #tpu.memory_space<vmem>>, vector<1x16xf32>,
      %get3A_3132 = vector.shape_cast %get3A_3131 : vector<1x16xf32> to vector<16xf32>
      %add3A_3133 = arith.addf %add3A_3109, %get3A_3132 : vector<16xf32>
      %get3A_3134 = arith.constant 18 : i32
      %get3A_3135 = arith.index_cast %get3A_3134 : i32 to index
      %get3A_3136 = arith.constant 16 : index
      %get3A_3137 = tpu.vector_load %arg7[%get3A_3135, %get3A_3136] {strides = array<i32>} : memref<100x64xf32, #tpu.memory_space<vmem>>, vector<1x16xf32>,
      %get3A_3138 = vector.shape_cast %get3A_3137 : vector<1x16xf32> to vector<16xf32>
      %add3A_3139 = arith.addf %add3A_3115, %get3A_3138 : vector<16xf32>
      %get3A_3140 = arith.constant 18 : i32
      %get3A_3141 = arith.index_cast %get3A_3140 : i32 to index
      %get3A_3142 = arith.constant 32 : index
      %get3A_3143 = tpu.vector_load %arg7[%get3A_3141, %get3A_3142] {strides = array<i32>} : memref<100x64xf32, #tpu.memory_space<vmem>>, vector<1x16xf32>,
      %get3A_3144 = vector.shape_cast %get3A_3143 : vector<1x16xf32> to vector<16xf32>
      %add3A_3145 = arith.addf %add3A_3121, %get3A_3144 : vector<16xf32>
      %get3A_3146 = arith.constant 18 : i32
      %get3A_3147 = arith.index_cast %get3A_3146 : i32 to index
      %get3A_3148 = arith.constant 48 : index
      %get3A_3149 = tpu.vector_load %arg7[%get3A_3147, %get3A_3148] {strides = array<i32>} : memref<100x64xf32, #tpu.memory_space<vmem>>, vector<1x16xf32>,
      %get3A_3150 = vector.shape_cast %get3A_3149 : vector<1x16xf32> to vector<16xf32>
      %add3A_3151 = arith.addf %add3A_3127, %get3A_3150 : vector<16xf32>
      %get3A_3152 = arith.constant 19 : i32
      %get3A_3153 = arith.index_cast %get3A_3152 : i32 to index
      %get3A_3154 = arith.constant 0 : index
      %get3A_3155 = tpu.vector_load %arg7[%get3A_3153, %get3A_3154] {strides = array<i32>} : memref<100x64xf32, #tpu.memory_space<vmem>>, vector<1x16xf32>,
      %get3A_3156 = vector.shape_cast %get3A_3155 : vector<1x16xf32> to vector<16xf32>
      %add3A_3157 = arith.addf %add3A_3133, %get3A_3156 : vector<16xf32>
      %get3A_3158 = arith.constant 19 : i32
      %get3A_3159 = arith.index_cast %get3A_3158 : i32 to index
      %get3A_3160 = arith.constant 16 : index
      %get3A_3161 = tpu.vector_load %arg7[%get3A_3159, %get3A_3160] {strides = array<i32>} : memref<100x64xf32, #tpu.memory_space<vmem>>, vector<1x16xf32>,
      %get3A_3162 = vector.shape_cast %get3A_3161 : vector<1x16xf32> to vector<16xf32>
      %add3A_3163 = arith.addf %add3A_3139, %get3A_3162 : vector<16xf32>
      %get3A_3164 = arith.constant 19 : i32
      %get3A_3165 = arith.index_cast %get3A_3164 : i32 to index
      %get3A_3166 = arith.constant 32 : index
      %get3A_3167 = tpu.vector_load %arg7[%get3A_3165, %get3A_3166] {strides = array<i32>} : memref<100x64xf32, #tpu.memory_space<vmem>>, vector<1x16xf32>,
      %get3A_3168 = vector.shape_cast %get3A_3167 : vector<1x16xf32> to vector<16xf32>
      %add3A_3169 = arith.addf %add3A_3145, %get3A_3168 : vector<16xf32>
      %get3A_3170 = arith.constant 19 : i32
      %get3A_3171 = arith.index_cast %get3A_3170 : i32 to index
      %get3A_3172 = arith.constant 48 : index
      %get3A_3173 = tpu.vector_load %arg7[%get3A_3171, %get3A_3172] {strides = array<i32>} : memref<100x64xf32, #tpu.memory_space<vmem>>, vector<1x16xf32>,
      %get3A_3174 = vector.shape_cast %get3A_3173 : vector<1x16xf32> to vector<16xf32>
      %add3A_3175 = arith.addf %add3A_3151, %get3A_3174 : vector<16xf32>
      %get3A_3176 = arith.constant 20 : i32
      %get3A_3177 = arith.index_cast %get3A_3176 : i32 to index
      %get3A_3178 = arith.constant 0 : index
      %get3A_3179 = tpu.vector_load %arg7[%get3A_3177, %get3A_3178] {strides = array<i32>} : memref<100x64xf32, #tpu.memory_space<vmem>>, vector<1x16xf32>,
      %get3A_3180 = vector.shape_cast %get3A_3179 : vector<1x16xf32> to vector<16xf32>
      %add3A_3181 = arith.addf %add3A_3157, %get3A_3180 : vector<16xf32>
      %get3A_3182 = arith.constant 20 : i32
      %get3A_3183 = arith.index_cast %get3A_3182 : i32 to index
      %get3A_3184 = arith.constant 16 : index
      %get3A_3185 = tpu.vector_load %arg7[%get3A_3183, %get3A_3184] {strides = array<i32>} : memref<100x64xf32, #tpu.memory_space<vmem>>, vector<1x16xf32>,
      %get3A_3186 = vector.shape_cast %get3A_3185 : vector<1x16xf32> to vector<16xf32>
      %add3A_3187 = arith.addf %add3A_3163, %get3A_3186 : vector<16xf32>
      %get3A_3188 = arith.constant 20 : i32
      %get3A_3189 = arith.index_cast %get3A_3188 : i32 to index
      %get3A_3190 = arith.constant 32 : index
      %get3A_3191 = tpu.vector_load %arg7[%get3A_3189, %get3A_3190] {strides = array<i32>} : memref<100x64xf32, #tpu.memory_space<vmem>>, vector<1x16xf32>,
      %get3A_3192 = vector.shape_cast %get3A_3191 : vector<1x16xf32> to vector<16xf32>
      %add3A_3193 = arith.addf %add3A_3169, %get3A_3192 : vector<16xf32>
      %get3A_3194 = arith.constant 20 : i32
      %get3A_3195 = arith.index_cast %get3A_3194 : i32 to index
      %get3A_3196 = arith.constant 48 : index
      %get3A_3197 = tpu.vector_load %arg7[%get3A_3195, %get3A_3196] {strides = array<i32>} : memref<100x64xf32, #tpu.memory_space<vmem>>, vector<1x16xf32>,
      %get3A_3198 = vector.shape_cast %get3A_3197 : vector<1x16xf32> to vector<16xf32>
      %add3A_3199 = arith.addf %add3A_3175, %get3A_3198 : vector<16xf32>
      %get3A_3200 = arith.constant 21 : i32
      %get3A_3201 = arith.index_cast %get3A_3200 : i32 to index
      %get3A_3202 = arith.constant 0 : index
      %get3A_3203 = tpu.vector_load %arg7[%get3A_3201, %get3A_3202] {strides = array<i32>} : memref<100x64xf32, #tpu.memory_space<vmem>>, vector<1x16xf32>,
      %get3A_3204 = vector.shape_cast %get3A_3203 : vector<1x16xf32> to vector<16xf32>
      %add3A_3205 = arith.addf %add3A_3181, %get3A_3204 : vector<16xf32>
      %get3A_3206 = arith.constant 21 : i32
      %get3A_3207 = arith.index_cast %get3A_3206 : i32 to index
      %get3A_3208 = arith.constant 16 : index
      %get3A_3209 = tpu.vector_load %arg7[%get3A_3207, %get3A_3208] {strides = array<i32>} : memref<100x64xf32, #tpu.memory_space<vmem>>, vector<1x16xf32>,
      %get3A_3210 = vector.shape_cast %get3A_3209 : vector<1x16xf32> to vector<16xf32>
      %add3A_3211 = arith.addf %add3A_3187, %get3A_3210 : vector<16xf32>
      %get3A_3212 = arith.constant 21 : i32
      %get3A_3213 = arith.index_cast %get3A_3212 : i32 to index
      %get3A_3214 = arith.constant 32 : index
      %get3A_3215 = tpu.vector_load %arg7[%get3A_3213, %get3A_3214] {strides = array<i32>} : memref<100x64xf32, #tpu.memory_space<vmem>>, vector<1x16xf32>,
      %get3A_3216 = vector.shape_cast %get3A_3215 : vector<1x16xf32> to vector<16xf32>
      %add3A_3217 = arith.addf %add3A_3193, %get3A_3216 : vector<16xf32>
      %get3A_3218 = arith.constant 21 : i32
      %get3A_3219 = arith.index_cast %get3A_3218 : i32 to index
      %get3A_3220 = arith.constant 48 : index
      %get3A_3221 = tpu.vector_load %arg7[%get3A_3219, %get3A_3220] {strides = array<i32>} : memref<100x64xf32, #tpu.memory_space<vmem>>, vector<1x16xf32>,
      %get3A_3222 = vector.shape_cast %get3A_3221 : vector<1x16xf32> to vector<16xf32>
      %add3A_3223 = arith.addf %add3A_3199, %get3A_3222 : vector<16xf32>
      %get3A_3224 = arith.constant 22 : i32
      %get3A_3225 = arith.index_cast %get3A_3224 : i32 to index
      %get3A_3226 = arith.constant 0 : index
      %get3A_3227 = tpu.vector_load %arg7[%get3A_3225, %get3A_3226] {strides = array<i32>} : memref<100x64xf32, #tpu.memory_space<vmem>>, vector<1x16xf32>,
      %get3A_3228 = vector.shape_cast %get3A_3227 : vector<1x16xf32> to vector<16xf32>
      %add3A_3229 = arith.addf %add3A_3205, %get3A_3228 : vector<16xf32>
      %get3A_3230 = arith.constant 22 : i32
      %get3A_3231 = arith.index_cast %get3A_3230 : i32 to index
      %get3A_3232 = arith.constant 16 : index
      %get3A_3233 = tpu.vector_load %arg7[%get3A_3231, %get3A_3232] {strides = array<i32>} : memref<100x64xf32, #tpu.memory_space<vmem>>, vector<1x16xf32>,
      %get3A_3234 = vector.shape_cast %get3A_3233 : vector<1x16xf32> to vector<16xf32>
      %add3A_3235 = arith.addf %add3A_3211, %get3A_3234 : vector<16xf32>
      %get3A_3236 = arith.constant 22 : i32
      %get3A_3237 = arith.index_cast %get3A_3236 : i32 to index
      %get3A_3238 = arith.constant 32 : index
      %get3A_3239 = tpu.vector_load %arg7[%get3A_3237, %get3A_3238] {strides = array<i32>} : memref<100x64xf32, #tpu.memory_space<vmem>>, vector<1x16xf32>,
      %get3A_3240 = vector.shape_cast %get3A_3239 : vector<1x16xf32> to vector<16xf32>
      %add3A_3241 = arith.addf %add3A_3217, %get3A_3240 : vector<16xf32>
      %get3A_3242 = arith.constant 22 : i32
      %get3A_3243 = arith.index_cast %get3A_3242 : i32 to index
      %get3A_3244 = arith.constant 48 : index
      %get3A_3245 = tpu.vector_load %arg7[%get3A_3243, %get3A_3244] {strides = array<i32>} : memref<100x64xf32, #tpu.memory_space<vmem>>, vector<1x16xf32>,
      %get3A_3246 = vector.shape_cast %get3A_3245 : vector<1x16xf32> to vector<16xf32>
      %add3A_3247 = arith.addf %add3A_3223, %get3A_3246 : vector<16xf32>
      %get3A_3248 = arith.constant 23 : i32
      %get3A_3249 = arith.index_cast %get3A_3248 : i32 to index
      %get3A_3250 = arith.constant 0 : index
      %get3A_3251 = tpu.vector_load %arg7[%get3A_3249, %get3A_3250] {strides = array<i32>} : memref<100x64xf32, #tpu.memory_space<vmem>>, vector<1x16xf32>,
      %get3A_3252 = vector.shape_cast %get3A_3251 : vector<1x16xf32> to vector<16xf32>
      %add3A_3253 = arith.addf %add3A_3229, %get3A_3252 : vector<16xf32>
      %get3A_3254 = arith.constant 23 : i32
      %get3A_3255 = arith.index_cast %get3A_3254 : i32 to index
      %get3A_3256 = arith.constant 16 : index
      %get3A_3257 = tpu.vector_load %arg7[%get3A_3255, %get3A_3256] {strides = array<i32>} : memref<100x64xf32, #tpu.memory_space<vmem>>, vector<1x16xf32>,
      %get3A_3258 = vector.shape_cast %get3A_3257 : vector<1x16xf32> to vector<16xf32>
      %add3A_3259 = arith.addf %add3A_3235, %get3A_3258 : vector<16xf32>
      %get3A_3260 = arith.constant 23 : i32
      %get3A_3261 = arith.index_cast %get3A_3260 : i32 to index
      %get3A_3262 = arith.constant 32 : index
      %get3A_3263 = tpu.vector_load %arg7[%get3A_3261, %get3A_3262] {strides = array<i32>} : memref<100x64xf32, #tpu.memory_space<vmem>>, vector<1x16xf32>,
      %get3A_3264 = vector.shape_cast %get3A_3263 : vector<1x16xf32> to vector<16xf32>
      %add3A_3265 = arith.addf %add3A_3241, %get3A_3264 : vector<16xf32>
      %get3A_3266 = arith.constant 23 : i32
      %get3A_3267 = arith.index_cast %get3A_3266 : i32 to index
      %get3A_3268 = arith.constant 48 : index
      %get3A_3269 = tpu.vector_load %arg7[%get3A_3267, %get3A_3268] {strides = array<i32>} : memref<100x64xf32, #tpu.memory_space<vmem>>, vector<1x16xf32>,
      %get3A_3270 = vector.shape_cast %get3A_3269 : vector<1x16xf32> to vector<16xf32>
      %add3A_3271 = arith.addf %add3A_3247, %get3A_3270 : vector<16xf32>
      %get3A_3272 = arith.constant 24 : i32
      %get3A_3273 = arith.index_cast %get3A_3272 : i32 to index
      %get3A_3274 = arith.constant 0 : index
      %get3A_3275 = tpu.vector_load %arg7[%get3A_3273, %get3A_3274] {strides = array<i32>} : memref<100x64xf32, #tpu.memory_space<vmem>>, vector<1x16xf32>,
      %get3A_3276 = vector.shape_cast %get3A_3275 : vector<1x16xf32> to vector<16xf32>
      %add3A_3277 = arith.addf %add3A_3253, %get3A_3276 : vector<16xf32>
      %get3A_3278 = arith.constant 24 : i32
      %get3A_3279 = arith.index_cast %get3A_3278 : i32 to index
      %get3A_3280 = arith.constant 16 : index
      %get3A_3281 = tpu.vector_load %arg7[%get3A_3279, %get3A_3280] {strides = array<i32>} : memref<100x64xf32, #tpu.memory_space<vmem>>, vector<1x16xf32>,
      %get3A_3282 = vector.shape_cast %get3A_3281 : vector<1x16xf32> to vector<16xf32>
      %add3A_3283 = arith.addf %add3A_3259, %get3A_3282 : vector<16xf32>
      %get3A_3284 = arith.constant 24 : i32
      %get3A_3285 = arith.index_cast %get3A_3284 : i32 to index
      %get3A_3286 = arith.constant 32 : index
      %get3A_3287 = tpu.vector_load %arg7[%get3A_3285, %get3A_3286] {strides = array<i32>} : memref<100x64xf32, #tpu.memory_space<vmem>>, vector<1x16xf32>,
      %get3A_3288 = vector.shape_cast %get3A_3287 : vector<1x16xf32> to vector<16xf32>
      %add3A_3289 = arith.addf %add3A_3265, %get3A_3288 : vector<16xf32>
      %get3A_3290 = arith.constant 24 : i32
      %get3A_3291 = arith.index_cast %get3A_3290 : i32 to index
      %get3A_3292 = arith.constant 48 : index
      %get3A_3293 = tpu.vector_load %arg7[%get3A_3291, %get3A_3292] {strides = array<i32>} : memref<100x64xf32, #tpu.memory_space<vmem>>, vector<1x16xf32>,
      %get3A_3294 = vector.shape_cast %get3A_3293 : vector<1x16xf32> to vector<16xf32>
      %add3A_3295 = arith.addf %add3A_3271, %get3A_3294 : vector<16xf32>
      %get3A_3296 = arith.constant 25 : i32
      %get3A_3297 = arith.index_cast %get3A_3296 : i32 to index
      %get3A_3298 = arith.constant 0 : index
      %get3A_3299 = tpu.vector_load %arg7[%get3A_3297, %get3A_3298] {strides = array<i32>} : memref<100x64xf32, #tpu.memory_space<vmem>>, vector<1x16xf32>,
      %get3A_3300 = vector.shape_cast %get3A_3299 : vector<1x16xf32> to vector<16xf32>
      %add3A_3301 = arith.addf %add3A_3277, %get3A_3300 : vector<16xf32>
      %get3A_3302 = arith.constant 25 : i32
      %get3A_3303 = arith.index_cast %get3A_3302 : i32 to index
      %get3A_3304 = arith.constant 16 : index
      %get3A_3305 = tpu.vector_load %arg7[%get3A_3303, %get3A_3304] {strides = array<i32>} : memref<100x64xf32, #tpu.memory_space<vmem>>, vector<1x16xf32>,
      %get3A_3306 = vector.shape_cast %get3A_3305 : vector<1x16xf32> to vector<16xf32>
      %add3A_3307 = arith.addf %add3A_3283, %get3A_3306 : vector<16xf32>
      %get3A_3308 = arith.constant 25 : i32
      %get3A_3309 = arith.index_cast %get3A_3308 : i32 to index
      %get3A_3310 = arith.constant 32 : index
      %get3A_3311 = tpu.vector_load %arg7[%get3A_3309, %get3A_3310] {strides = array<i32>} : memref<100x64xf32, #tpu.memory_space<vmem>>, vector<1x16xf32>,
      %get3A_3312 = vector.shape_cast %get3A_3311 : vector<1x16xf32> to vector<16xf32>
      %add3A_3313 = arith.addf %add3A_3289, %get3A_3312 : vector<16xf32>
      %get3A_3314 = arith.constant 25 : i32
      %get3A_3315 = arith.index_cast %get3A_3314 : i32 to index
      %get3A_3316 = arith.constant 48 : index
      %get3A_3317 = tpu.vector_load %arg7[%get3A_3315, %get3A_3316] {strides = array<i32>} : memref<100x64xf32, #tpu.memory_space<vmem>>, vector<1x16xf32>,
      %get3A_3318 = vector.shape_cast %get3A_3317 : vector<1x16xf32> to vector<16xf32>
      %add3A_3319 = arith.addf %add3A_3295, %get3A_3318 : vector<16xf32>
      %get3A_3320 = arith.constant 26 : i32
      %get3A_3321 = arith.index_cast %get3A_3320 : i32 to index
      %get3A_3322 = arith.constant 0 : index
      %get3A_3323 = tpu.vector_load %arg7[%get3A_3321, %get3A_3322] {strides = array<i32>} : memref<100x64xf32, #tpu.memory_space<vmem>>, vector<1x16xf32>,
      %get3A_3324 = vector.shape_cast %get3A_3323 : vector<1x16xf32> to vector<16xf32>
      %add3A_3325 = arith.addf %add3A_3301, %get3A_3324 : vector<16xf32>
      %get3A_3326 = arith.constant 26 : i32
      %get3A_3327 = arith.index_cast %get3A_3326 : i32 to index
      %get3A_3328 = arith.constant 16 : index
      %get3A_3329 = tpu.vector_load %arg7[%get3A_3327, %get3A_3328] {strides = array<i32>} : memref<100x64xf32, #tpu.memory_space<vmem>>, vector<1x16xf32>,
      %get3A_3330 = vector.shape_cast %get3A_3329 : vector<1x16xf32> to vector<16xf32>
      %add3A_3331 = arith.addf %add3A_3307, %get3A_3330 : vector<16xf32>
      %get3A_3332 = arith.constant 26 : i32
      %get3A_3333 = arith.index_cast %get3A_3332 : i32 to index
      %get3A_3334 = arith.constant 32 : index
      %get3A_3335 = tpu.vector_load %arg7[%get3A_3333, %get3A_3334] {strides = array<i32>} : memref<100x64xf32, #tpu.memory_space<vmem>>, vector<1x16xf32>,
      %get3A_3336 = vector.shape_cast %get3A_3335 : vector<1x16xf32> to vector<16xf32>
      %add3A_3337 = arith.addf %add3A_3313, %get3A_3336 : vector<16xf32>
      %get3A_3338 = arith.constant 26 : i32
      %get3A_3339 = arith.index_cast %get3A_3338 : i32 to index
      %get3A_3340 = arith.constant 48 : index
      %get3A_3341 = tpu.vector_load %arg7[%get3A_3339, %get3A_3340] {strides = array<i32>} : memref<100x64xf32, #tpu.memory_space<vmem>>, vector<1x16xf32>,
      %get3A_3342 = vector.shape_cast %get3A_3341 : vector<1x16xf32> to vector<16xf32>
      %add3A_3343 = arith.addf %add3A_3319, %get3A_3342 : vector<16xf32>
      %get3A_3344 = arith.constant 27 : i32
      %get3A_3345 = arith.index_cast %get3A_3344 : i32 to index
      %get3A_3346 = arith.constant 0 : index
      %get3A_3347 = tpu.vector_load %arg7[%get3A_3345, %get3A_3346] {strides = array<i32>} : memref<100x64xf32, #tpu.memory_space<vmem>>, vector<1x16xf32>,
      %get3A_3348 = vector.shape_cast %get3A_3347 : vector<1x16xf32> to vector<16xf32>
      %add3A_3349 = arith.addf %add3A_3325, %get3A_3348 : vector<16xf32>
      %get3A_3350 = arith.constant 27 : i32
      %get3A_3351 = arith.index_cast %get3A_3350 : i32 to index
      %get3A_3352 = arith.constant 16 : index
      %get3A_3353 = tpu.vector_load %arg7[%get3A_3351, %get3A_3352] {strides = array<i32>} : memref<100x64xf32, #tpu.memory_space<vmem>>, vector<1x16xf32>,
      %get3A_3354 = vector.shape_cast %get3A_3353 : vector<1x16xf32> to vector<16xf32>
      %add3A_3355 = arith.addf %add3A_3331, %get3A_3354 : vector<16xf32>
      %get3A_3356 = arith.constant 27 : i32
      %get3A_3357 = arith.index_cast %get3A_3356 : i32 to index
      %get3A_3358 = arith.constant 32 : index
      %get3A_3359 = tpu.vector_load %arg7[%get3A_3357, %get3A_3358] {strides = array<i32>} : memref<100x64xf32, #tpu.memory_space<vmem>>, vector<1x16xf32>,
      %get3A_3360 = vector.shape_cast %get3A_3359 : vector<1x16xf32> to vector<16xf32>
      %add3A_3361 = arith.addf %add3A_3337, %get3A_3360 : vector<16xf32>
      %get3A_3362 = arith.constant 27 : i32
      %get3A_3363 = arith.index_cast %get3A_3362 : i32 to index
      %get3A_3364 = arith.constant 48 : index
      %get3A_3365 = tpu.vector_load %arg7[%get3A_3363, %get3A_3364] {strides = array<i32>} : memref<100x64xf32, #tpu.memory_space<vmem>>, vector<1x16xf32>,
      %get3A_3366 = vector.shape_cast %get3A_3365 : vector<1x16xf32> to vector<16xf32>
      %add3A_3367 = arith.addf %add3A_3343, %get3A_3366 : vector<16xf32>
      %get3A_3368 = arith.constant 28 : i32
      %get3A_3369 = arith.index_cast %get3A_3368 : i32 to index
      %get3A_3370 = arith.constant 0 : index
      %get3A_3371 = tpu.vector_load %arg7[%get3A_3369, %get3A_3370] {strides = array<i32>} : memref<100x64xf32, #tpu.memory_space<vmem>>, vector<1x16xf32>,
      %get3A_3372 = vector.shape_cast %get3A_3371 : vector<1x16xf32> to vector<16xf32>
      %add3A_3373 = arith.addf %add3A_3349, %get3A_3372 : vector<16xf32>
      %get3A_3374 = arith.constant 28 : i32
      %get3A_3375 = arith.index_cast %get3A_3374 : i32 to index
      %get3A_3376 = arith.constant 16 : index
      %get3A_3377 = tpu.vector_load %arg7[%get3A_3375, %get3A_3376] {strides = array<i32>} : memref<100x64xf32, #tpu.memory_space<vmem>>, vector<1x16xf32>,
      %get3A_3378 = vector.shape_cast %get3A_3377 : vector<1x16xf32> to vector<16xf32>
      %add3A_3379 = arith.addf %add3A_3355, %get3A_3378 : vector<16xf32>
      %get3A_3380 = arith.constant 28 : i32
      %get3A_3381 = arith.index_cast %get3A_3380 : i32 to index
      %get3A_3382 = arith.constant 32 : index
      %get3A_3383 = tpu.vector_load %arg7[%get3A_3381, %get3A_3382] {strides = array<i32>} : memref<100x64xf32, #tpu.memory_space<vmem>>, vector<1x16xf32>,
      %get3A_3384 = vector.shape_cast %get3A_3383 : vector<1x16xf32> to vector<16xf32>
      %add3A_3385 = arith.addf %add3A_3361, %get3A_3384 : vector<16xf32>
      %get3A_3386 = arith.constant 28 : i32
      %get3A_3387 = arith.index_cast %get3A_3386 : i32 to index
      %get3A_3388 = arith.constant 48 : index
      %get3A_3389 = tpu.vector_load %arg7[%get3A_3387, %get3A_3388] {strides = array<i32>} : memref<100x64xf32, #tpu.memory_space<vmem>>, vector<1x16xf32>,
      %get3A_3390 = vector.shape_cast %get3A_3389 : vector<1x16xf32> to vector<16xf32>
      %add3A_3391 = arith.addf %add3A_3367, %get3A_3390 : vector<16xf32>
      %get3A_3392 = arith.constant 29 : i32
      %get3A_3393 = arith.index_cast %get3A_3392 : i32 to index
      %get3A_3394 = arith.constant 0 : index
      %get3A_3395 = tpu.vector_load %arg7[%get3A_3393, %get3A_3394] {strides = array<i32>} : memref<100x64xf32, #tpu.memory_space<vmem>>, vector<1x16xf32>,
      %get3A_3396 = vector.shape_cast %get3A_3395 : vector<1x16xf32> to vector<16xf32>
      %add3A_3397 = arith.addf %add3A_3373, %get3A_3396 : vector<16xf32>
      %get3A_3398 = arith.constant 29 : i32
      %get3A_3399 = arith.index_cast %get3A_3398 : i32 to index
      %get3A_3400 = arith.constant 16 : index
      %get3A_3401 = tpu.vector_load %arg7[%get3A_3399, %get3A_3400] {strides = array<i32>} : memref<100x64xf32, #tpu.memory_space<vmem>>, vector<1x16xf32>,
      %get3A_3402 = vector.shape_cast %get3A_3401 : vector<1x16xf32> to vector<16xf32>
      %add3A_3403 = arith.addf %add3A_3379, %get3A_3402 : vector<16xf32>
      %get3A_3404 = arith.constant 29 : i32
      %get3A_3405 = arith.index_cast %get3A_3404 : i32 to index
      %get3A_3406 = arith.constant 32 : index
      %get3A_3407 = tpu.vector_load %arg7[%get3A_3405, %get3A_3406] {strides = array<i32>} : memref<100x64xf32, #tpu.memory_space<vmem>>, vector<1x16xf32>,
      %get3A_3408 = vector.shape_cast %get3A_3407 : vector<1x16xf32> to vector<16xf32>
      %add3A_3409 = arith.addf %add3A_3385, %get3A_3408 : vector<16xf32>
      %get3A_3410 = arith.constant 29 : i32
      %get3A_3411 = arith.index_cast %get3A_3410 : i32 to index
      %get3A_3412 = arith.constant 48 : index
      %get3A_3413 = tpu.vector_load %arg7[%get3A_3411, %get3A_3412] {strides = array<i32>} : memref<100x64xf32, #tpu.memory_space<vmem>>, vector<1x16xf32>,
      %get3A_3414 = vector.shape_cast %get3A_3413 : vector<1x16xf32> to vector<16xf32>
      %add3A_3415 = arith.addf %add3A_3391, %get3A_3414 : vector<16xf32>
      %get3A_3416 = arith.constant 30 : i32
      %get3A_3417 = arith.index_cast %get3A_3416 : i32 to index
      %get3A_3418 = arith.constant 0 : index
      %get3A_3419 = tpu.vector_load %arg7[%get3A_3417, %get3A_3418] {strides = array<i32>} : memref<100x64xf32, #tpu.memory_space<vmem>>, vector<1x16xf32>,
      %get3A_3420 = vector.shape_cast %get3A_3419 : vector<1x16xf32> to vector<16xf32>
      %add3A_3421 = arith.addf %add3A_3397, %get3A_3420 : vector<16xf32>
      %get3A_3422 = arith.constant 30 : i32
      %get3A_3423 = arith.index_cast %get3A_3422 : i32 to index
      %get3A_3424 = arith.constant 16 : index
      %get3A_3425 = tpu.vector_load %arg7[%get3A_3423, %get3A_3424] {strides = array<i32>} : memref<100x64xf32, #tpu.memory_space<vmem>>, vector<1x16xf32>,
      %get3A_3426 = vector.shape_cast %get3A_3425 : vector<1x16xf32> to vector<16xf32>
      %add3A_3427 = arith.addf %add3A_3403, %get3A_3426 : vector<16xf32>
      %get3A_3428 = arith.constant 30 : i32
      %get3A_3429 = arith.index_cast %get3A_3428 : i32 to index
      %get3A_3430 = arith.constant 32 : index
      %get3A_3431 = tpu.vector_load %arg7[%get3A_3429, %get3A_3430] {strides = array<i32>} : memref<100x64xf32, #tpu.memory_space<vmem>>, vector<1x16xf32>,
      %get3A_3432 = vector.shape_cast %get3A_3431 : vector<1x16xf32> to vector<16xf32>
      %add3A_3433 = arith.addf %add3A_3409, %get3A_3432 : vector<16xf32>
      %get3A_3434 = arith.constant 30 : i32
      %get3A_3435 = arith.index_cast %get3A_3434 : i32 to index
      %get3A_3436 = arith.constant 48 : index
      %get3A_3437 = tpu.vector_load %arg7[%get3A_3435, %get3A_3436] {strides = array<i32>} : memref<100x64xf32, #tpu.memory_space<vmem>>, vector<1x16xf32>,
      %get3A_3438 = vector.shape_cast %get3A_3437 : vector<1x16xf32> to vector<16xf32>
      %add3A_3439 = arith.addf %add3A_3415, %get3A_3438 : vector<16xf32>
      %get3A_3440 = arith.constant 31 : i32
      %get3A_3441 = arith.index_cast %get3A_3440 : i32 to index
      %get3A_3442 = arith.constant 0 : index
      %get3A_3443 = tpu.vector_load %arg7[%get3A_3441, %get3A_3442] {strides = array<i32>} : memref<100x64xf32, #tpu.memory_space<vmem>>, vector<1x16xf32>,
      %get3A_3444 = vector.shape_cast %get3A_3443 : vector<1x16xf32> to vector<16xf32>
      %add3A_3445 = arith.addf %add3A_3421, %get3A_3444 : vector<16xf32>
      %get3A_3446 = arith.constant 31 : i32
      %get3A_3447 = arith.index_cast %get3A_3446 : i32 to index
      %get3A_3448 = arith.constant 16 : index
      %get3A_3449 = tpu.vector_load %arg7[%get3A_3447, %get3A_3448] {strides = array<i32>} : memref<100x64xf32, #tpu.memory_space<vmem>>, vector<1x16xf32>,
      %get3A_3450 = vector.shape_cast %get3A_3449 : vector<1x16xf32> to vector<16xf32>
      %add3A_3451 = arith.addf %add3A_3427, %get3A_3450 : vector<16xf32>
      %get3A_3452 = arith.constant 31 : i32
      %get3A_3453 = arith.index_cast %get3A_3452 : i32 to index
      %get3A_3454 = arith.constant 32 : index
      %get3A_3455 = tpu.vector_load %arg7[%get3A_3453, %get3A_3454] {strides = array<i32>} : memref<100x64xf32, #tpu.memory_space<vmem>>, vector<1x16xf32>,
      %get3A_3456 = vector.shape_cast %get3A_3455 : vector<1x16xf32> to vector<16xf32>
      %add3A_3457 = arith.addf %add3A_3433, %get3A_3456 : vector<16xf32>
      %get3A_3458 = arith.constant 31 : i32
      %get3A_3459 = arith.index_cast %get3A_3458 : i32 to index
      %get3A_3460 = arith.constant 48 : index
      %get3A_3461 = tpu.vector_load %arg7[%get3A_3459, %get3A_3460] {strides = array<i32>} : memref<100x64xf32, #tpu.memory_space<vmem>>, vector<1x16xf32>,
      %get3A_3462 = vector.shape_cast %get3A_3461 : vector<1x16xf32> to vector<16xf32>
      %add3A_3463 = arith.addf %add3A_3439, %get3A_3462 : vector<16xf32>
      %get3A_3464 = arith.constant 32 : i32
      %get3A_3465 = arith.index_cast %get3A_3464 : i32 to index
      %get3A_3466 = arith.constant 0 : index
      %get3A_3467 = tpu.vector_load %arg7[%get3A_3465, %get3A_3466] {strides = array<i32>} : memref<100x64xf32, #tpu.memory_space<vmem>>, vector<1x16xf32>,
      %get3A_3468 = vector.shape_cast %get3A_3467 : vector<1x16xf32> to vector<16xf32>
      %add3A_3469 = arith.addf %add3A_3445, %get3A_3468 : vector<16xf32>
      %get3A_3470 = arith.constant 32 : i32
      %get3A_3471 = arith.index_cast %get3A_3470 : i32 to index
      %get3A_3472 = arith.constant 16 : index
      %get3A_3473 = tpu.vector_load %arg7[%get3A_3471, %get3A_3472] {strides = array<i32>} : memref<100x64xf32, #tpu.memory_space<vmem>>, vector<1x16xf32>,
      %get3A_3474 = vector.shape_cast %get3A_3473 : vector<1x16xf32> to vector<16xf32>
      %add3A_3475 = arith.addf %add3A_3451, %get3A_3474 : vector<16xf32>
      %get3A_3476 = arith.constant 32 : i32
      %get3A_3477 = arith.index_cast %get3A_3476 : i32 to index
      %get3A_3478 = arith.constant 32 : index
      %get3A_3479 = tpu.vector_load %arg7[%get3A_3477, %get3A_3478] {strides = array<i32>} : memref<100x64xf32, #tpu.memory_space<vmem>>, vector<1x16xf32>,
      %get3A_3480 = vector.shape_cast %get3A_3479 : vector<1x16xf32> to vector<16xf32>
      %add3A_3481 = arith.addf %add3A_3457, %get3A_3480 : vector<16xf32>
      %get3A_3482 = arith.constant 32 : i32
      %get3A_3483 = arith.index_cast %get3A_3482 : i32 to index
      %get3A_3484 = arith.constant 48 : index
      %get3A_3485 = tpu.vector_load %arg7[%get3A_3483, %get3A_3484] {strides = array<i32>} : memref<100x64xf32, #tpu.memory_space<vmem>>, vector<1x16xf32>,
      %get3A_3486 = vector.shape_cast %get3A_3485 : vector<1x16xf32> to vector<16xf32>
      %add3A_3487 = arith.addf %add3A_3463, %get3A_3486 : vector<16xf32>
      %get3A_3488 = arith.constant 33 : i32
      %get3A_3489 = arith.index_cast %get3A_3488 : i32 to index
      %get3A_3490 = arith.constant 0 : index
      %get3A_3491 = tpu.vector_load %arg7[%get3A_3489, %get3A_3490] {strides = array<i32>} : memref<100x64xf32, #tpu.memory_space<vmem>>, vector<1x16xf32>,
      %get3A_3492 = vector.shape_cast %get3A_3491 : vector<1x16xf32> to vector<16xf32>
      %add3A_3493 = arith.addf %add3A_3469, %get3A_3492 : vector<16xf32>
      %get3A_3494 = arith.constant 33 : i32
      %get3A_3495 = arith.index_cast %get3A_3494 : i32 to index
      %get3A_3496 = arith.constant 16 : index
      %get3A_3497 = tpu.vector_load %arg7[%get3A_3495, %get3A_3496] {strides = array<i32>} : memref<100x64xf32, #tpu.memory_space<vmem>>, vector<1x16xf32>,
      %get3A_3498 = vector.shape_cast %get3A_3497 : vector<1x16xf32> to vector<16xf32>
      %add3A_3499 = arith.addf %add3A_3475, %get3A_3498 : vector<16xf32>
      %get3A_3500 = arith.constant 33 : i32
      %get3A_3501 = arith.index_cast %get3A_3500 : i32 to index
      %get3A_3502 = arith.constant 32 : index
      %get3A_3503 = tpu.vector_load %arg7[%get3A_3501, %get3A_3502] {strides = array<i32>} : memref<100x64xf32, #tpu.memory_space<vmem>>, vector<1x16xf32>,
      %get3A_3504 = vector.shape_cast %get3A_3503 : vector<1x16xf32> to vector<16xf32>
      %add3A_3505 = arith.addf %add3A_3481, %get3A_3504 : vector<16xf32>
      %get3A_3506 = arith.constant 33 : i32
      %get3A_3507 = arith.index_cast %get3A_3506 : i32 to index
      %get3A_3508 = arith.constant 48 : index
      %get3A_3509 = tpu.vector_load %arg7[%get3A_3507, %get3A_3508] {strides = array<i32>} : memref<100x64xf32, #tpu.memory_space<vmem>>, vector<1x16xf32>,
      %get3A_3510 = vector.shape_cast %get3A_3509 : vector<1x16xf32> to vector<16xf32>
      %add3A_3511 = arith.addf %add3A_3487, %get3A_3510 : vector<16xf32>
      %get3A_3512 = arith.constant 34 : i32
      %get3A_3513 = arith.index_cast %get3A_3512 : i32 to index
      %get3A_3514 = arith.constant 0 : index
      %get3A_3515 = tpu.vector_load %arg7[%get3A_3513, %get3A_3514] {strides = array<i32>} : memref<100x64xf32, #tpu.memory_space<vmem>>, vector<1x16xf32>,
      %get3A_3516 = vector.shape_cast %get3A_3515 : vector<1x16xf32> to vector<16xf32>
      %add3A_3517 = arith.addf %add3A_3493, %get3A_3516 : vector<16xf32>
      %get3A_3518 = arith.constant 34 : i32
      %get3A_3519 = arith.index_cast %get3A_3518 : i32 to index
      %get3A_3520 = arith.constant 16 : index
      %get3A_3521 = tpu.vector_load %arg7[%get3A_3519, %get3A_3520] {strides = array<i32>} : memref<100x64xf32, #tpu.memory_space<vmem>>, vector<1x16xf32>,
      %get3A_3522 = vector.shape_cast %get3A_3521 : vector<1x16xf32> to vector<16xf32>
      %add3A_3523 = arith.addf %add3A_3499, %get3A_3522 : vector<16xf32>
      %get3A_3524 = arith.constant 34 : i32
      %get3A_3525 = arith.index_cast %get3A_3524 : i32 to index
      %get3A_3526 = arith.constant 32 : index
      %get3A_3527 = tpu.vector_load %arg7[%get3A_3525, %get3A_3526] {strides = array<i32>} : memref<100x64xf32, #tpu.memory_space<vmem>>, vector<1x16xf32>,
      %get3A_3528 = vector.shape_cast %get3A_3527 : vector<1x16xf32> to vector<16xf32>
      %add3A_3529 = arith.addf %add3A_3505, %get3A_3528 : vector<16xf32>
      %get3A_3530 = arith.constant 34 : i32
      %get3A_3531 = arith.index_cast %get3A_3530 : i32 to index
      %get3A_3532 = arith.constant 48 : index
      %get3A_3533 = tpu.vector_load %arg7[%get3A_3531, %get3A_3532] {strides = array<i32>} : memref<100x64xf32, #tpu.memory_space<vmem>>, vector<1x16xf32>,
      %get3A_3534 = vector.shape_cast %get3A_3533 : vector<1x16xf32> to vector<16xf32>
      %add3A_3535 = arith.addf %add3A_3511, %get3A_3534 : vector<16xf32>
      %get3A_3536 = arith.constant 35 : i32
      %get3A_3537 = arith.index_cast %get3A_3536 : i32 to index
      %get3A_3538 = arith.constant 0 : index
      %get3A_3539 = tpu.vector_load %arg7[%get3A_3537, %get3A_3538] {strides = array<i32>} : memref<100x64xf32, #tpu.memory_space<vmem>>, vector<1x16xf32>,
      %get3A_3540 = vector.shape_cast %get3A_3539 : vector<1x16xf32> to vector<16xf32>
      %add3A_3541 = arith.addf %add3A_3517, %get3A_3540 : vector<16xf32>
      %get3A_3542 = arith.constant 35 : i32
      %get3A_3543 = arith.index_cast %get3A_3542 : i32 to index
      %get3A_3544 = arith.constant 16 : index
      %get3A_3545 = tpu.vector_load %arg7[%get3A_3543, %get3A_3544] {strides = array<i32>} : memref<100x64xf32, #tpu.memory_space<vmem>>, vector<1x16xf32>,
      %get3A_3546 = vector.shape_cast %get3A_3545 : vector<1x16xf32> to vector<16xf32>
      %add3A_3547 = arith.addf %add3A_3523, %get3A_3546 : vector<16xf32>
      %get3A_3548 = arith.constant 35 : i32
      %get3A_3549 = arith.index_cast %get3A_3548 : i32 to index
      %get3A_3550 = arith.constant 32 : index
      %get3A_3551 = tpu.vector_load %arg7[%get3A_3549, %get3A_3550] {strides = array<i32>} : memref<100x64xf32, #tpu.memory_space<vmem>>, vector<1x16xf32>,
      %get3A_3552 = vector.shape_cast %get3A_3551 : vector<1x16xf32> to vector<16xf32>
      %add3A_3553 = arith.addf %add3A_3529, %get3A_3552 : vector<16xf32>
      %get3A_3554 = arith.constant 35 : i32
      %get3A_3555 = arith.index_cast %get3A_3554 : i32 to index
      %get3A_3556 = arith.constant 48 : index
      %get3A_3557 = tpu.vector_load %arg7[%get3A_3555, %get3A_3556] {strides = array<i32>} : memref<100x64xf32, #tpu.memory_space<vmem>>, vector<1x16xf32>,
      %get3A_3558 = vector.shape_cast %get3A_3557 : vector<1x16xf32> to vector<16xf32>
      %add3A_3559 = arith.addf %add3A_3535, %get3A_3558 : vector<16xf32>
      %get3A_3560 = arith.constant 36 : i32
      %get3A_3561 = arith.index_cast %get3A_3560 : i32 to index
      %get3A_3562 = arith.constant 0 : index
      %get3A_3563 = tpu.vector_load %arg7[%get3A_3561, %get3A_3562] {strides = array<i32>} : memref<100x64xf32, #tpu.memory_space<vmem>>, vector<1x16xf32>,
      %get3A_3564 = vector.shape_cast %get3A_3563 : vector<1x16xf32> to vector<16xf32>
      %add3A_3565 = arith.addf %add3A_3541, %get3A_3564 : vector<16xf32>
      %get3A_3566 = arith.constant 36 : i32
      %get3A_3567 = arith.index_cast %get3A_3566 : i32 to index
      %get3A_3568 = arith.constant 16 : index
      %get3A_3569 = tpu.vector_load %arg7[%get3A_3567, %get3A_3568] {strides = array<i32>} : memref<100x64xf32, #tpu.memory_space<vmem>>, vector<1x16xf32>,
      %get3A_3570 = vector.shape_cast %get3A_3569 : vector<1x16xf32> to vector<16xf32>
      %add3A_3571 = arith.addf %add3A_3547, %get3A_3570 : vector<16xf32>
      %get3A_3572 = arith.constant 36 : i32
      %get3A_3573 = arith.index_cast %get3A_3572 : i32 to index
      %get3A_3574 = arith.constant 32 : index
      %get3A_3575 = tpu.vector_load %arg7[%get3A_3573, %get3A_3574] {strides = array<i32>} : memref<100x64xf32, #tpu.memory_space<vmem>>, vector<1x16xf32>,
      %get3A_3576 = vector.shape_cast %get3A_3575 : vector<1x16xf32> to vector<16xf32>
      %add3A_3577 = arith.addf %add3A_3553, %get3A_3576 : vector<16xf32>
      %get3A_3578 = arith.constant 36 : i32
      %get3A_3579 = arith.index_cast %get3A_3578 : i32 to index
      %get3A_3580 = arith.constant 48 : index
      %get3A_3581 = tpu.vector_load %arg7[%get3A_3579, %get3A_3580] {strides = array<i32>} : memref<100x64xf32, #tpu.memory_space<vmem>>, vector<1x16xf32>,
      %get3A_3582 = vector.shape_cast %get3A_3581 : vector<1x16xf32> to vector<16xf32>
      %add3A_3583 = arith.addf %add3A_3559, %get3A_3582 : vector<16xf32>
      %get3A_3584 = arith.constant 37 : i32
      %get3A_3585 = arith.index_cast %get3A_3584 : i32 to index
      %get3A_3586 = arith.constant 0 : index
      %get3A_3587 = tpu.vector_load %arg7[%get3A_3585, %get3A_3586] {strides = array<i32>} : memref<100x64xf32, #tpu.memory_space<vmem>>, vector<1x16xf32>,
      %get3A_3588 = vector.shape_cast %get3A_3587 : vector<1x16xf32> to vector<16xf32>
      %add3A_3589 = arith.addf %add3A_3565, %get3A_3588 : vector<16xf32>
      %get3A_3590 = arith.constant 37 : i32
      %get3A_3591 = arith.index_cast %get3A_3590 : i32 to index
      %get3A_3592 = arith.constant 16 : index
      %get3A_3593 = tpu.vector_load %arg7[%get3A_3591, %get3A_3592] {strides = array<i32>} : memref<100x64xf32, #tpu.memory_space<vmem>>, vector<1x16xf32>,
      %get3A_3594 = vector.shape_cast %get3A_3593 : vector<1x16xf32> to vector<16xf32>
      %add3A_3595 = arith.addf %add3A_3571, %get3A_3594 : vector<16xf32>
      %get3A_3596 = arith.constant 37 : i32
      %get3A_3597 = arith.index_cast %get3A_3596 : i32 to index
      %get3A_3598 = arith.constant 32 : index
      %get3A_3599 = tpu.vector_load %arg7[%get3A_3597, %get3A_3598] {strides = array<i32>} : memref<100x64xf32, #tpu.memory_space<vmem>>, vector<1x16xf32>,
      %get3A_3600 = vector.shape_cast %get3A_3599 : vector<1x16xf32> to vector<16xf32>
      %add3A_3601 = arith.addf %add3A_3577, %get3A_3600 : vector<16xf32>
      %get3A_3602 = arith.constant 37 : i32
      %get3A_3603 = arith.index_cast %get3A_3602 : i32 to index
      %get3A_3604 = arith.constant 48 : index
      %get3A_3605 = tpu.vector_load %arg7[%get3A_3603, %get3A_3604] {strides = array<i32>} : memref<100x64xf32, #tpu.memory_space<vmem>>, vector<1x16xf32>,
      %get3A_3606 = vector.shape_cast %get3A_3605 : vector<1x16xf32> to vector<16xf32>
      %add3A_3607 = arith.addf %add3A_3583, %get3A_3606 : vector<16xf32>
      %get3A_3608 = arith.constant 38 : i32
      %get3A_3609 = arith.index_cast %get3A_3608 : i32 to index
      %get3A_3610 = arith.constant 0 : index
      %get3A_3611 = tpu.vector_load %arg7[%get3A_3609, %get3A_3610] {strides = array<i32>} : memref<100x64xf32, #tpu.memory_space<vmem>>, vector<1x16xf32>,
      %get3A_3612 = vector.shape_cast %get3A_3611 : vector<1x16xf32> to vector<16xf32>
      %add3A_3613 = arith.addf %add3A_3589, %get3A_3612 : vector<16xf32>
      %get3A_3614 = arith.constant 38 : i32
      %get3A_3615 = arith.index_cast %get3A_3614 : i32 to index
      %get3A_3616 = arith.constant 16 : index
      %get3A_3617 = tpu.vector_load %arg7[%get3A_3615, %get3A_3616] {strides = array<i32>} : memref<100x64xf32, #tpu.memory_space<vmem>>, vector<1x16xf32>,
      %get3A_3618 = vector.shape_cast %get3A_3617 : vector<1x16xf32> to vector<16xf32>
      %add3A_3619 = arith.addf %add3A_3595, %get3A_3618 : vector<16xf32>
      %get3A_3620 = arith.constant 38 : i32
      %get3A_3621 = arith.index_cast %get3A_3620 : i32 to index
      %get3A_3622 = arith.constant 32 : index
      %get3A_3623 = tpu.vector_load %arg7[%get3A_3621, %get3A_3622] {strides = array<i32>} : memref<100x64xf32, #tpu.memory_space<vmem>>, vector<1x16xf32>,
      %get3A_3624 = vector.shape_cast %get3A_3623 : vector<1x16xf32> to vector<16xf32>
      %add3A_3625 = arith.addf %add3A_3601, %get3A_3624 : vector<16xf32>
      %get3A_3626 = arith.constant 38 : i32
      %get3A_3627 = arith.index_cast %get3A_3626 : i32 to index
      %get3A_3628 = arith.constant 48 : index
      %get3A_3629 = tpu.vector_load %arg7[%get3A_3627, %get3A_3628] {strides = array<i32>} : memref<100x64xf32, #tpu.memory_space<vmem>>, vector<1x16xf32>,
      %get3A_3630 = vector.shape_cast %get3A_3629 : vector<1x16xf32> to vector<16xf32>
      %add3A_3631 = arith.addf %add3A_3607, %get3A_3630 : vector<16xf32>
      %get3A_3632 = arith.constant 39 : i32
      %get3A_3633 = arith.index_cast %get3A_3632 : i32 to index
      %get3A_3634 = arith.constant 0 : index
      %get3A_3635 = tpu.vector_load %arg7[%get3A_3633, %get3A_3634] {strides = array<i32>} : memref<100x64xf32, #tpu.memory_space<vmem>>, vector<1x16xf32>,
      %get3A_3636 = vector.shape_cast %get3A_3635 : vector<1x16xf32> to vector<16xf32>
      %add3A_3637 = arith.addf %add3A_3613, %get3A_3636 : vector<16xf32>
      %get3A_3638 = arith.constant 39 : i32
      %get3A_3639 = arith.index_cast %get3A_3638 : i32 to index
      %get3A_3640 = arith.constant 16 : index
      %get3A_3641 = tpu.vector_load %arg7[%get3A_3639, %get3A_3640] {strides = array<i32>} : memref<100x64xf32, #tpu.memory_space<vmem>>, vector<1x16xf32>,
      %get3A_3642 = vector.shape_cast %get3A_3641 : vector<1x16xf32> to vector<16xf32>
      %add3A_3643 = arith.addf %add3A_3619, %get3A_3642 : vector<16xf32>
      %get3A_3644 = arith.constant 39 : i32
      %get3A_3645 = arith.index_cast %get3A_3644 : i32 to index
      %get3A_3646 = arith.constant 32 : index
      %get3A_3647 = tpu.vector_load %arg7[%get3A_3645, %get3A_3646] {strides = array<i32>} : memref<100x64xf32, #tpu.memory_space<vmem>>, vector<1x16xf32>,
      %get3A_3648 = vector.shape_cast %get3A_3647 : vector<1x16xf32> to vector<16xf32>
      %add3A_3649 = arith.addf %add3A_3625, %get3A_3648 : vector<16xf32>
      %get3A_3650 = arith.constant 39 : i32
      %get3A_3651 = arith.index_cast %get3A_3650 : i32 to index
      %get3A_3652 = arith.constant 48 : index
      %get3A_3653 = tpu.vector_load %arg7[%get3A_3651, %get3A_3652] {strides = array<i32>} : memref<100x64xf32, #tpu.memory_space<vmem>>, vector<1x16xf32>,
      %get3A_3654 = vector.shape_cast %get3A_3653 : vector<1x16xf32> to vector<16xf32>
      %add3A_3655 = arith.addf %add3A_3631, %get3A_3654 : vector<16xf32>
      %get3A_3656 = arith.constant 40 : i32
      %get3A_3657 = arith.index_cast %get3A_3656 : i32 to index
      %get3A_3658 = arith.constant 0 : index
      %get3A_3659 = tpu.vector_load %arg7[%get3A_3657, %get3A_3658] {strides = array<i32>} : memref<100x64xf32, #tpu.memory_space<vmem>>, vector<1x16xf32>,
      %get3A_3660 = vector.shape_cast %get3A_3659 : vector<1x16xf32> to vector<16xf32>
      %add3A_3661 = arith.addf %add3A_3637, %get3A_3660 : vector<16xf32>
      %get3A_3662 = arith.constant 40 : i32
      %get3A_3663 = arith.index_cast %get3A_3662 : i32 to index
      %get3A_3664 = arith.constant 16 : index
      %get3A_3665 = tpu.vector_load %arg7[%get3A_3663, %get3A_3664] {strides = array<i32>} : memref<100x64xf32, #tpu.memory_space<vmem>>, vector<1x16xf32>,
      %get3A_3666 = vector.shape_cast %get3A_3665 : vector<1x16xf32> to vector<16xf32>
      %add3A_3667 = arith.addf %add3A_3643, %get3A_3666 : vector<16xf32>
      %get3A_3668 = arith.constant 40 : i32
      %get3A_3669 = arith.index_cast %get3A_3668 : i32 to index
      %get3A_3670 = arith.constant 32 : index
      %get3A_3671 = tpu.vector_load %arg7[%get3A_3669, %get3A_3670] {strides = array<i32>} : memref<100x64xf32, #tpu.memory_space<vmem>>, vector<1x16xf32>,
      %get3A_3672 = vector.shape_cast %get3A_3671 : vector<1x16xf32> to vector<16xf32>
      %add3A_3673 = arith.addf %add3A_3649, %get3A_3672 : vector<16xf32>
      %get3A_3674 = arith.constant 40 : i32
      %get3A_3675 = arith.index_cast %get3A_3674 : i32 to index
      %get3A_3676 = arith.constant 48 : index
      %get3A_3677 = tpu.vector_load %arg7[%get3A_3675, %get3A_3676] {strides = array<i32>} : memref<100x64xf32, #tpu.memory_space<vmem>>, vector<1x16xf32>,
      %get3A_3678 = vector.shape_cast %get3A_3677 : vector<1x16xf32> to vector<16xf32>
      %add3A_3679 = arith.addf %add3A_3655, %get3A_3678 : vector<16xf32>
      %get3A_3680 = arith.constant 41 : i32
      %get3A_3681 = arith.index_cast %get3A_3680 : i32 to index
      %get3A_3682 = arith.constant 0 : index
      %get3A_3683 = tpu.vector_load %arg7[%get3A_3681, %get3A_3682] {strides = array<i32>} : memref<100x64xf32, #tpu.memory_space<vmem>>, vector<1x16xf32>,
      %get3A_3684 = vector.shape_cast %get3A_3683 : vector<1x16xf32> to vector<16xf32>
      %add3A_3685 = arith.addf %add3A_3661, %get3A_3684 : vector<16xf32>
      %get3A_3686 = arith.constant 41 : i32
      %get3A_3687 = arith.index_cast %get3A_3686 : i32 to index
      %get3A_3688 = arith.constant 16 : index
      %get3A_3689 = tpu.vector_load %arg7[%get3A_3687, %get3A_3688] {strides = array<i32>} : memref<100x64xf32, #tpu.memory_space<vmem>>, vector<1x16xf32>,
      %get3A_3690 = vector.shape_cast %get3A_3689 : vector<1x16xf32> to vector<16xf32>
      %add3A_3691 = arith.addf %add3A_3667, %get3A_3690 : vector<16xf32>
      %get3A_3692 = arith.constant 41 : i32
      %get3A_3693 = arith.index_cast %get3A_3692 : i32 to index
      %get3A_3694 = arith.constant 32 : index
      %get3A_3695 = tpu.vector_load %arg7[%get3A_3693, %get3A_3694] {strides = array<i32>} : memref<100x64xf32, #tpu.memory_space<vmem>>, vector<1x16xf32>,
      %get3A_3696 = vector.shape_cast %get3A_3695 : vector<1x16xf32> to vector<16xf32>
      %add3A_3697 = arith.addf %add3A_3673, %get3A_3696 : vector<16xf32>
      %get3A_3698 = arith.constant 41 : i32
      %get3A_3699 = arith.index_cast %get3A_3698 : i32 to index
      %get3A_3700 = arith.constant 48 : index
      %get3A_3701 = tpu.vector_load %arg7[%get3A_3699, %get3A_3700] {strides = array<i32>} : memref<100x64xf32, #tpu.memory_space<vmem>>, vector<1x16xf32>,
      %get3A_3702 = vector.shape_cast %get3A_3701 : vector<1x16xf32> to vector<16xf32>
      %add3A_3703 = arith.addf %add3A_3679, %get3A_3702 : vector<16xf32>
      %get3A_3704 = arith.constant 42 : i32
      %get3A_3705 = arith.index_cast %get3A_3704 : i32 to index
      %get3A_3706 = arith.constant 0 : index
      %get3A_3707 = tpu.vector_load %arg7[%get3A_3705, %get3A_3706] {strides = array<i32>} : memref<100x64xf32, #tpu.memory_space<vmem>>, vector<1x16xf32>,
      %get3A_3708 = vector.shape_cast %get3A_3707 : vector<1x16xf32> to vector<16xf32>
      %add3A_3709 = arith.addf %add3A_3685, %get3A_3708 : vector<16xf32>
      %get3A_3710 = arith.constant 42 : i32
      %get3A_3711 = arith.index_cast %get3A_3710 : i32 to index
      %get3A_3712 = arith.constant 16 : index
      %get3A_3713 = tpu.vector_load %arg7[%get3A_3711, %get3A_3712] {strides = array<i32>} : memref<100x64xf32, #tpu.memory_space<vmem>>, vector<1x16xf32>,
      %get3A_3714 = vector.shape_cast %get3A_3713 : vector<1x16xf32> to vector<16xf32>
      %add3A_3715 = arith.addf %add3A_3691, %get3A_3714 : vector<16xf32>
      %get3A_3716 = arith.constant 42 : i32
      %get3A_3717 = arith.index_cast %get3A_3716 : i32 to index
      %get3A_3718 = arith.constant 32 : index
      %get3A_3719 = tpu.vector_load %arg7[%get3A_3717, %get3A_3718] {strides = array<i32>} : memref<100x64xf32, #tpu.memory_space<vmem>>, vector<1x16xf32>,
      %get3A_3720 = vector.shape_cast %get3A_3719 : vector<1x16xf32> to vector<16xf32>
      %add3A_3721 = arith.addf %add3A_3697, %get3A_3720 : vector<16xf32>
      %get3A_3722 = arith.constant 42 : i32
      %get3A_3723 = arith.index_cast %get3A_3722 : i32 to index
      %get3A_3724 = arith.constant 48 : index
      %get3A_3725 = tpu.vector_load %arg7[%get3A_3723, %get3A_3724] {strides = array<i32>} : memref<100x64xf32, #tpu.memory_space<vmem>>, vector<1x16xf32>,
      %get3A_3726 = vector.shape_cast %get3A_3725 : vector<1x16xf32> to vector<16xf32>
      %add3A_3727 = arith.addf %add3A_3703, %get3A_3726 : vector<16xf32>
      %get3A_3728 = arith.constant 43 : i32
      %get3A_3729 = arith.index_cast %get3A_3728 : i32 to index
      %get3A_3730 = arith.constant 0 : index
      %get3A_3731 = tpu.vector_load %arg7[%get3A_3729, %get3A_3730] {strides = array<i32>} : memref<100x64xf32, #tpu.memory_space<vmem>>, vector<1x16xf32>,
      %get3A_3732 = vector.shape_cast %get3A_3731 : vector<1x16xf32> to vector<16xf32>
      %add3A_3733 = arith.addf %add3A_3709, %get3A_3732 : vector<16xf32>
      %get3A_3734 = arith.constant 43 : i32
      %get3A_3735 = arith.index_cast %get3A_3734 : i32 to index
      %get3A_3736 = arith.constant 16 : index
      %get3A_3737 = tpu.vector_load %arg7[%get3A_3735, %get3A_3736] {strides = array<i32>} : memref<100x64xf32, #tpu.memory_space<vmem>>, vector<1x16xf32>,
      %get3A_3738 = vector.shape_cast %get3A_3737 : vector<1x16xf32> to vector<16xf32>
      %add3A_3739 = arith.addf %add3A_3715, %get3A_3738 : vector<16xf32>
      %get3A_3740 = arith.constant 43 : i32
      %get3A_3741 = arith.index_cast %get3A_3740 : i32 to index
      %get3A_3742 = arith.constant 32 : index
      %get3A_3743 = tpu.vector_load %arg7[%get3A_3741, %get3A_3742] {strides = array<i32>} : memref<100x64xf32, #tpu.memory_space<vmem>>, vector<1x16xf32>,
      %get3A_3744 = vector.shape_cast %get3A_3743 : vector<1x16xf32> to vector<16xf32>
      %add3A_3745 = arith.addf %add3A_3721, %get3A_3744 : vector<16xf32>
      %get3A_3746 = arith.constant 43 : i32
      %get3A_3747 = arith.index_cast %get3A_3746 : i32 to index
      %get3A_3748 = arith.constant 48 : index
      %get3A_3749 = tpu.vector_load %arg7[%get3A_3747, %get3A_3748] {strides = array<i32>} : memref<100x64xf32, #tpu.memory_space<vmem>>, vector<1x16xf32>,
      %get3A_3750 = vector.shape_cast %get3A_3749 : vector<1x16xf32> to vector<16xf32>
      %add3A_3751 = arith.addf %add3A_3727, %get3A_3750 : vector<16xf32>
      %get3A_3752 = arith.constant 44 : i32
      %get3A_3753 = arith.index_cast %get3A_3752 : i32 to index
      %get3A_3754 = arith.constant 0 : index
      %get3A_3755 = tpu.vector_load %arg7[%get3A_3753, %get3A_3754] {strides = array<i32>} : memref<100x64xf32, #tpu.memory_space<vmem>>, vector<1x16xf32>,
      %get3A_3756 = vector.shape_cast %get3A_3755 : vector<1x16xf32> to vector<16xf32>
      %add3A_3757 = arith.addf %add3A_3733, %get3A_3756 : vector<16xf32>
      %get3A_3758 = arith.constant 44 : i32
      %get3A_3759 = arith.index_cast %get3A_3758 : i32 to index
      %get3A_3760 = arith.constant 16 : index
      %get3A_3761 = tpu.vector_load %arg7[%get3A_3759, %get3A_3760] {strides = array<i32>} : memref<100x64xf32, #tpu.memory_space<vmem>>, vector<1x16xf32>,
      %get3A_3762 = vector.shape_cast %get3A_3761 : vector<1x16xf32> to vector<16xf32>
      %add3A_3763 = arith.addf %add3A_3739, %get3A_3762 : vector<16xf32>
      %get3A_3764 = arith.constant 44 : i32
      %get3A_3765 = arith.index_cast %get3A_3764 : i32 to index
      %get3A_3766 = arith.constant 32 : index
      %get3A_3767 = tpu.vector_load %arg7[%get3A_3765, %get3A_3766] {strides = array<i32>} : memref<100x64xf32, #tpu.memory_space<vmem>>, vector<1x16xf32>,
      %get3A_3768 = vector.shape_cast %get3A_3767 : vector<1x16xf32> to vector<16xf32>
      %add3A_3769 = arith.addf %add3A_3745, %get3A_3768 : vector<16xf32>
      %get3A_3770 = arith.constant 44 : i32
      %get3A_3771 = arith.index_cast %get3A_3770 : i32 to index
      %get3A_3772 = arith.constant 48 : index
      %get3A_3773 = tpu.vector_load %arg7[%get3A_3771, %get3A_3772] {strides = array<i32>} : memref<100x64xf32, #tpu.memory_space<vmem>>, vector<1x16xf32>,
      %get3A_3774 = vector.shape_cast %get3A_3773 : vector<1x16xf32> to vector<16xf32>
      %add3A_3775 = arith.addf %add3A_3751, %get3A_3774 : vector<16xf32>
      %get3A_3776 = arith.constant 45 : i32
      %get3A_3777 = arith.index_cast %get3A_3776 : i32 to index
      %get3A_3778 = arith.constant 0 : index
      %get3A_3779 = tpu.vector_load %arg7[%get3A_3777, %get3A_3778] {strides = array<i32>} : memref<100x64xf32, #tpu.memory_space<vmem>>, vector<1x16xf32>,
      %get3A_3780 = vector.shape_cast %get3A_3779 : vector<1x16xf32> to vector<16xf32>
      %add3A_3781 = arith.addf %add3A_3757, %get3A_3780 : vector<16xf32>
      %get3A_3782 = arith.constant 45 : i32
      %get3A_3783 = arith.index_cast %get3A_3782 : i32 to index
      %get3A_3784 = arith.constant 16 : index
      %get3A_3785 = tpu.vector_load %arg7[%get3A_3783, %get3A_3784] {strides = array<i32>} : memref<100x64xf32, #tpu.memory_space<vmem>>, vector<1x16xf32>,
      %get3A_3786 = vector.shape_cast %get3A_3785 : vector<1x16xf32> to vector<16xf32>
      %add3A_3787 = arith.addf %add3A_3763, %get3A_3786 : vector<16xf32>
      %get3A_3788 = arith.constant 45 : i32
      %get3A_3789 = arith.index_cast %get3A_3788 : i32 to index
      %get3A_3790 = arith.constant 32 : index
      %get3A_3791 = tpu.vector_load %arg7[%get3A_3789, %get3A_3790] {strides = array<i32>} : memref<100x64xf32, #tpu.memory_space<vmem>>, vector<1x16xf32>,
      %get3A_3792 = vector.shape_cast %get3A_3791 : vector<1x16xf32> to vector<16xf32>
      %add3A_3793 = arith.addf %add3A_3769, %get3A_3792 : vector<16xf32>
      %get3A_3794 = arith.constant 45 : i32
      %get3A_3795 = arith.index_cast %get3A_3794 : i32 to index
      %get3A_3796 = arith.constant 48 : index
      %get3A_3797 = tpu.vector_load %arg7[%get3A_3795, %get3A_3796] {strides = array<i32>} : memref<100x64xf32, #tpu.memory_space<vmem>>, vector<1x16xf32>,
      %get3A_3798 = vector.shape_cast %get3A_3797 : vector<1x16xf32> to vector<16xf32>
      %add3A_3799 = arith.addf %add3A_3775, %get3A_3798 : vector<16xf32>
      %get3A_3800 = arith.constant 46 : i32
      %get3A_3801 = arith.index_cast %get3A_3800 : i32 to index
      %get3A_3802 = arith.constant 0 : index
      %get3A_3803 = tpu.vector_load %arg7[%get3A_3801, %get3A_3802] {strides = array<i32>} : memref<100x64xf32, #tpu.memory_space<vmem>>, vector<1x16xf32>,
      %get3A_3804 = vector.shape_cast %get3A_3803 : vector<1x16xf32> to vector<16xf32>
      %add3A_3805 = arith.addf %add3A_3781, %get3A_3804 : vector<16xf32>
      %get3A_3806 = arith.constant 46 : i32
      %get3A_3807 = arith.index_cast %get3A_3806 : i32 to index
      %get3A_3808 = arith.constant 16 : index
      %get3A_3809 = tpu.vector_load %arg7[%get3A_3807, %get3A_3808] {strides = array<i32>} : memref<100x64xf32, #tpu.memory_space<vmem>>, vector<1x16xf32>,
      %get3A_3810 = vector.shape_cast %get3A_3809 : vector<1x16xf32> to vector<16xf32>
      %add3A_3811 = arith.addf %add3A_3787, %get3A_3810 : vector<16xf32>
      %get3A_3812 = arith.constant 46 : i32
      %get3A_3813 = arith.index_cast %get3A_3812 : i32 to index
      %get3A_3814 = arith.constant 32 : index
      %get3A_3815 = tpu.vector_load %arg7[%get3A_3813, %get3A_3814] {strides = array<i32>} : memref<100x64xf32, #tpu.memory_space<vmem>>, vector<1x16xf32>,
      %get3A_3816 = vector.shape_cast %get3A_3815 : vector<1x16xf32> to vector<16xf32>
      %add3A_3817 = arith.addf %add3A_3793, %get3A_3816 : vector<16xf32>
      %get3A_3818 = arith.constant 46 : i32
      %get3A_3819 = arith.index_cast %get3A_3818 : i32 to index
      %get3A_3820 = arith.constant 48 : index
      %get3A_3821 = tpu.vector_load %arg7[%get3A_3819, %get3A_3820] {strides = array<i32>} : memref<100x64xf32, #tpu.memory_space<vmem>>, vector<1x16xf32>,
      %get3A_3822 = vector.shape_cast %get3A_3821 : vector<1x16xf32> to vector<16xf32>
      %add3A_3823 = arith.addf %add3A_3799, %get3A_3822 : vector<16xf32>
      %get3A_3824 = arith.constant 47 : i32
      %get3A_3825 = arith.index_cast %get3A_3824 : i32 to index
      %get3A_3826 = arith.constant 0 : index
      %get3A_3827 = tpu.vector_load %arg7[%get3A_3825, %get3A_3826] {strides = array<i32>} : memref<100x64xf32, #tpu.memory_space<vmem>>, vector<1x16xf32>,
      %get3A_3828 = vector.shape_cast %get3A_3827 : vector<1x16xf32> to vector<16xf32>
      %add3A_3829 = arith.addf %add3A_3805, %get3A_3828 : vector<16xf32>
      %get3A_3830 = arith.constant 47 : i32
      %get3A_3831 = arith.index_cast %get3A_3830 : i32 to index
      %get3A_3832 = arith.constant 16 : index
      %get3A_3833 = tpu.vector_load %arg7[%get3A_3831, %get3A_3832] {strides = array<i32>} : memref<100x64xf32, #tpu.memory_space<vmem>>, vector<1x16xf32>,
      %get3A_3834 = vector.shape_cast %get3A_3833 : vector<1x16xf32> to vector<16xf32>
      %add3A_3835 = arith.addf %add3A_3811, %get3A_3834 : vector<16xf32>
      %get3A_3836 = arith.constant 47 : i32
      %get3A_3837 = arith.index_cast %get3A_3836 : i32 to index
      %get3A_3838 = arith.constant 32 : index
      %get3A_3839 = tpu.vector_load %arg7[%get3A_3837, %get3A_3838] {strides = array<i32>} : memref<100x64xf32, #tpu.memory_space<vmem>>, vector<1x16xf32>,
      %get3A_3840 = vector.shape_cast %get3A_3839 : vector<1x16xf32> to vector<16xf32>
      %add3A_3841 = arith.addf %add3A_3817, %get3A_3840 : vector<16xf32>
      %get3A_3842 = arith.constant 47 : i32
      %get3A_3843 = arith.index_cast %get3A_3842 : i32 to index
      %get3A_3844 = arith.constant 48 : index
      %get3A_3845 = tpu.vector_load %arg7[%get3A_3843, %get3A_3844] {strides = array<i32>} : memref<100x64xf32, #tpu.memory_space<vmem>>, vector<1x16xf32>,
      %get3A_3846 = vector.shape_cast %get3A_3845 : vector<1x16xf32> to vector<16xf32>
      %add3A_3847 = arith.addf %add3A_3823, %get3A_3846 : vector<16xf32>
      %get3A_3848 = arith.constant 48 : i32
      %get3A_3849 = arith.index_cast %get3A_3848 : i32 to index
      %get3A_3850 = arith.constant 0 : index
      %get3A_3851 = tpu.vector_load %arg7[%get3A_3849, %get3A_3850] {strides = array<i32>} : memref<100x64xf32, #tpu.memory_space<vmem>>, vector<1x16xf32>,
      %get3A_3852 = vector.shape_cast %get3A_3851 : vector<1x16xf32> to vector<16xf32>
      %add3A_3853 = arith.addf %add3A_3829, %get3A_3852 : vector<16xf32>
      %get3A_3854 = arith.constant 48 : i32
      %get3A_3855 = arith.index_cast %get3A_3854 : i32 to index
      %get3A_3856 = arith.constant 16 : index
      %get3A_3857 = tpu.vector_load %arg7[%get3A_3855, %get3A_3856] {strides = array<i32>} : memref<100x64xf32, #tpu.memory_space<vmem>>, vector<1x16xf32>,
      %get3A_3858 = vector.shape_cast %get3A_3857 : vector<1x16xf32> to vector<16xf32>
      %add3A_3859 = arith.addf %add3A_3835, %get3A_3858 : vector<16xf32>
      %get3A_3860 = arith.constant 48 : i32
      %get3A_3861 = arith.index_cast %get3A_3860 : i32 to index
      %get3A_3862 = arith.constant 32 : index
      %get3A_3863 = tpu.vector_load %arg7[%get3A_3861, %get3A_3862] {strides = array<i32>} : memref<100x64xf32, #tpu.memory_space<vmem>>, vector<1x16xf32>,
      %get3A_3864 = vector.shape_cast %get3A_3863 : vector<1x16xf32> to vector<16xf32>
      %add3A_3865 = arith.addf %add3A_3841, %get3A_3864 : vector<16xf32>
      %get3A_3866 = arith.constant 48 : i32
      %get3A_3867 = arith.index_cast %get3A_3866 : i32 to index
      %get3A_3868 = arith.constant 48 : index
      %get3A_3869 = tpu.vector_load %arg7[%get3A_3867, %get3A_3868] {strides = array<i32>} : memref<100x64xf32, #tpu.memory_space<vmem>>, vector<1x16xf32>,
      %get3A_3870 = vector.shape_cast %get3A_3869 : vector<1x16xf32> to vector<16xf32>
      %add3A_3871 = arith.addf %add3A_3847, %get3A_3870 : vector<16xf32>
      %get3A_3872 = arith.constant 49 : i32
      %get3A_3873 = arith.index_cast %get3A_3872 : i32 to index
      %get3A_3874 = arith.constant 0 : index
      %get3A_3875 = tpu.vector_load %arg7[%get3A_3873, %get3A_3874] {strides = array<i32>} : memref<100x64xf32, #tpu.memory_space<vmem>>, vector<1x16xf32>,
      %get3A_3876 = vector.shape_cast %get3A_3875 : vector<1x16xf32> to vector<16xf32>
      %add3A_3877 = arith.addf %add3A_3853, %get3A_3876 : vector<16xf32>
      %get3A_3878 = arith.constant 49 : i32
      %get3A_3879 = arith.index_cast %get3A_3878 : i32 to index
      %get3A_3880 = arith.constant 16 : index
      %get3A_3881 = tpu.vector_load %arg7[%get3A_3879, %get3A_3880] {strides = array<i32>} : memref<100x64xf32, #tpu.memory_space<vmem>>, vector<1x16xf32>,
      %get3A_3882 = vector.shape_cast %get3A_3881 : vector<1x16xf32> to vector<16xf32>
      %add3A_3883 = arith.addf %add3A_3859, %get3A_3882 : vector<16xf32>
      %get3A_3884 = arith.constant 49 : i32
      %get3A_3885 = arith.index_cast %get3A_3884 : i32 to index
      %get3A_3886 = arith.constant 32 : index
      %get3A_3887 = tpu.vector_load %arg7[%get3A_3885, %get3A_3886] {strides = array<i32>} : memref<100x64xf32, #tpu.memory_space<vmem>>, vector<1x16xf32>,
      %get3A_3888 = vector.shape_cast %get3A_3887 : vector<1x16xf32> to vector<16xf32>
      %add3A_3889 = arith.addf %add3A_3865, %get3A_3888 : vector<16xf32>
      %get3A_3890 = arith.constant 49 : i32
      %get3A_3891 = arith.index_cast %get3A_3890 : i32 to index
      %get3A_3892 = arith.constant 48 : index
      %get3A_3893 = tpu.vector_load %arg7[%get3A_3891, %get3A_3892] {strides = array<i32>} : memref<100x64xf32, #tpu.memory_space<vmem>>, vector<1x16xf32>,
      %get3A_3894 = vector.shape_cast %get3A_3893 : vector<1x16xf32> to vector<16xf32>
      %add3A_3895 = arith.addf %add3A_3871, %get3A_3894 : vector<16xf32>
      %mul3A_3896 = arith.mulf %add3A_3877, %add3A_3877 : vector<16xf32>
      %mul3A_3897 = arith.mulf %add3A_3883, %add3A_3883 : vector<16xf32>
      %add3A_3898 = arith.addf %mul3A_3896, %mul3A_3897 : vector<16xf32>
      %mul3A_3899 = arith.mulf %add3A_3889, %add3A_3889 : vector<16xf32>
      %add3A_3900 = arith.addf %add3A_3898, %mul3A_3899 : vector<16xf32>
      %mul3A_3901 = arith.mulf %add3A_3895, %add3A_3895 : vector<16xf32>
      %add3A_3902 = arith.addf %add3A_3900, %mul3A_3901 : vector<16xf32>
      %iota3A_3903 = tpu.iota {dimensions = array<i32: 0>} : vector<16xi32>
      %xor3A_3904 = arith.constant 8 : i32
      %xor3A_3905 = vector.broadcast %xor3A_3904 : i32 to vector<16xi32>
      %xor3A_3906 = arith.xori %iota3A_3903, %xor3A_3905 : vector<16xi32>
      %lt3A_3907 = arith.constant 0 : i32
      %lt3A_3908 = vector.broadcast %lt3A_3907 : i32 to vector<16xi32>
      %lt3A_3909 = arith.cmpi slt, %xor3A_3906, %lt3A_3908 : vector<16xi32>
      %add3A_3910 = arith.constant 16 : i32
      %add3A_3911 = vector.broadcast %add3A_3910 : i32 to vector<16xi32>
      %add3A_3912 = arith.addi %xor3A_3906, %add3A_3911 : vector<16xi32>
      %select_n3A_3913 = arith.select %lt3A_3909, %add3A_3912, %xor3A_3906 : vector<16xi1>, vector<16xi32>
      %broadcast_in_dim3A_3914 = vector.shape_cast %select_n3A_3913 : vector<16xi32> to vector<16x1xi32>
      %gather3A_3915 = vector.shape_cast %broadcast_in_dim3A_3914 : vector<16x1xi32> to vector<16xi32>
      %gather3A_3916 = tpu.dynamic_gather %add3A_3902[%gather3A_3915] in [0] : vector<16xf32>, vector<16xi32> -> vector<16xf32>
      %add3A_3917 = arith.addf %add3A_3902, %gather3A_3916 : vector<16xf32>
      %xor3A_3918 = arith.constant 4 : i32
      %xor3A_3919 = vector.broadcast %xor3A_3918 : i32 to vector<16xi32>
      %xor3A_3920 = arith.xori %iota3A_3903, %xor3A_3919 : vector<16xi32>
      %lt3A_3921 = arith.constant 0 : i32
      %lt3A_3922 = vector.broadcast %lt3A_3921 : i32 to vector<16xi32>
      %lt3A_3923 = arith.cmpi slt, %xor3A_3920, %lt3A_3922 : vector<16xi32>
      %add3A_3924 = arith.constant 16 : i32
      %add3A_3925 = vector.broadcast %add3A_3924 : i32 to vector<16xi32>
      %add3A_3926 = arith.addi %xor3A_3920, %add3A_3925 : vector<16xi32>
      %select_n3A_3927 = arith.select %lt3A_3923, %add3A_3926, %xor3A_3920 : vector<16xi1>, vector<16xi32>
      %broadcast_in_dim3A_3928 = vector.shape_cast %select_n3A_3927 : vector<16xi32> to vector<16x1xi32>
      %gather3A_3929 = vector.shape_cast %broadcast_in_dim3A_3928 : vector<16x1xi32> to vector<16xi32>
      %gather3A_3930 = tpu.dynamic_gather %add3A_3917[%gather3A_3929] in [0] : vector<16xf32>, vector<16xi32> -> vector<16xf32>
      %add3A_3931 = arith.addf %add3A_3917, %gather3A_3930 : vector<16xf32>
      %xor3A_3932 = arith.constant 2 : i32
      %xor3A_3933 = vector.broadcast %xor3A_3932 : i32 to vector<16xi32>
      %xor3A_3934 = arith.xori %iota3A_3903, %xor3A_3933 : vector<16xi32>
      %lt3A_3935 = arith.constant 0 : i32
      %lt3A_3936 = vector.broadcast %lt3A_3935 : i32 to vector<16xi32>
      %lt3A_3937 = arith.cmpi slt, %xor3A_3934, %lt3A_3936 : vector<16xi32>
      %add3A_3938 = arith.constant 16 : i32
      %add3A_3939 = vector.broadcast %add3A_3938 : i32 to vector<16xi32>
      %add3A_3940 = arith.addi %xor3A_3934, %add3A_3939 : vector<16xi32>
      %select_n3A_3941 = arith.select %lt3A_3937, %add3A_3940, %xor3A_3934 : vector<16xi1>, vector<16xi32>
      %broadcast_in_dim3A_3942 = vector.shape_cast %select_n3A_3941 : vector<16xi32> to vector<16x1xi32>
      %gather3A_3943 = vector.shape_cast %broadcast_in_dim3A_3942 : vector<16x1xi32> to vector<16xi32>
      %gather3A_3944 = tpu.dynamic_gather %add3A_3931[%gather3A_3943] in [0] : vector<16xf32>, vector<16xi32> -> vector<16xf32>
      %add3A_3945 = arith.addf %add3A_3931, %gather3A_3944 : vector<16xf32>
      %xor3A_3946 = arith.constant 1 : i32
      %xor3A_3947 = vector.broadcast %xor3A_3946 : i32 to vector<16xi32>
      %xor3A_3948 = arith.xori %iota3A_3903, %xor3A_3947 : vector<16xi32>
      %lt3A_3949 = arith.constant 0 : i32
      %lt3A_3950 = vector.broadcast %lt3A_3949 : i32 to vector<16xi32>
      %lt3A_3951 = arith.cmpi slt, %xor3A_3948, %lt3A_3950 : vector<16xi32>
      %add3A_3952 = arith.constant 16 : i32
      %add3A_3953 = vector.broadcast %add3A_3952 : i32 to vector<16xi32>
      %add3A_3954 = arith.addi %xor3A_3948, %add3A_3953 : vector<16xi32>
      %select_n3A_3955 = arith.select %lt3A_3951, %add3A_3954, %xor3A_3948 : vector<16xi1>, vector<16xi32>
      %broadcast_in_dim3A_3956 = vector.shape_cast %select_n3A_3955 : vector<16xi32> to vector<16x1xi32>
      %gather3A_3957 = vector.shape_cast %broadcast_in_dim3A_3956 : vector<16x1xi32> to vector<16xi32>
      %gather3A_3958 = tpu.dynamic_gather %add3A_3945[%gather3A_3957] in [0] : vector<16xf32>, vector<16xi32> -> vector<16xf32>
      %add3A_3959 = arith.addf %add3A_3945, %gather3A_3958 : vector<16xf32>
      %max3A_3960 = arith.constant 1.000000e-24 : f32
      %max3A_3961 = vector.broadcast %max3A_3960 : f32 to vector<16xf32>
      %max3A_3962 = arith.maximumf %add3A_3959, %max3A_3961 : vector<16xf32>
      %bitcast_convert_type3A_3963 = tpu.bitcast %max3A_3962 : vector<16xf32> -> vector<16xi32>
      %shift_right_arithmetic3A_3964 = arith.constant 1 : i32
      %shift_right_arithmetic3A_3965 = vector.broadcast %shift_right_arithmetic3A_3964 : i32 to vector<16xi32>
      %shift_right_arithmetic3A_3966 = arith.shrsi %bitcast_convert_type3A_3963, %shift_right_arithmetic3A_3965 : vector<16xi32>
      %sub3A_3967 = arith.constant 1597463007 : i32
      %sub3A_3968 = vector.broadcast %sub3A_3967 : i32 to vector<16xi32>
      %sub3A_3969 = arith.subi %sub3A_3968, %shift_right_arithmetic3A_3966 : vector<16xi32>
      %bitcast_convert_type3A_3970 = tpu.bitcast %sub3A_3969 : vector<16xi32> -> vector<16xf32>
      %mul3A_3971 = arith.constant 5.000000e-01 : f32
      %mul3A_3972 = vector.broadcast %mul3A_3971 : f32 to vector<16xf32>
      %mul3A_3973 = arith.mulf %max3A_3962, %mul3A_3972 : vector<16xf32>
      %mul3A_3974 = arith.mulf %mul3A_3973, %bitcast_convert_type3A_3970 : vector<16xf32>
      %mul3A_3975 = arith.mulf %mul3A_3974, %bitcast_convert_type3A_3970 : vector<16xf32>
      %sub3A_3976 = arith.constant 1.500000e+00 : f32
      %sub3A_3977 = vector.broadcast %sub3A_3976 : f32 to vector<16xf32>
      %sub3A_3978 = arith.subf %sub3A_3977, %mul3A_3975 : vector<16xf32>
      %mul3A_3979 = arith.mulf %bitcast_convert_type3A_3970, %sub3A_3978 : vector<16xf32>
      %mul3A_3980 = arith.mulf %mul3A_3973, %mul3A_3979 : vector<16xf32>
      %mul3A_3981 = arith.mulf %mul3A_3980, %mul3A_3979 : vector<16xf32>
      %sub3A_3982 = arith.constant 1.500000e+00 : f32
      %sub3A_3983 = vector.broadcast %sub3A_3982 : f32 to vector<16xf32>
      %sub3A_3984 = arith.subf %sub3A_3983, %mul3A_3981 : vector<16xf32>
      %mul3A_3985 = arith.mulf %mul3A_3979, %sub3A_3984 : vector<16xf32>
      %mul3A_3986 = arith.mulf %mul3A_3973, %mul3A_3985 : vector<16xf32>
      %mul3A_3987 = arith.mulf %mul3A_3986, %mul3A_3985 : vector<16xf32>
      %sub3A_3988 = arith.constant 1.500000e+00 : f32
      %sub3A_3989 = vector.broadcast %sub3A_3988 : f32 to vector<16xf32>
      %sub3A_3990 = arith.subf %sub3A_3989, %mul3A_3987 : vector<16xf32>
      %mul3A_3991 = arith.mulf %mul3A_3985, %sub3A_3990 : vector<16xf32>
      %mul3A_3992 = arith.mulf %add3A_3877, %mul3A_3991 : vector<16xf32>
      %add3A_3993 = arith.constant 0 : i32
      %add3A_3994 = arith.addi %mul3A_2699, %add3A_3993 : i32
      %swap3A_3995 = arith.index_cast %add3A_3994 : i32 to index
      %swap3A_3996 = arith.constant 0 : index
      %swap3A_3997 = tpu.vector_load %arg8[%swap3A_3995, %swap3A_3996] {strides = array<i32>} : memref<128x64xf32, #tpu.memory_space<vmem>>, vector<1x16xf32>,
      %swap3A_3998 = vector.shape_cast %swap3A_3997 : vector<1x16xf32> to vector<16xf32>
      %swap3A_3999 = vector.shape_cast %mul3A_3992 : vector<16xf32> to vector<1x16xf32>
      tpu.vector_store %arg8[%swap3A_3995, %swap3A_3996], %swap3A_3999 {strides = array<i32>} : memref<128x64xf32, #tpu.memory_space<vmem>>, vector<1x16xf32>,
      %mul3A_4000 = arith.mulf %add3A_3883, %mul3A_3991 : vector<16xf32>
      %add3A_4001 = arith.constant 0 : i32
      %add3A_4002 = arith.addi %mul3A_2699, %add3A_4001 : i32
      %swap3A_4003 = arith.index_cast %add3A_4002 : i32 to index
      %swap3A_4004 = arith.constant 16 : index
      %swap3A_4005 = tpu.vector_load %arg8[%swap3A_4003, %swap3A_4004] {strides = array<i32>} : memref<128x64xf32, #tpu.memory_space<vmem>>, vector<1x16xf32>,
      %swap3A_4006 = vector.shape_cast %swap3A_4005 : vector<1x16xf32> to vector<16xf32>
      %swap3A_4007 = vector.shape_cast %mul3A_4000 : vector<16xf32> to vector<1x16xf32>
      tpu.vector_store %arg8[%swap3A_4003, %swap3A_4004], %swap3A_4007 {strides = array<i32>} : memref<128x64xf32, #tpu.memory_space<vmem>>, vector<1x16xf32>,
      %mul3A_4008 = arith.mulf %add3A_3889, %mul3A_3991 : vector<16xf32>
      %add3A_4009 = arith.constant 0 : i32
      %add3A_4010 = arith.addi %mul3A_2699, %add3A_4009 : i32
      %swap3A_4011 = arith.index_cast %add3A_4010 : i32 to index
      %swap3A_4012 = arith.constant 32 : index
      %swap3A_4013 = tpu.vector_load %arg8[%swap3A_4011, %swap3A_4012] {strides = array<i32>} : memref<128x64xf32, #tpu.memory_space<vmem>>, vector<1x16xf32>,
      %swap3A_4014 = vector.shape_cast %swap3A_4013 : vector<1x16xf32> to vector<16xf32>
      %swap3A_4015 = vector.shape_cast %mul3A_4008 : vector<16xf32> to vector<1x16xf32>
      tpu.vector_store %arg8[%swap3A_4011, %swap3A_4012], %swap3A_4015 {strides = array<i32>} : memref<128x64xf32, #tpu.memory_space<vmem>>, vector<1x16xf32>,
      %mul3A_4016 = arith.mulf %add3A_3895, %mul3A_3991 : vector<16xf32>
      %add3A_4017 = arith.constant 0 : i32
      %add3A_4018 = arith.addi %mul3A_2699, %add3A_4017 : i32
      %swap3A_4019 = arith.index_cast %add3A_4018 : i32 to index
      %swap3A_4020 = arith.constant 48 : index
      %swap3A_4021 = tpu.vector_load %arg8[%swap3A_4019, %swap3A_4020] {strides = array<i32>} : memref<128x64xf32, #tpu.memory_space<vmem>>, vector<1x16xf32>,
      %swap3A_4022 = vector.shape_cast %swap3A_4021 : vector<1x16xf32> to vector<16xf32>
      %swap3A_4023 = vector.shape_cast %mul3A_4016 : vector<16xf32> to vector<1x16xf32>
      tpu.vector_store %arg8[%swap3A_4019, %swap3A_4020], %swap3A_4023 {strides = array<i32>} : memref<128x64xf32, #tpu.memory_space<vmem>>, vector<1x16xf32>,
      %get3A_4024 = arith.constant 50 : i32
      %get3A_4025 = arith.index_cast %get3A_4024 : i32 to index
      %get3A_4026 = arith.constant 0 : index
      %get3A_4027 = tpu.vector_load %arg7[%get3A_4025, %get3A_4026] {strides = array<i32>} : memref<100x64xf32, #tpu.memory_space<vmem>>, vector<1x16xf32>,
      %get3A_4028 = vector.shape_cast %get3A_4027 : vector<1x16xf32> to vector<16xf32>
      %get3A_4029 = arith.constant 50 : i32
      %get3A_4030 = arith.index_cast %get3A_4029 : i32 to index
      %get3A_4031 = arith.constant 16 : index
      %get3A_4032 = tpu.vector_load %arg7[%get3A_4030, %get3A_4031] {strides = array<i32>} : memref<100x64xf32, #tpu.memory_space<vmem>>, vector<1x16xf32>,
      %get3A_4033 = vector.shape_cast %get3A_4032 : vector<1x16xf32> to vector<16xf32>
      %get3A_4034 = arith.constant 50 : i32
      %get3A_4035 = arith.index_cast %get3A_4034 : i32 to index
      %get3A_4036 = arith.constant 32 : index
      %get3A_4037 = tpu.vector_load %arg7[%get3A_4035, %get3A_4036] {strides = array<i32>} : memref<100x64xf32, #tpu.memory_space<vmem>>, vector<1x16xf32>,
      %get3A_4038 = vector.shape_cast %get3A_4037 : vector<1x16xf32> to vector<16xf32>
      %get3A_4039 = arith.constant 50 : i32
      %get3A_4040 = arith.index_cast %get3A_4039 : i32 to index
      %get3A_4041 = arith.constant 48 : index
      %get3A_4042 = tpu.vector_load %arg7[%get3A_4040, %get3A_4041] {strides = array<i32>} : memref<100x64xf32, #tpu.memory_space<vmem>>, vector<1x16xf32>,
      %get3A_4043 = vector.shape_cast %get3A_4042 : vector<1x16xf32> to vector<16xf32>
      %get3A_4044 = arith.constant 51 : i32
      %get3A_4045 = arith.index_cast %get3A_4044 : i32 to index
      %get3A_4046 = arith.constant 0 : index
      %get3A_4047 = tpu.vector_load %arg7[%get3A_4045, %get3A_4046] {strides = array<i32>} : memref<100x64xf32, #tpu.memory_space<vmem>>, vector<1x16xf32>,
      %get3A_4048 = vector.shape_cast %get3A_4047 : vector<1x16xf32> to vector<16xf32>
      %add3A_4049 = arith.addf %get3A_4028, %get3A_4048 : vector<16xf32>
      %get3A_4050 = arith.constant 51 : i32
      %get3A_4051 = arith.index_cast %get3A_4050 : i32 to index
      %get3A_4052 = arith.constant 16 : index
      %get3A_4053 = tpu.vector_load %arg7[%get3A_4051, %get3A_4052] {strides = array<i32>} : memref<100x64xf32, #tpu.memory_space<vmem>>, vector<1x16xf32>,
      %get3A_4054 = vector.shape_cast %get3A_4053 : vector<1x16xf32> to vector<16xf32>
      %add3A_4055 = arith.addf %get3A_4033, %get3A_4054 : vector<16xf32>
      %get3A_4056 = arith.constant 51 : i32
      %get3A_4057 = arith.index_cast %get3A_4056 : i32 to index
      %get3A_4058 = arith.constant 32 : index
      %get3A_4059 = tpu.vector_load %arg7[%get3A_4057, %get3A_4058] {strides = array<i32>} : memref<100x64xf32, #tpu.memory_space<vmem>>, vector<1x16xf32>,
      %get3A_4060 = vector.shape_cast %get3A_4059 : vector<1x16xf32> to vector<16xf32>
      %add3A_4061 = arith.addf %get3A_4038, %get3A_4060 : vector<16xf32>
      %get3A_4062 = arith.constant 51 : i32
      %get3A_4063 = arith.index_cast %get3A_4062 : i32 to index
      %get3A_4064 = arith.constant 48 : index
      %get3A_4065 = tpu.vector_load %arg7[%get3A_4063, %get3A_4064] {strides = array<i32>} : memref<100x64xf32, #tpu.memory_space<vmem>>, vector<1x16xf32>,
      %get3A_4066 = vector.shape_cast %get3A_4065 : vector<1x16xf32> to vector<16xf32>
      %add3A_4067 = arith.addf %get3A_4043, %get3A_4066 : vector<16xf32>
      %get3A_4068 = arith.constant 52 : i32
      %get3A_4069 = arith.index_cast %get3A_4068 : i32 to index
      %get3A_4070 = arith.constant 0 : index
      %get3A_4071 = tpu.vector_load %arg7[%get3A_4069, %get3A_4070] {strides = array<i32>} : memref<100x64xf32, #tpu.memory_space<vmem>>, vector<1x16xf32>,
      %get3A_4072 = vector.shape_cast %get3A_4071 : vector<1x16xf32> to vector<16xf32>
      %add3A_4073 = arith.addf %add3A_4049, %get3A_4072 : vector<16xf32>
      %get3A_4074 = arith.constant 52 : i32
      %get3A_4075 = arith.index_cast %get3A_4074 : i32 to index
      %get3A_4076 = arith.constant 16 : index
      %get3A_4077 = tpu.vector_load %arg7[%get3A_4075, %get3A_4076] {strides = array<i32>} : memref<100x64xf32, #tpu.memory_space<vmem>>, vector<1x16xf32>,
      %get3A_4078 = vector.shape_cast %get3A_4077 : vector<1x16xf32> to vector<16xf32>
      %add3A_4079 = arith.addf %add3A_4055, %get3A_4078 : vector<16xf32>
      %get3A_4080 = arith.constant 52 : i32
      %get3A_4081 = arith.index_cast %get3A_4080 : i32 to index
      %get3A_4082 = arith.constant 32 : index
      %get3A_4083 = tpu.vector_load %arg7[%get3A_4081, %get3A_4082] {strides = array<i32>} : memref<100x64xf32, #tpu.memory_space<vmem>>, vector<1x16xf32>,
      %get3A_4084 = vector.shape_cast %get3A_4083 : vector<1x16xf32> to vector<16xf32>
      %add3A_4085 = arith.addf %add3A_4061, %get3A_4084 : vector<16xf32>
      %get3A_4086 = arith.constant 52 : i32
      %get3A_4087 = arith.index_cast %get3A_4086 : i32 to index
      %get3A_4088 = arith.constant 48 : index
      %get3A_4089 = tpu.vector_load %arg7[%get3A_4087, %get3A_4088] {strides = array<i32>} : memref<100x64xf32, #tpu.memory_space<vmem>>, vector<1x16xf32>,
      %get3A_4090 = vector.shape_cast %get3A_4089 : vector<1x16xf32> to vector<16xf32>
      %add3A_4091 = arith.addf %add3A_4067, %get3A_4090 : vector<16xf32>
      %get3A_4092 = arith.constant 53 : i32
      %get3A_4093 = arith.index_cast %get3A_4092 : i32 to index
      %get3A_4094 = arith.constant 0 : index
      %get3A_4095 = tpu.vector_load %arg7[%get3A_4093, %get3A_4094] {strides = array<i32>} : memref<100x64xf32, #tpu.memory_space<vmem>>, vector<1x16xf32>,
      %get3A_4096 = vector.shape_cast %get3A_4095 : vector<1x16xf32> to vector<16xf32>
      %add3A_4097 = arith.addf %add3A_4073, %get3A_4096 : vector<16xf32>
      %get3A_4098 = arith.constant 53 : i32
      %get3A_4099 = arith.index_cast %get3A_4098 : i32 to index
      %get3A_4100 = arith.constant 16 : index
      %get3A_4101 = tpu.vector_load %arg7[%get3A_4099, %get3A_4100] {strides = array<i32>} : memref<100x64xf32, #tpu.memory_space<vmem>>, vector<1x16xf32>,
      %get3A_4102 = vector.shape_cast %get3A_4101 : vector<1x16xf32> to vector<16xf32>
      %add3A_4103 = arith.addf %add3A_4079, %get3A_4102 : vector<16xf32>
      %get3A_4104 = arith.constant 53 : i32
      %get3A_4105 = arith.index_cast %get3A_4104 : i32 to index
      %get3A_4106 = arith.constant 32 : index
      %get3A_4107 = tpu.vector_load %arg7[%get3A_4105, %get3A_4106] {strides = array<i32>} : memref<100x64xf32, #tpu.memory_space<vmem>>, vector<1x16xf32>,
      %get3A_4108 = vector.shape_cast %get3A_4107 : vector<1x16xf32> to vector<16xf32>
      %add3A_4109 = arith.addf %add3A_4085, %get3A_4108 : vector<16xf32>
      %get3A_4110 = arith.constant 53 : i32
      %get3A_4111 = arith.index_cast %get3A_4110 : i32 to index
      %get3A_4112 = arith.constant 48 : index
      %get3A_4113 = tpu.vector_load %arg7[%get3A_4111, %get3A_4112] {strides = array<i32>} : memref<100x64xf32, #tpu.memory_space<vmem>>, vector<1x16xf32>,
      %get3A_4114 = vector.shape_cast %get3A_4113 : vector<1x16xf32> to vector<16xf32>
      %add3A_4115 = arith.addf %add3A_4091, %get3A_4114 : vector<16xf32>
      %get3A_4116 = arith.constant 54 : i32
      %get3A_4117 = arith.index_cast %get3A_4116 : i32 to index
      %get3A_4118 = arith.constant 0 : index
      %get3A_4119 = tpu.vector_load %arg7[%get3A_4117, %get3A_4118] {strides = array<i32>} : memref<100x64xf32, #tpu.memory_space<vmem>>, vector<1x16xf32>,
      %get3A_4120 = vector.shape_cast %get3A_4119 : vector<1x16xf32> to vector<16xf32>
      %add3A_4121 = arith.addf %add3A_4097, %get3A_4120 : vector<16xf32>
      %get3A_4122 = arith.constant 54 : i32
      %get3A_4123 = arith.index_cast %get3A_4122 : i32 to index
      %get3A_4124 = arith.constant 16 : index
      %get3A_4125 = tpu.vector_load %arg7[%get3A_4123, %get3A_4124] {strides = array<i32>} : memref<100x64xf32, #tpu.memory_space<vmem>>, vector<1x16xf32>,
      %get3A_4126 = vector.shape_cast %get3A_4125 : vector<1x16xf32> to vector<16xf32>
      %add3A_4127 = arith.addf %add3A_4103, %get3A_4126 : vector<16xf32>
      %get3A_4128 = arith.constant 54 : i32
      %get3A_4129 = arith.index_cast %get3A_4128 : i32 to index
      %get3A_4130 = arith.constant 32 : index
      %get3A_4131 = tpu.vector_load %arg7[%get3A_4129, %get3A_4130] {strides = array<i32>} : memref<100x64xf32, #tpu.memory_space<vmem>>, vector<1x16xf32>,
      %get3A_4132 = vector.shape_cast %get3A_4131 : vector<1x16xf32> to vector<16xf32>
      %add3A_4133 = arith.addf %add3A_4109, %get3A_4132 : vector<16xf32>
      %get3A_4134 = arith.constant 54 : i32
      %get3A_4135 = arith.index_cast %get3A_4134 : i32 to index
      %get3A_4136 = arith.constant 48 : index
      %get3A_4137 = tpu.vector_load %arg7[%get3A_4135, %get3A_4136] {strides = array<i32>} : memref<100x64xf32, #tpu.memory_space<vmem>>, vector<1x16xf32>,
      %get3A_4138 = vector.shape_cast %get3A_4137 : vector<1x16xf32> to vector<16xf32>
      %add3A_4139 = arith.addf %add3A_4115, %get3A_4138 : vector<16xf32>
      %get3A_4140 = arith.constant 55 : i32
      %get3A_4141 = arith.index_cast %get3A_4140 : i32 to index
      %get3A_4142 = arith.constant 0 : index
      %get3A_4143 = tpu.vector_load %arg7[%get3A_4141, %get3A_4142] {strides = array<i32>} : memref<100x64xf32, #tpu.memory_space<vmem>>, vector<1x16xf32>,
      %get3A_4144 = vector.shape_cast %get3A_4143 : vector<1x16xf32> to vector<16xf32>
      %add3A_4145 = arith.addf %add3A_4121, %get3A_4144 : vector<16xf32>
      %get3A_4146 = arith.constant 55 : i32
      %get3A_4147 = arith.index_cast %get3A_4146 : i32 to index
      %get3A_4148 = arith.constant 16 : index
      %get3A_4149 = tpu.vector_load %arg7[%get3A_4147, %get3A_4148] {strides = array<i32>} : memref<100x64xf32, #tpu.memory_space<vmem>>, vector<1x16xf32>,
      %get3A_4150 = vector.shape_cast %get3A_4149 : vector<1x16xf32> to vector<16xf32>
      %add3A_4151 = arith.addf %add3A_4127, %get3A_4150 : vector<16xf32>
      %get3A_4152 = arith.constant 55 : i32
      %get3A_4153 = arith.index_cast %get3A_4152 : i32 to index
      %get3A_4154 = arith.constant 32 : index
      %get3A_4155 = tpu.vector_load %arg7[%get3A_4153, %get3A_4154] {strides = array<i32>} : memref<100x64xf32, #tpu.memory_space<vmem>>, vector<1x16xf32>,
      %get3A_4156 = vector.shape_cast %get3A_4155 : vector<1x16xf32> to vector<16xf32>
      %add3A_4157 = arith.addf %add3A_4133, %get3A_4156 : vector<16xf32>
      %get3A_4158 = arith.constant 55 : i32
      %get3A_4159 = arith.index_cast %get3A_4158 : i32 to index
      %get3A_4160 = arith.constant 48 : index
      %get3A_4161 = tpu.vector_load %arg7[%get3A_4159, %get3A_4160] {strides = array<i32>} : memref<100x64xf32, #tpu.memory_space<vmem>>, vector<1x16xf32>,
      %get3A_4162 = vector.shape_cast %get3A_4161 : vector<1x16xf32> to vector<16xf32>
      %add3A_4163 = arith.addf %add3A_4139, %get3A_4162 : vector<16xf32>
      %get3A_4164 = arith.constant 56 : i32
      %get3A_4165 = arith.index_cast %get3A_4164 : i32 to index
      %get3A_4166 = arith.constant 0 : index
      %get3A_4167 = tpu.vector_load %arg7[%get3A_4165, %get3A_4166] {strides = array<i32>} : memref<100x64xf32, #tpu.memory_space<vmem>>, vector<1x16xf32>,
      %get3A_4168 = vector.shape_cast %get3A_4167 : vector<1x16xf32> to vector<16xf32>
      %add3A_4169 = arith.addf %add3A_4145, %get3A_4168 : vector<16xf32>
      %get3A_4170 = arith.constant 56 : i32
      %get3A_4171 = arith.index_cast %get3A_4170 : i32 to index
      %get3A_4172 = arith.constant 16 : index
      %get3A_4173 = tpu.vector_load %arg7[%get3A_4171, %get3A_4172] {strides = array<i32>} : memref<100x64xf32, #tpu.memory_space<vmem>>, vector<1x16xf32>,
      %get3A_4174 = vector.shape_cast %get3A_4173 : vector<1x16xf32> to vector<16xf32>
      %add3A_4175 = arith.addf %add3A_4151, %get3A_4174 : vector<16xf32>
      %get3A_4176 = arith.constant 56 : i32
      %get3A_4177 = arith.index_cast %get3A_4176 : i32 to index
      %get3A_4178 = arith.constant 32 : index
      %get3A_4179 = tpu.vector_load %arg7[%get3A_4177, %get3A_4178] {strides = array<i32>} : memref<100x64xf32, #tpu.memory_space<vmem>>, vector<1x16xf32>,
      %get3A_4180 = vector.shape_cast %get3A_4179 : vector<1x16xf32> to vector<16xf32>
      %add3A_4181 = arith.addf %add3A_4157, %get3A_4180 : vector<16xf32>
      %get3A_4182 = arith.constant 56 : i32
      %get3A_4183 = arith.index_cast %get3A_4182 : i32 to index
      %get3A_4184 = arith.constant 48 : index
      %get3A_4185 = tpu.vector_load %arg7[%get3A_4183, %get3A_4184] {strides = array<i32>} : memref<100x64xf32, #tpu.memory_space<vmem>>, vector<1x16xf32>,
      %get3A_4186 = vector.shape_cast %get3A_4185 : vector<1x16xf32> to vector<16xf32>
      %add3A_4187 = arith.addf %add3A_4163, %get3A_4186 : vector<16xf32>
      %get3A_4188 = arith.constant 57 : i32
      %get3A_4189 = arith.index_cast %get3A_4188 : i32 to index
      %get3A_4190 = arith.constant 0 : index
      %get3A_4191 = tpu.vector_load %arg7[%get3A_4189, %get3A_4190] {strides = array<i32>} : memref<100x64xf32, #tpu.memory_space<vmem>>, vector<1x16xf32>,
      %get3A_4192 = vector.shape_cast %get3A_4191 : vector<1x16xf32> to vector<16xf32>
      %add3A_4193 = arith.addf %add3A_4169, %get3A_4192 : vector<16xf32>
      %get3A_4194 = arith.constant 57 : i32
      %get3A_4195 = arith.index_cast %get3A_4194 : i32 to index
      %get3A_4196 = arith.constant 16 : index
      %get3A_4197 = tpu.vector_load %arg7[%get3A_4195, %get3A_4196] {strides = array<i32>} : memref<100x64xf32, #tpu.memory_space<vmem>>, vector<1x16xf32>,
      %get3A_4198 = vector.shape_cast %get3A_4197 : vector<1x16xf32> to vector<16xf32>
      %add3A_4199 = arith.addf %add3A_4175, %get3A_4198 : vector<16xf32>
      %get3A_4200 = arith.constant 57 : i32
      %get3A_4201 = arith.index_cast %get3A_4200 : i32 to index
      %get3A_4202 = arith.constant 32 : index
      %get3A_4203 = tpu.vector_load %arg7[%get3A_4201, %get3A_4202] {strides = array<i32>} : memref<100x64xf32, #tpu.memory_space<vmem>>, vector<1x16xf32>,
      %get3A_4204 = vector.shape_cast %get3A_4203 : vector<1x16xf32> to vector<16xf32>
      %add3A_4205 = arith.addf %add3A_4181, %get3A_4204 : vector<16xf32>
      %get3A_4206 = arith.constant 57 : i32
      %get3A_4207 = arith.index_cast %get3A_4206 : i32 to index
      %get3A_4208 = arith.constant 48 : index
      %get3A_4209 = tpu.vector_load %arg7[%get3A_4207, %get3A_4208] {strides = array<i32>} : memref<100x64xf32, #tpu.memory_space<vmem>>, vector<1x16xf32>,
      %get3A_4210 = vector.shape_cast %get3A_4209 : vector<1x16xf32> to vector<16xf32>
      %add3A_4211 = arith.addf %add3A_4187, %get3A_4210 : vector<16xf32>
      %get3A_4212 = arith.constant 58 : i32
      %get3A_4213 = arith.index_cast %get3A_4212 : i32 to index
      %get3A_4214 = arith.constant 0 : index
      %get3A_4215 = tpu.vector_load %arg7[%get3A_4213, %get3A_4214] {strides = array<i32>} : memref<100x64xf32, #tpu.memory_space<vmem>>, vector<1x16xf32>,
      %get3A_4216 = vector.shape_cast %get3A_4215 : vector<1x16xf32> to vector<16xf32>
      %add3A_4217 = arith.addf %add3A_4193, %get3A_4216 : vector<16xf32>
      %get3A_4218 = arith.constant 58 : i32
      %get3A_4219 = arith.index_cast %get3A_4218 : i32 to index
      %get3A_4220 = arith.constant 16 : index
      %get3A_4221 = tpu.vector_load %arg7[%get3A_4219, %get3A_4220] {strides = array<i32>} : memref<100x64xf32, #tpu.memory_space<vmem>>, vector<1x16xf32>,
      %get3A_4222 = vector.shape_cast %get3A_4221 : vector<1x16xf32> to vector<16xf32>
      %add3A_4223 = arith.addf %add3A_4199, %get3A_4222 : vector<16xf32>
      %get3A_4224 = arith.constant 58 : i32
      %get3A_4225 = arith.index_cast %get3A_4224 : i32 to index
      %get3A_4226 = arith.constant 32 : index
      %get3A_4227 = tpu.vector_load %arg7[%get3A_4225, %get3A_4226] {strides = array<i32>} : memref<100x64xf32, #tpu.memory_space<vmem>>, vector<1x16xf32>,
      %get3A_4228 = vector.shape_cast %get3A_4227 : vector<1x16xf32> to vector<16xf32>
      %add3A_4229 = arith.addf %add3A_4205, %get3A_4228 : vector<16xf32>
      %get3A_4230 = arith.constant 58 : i32
      %get3A_4231 = arith.index_cast %get3A_4230 : i32 to index
      %get3A_4232 = arith.constant 48 : index
      %get3A_4233 = tpu.vector_load %arg7[%get3A_4231, %get3A_4232] {strides = array<i32>} : memref<100x64xf32, #tpu.memory_space<vmem>>, vector<1x16xf32>,
      %get3A_4234 = vector.shape_cast %get3A_4233 : vector<1x16xf32> to vector<16xf32>
      %add3A_4235 = arith.addf %add3A_4211, %get3A_4234 : vector<16xf32>
      %get3A_4236 = arith.constant 59 : i32
      %get3A_4237 = arith.index_cast %get3A_4236 : i32 to index
      %get3A_4238 = arith.constant 0 : index
      %get3A_4239 = tpu.vector_load %arg7[%get3A_4237, %get3A_4238] {strides = array<i32>} : memref<100x64xf32, #tpu.memory_space<vmem>>, vector<1x16xf32>,
      %get3A_4240 = vector.shape_cast %get3A_4239 : vector<1x16xf32> to vector<16xf32>
      %add3A_4241 = arith.addf %add3A_4217, %get3A_4240 : vector<16xf32>
      %get3A_4242 = arith.constant 59 : i32
      %get3A_4243 = arith.index_cast %get3A_4242 : i32 to index
      %get3A_4244 = arith.constant 16 : index
      %get3A_4245 = tpu.vector_load %arg7[%get3A_4243, %get3A_4244] {strides = array<i32>} : memref<100x64xf32, #tpu.memory_space<vmem>>, vector<1x16xf32>,
      %get3A_4246 = vector.shape_cast %get3A_4245 : vector<1x16xf32> to vector<16xf32>
      %add3A_4247 = arith.addf %add3A_4223, %get3A_4246 : vector<16xf32>
      %get3A_4248 = arith.constant 59 : i32
      %get3A_4249 = arith.index_cast %get3A_4248 : i32 to index
      %get3A_4250 = arith.constant 32 : index
      %get3A_4251 = tpu.vector_load %arg7[%get3A_4249, %get3A_4250] {strides = array<i32>} : memref<100x64xf32, #tpu.memory_space<vmem>>, vector<1x16xf32>,
      %get3A_4252 = vector.shape_cast %get3A_4251 : vector<1x16xf32> to vector<16xf32>
      %add3A_4253 = arith.addf %add3A_4229, %get3A_4252 : vector<16xf32>
      %get3A_4254 = arith.constant 59 : i32
      %get3A_4255 = arith.index_cast %get3A_4254 : i32 to index
      %get3A_4256 = arith.constant 48 : index
      %get3A_4257 = tpu.vector_load %arg7[%get3A_4255, %get3A_4256] {strides = array<i32>} : memref<100x64xf32, #tpu.memory_space<vmem>>, vector<1x16xf32>,
      %get3A_4258 = vector.shape_cast %get3A_4257 : vector<1x16xf32> to vector<16xf32>
      %add3A_4259 = arith.addf %add3A_4235, %get3A_4258 : vector<16xf32>
      %get3A_4260 = arith.constant 60 : i32
      %get3A_4261 = arith.index_cast %get3A_4260 : i32 to index
      %get3A_4262 = arith.constant 0 : index
      %get3A_4263 = tpu.vector_load %arg7[%get3A_4261, %get3A_4262] {strides = array<i32>} : memref<100x64xf32, #tpu.memory_space<vmem>>, vector<1x16xf32>,
      %get3A_4264 = vector.shape_cast %get3A_4263 : vector<1x16xf32> to vector<16xf32>
      %add3A_4265 = arith.addf %add3A_4241, %get3A_4264 : vector<16xf32>
      %get3A_4266 = arith.constant 60 : i32
      %get3A_4267 = arith.index_cast %get3A_4266 : i32 to index
      %get3A_4268 = arith.constant 16 : index
      %get3A_4269 = tpu.vector_load %arg7[%get3A_4267, %get3A_4268] {strides = array<i32>} : memref<100x64xf32, #tpu.memory_space<vmem>>, vector<1x16xf32>,
      %get3A_4270 = vector.shape_cast %get3A_4269 : vector<1x16xf32> to vector<16xf32>
      %add3A_4271 = arith.addf %add3A_4247, %get3A_4270 : vector<16xf32>
      %get3A_4272 = arith.constant 60 : i32
      %get3A_4273 = arith.index_cast %get3A_4272 : i32 to index
      %get3A_4274 = arith.constant 32 : index
      %get3A_4275 = tpu.vector_load %arg7[%get3A_4273, %get3A_4274] {strides = array<i32>} : memref<100x64xf32, #tpu.memory_space<vmem>>, vector<1x16xf32>,
      %get3A_4276 = vector.shape_cast %get3A_4275 : vector<1x16xf32> to vector<16xf32>
      %add3A_4277 = arith.addf %add3A_4253, %get3A_4276 : vector<16xf32>
      %get3A_4278 = arith.constant 60 : i32
      %get3A_4279 = arith.index_cast %get3A_4278 : i32 to index
      %get3A_4280 = arith.constant 48 : index
      %get3A_4281 = tpu.vector_load %arg7[%get3A_4279, %get3A_4280] {strides = array<i32>} : memref<100x64xf32, #tpu.memory_space<vmem>>, vector<1x16xf32>,
      %get3A_4282 = vector.shape_cast %get3A_4281 : vector<1x16xf32> to vector<16xf32>
      %add3A_4283 = arith.addf %add3A_4259, %get3A_4282 : vector<16xf32>
      %get3A_4284 = arith.constant 61 : i32
      %get3A_4285 = arith.index_cast %get3A_4284 : i32 to index
      %get3A_4286 = arith.constant 0 : index
      %get3A_4287 = tpu.vector_load %arg7[%get3A_4285, %get3A_4286] {strides = array<i32>} : memref<100x64xf32, #tpu.memory_space<vmem>>, vector<1x16xf32>,
      %get3A_4288 = vector.shape_cast %get3A_4287 : vector<1x16xf32> to vector<16xf32>
      %add3A_4289 = arith.addf %add3A_4265, %get3A_4288 : vector<16xf32>
      %get3A_4290 = arith.constant 61 : i32
      %get3A_4291 = arith.index_cast %get3A_4290 : i32 to index
      %get3A_4292 = arith.constant 16 : index
      %get3A_4293 = tpu.vector_load %arg7[%get3A_4291, %get3A_4292] {strides = array<i32>} : memref<100x64xf32, #tpu.memory_space<vmem>>, vector<1x16xf32>,
      %get3A_4294 = vector.shape_cast %get3A_4293 : vector<1x16xf32> to vector<16xf32>
      %add3A_4295 = arith.addf %add3A_4271, %get3A_4294 : vector<16xf32>
      %get3A_4296 = arith.constant 61 : i32
      %get3A_4297 = arith.index_cast %get3A_4296 : i32 to index
      %get3A_4298 = arith.constant 32 : index
      %get3A_4299 = tpu.vector_load %arg7[%get3A_4297, %get3A_4298] {strides = array<i32>} : memref<100x64xf32, #tpu.memory_space<vmem>>, vector<1x16xf32>,
      %get3A_4300 = vector.shape_cast %get3A_4299 : vector<1x16xf32> to vector<16xf32>
      %add3A_4301 = arith.addf %add3A_4277, %get3A_4300 : vector<16xf32>
      %get3A_4302 = arith.constant 61 : i32
      %get3A_4303 = arith.index_cast %get3A_4302 : i32 to index
      %get3A_4304 = arith.constant 48 : index
      %get3A_4305 = tpu.vector_load %arg7[%get3A_4303, %get3A_4304] {strides = array<i32>} : memref<100x64xf32, #tpu.memory_space<vmem>>, vector<1x16xf32>,
      %get3A_4306 = vector.shape_cast %get3A_4305 : vector<1x16xf32> to vector<16xf32>
      %add3A_4307 = arith.addf %add3A_4283, %get3A_4306 : vector<16xf32>
      %get3A_4308 = arith.constant 62 : i32
      %get3A_4309 = arith.index_cast %get3A_4308 : i32 to index
      %get3A_4310 = arith.constant 0 : index
      %get3A_4311 = tpu.vector_load %arg7[%get3A_4309, %get3A_4310] {strides = array<i32>} : memref<100x64xf32, #tpu.memory_space<vmem>>, vector<1x16xf32>,
      %get3A_4312 = vector.shape_cast %get3A_4311 : vector<1x16xf32> to vector<16xf32>
      %add3A_4313 = arith.addf %add3A_4289, %get3A_4312 : vector<16xf32>
      %get3A_4314 = arith.constant 62 : i32
      %get3A_4315 = arith.index_cast %get3A_4314 : i32 to index
      %get3A_4316 = arith.constant 16 : index
      %get3A_4317 = tpu.vector_load %arg7[%get3A_4315, %get3A_4316] {strides = array<i32>} : memref<100x64xf32, #tpu.memory_space<vmem>>, vector<1x16xf32>,
      %get3A_4318 = vector.shape_cast %get3A_4317 : vector<1x16xf32> to vector<16xf32>
      %add3A_4319 = arith.addf %add3A_4295, %get3A_4318 : vector<16xf32>
      %get3A_4320 = arith.constant 62 : i32
      %get3A_4321 = arith.index_cast %get3A_4320 : i32 to index
      %get3A_4322 = arith.constant 32 : index
      %get3A_4323 = tpu.vector_load %arg7[%get3A_4321, %get3A_4322] {strides = array<i32>} : memref<100x64xf32, #tpu.memory_space<vmem>>, vector<1x16xf32>,
      %get3A_4324 = vector.shape_cast %get3A_4323 : vector<1x16xf32> to vector<16xf32>
      %add3A_4325 = arith.addf %add3A_4301, %get3A_4324 : vector<16xf32>
      %get3A_4326 = arith.constant 62 : i32
      %get3A_4327 = arith.index_cast %get3A_4326 : i32 to index
      %get3A_4328 = arith.constant 48 : index
      %get3A_4329 = tpu.vector_load %arg7[%get3A_4327, %get3A_4328] {strides = array<i32>} : memref<100x64xf32, #tpu.memory_space<vmem>>, vector<1x16xf32>,
      %get3A_4330 = vector.shape_cast %get3A_4329 : vector<1x16xf32> to vector<16xf32>
      %add3A_4331 = arith.addf %add3A_4307, %get3A_4330 : vector<16xf32>
      %get3A_4332 = arith.constant 63 : i32
      %get3A_4333 = arith.index_cast %get3A_4332 : i32 to index
      %get3A_4334 = arith.constant 0 : index
      %get3A_4335 = tpu.vector_load %arg7[%get3A_4333, %get3A_4334] {strides = array<i32>} : memref<100x64xf32, #tpu.memory_space<vmem>>, vector<1x16xf32>,
      %get3A_4336 = vector.shape_cast %get3A_4335 : vector<1x16xf32> to vector<16xf32>
      %add3A_4337 = arith.addf %add3A_4313, %get3A_4336 : vector<16xf32>
      %get3A_4338 = arith.constant 63 : i32
      %get3A_4339 = arith.index_cast %get3A_4338 : i32 to index
      %get3A_4340 = arith.constant 16 : index
      %get3A_4341 = tpu.vector_load %arg7[%get3A_4339, %get3A_4340] {strides = array<i32>} : memref<100x64xf32, #tpu.memory_space<vmem>>, vector<1x16xf32>,
      %get3A_4342 = vector.shape_cast %get3A_4341 : vector<1x16xf32> to vector<16xf32>
      %add3A_4343 = arith.addf %add3A_4319, %get3A_4342 : vector<16xf32>
      %get3A_4344 = arith.constant 63 : i32
      %get3A_4345 = arith.index_cast %get3A_4344 : i32 to index
      %get3A_4346 = arith.constant 32 : index
      %get3A_4347 = tpu.vector_load %arg7[%get3A_4345, %get3A_4346] {strides = array<i32>} : memref<100x64xf32, #tpu.memory_space<vmem>>, vector<1x16xf32>,
      %get3A_4348 = vector.shape_cast %get3A_4347 : vector<1x16xf32> to vector<16xf32>
      %add3A_4349 = arith.addf %add3A_4325, %get3A_4348 : vector<16xf32>
      %get3A_4350 = arith.constant 63 : i32
      %get3A_4351 = arith.index_cast %get3A_4350 : i32 to index
      %get3A_4352 = arith.constant 48 : index
      %get3A_4353 = tpu.vector_load %arg7[%get3A_4351, %get3A_4352] {strides = array<i32>} : memref<100x64xf32, #tpu.memory_space<vmem>>, vector<1x16xf32>,
      %get3A_4354 = vector.shape_cast %get3A_4353 : vector<1x16xf32> to vector<16xf32>
      %add3A_4355 = arith.addf %add3A_4331, %get3A_4354 : vector<16xf32>
      %get3A_4356 = arith.constant 64 : i32
      %get3A_4357 = arith.index_cast %get3A_4356 : i32 to index
      %get3A_4358 = arith.constant 0 : index
      %get3A_4359 = tpu.vector_load %arg7[%get3A_4357, %get3A_4358] {strides = array<i32>} : memref<100x64xf32, #tpu.memory_space<vmem>>, vector<1x16xf32>,
      %get3A_4360 = vector.shape_cast %get3A_4359 : vector<1x16xf32> to vector<16xf32>
      %add3A_4361 = arith.addf %add3A_4337, %get3A_4360 : vector<16xf32>
      %get3A_4362 = arith.constant 64 : i32
      %get3A_4363 = arith.index_cast %get3A_4362 : i32 to index
      %get3A_4364 = arith.constant 16 : index
      %get3A_4365 = tpu.vector_load %arg7[%get3A_4363, %get3A_4364] {strides = array<i32>} : memref<100x64xf32, #tpu.memory_space<vmem>>, vector<1x16xf32>,
      %get3A_4366 = vector.shape_cast %get3A_4365 : vector<1x16xf32> to vector<16xf32>
      %add3A_4367 = arith.addf %add3A_4343, %get3A_4366 : vector<16xf32>
      %get3A_4368 = arith.constant 64 : i32
      %get3A_4369 = arith.index_cast %get3A_4368 : i32 to index
      %get3A_4370 = arith.constant 32 : index
      %get3A_4371 = tpu.vector_load %arg7[%get3A_4369, %get3A_4370] {strides = array<i32>} : memref<100x64xf32, #tpu.memory_space<vmem>>, vector<1x16xf32>,
      %get3A_4372 = vector.shape_cast %get3A_4371 : vector<1x16xf32> to vector<16xf32>
      %add3A_4373 = arith.addf %add3A_4349, %get3A_4372 : vector<16xf32>
      %get3A_4374 = arith.constant 64 : i32
      %get3A_4375 = arith.index_cast %get3A_4374 : i32 to index
      %get3A_4376 = arith.constant 48 : index
      %get3A_4377 = tpu.vector_load %arg7[%get3A_4375, %get3A_4376] {strides = array<i32>} : memref<100x64xf32, #tpu.memory_space<vmem>>, vector<1x16xf32>,
      %get3A_4378 = vector.shape_cast %get3A_4377 : vector<1x16xf32> to vector<16xf32>
      %add3A_4379 = arith.addf %add3A_4355, %get3A_4378 : vector<16xf32>
      %get3A_4380 = arith.constant 65 : i32
      %get3A_4381 = arith.index_cast %get3A_4380 : i32 to index
      %get3A_4382 = arith.constant 0 : index
      %get3A_4383 = tpu.vector_load %arg7[%get3A_4381, %get3A_4382] {strides = array<i32>} : memref<100x64xf32, #tpu.memory_space<vmem>>, vector<1x16xf32>,
      %get3A_4384 = vector.shape_cast %get3A_4383 : vector<1x16xf32> to vector<16xf32>
      %add3A_4385 = arith.addf %add3A_4361, %get3A_4384 : vector<16xf32>
      %get3A_4386 = arith.constant 65 : i32
      %get3A_4387 = arith.index_cast %get3A_4386 : i32 to index
      %get3A_4388 = arith.constant 16 : index
      %get3A_4389 = tpu.vector_load %arg7[%get3A_4387, %get3A_4388] {strides = array<i32>} : memref<100x64xf32, #tpu.memory_space<vmem>>, vector<1x16xf32>,
      %get3A_4390 = vector.shape_cast %get3A_4389 : vector<1x16xf32> to vector<16xf32>
      %add3A_4391 = arith.addf %add3A_4367, %get3A_4390 : vector<16xf32>
      %get3A_4392 = arith.constant 65 : i32
      %get3A_4393 = arith.index_cast %get3A_4392 : i32 to index
      %get3A_4394 = arith.constant 32 : index
      %get3A_4395 = tpu.vector_load %arg7[%get3A_4393, %get3A_4394] {strides = array<i32>} : memref<100x64xf32, #tpu.memory_space<vmem>>, vector<1x16xf32>,
      %get3A_4396 = vector.shape_cast %get3A_4395 : vector<1x16xf32> to vector<16xf32>
      %add3A_4397 = arith.addf %add3A_4373, %get3A_4396 : vector<16xf32>
      %get3A_4398 = arith.constant 65 : i32
      %get3A_4399 = arith.index_cast %get3A_4398 : i32 to index
      %get3A_4400 = arith.constant 48 : index
      %get3A_4401 = tpu.vector_load %arg7[%get3A_4399, %get3A_4400] {strides = array<i32>} : memref<100x64xf32, #tpu.memory_space<vmem>>, vector<1x16xf32>,
      %get3A_4402 = vector.shape_cast %get3A_4401 : vector<1x16xf32> to vector<16xf32>
      %add3A_4403 = arith.addf %add3A_4379, %get3A_4402 : vector<16xf32>
      %get3A_4404 = arith.constant 66 : i32
      %get3A_4405 = arith.index_cast %get3A_4404 : i32 to index
      %get3A_4406 = arith.constant 0 : index
      %get3A_4407 = tpu.vector_load %arg7[%get3A_4405, %get3A_4406] {strides = array<i32>} : memref<100x64xf32, #tpu.memory_space<vmem>>, vector<1x16xf32>,
      %get3A_4408 = vector.shape_cast %get3A_4407 : vector<1x16xf32> to vector<16xf32>
      %add3A_4409 = arith.addf %add3A_4385, %get3A_4408 : vector<16xf32>
      %get3A_4410 = arith.constant 66 : i32
      %get3A_4411 = arith.index_cast %get3A_4410 : i32 to index
      %get3A_4412 = arith.constant 16 : index
      %get3A_4413 = tpu.vector_load %arg7[%get3A_4411, %get3A_4412] {strides = array<i32>} : memref<100x64xf32, #tpu.memory_space<vmem>>, vector<1x16xf32>,
      %get3A_4414 = vector.shape_cast %get3A_4413 : vector<1x16xf32> to vector<16xf32>
      %add3A_4415 = arith.addf %add3A_4391, %get3A_4414 : vector<16xf32>
      %get3A_4416 = arith.constant 66 : i32
      %get3A_4417 = arith.index_cast %get3A_4416 : i32 to index
      %get3A_4418 = arith.constant 32 : index
      %get3A_4419 = tpu.vector_load %arg7[%get3A_4417, %get3A_4418] {strides = array<i32>} : memref<100x64xf32, #tpu.memory_space<vmem>>, vector<1x16xf32>,
      %get3A_4420 = vector.shape_cast %get3A_4419 : vector<1x16xf32> to vector<16xf32>
      %add3A_4421 = arith.addf %add3A_4397, %get3A_4420 : vector<16xf32>
      %get3A_4422 = arith.constant 66 : i32
      %get3A_4423 = arith.index_cast %get3A_4422 : i32 to index
      %get3A_4424 = arith.constant 48 : index
      %get3A_4425 = tpu.vector_load %arg7[%get3A_4423, %get3A_4424] {strides = array<i32>} : memref<100x64xf32, #tpu.memory_space<vmem>>, vector<1x16xf32>,
      %get3A_4426 = vector.shape_cast %get3A_4425 : vector<1x16xf32> to vector<16xf32>
      %add3A_4427 = arith.addf %add3A_4403, %get3A_4426 : vector<16xf32>
      %get3A_4428 = arith.constant 67 : i32
      %get3A_4429 = arith.index_cast %get3A_4428 : i32 to index
      %get3A_4430 = arith.constant 0 : index
      %get3A_4431 = tpu.vector_load %arg7[%get3A_4429, %get3A_4430] {strides = array<i32>} : memref<100x64xf32, #tpu.memory_space<vmem>>, vector<1x16xf32>,
      %get3A_4432 = vector.shape_cast %get3A_4431 : vector<1x16xf32> to vector<16xf32>
      %add3A_4433 = arith.addf %add3A_4409, %get3A_4432 : vector<16xf32>
      %get3A_4434 = arith.constant 67 : i32
      %get3A_4435 = arith.index_cast %get3A_4434 : i32 to index
      %get3A_4436 = arith.constant 16 : index
      %get3A_4437 = tpu.vector_load %arg7[%get3A_4435, %get3A_4436] {strides = array<i32>} : memref<100x64xf32, #tpu.memory_space<vmem>>, vector<1x16xf32>,
      %get3A_4438 = vector.shape_cast %get3A_4437 : vector<1x16xf32> to vector<16xf32>
      %add3A_4439 = arith.addf %add3A_4415, %get3A_4438 : vector<16xf32>
      %get3A_4440 = arith.constant 67 : i32
      %get3A_4441 = arith.index_cast %get3A_4440 : i32 to index
      %get3A_4442 = arith.constant 32 : index
      %get3A_4443 = tpu.vector_load %arg7[%get3A_4441, %get3A_4442] {strides = array<i32>} : memref<100x64xf32, #tpu.memory_space<vmem>>, vector<1x16xf32>,
      %get3A_4444 = vector.shape_cast %get3A_4443 : vector<1x16xf32> to vector<16xf32>
      %add3A_4445 = arith.addf %add3A_4421, %get3A_4444 : vector<16xf32>
      %get3A_4446 = arith.constant 67 : i32
      %get3A_4447 = arith.index_cast %get3A_4446 : i32 to index
      %get3A_4448 = arith.constant 48 : index
      %get3A_4449 = tpu.vector_load %arg7[%get3A_4447, %get3A_4448] {strides = array<i32>} : memref<100x64xf32, #tpu.memory_space<vmem>>, vector<1x16xf32>,
      %get3A_4450 = vector.shape_cast %get3A_4449 : vector<1x16xf32> to vector<16xf32>
      %add3A_4451 = arith.addf %add3A_4427, %get3A_4450 : vector<16xf32>
      %get3A_4452 = arith.constant 68 : i32
      %get3A_4453 = arith.index_cast %get3A_4452 : i32 to index
      %get3A_4454 = arith.constant 0 : index
      %get3A_4455 = tpu.vector_load %arg7[%get3A_4453, %get3A_4454] {strides = array<i32>} : memref<100x64xf32, #tpu.memory_space<vmem>>, vector<1x16xf32>,
      %get3A_4456 = vector.shape_cast %get3A_4455 : vector<1x16xf32> to vector<16xf32>
      %add3A_4457 = arith.addf %add3A_4433, %get3A_4456 : vector<16xf32>
      %get3A_4458 = arith.constant 68 : i32
      %get3A_4459 = arith.index_cast %get3A_4458 : i32 to index
      %get3A_4460 = arith.constant 16 : index
      %get3A_4461 = tpu.vector_load %arg7[%get3A_4459, %get3A_4460] {strides = array<i32>} : memref<100x64xf32, #tpu.memory_space<vmem>>, vector<1x16xf32>,
      %get3A_4462 = vector.shape_cast %get3A_4461 : vector<1x16xf32> to vector<16xf32>
      %add3A_4463 = arith.addf %add3A_4439, %get3A_4462 : vector<16xf32>
      %get3A_4464 = arith.constant 68 : i32
      %get3A_4465 = arith.index_cast %get3A_4464 : i32 to index
      %get3A_4466 = arith.constant 32 : index
      %get3A_4467 = tpu.vector_load %arg7[%get3A_4465, %get3A_4466] {strides = array<i32>} : memref<100x64xf32, #tpu.memory_space<vmem>>, vector<1x16xf32>,
      %get3A_4468 = vector.shape_cast %get3A_4467 : vector<1x16xf32> to vector<16xf32>
      %add3A_4469 = arith.addf %add3A_4445, %get3A_4468 : vector<16xf32>
      %get3A_4470 = arith.constant 68 : i32
      %get3A_4471 = arith.index_cast %get3A_4470 : i32 to index
      %get3A_4472 = arith.constant 48 : index
      %get3A_4473 = tpu.vector_load %arg7[%get3A_4471, %get3A_4472] {strides = array<i32>} : memref<100x64xf32, #tpu.memory_space<vmem>>, vector<1x16xf32>,
      %get3A_4474 = vector.shape_cast %get3A_4473 : vector<1x16xf32> to vector<16xf32>
      %add3A_4475 = arith.addf %add3A_4451, %get3A_4474 : vector<16xf32>
      %get3A_4476 = arith.constant 69 : i32
      %get3A_4477 = arith.index_cast %get3A_4476 : i32 to index
      %get3A_4478 = arith.constant 0 : index
      %get3A_4479 = tpu.vector_load %arg7[%get3A_4477, %get3A_4478] {strides = array<i32>} : memref<100x64xf32, #tpu.memory_space<vmem>>, vector<1x16xf32>,
      %get3A_4480 = vector.shape_cast %get3A_4479 : vector<1x16xf32> to vector<16xf32>
      %add3A_4481 = arith.addf %add3A_4457, %get3A_4480 : vector<16xf32>
      %get3A_4482 = arith.constant 69 : i32
      %get3A_4483 = arith.index_cast %get3A_4482 : i32 to index
      %get3A_4484 = arith.constant 16 : index
      %get3A_4485 = tpu.vector_load %arg7[%get3A_4483, %get3A_4484] {strides = array<i32>} : memref<100x64xf32, #tpu.memory_space<vmem>>, vector<1x16xf32>,
      %get3A_4486 = vector.shape_cast %get3A_4485 : vector<1x16xf32> to vector<16xf32>
      %add3A_4487 = arith.addf %add3A_4463, %get3A_4486 : vector<16xf32>
      %get3A_4488 = arith.constant 69 : i32
      %get3A_4489 = arith.index_cast %get3A_4488 : i32 to index
      %get3A_4490 = arith.constant 32 : index
      %get3A_4491 = tpu.vector_load %arg7[%get3A_4489, %get3A_4490] {strides = array<i32>} : memref<100x64xf32, #tpu.memory_space<vmem>>, vector<1x16xf32>,
      %get3A_4492 = vector.shape_cast %get3A_4491 : vector<1x16xf32> to vector<16xf32>
      %add3A_4493 = arith.addf %add3A_4469, %get3A_4492 : vector<16xf32>
      %get3A_4494 = arith.constant 69 : i32
      %get3A_4495 = arith.index_cast %get3A_4494 : i32 to index
      %get3A_4496 = arith.constant 48 : index
      %get3A_4497 = tpu.vector_load %arg7[%get3A_4495, %get3A_4496] {strides = array<i32>} : memref<100x64xf32, #tpu.memory_space<vmem>>, vector<1x16xf32>,
      %get3A_4498 = vector.shape_cast %get3A_4497 : vector<1x16xf32> to vector<16xf32>
      %add3A_4499 = arith.addf %add3A_4475, %get3A_4498 : vector<16xf32>
      %get3A_4500 = arith.constant 70 : i32
      %get3A_4501 = arith.index_cast %get3A_4500 : i32 to index
      %get3A_4502 = arith.constant 0 : index
      %get3A_4503 = tpu.vector_load %arg7[%get3A_4501, %get3A_4502] {strides = array<i32>} : memref<100x64xf32, #tpu.memory_space<vmem>>, vector<1x16xf32>,
      %get3A_4504 = vector.shape_cast %get3A_4503 : vector<1x16xf32> to vector<16xf32>
      %add3A_4505 = arith.addf %add3A_4481, %get3A_4504 : vector<16xf32>
      %get3A_4506 = arith.constant 70 : i32
      %get3A_4507 = arith.index_cast %get3A_4506 : i32 to index
      %get3A_4508 = arith.constant 16 : index
      %get3A_4509 = tpu.vector_load %arg7[%get3A_4507, %get3A_4508] {strides = array<i32>} : memref<100x64xf32, #tpu.memory_space<vmem>>, vector<1x16xf32>,
      %get3A_4510 = vector.shape_cast %get3A_4509 : vector<1x16xf32> to vector<16xf32>
      %add3A_4511 = arith.addf %add3A_4487, %get3A_4510 : vector<16xf32>
      %get3A_4512 = arith.constant 70 : i32
      %get3A_4513 = arith.index_cast %get3A_4512 : i32 to index
      %get3A_4514 = arith.constant 32 : index
      %get3A_4515 = tpu.vector_load %arg7[%get3A_4513, %get3A_4514] {strides = array<i32>} : memref<100x64xf32, #tpu.memory_space<vmem>>, vector<1x16xf32>,
      %get3A_4516 = vector.shape_cast %get3A_4515 : vector<1x16xf32> to vector<16xf32>
      %add3A_4517 = arith.addf %add3A_4493, %get3A_4516 : vector<16xf32>
      %get3A_4518 = arith.constant 70 : i32
      %get3A_4519 = arith.index_cast %get3A_4518 : i32 to index
      %get3A_4520 = arith.constant 48 : index
      %get3A_4521 = tpu.vector_load %arg7[%get3A_4519, %get3A_4520] {strides = array<i32>} : memref<100x64xf32, #tpu.memory_space<vmem>>, vector<1x16xf32>,
      %get3A_4522 = vector.shape_cast %get3A_4521 : vector<1x16xf32> to vector<16xf32>
      %add3A_4523 = arith.addf %add3A_4499, %get3A_4522 : vector<16xf32>
      %get3A_4524 = arith.constant 71 : i32
      %get3A_4525 = arith.index_cast %get3A_4524 : i32 to index
      %get3A_4526 = arith.constant 0 : index
      %get3A_4527 = tpu.vector_load %arg7[%get3A_4525, %get3A_4526] {strides = array<i32>} : memref<100x64xf32, #tpu.memory_space<vmem>>, vector<1x16xf32>,
      %get3A_4528 = vector.shape_cast %get3A_4527 : vector<1x16xf32> to vector<16xf32>
      %add3A_4529 = arith.addf %add3A_4505, %get3A_4528 : vector<16xf32>
      %get3A_4530 = arith.constant 71 : i32
      %get3A_4531 = arith.index_cast %get3A_4530 : i32 to index
      %get3A_4532 = arith.constant 16 : index
      %get3A_4533 = tpu.vector_load %arg7[%get3A_4531, %get3A_4532] {strides = array<i32>} : memref<100x64xf32, #tpu.memory_space<vmem>>, vector<1x16xf32>,
      %get3A_4534 = vector.shape_cast %get3A_4533 : vector<1x16xf32> to vector<16xf32>
      %add3A_4535 = arith.addf %add3A_4511, %get3A_4534 : vector<16xf32>
      %get3A_4536 = arith.constant 71 : i32
      %get3A_4537 = arith.index_cast %get3A_4536 : i32 to index
      %get3A_4538 = arith.constant 32 : index
      %get3A_4539 = tpu.vector_load %arg7[%get3A_4537, %get3A_4538] {strides = array<i32>} : memref<100x64xf32, #tpu.memory_space<vmem>>, vector<1x16xf32>,
      %get3A_4540 = vector.shape_cast %get3A_4539 : vector<1x16xf32> to vector<16xf32>
      %add3A_4541 = arith.addf %add3A_4517, %get3A_4540 : vector<16xf32>
      %get3A_4542 = arith.constant 71 : i32
      %get3A_4543 = arith.index_cast %get3A_4542 : i32 to index
      %get3A_4544 = arith.constant 48 : index
      %get3A_4545 = tpu.vector_load %arg7[%get3A_4543, %get3A_4544] {strides = array<i32>} : memref<100x64xf32, #tpu.memory_space<vmem>>, vector<1x16xf32>,
      %get3A_4546 = vector.shape_cast %get3A_4545 : vector<1x16xf32> to vector<16xf32>
      %add3A_4547 = arith.addf %add3A_4523, %get3A_4546 : vector<16xf32>
      %get3A_4548 = arith.constant 72 : i32
      %get3A_4549 = arith.index_cast %get3A_4548 : i32 to index
      %get3A_4550 = arith.constant 0 : index
      %get3A_4551 = tpu.vector_load %arg7[%get3A_4549, %get3A_4550] {strides = array<i32>} : memref<100x64xf32, #tpu.memory_space<vmem>>, vector<1x16xf32>,
      %get3A_4552 = vector.shape_cast %get3A_4551 : vector<1x16xf32> to vector<16xf32>
      %add3A_4553 = arith.addf %add3A_4529, %get3A_4552 : vector<16xf32>
      %get3A_4554 = arith.constant 72 : i32
      %get3A_4555 = arith.index_cast %get3A_4554 : i32 to index
      %get3A_4556 = arith.constant 16 : index
      %get3A_4557 = tpu.vector_load %arg7[%get3A_4555, %get3A_4556] {strides = array<i32>} : memref<100x64xf32, #tpu.memory_space<vmem>>, vector<1x16xf32>,
      %get3A_4558 = vector.shape_cast %get3A_4557 : vector<1x16xf32> to vector<16xf32>
      %add3A_4559 = arith.addf %add3A_4535, %get3A_4558 : vector<16xf32>
      %get3A_4560 = arith.constant 72 : i32
      %get3A_4561 = arith.index_cast %get3A_4560 : i32 to index
      %get3A_4562 = arith.constant 32 : index
      %get3A_4563 = tpu.vector_load %arg7[%get3A_4561, %get3A_4562] {strides = array<i32>} : memref<100x64xf32, #tpu.memory_space<vmem>>, vector<1x16xf32>,
      %get3A_4564 = vector.shape_cast %get3A_4563 : vector<1x16xf32> to vector<16xf32>
      %add3A_4565 = arith.addf %add3A_4541, %get3A_4564 : vector<16xf32>
      %get3A_4566 = arith.constant 72 : i32
      %get3A_4567 = arith.index_cast %get3A_4566 : i32 to index
      %get3A_4568 = arith.constant 48 : index
      %get3A_4569 = tpu.vector_load %arg7[%get3A_4567, %get3A_4568] {strides = array<i32>} : memref<100x64xf32, #tpu.memory_space<vmem>>, vector<1x16xf32>,
      %get3A_4570 = vector.shape_cast %get3A_4569 : vector<1x16xf32> to vector<16xf32>
      %add3A_4571 = arith.addf %add3A_4547, %get3A_4570 : vector<16xf32>
      %get3A_4572 = arith.constant 73 : i32
      %get3A_4573 = arith.index_cast %get3A_4572 : i32 to index
      %get3A_4574 = arith.constant 0 : index
      %get3A_4575 = tpu.vector_load %arg7[%get3A_4573, %get3A_4574] {strides = array<i32>} : memref<100x64xf32, #tpu.memory_space<vmem>>, vector<1x16xf32>,
      %get3A_4576 = vector.shape_cast %get3A_4575 : vector<1x16xf32> to vector<16xf32>
      %add3A_4577 = arith.addf %add3A_4553, %get3A_4576 : vector<16xf32>
      %get3A_4578 = arith.constant 73 : i32
      %get3A_4579 = arith.index_cast %get3A_4578 : i32 to index
      %get3A_4580 = arith.constant 16 : index
      %get3A_4581 = tpu.vector_load %arg7[%get3A_4579, %get3A_4580] {strides = array<i32>} : memref<100x64xf32, #tpu.memory_space<vmem>>, vector<1x16xf32>,
      %get3A_4582 = vector.shape_cast %get3A_4581 : vector<1x16xf32> to vector<16xf32>
      %add3A_4583 = arith.addf %add3A_4559, %get3A_4582 : vector<16xf32>
      %get3A_4584 = arith.constant 73 : i32
      %get3A_4585 = arith.index_cast %get3A_4584 : i32 to index
      %get3A_4586 = arith.constant 32 : index
      %get3A_4587 = tpu.vector_load %arg7[%get3A_4585, %get3A_4586] {strides = array<i32>} : memref<100x64xf32, #tpu.memory_space<vmem>>, vector<1x16xf32>,
      %get3A_4588 = vector.shape_cast %get3A_4587 : vector<1x16xf32> to vector<16xf32>
      %add3A_4589 = arith.addf %add3A_4565, %get3A_4588 : vector<16xf32>
      %get3A_4590 = arith.constant 73 : i32
      %get3A_4591 = arith.index_cast %get3A_4590 : i32 to index
      %get3A_4592 = arith.constant 48 : index
      %get3A_4593 = tpu.vector_load %arg7[%get3A_4591, %get3A_4592] {strides = array<i32>} : memref<100x64xf32, #tpu.memory_space<vmem>>, vector<1x16xf32>,
      %get3A_4594 = vector.shape_cast %get3A_4593 : vector<1x16xf32> to vector<16xf32>
      %add3A_4595 = arith.addf %add3A_4571, %get3A_4594 : vector<16xf32>
      %get3A_4596 = arith.constant 74 : i32
      %get3A_4597 = arith.index_cast %get3A_4596 : i32 to index
      %get3A_4598 = arith.constant 0 : index
      %get3A_4599 = tpu.vector_load %arg7[%get3A_4597, %get3A_4598] {strides = array<i32>} : memref<100x64xf32, #tpu.memory_space<vmem>>, vector<1x16xf32>,
      %get3A_4600 = vector.shape_cast %get3A_4599 : vector<1x16xf32> to vector<16xf32>
      %add3A_4601 = arith.addf %add3A_4577, %get3A_4600 : vector<16xf32>
      %get3A_4602 = arith.constant 74 : i32
      %get3A_4603 = arith.index_cast %get3A_4602 : i32 to index
      %get3A_4604 = arith.constant 16 : index
      %get3A_4605 = tpu.vector_load %arg7[%get3A_4603, %get3A_4604] {strides = array<i32>} : memref<100x64xf32, #tpu.memory_space<vmem>>, vector<1x16xf32>,
      %get3A_4606 = vector.shape_cast %get3A_4605 : vector<1x16xf32> to vector<16xf32>
      %add3A_4607 = arith.addf %add3A_4583, %get3A_4606 : vector<16xf32>
      %get3A_4608 = arith.constant 74 : i32
      %get3A_4609 = arith.index_cast %get3A_4608 : i32 to index
      %get3A_4610 = arith.constant 32 : index
      %get3A_4611 = tpu.vector_load %arg7[%get3A_4609, %get3A_4610] {strides = array<i32>} : memref<100x64xf32, #tpu.memory_space<vmem>>, vector<1x16xf32>,
      %get3A_4612 = vector.shape_cast %get3A_4611 : vector<1x16xf32> to vector<16xf32>
      %add3A_4613 = arith.addf %add3A_4589, %get3A_4612 : vector<16xf32>
      %get3A_4614 = arith.constant 74 : i32
      %get3A_4615 = arith.index_cast %get3A_4614 : i32 to index
      %get3A_4616 = arith.constant 48 : index
      %get3A_4617 = tpu.vector_load %arg7[%get3A_4615, %get3A_4616] {strides = array<i32>} : memref<100x64xf32, #tpu.memory_space<vmem>>, vector<1x16xf32>,
      %get3A_4618 = vector.shape_cast %get3A_4617 : vector<1x16xf32> to vector<16xf32>
      %add3A_4619 = arith.addf %add3A_4595, %get3A_4618 : vector<16xf32>
      %get3A_4620 = arith.constant 75 : i32
      %get3A_4621 = arith.index_cast %get3A_4620 : i32 to index
      %get3A_4622 = arith.constant 0 : index
      %get3A_4623 = tpu.vector_load %arg7[%get3A_4621, %get3A_4622] {strides = array<i32>} : memref<100x64xf32, #tpu.memory_space<vmem>>, vector<1x16xf32>,
      %get3A_4624 = vector.shape_cast %get3A_4623 : vector<1x16xf32> to vector<16xf32>
      %add3A_4625 = arith.addf %add3A_4601, %get3A_4624 : vector<16xf32>
      %get3A_4626 = arith.constant 75 : i32
      %get3A_4627 = arith.index_cast %get3A_4626 : i32 to index
      %get3A_4628 = arith.constant 16 : index
      %get3A_4629 = tpu.vector_load %arg7[%get3A_4627, %get3A_4628] {strides = array<i32>} : memref<100x64xf32, #tpu.memory_space<vmem>>, vector<1x16xf32>,
      %get3A_4630 = vector.shape_cast %get3A_4629 : vector<1x16xf32> to vector<16xf32>
      %add3A_4631 = arith.addf %add3A_4607, %get3A_4630 : vector<16xf32>
      %get3A_4632 = arith.constant 75 : i32
      %get3A_4633 = arith.index_cast %get3A_4632 : i32 to index
      %get3A_4634 = arith.constant 32 : index
      %get3A_4635 = tpu.vector_load %arg7[%get3A_4633, %get3A_4634] {strides = array<i32>} : memref<100x64xf32, #tpu.memory_space<vmem>>, vector<1x16xf32>,
      %get3A_4636 = vector.shape_cast %get3A_4635 : vector<1x16xf32> to vector<16xf32>
      %add3A_4637 = arith.addf %add3A_4613, %get3A_4636 : vector<16xf32>
      %get3A_4638 = arith.constant 75 : i32
      %get3A_4639 = arith.index_cast %get3A_4638 : i32 to index
      %get3A_4640 = arith.constant 48 : index
      %get3A_4641 = tpu.vector_load %arg7[%get3A_4639, %get3A_4640] {strides = array<i32>} : memref<100x64xf32, #tpu.memory_space<vmem>>, vector<1x16xf32>,
      %get3A_4642 = vector.shape_cast %get3A_4641 : vector<1x16xf32> to vector<16xf32>
      %add3A_4643 = arith.addf %add3A_4619, %get3A_4642 : vector<16xf32>
      %get3A_4644 = arith.constant 76 : i32
      %get3A_4645 = arith.index_cast %get3A_4644 : i32 to index
      %get3A_4646 = arith.constant 0 : index
      %get3A_4647 = tpu.vector_load %arg7[%get3A_4645, %get3A_4646] {strides = array<i32>} : memref<100x64xf32, #tpu.memory_space<vmem>>, vector<1x16xf32>,
      %get3A_4648 = vector.shape_cast %get3A_4647 : vector<1x16xf32> to vector<16xf32>
      %add3A_4649 = arith.addf %add3A_4625, %get3A_4648 : vector<16xf32>
      %get3A_4650 = arith.constant 76 : i32
      %get3A_4651 = arith.index_cast %get3A_4650 : i32 to index
      %get3A_4652 = arith.constant 16 : index
      %get3A_4653 = tpu.vector_load %arg7[%get3A_4651, %get3A_4652] {strides = array<i32>} : memref<100x64xf32, #tpu.memory_space<vmem>>, vector<1x16xf32>,
      %get3A_4654 = vector.shape_cast %get3A_4653 : vector<1x16xf32> to vector<16xf32>
      %add3A_4655 = arith.addf %add3A_4631, %get3A_4654 : vector<16xf32>
      %get3A_4656 = arith.constant 76 : i32
      %get3A_4657 = arith.index_cast %get3A_4656 : i32 to index
      %get3A_4658 = arith.constant 32 : index
      %get3A_4659 = tpu.vector_load %arg7[%get3A_4657, %get3A_4658] {strides = array<i32>} : memref<100x64xf32, #tpu.memory_space<vmem>>, vector<1x16xf32>,
      %get3A_4660 = vector.shape_cast %get3A_4659 : vector<1x16xf32> to vector<16xf32>
      %add3A_4661 = arith.addf %add3A_4637, %get3A_4660 : vector<16xf32>
      %get3A_4662 = arith.constant 76 : i32
      %get3A_4663 = arith.index_cast %get3A_4662 : i32 to index
      %get3A_4664 = arith.constant 48 : index
      %get3A_4665 = tpu.vector_load %arg7[%get3A_4663, %get3A_4664] {strides = array<i32>} : memref<100x64xf32, #tpu.memory_space<vmem>>, vector<1x16xf32>,
      %get3A_4666 = vector.shape_cast %get3A_4665 : vector<1x16xf32> to vector<16xf32>
      %add3A_4667 = arith.addf %add3A_4643, %get3A_4666 : vector<16xf32>
      %get3A_4668 = arith.constant 77 : i32
      %get3A_4669 = arith.index_cast %get3A_4668 : i32 to index
      %get3A_4670 = arith.constant 0 : index
      %get3A_4671 = tpu.vector_load %arg7[%get3A_4669, %get3A_4670] {strides = array<i32>} : memref<100x64xf32, #tpu.memory_space<vmem>>, vector<1x16xf32>,
      %get3A_4672 = vector.shape_cast %get3A_4671 : vector<1x16xf32> to vector<16xf32>
      %add3A_4673 = arith.addf %add3A_4649, %get3A_4672 : vector<16xf32>
      %get3A_4674 = arith.constant 77 : i32
      %get3A_4675 = arith.index_cast %get3A_4674 : i32 to index
      %get3A_4676 = arith.constant 16 : index
      %get3A_4677 = tpu.vector_load %arg7[%get3A_4675, %get3A_4676] {strides = array<i32>} : memref<100x64xf32, #tpu.memory_space<vmem>>, vector<1x16xf32>,
      %get3A_4678 = vector.shape_cast %get3A_4677 : vector<1x16xf32> to vector<16xf32>
      %add3A_4679 = arith.addf %add3A_4655, %get3A_4678 : vector<16xf32>
      %get3A_4680 = arith.constant 77 : i32
      %get3A_4681 = arith.index_cast %get3A_4680 : i32 to index
      %get3A_4682 = arith.constant 32 : index
      %get3A_4683 = tpu.vector_load %arg7[%get3A_4681, %get3A_4682] {strides = array<i32>} : memref<100x64xf32, #tpu.memory_space<vmem>>, vector<1x16xf32>,
      %get3A_4684 = vector.shape_cast %get3A_4683 : vector<1x16xf32> to vector<16xf32>
      %add3A_4685 = arith.addf %add3A_4661, %get3A_4684 : vector<16xf32>
      %get3A_4686 = arith.constant 77 : i32
      %get3A_4687 = arith.index_cast %get3A_4686 : i32 to index
      %get3A_4688 = arith.constant 48 : index
      %get3A_4689 = tpu.vector_load %arg7[%get3A_4687, %get3A_4688] {strides = array<i32>} : memref<100x64xf32, #tpu.memory_space<vmem>>, vector<1x16xf32>,
      %get3A_4690 = vector.shape_cast %get3A_4689 : vector<1x16xf32> to vector<16xf32>
      %add3A_4691 = arith.addf %add3A_4667, %get3A_4690 : vector<16xf32>
      %get3A_4692 = arith.constant 78 : i32
      %get3A_4693 = arith.index_cast %get3A_4692 : i32 to index
      %get3A_4694 = arith.constant 0 : index
      %get3A_4695 = tpu.vector_load %arg7[%get3A_4693, %get3A_4694] {strides = array<i32>} : memref<100x64xf32, #tpu.memory_space<vmem>>, vector<1x16xf32>,
      %get3A_4696 = vector.shape_cast %get3A_4695 : vector<1x16xf32> to vector<16xf32>
      %add3A_4697 = arith.addf %add3A_4673, %get3A_4696 : vector<16xf32>
      %get3A_4698 = arith.constant 78 : i32
      %get3A_4699 = arith.index_cast %get3A_4698 : i32 to index
      %get3A_4700 = arith.constant 16 : index
      %get3A_4701 = tpu.vector_load %arg7[%get3A_4699, %get3A_4700] {strides = array<i32>} : memref<100x64xf32, #tpu.memory_space<vmem>>, vector<1x16xf32>,
      %get3A_4702 = vector.shape_cast %get3A_4701 : vector<1x16xf32> to vector<16xf32>
      %add3A_4703 = arith.addf %add3A_4679, %get3A_4702 : vector<16xf32>
      %get3A_4704 = arith.constant 78 : i32
      %get3A_4705 = arith.index_cast %get3A_4704 : i32 to index
      %get3A_4706 = arith.constant 32 : index
      %get3A_4707 = tpu.vector_load %arg7[%get3A_4705, %get3A_4706] {strides = array<i32>} : memref<100x64xf32, #tpu.memory_space<vmem>>, vector<1x16xf32>,
      %get3A_4708 = vector.shape_cast %get3A_4707 : vector<1x16xf32> to vector<16xf32>
      %add3A_4709 = arith.addf %add3A_4685, %get3A_4708 : vector<16xf32>
      %get3A_4710 = arith.constant 78 : i32
      %get3A_4711 = arith.index_cast %get3A_4710 : i32 to index
      %get3A_4712 = arith.constant 48 : index
      %get3A_4713 = tpu.vector_load %arg7[%get3A_4711, %get3A_4712] {strides = array<i32>} : memref<100x64xf32, #tpu.memory_space<vmem>>, vector<1x16xf32>,
      %get3A_4714 = vector.shape_cast %get3A_4713 : vector<1x16xf32> to vector<16xf32>
      %add3A_4715 = arith.addf %add3A_4691, %get3A_4714 : vector<16xf32>
      %get3A_4716 = arith.constant 79 : i32
      %get3A_4717 = arith.index_cast %get3A_4716 : i32 to index
      %get3A_4718 = arith.constant 0 : index
      %get3A_4719 = tpu.vector_load %arg7[%get3A_4717, %get3A_4718] {strides = array<i32>} : memref<100x64xf32, #tpu.memory_space<vmem>>, vector<1x16xf32>,
      %get3A_4720 = vector.shape_cast %get3A_4719 : vector<1x16xf32> to vector<16xf32>
      %add3A_4721 = arith.addf %add3A_4697, %get3A_4720 : vector<16xf32>
      %get3A_4722 = arith.constant 79 : i32
      %get3A_4723 = arith.index_cast %get3A_4722 : i32 to index
      %get3A_4724 = arith.constant 16 : index
      %get3A_4725 = tpu.vector_load %arg7[%get3A_4723, %get3A_4724] {strides = array<i32>} : memref<100x64xf32, #tpu.memory_space<vmem>>, vector<1x16xf32>,
      %get3A_4726 = vector.shape_cast %get3A_4725 : vector<1x16xf32> to vector<16xf32>
      %add3A_4727 = arith.addf %add3A_4703, %get3A_4726 : vector<16xf32>
      %get3A_4728 = arith.constant 79 : i32
      %get3A_4729 = arith.index_cast %get3A_4728 : i32 to index
      %get3A_4730 = arith.constant 32 : index
      %get3A_4731 = tpu.vector_load %arg7[%get3A_4729, %get3A_4730] {strides = array<i32>} : memref<100x64xf32, #tpu.memory_space<vmem>>, vector<1x16xf32>,
      %get3A_4732 = vector.shape_cast %get3A_4731 : vector<1x16xf32> to vector<16xf32>
      %add3A_4733 = arith.addf %add3A_4709, %get3A_4732 : vector<16xf32>
      %get3A_4734 = arith.constant 79 : i32
      %get3A_4735 = arith.index_cast %get3A_4734 : i32 to index
      %get3A_4736 = arith.constant 48 : index
      %get3A_4737 = tpu.vector_load %arg7[%get3A_4735, %get3A_4736] {strides = array<i32>} : memref<100x64xf32, #tpu.memory_space<vmem>>, vector<1x16xf32>,
      %get3A_4738 = vector.shape_cast %get3A_4737 : vector<1x16xf32> to vector<16xf32>
      %add3A_4739 = arith.addf %add3A_4715, %get3A_4738 : vector<16xf32>
      %get3A_4740 = arith.constant 80 : i32
      %get3A_4741 = arith.index_cast %get3A_4740 : i32 to index
      %get3A_4742 = arith.constant 0 : index
      %get3A_4743 = tpu.vector_load %arg7[%get3A_4741, %get3A_4742] {strides = array<i32>} : memref<100x64xf32, #tpu.memory_space<vmem>>, vector<1x16xf32>,
      %get3A_4744 = vector.shape_cast %get3A_4743 : vector<1x16xf32> to vector<16xf32>
      %add3A_4745 = arith.addf %add3A_4721, %get3A_4744 : vector<16xf32>
      %get3A_4746 = arith.constant 80 : i32
      %get3A_4747 = arith.index_cast %get3A_4746 : i32 to index
      %get3A_4748 = arith.constant 16 : index
      %get3A_4749 = tpu.vector_load %arg7[%get3A_4747, %get3A_4748] {strides = array<i32>} : memref<100x64xf32, #tpu.memory_space<vmem>>, vector<1x16xf32>,
      %get3A_4750 = vector.shape_cast %get3A_4749 : vector<1x16xf32> to vector<16xf32>
      %add3A_4751 = arith.addf %add3A_4727, %get3A_4750 : vector<16xf32>
      %get3A_4752 = arith.constant 80 : i32
      %get3A_4753 = arith.index_cast %get3A_4752 : i32 to index
      %get3A_4754 = arith.constant 32 : index
      %get3A_4755 = tpu.vector_load %arg7[%get3A_4753, %get3A_4754] {strides = array<i32>} : memref<100x64xf32, #tpu.memory_space<vmem>>, vector<1x16xf32>,
      %get3A_4756 = vector.shape_cast %get3A_4755 : vector<1x16xf32> to vector<16xf32>
      %add3A_4757 = arith.addf %add3A_4733, %get3A_4756 : vector<16xf32>
      %get3A_4758 = arith.constant 80 : i32
      %get3A_4759 = arith.index_cast %get3A_4758 : i32 to index
      %get3A_4760 = arith.constant 48 : index
      %get3A_4761 = tpu.vector_load %arg7[%get3A_4759, %get3A_4760] {strides = array<i32>} : memref<100x64xf32, #tpu.memory_space<vmem>>, vector<1x16xf32>,
      %get3A_4762 = vector.shape_cast %get3A_4761 : vector<1x16xf32> to vector<16xf32>
      %add3A_4763 = arith.addf %add3A_4739, %get3A_4762 : vector<16xf32>
      %get3A_4764 = arith.constant 81 : i32
      %get3A_4765 = arith.index_cast %get3A_4764 : i32 to index
      %get3A_4766 = arith.constant 0 : index
      %get3A_4767 = tpu.vector_load %arg7[%get3A_4765, %get3A_4766] {strides = array<i32>} : memref<100x64xf32, #tpu.memory_space<vmem>>, vector<1x16xf32>,
      %get3A_4768 = vector.shape_cast %get3A_4767 : vector<1x16xf32> to vector<16xf32>
      %add3A_4769 = arith.addf %add3A_4745, %get3A_4768 : vector<16xf32>
      %get3A_4770 = arith.constant 81 : i32
      %get3A_4771 = arith.index_cast %get3A_4770 : i32 to index
      %get3A_4772 = arith.constant 16 : index
      %get3A_4773 = tpu.vector_load %arg7[%get3A_4771, %get3A_4772] {strides = array<i32>} : memref<100x64xf32, #tpu.memory_space<vmem>>, vector<1x16xf32>,
      %get3A_4774 = vector.shape_cast %get3A_4773 : vector<1x16xf32> to vector<16xf32>
      %add3A_4775 = arith.addf %add3A_4751, %get3A_4774 : vector<16xf32>
      %get3A_4776 = arith.constant 81 : i32
      %get3A_4777 = arith.index_cast %get3A_4776 : i32 to index
      %get3A_4778 = arith.constant 32 : index
      %get3A_4779 = tpu.vector_load %arg7[%get3A_4777, %get3A_4778] {strides = array<i32>} : memref<100x64xf32, #tpu.memory_space<vmem>>, vector<1x16xf32>,
      %get3A_4780 = vector.shape_cast %get3A_4779 : vector<1x16xf32> to vector<16xf32>
      %add3A_4781 = arith.addf %add3A_4757, %get3A_4780 : vector<16xf32>
      %get3A_4782 = arith.constant 81 : i32
      %get3A_4783 = arith.index_cast %get3A_4782 : i32 to index
      %get3A_4784 = arith.constant 48 : index
      %get3A_4785 = tpu.vector_load %arg7[%get3A_4783, %get3A_4784] {strides = array<i32>} : memref<100x64xf32, #tpu.memory_space<vmem>>, vector<1x16xf32>,
      %get3A_4786 = vector.shape_cast %get3A_4785 : vector<1x16xf32> to vector<16xf32>
      %add3A_4787 = arith.addf %add3A_4763, %get3A_4786 : vector<16xf32>
      %get3A_4788 = arith.constant 82 : i32
      %get3A_4789 = arith.index_cast %get3A_4788 : i32 to index
      %get3A_4790 = arith.constant 0 : index
      %get3A_4791 = tpu.vector_load %arg7[%get3A_4789, %get3A_4790] {strides = array<i32>} : memref<100x64xf32, #tpu.memory_space<vmem>>, vector<1x16xf32>,
      %get3A_4792 = vector.shape_cast %get3A_4791 : vector<1x16xf32> to vector<16xf32>
      %add3A_4793 = arith.addf %add3A_4769, %get3A_4792 : vector<16xf32>
      %get3A_4794 = arith.constant 82 : i32
      %get3A_4795 = arith.index_cast %get3A_4794 : i32 to index
      %get3A_4796 = arith.constant 16 : index
      %get3A_4797 = tpu.vector_load %arg7[%get3A_4795, %get3A_4796] {strides = array<i32>} : memref<100x64xf32, #tpu.memory_space<vmem>>, vector<1x16xf32>,
      %get3A_4798 = vector.shape_cast %get3A_4797 : vector<1x16xf32> to vector<16xf32>
      %add3A_4799 = arith.addf %add3A_4775, %get3A_4798 : vector<16xf32>
      %get3A_4800 = arith.constant 82 : i32
      %get3A_4801 = arith.index_cast %get3A_4800 : i32 to index
      %get3A_4802 = arith.constant 32 : index
      %get3A_4803 = tpu.vector_load %arg7[%get3A_4801, %get3A_4802] {strides = array<i32>} : memref<100x64xf32, #tpu.memory_space<vmem>>, vector<1x16xf32>,
      %get3A_4804 = vector.shape_cast %get3A_4803 : vector<1x16xf32> to vector<16xf32>
      %add3A_4805 = arith.addf %add3A_4781, %get3A_4804 : vector<16xf32>
      %get3A_4806 = arith.constant 82 : i32
      %get3A_4807 = arith.index_cast %get3A_4806 : i32 to index
      %get3A_4808 = arith.constant 48 : index
      %get3A_4809 = tpu.vector_load %arg7[%get3A_4807, %get3A_4808] {strides = array<i32>} : memref<100x64xf32, #tpu.memory_space<vmem>>, vector<1x16xf32>,
      %get3A_4810 = vector.shape_cast %get3A_4809 : vector<1x16xf32> to vector<16xf32>
      %add3A_4811 = arith.addf %add3A_4787, %get3A_4810 : vector<16xf32>
      %get3A_4812 = arith.constant 83 : i32
      %get3A_4813 = arith.index_cast %get3A_4812 : i32 to index
      %get3A_4814 = arith.constant 0 : index
      %get3A_4815 = tpu.vector_load %arg7[%get3A_4813, %get3A_4814] {strides = array<i32>} : memref<100x64xf32, #tpu.memory_space<vmem>>, vector<1x16xf32>,
      %get3A_4816 = vector.shape_cast %get3A_4815 : vector<1x16xf32> to vector<16xf32>
      %add3A_4817 = arith.addf %add3A_4793, %get3A_4816 : vector<16xf32>
      %get3A_4818 = arith.constant 83 : i32
      %get3A_4819 = arith.index_cast %get3A_4818 : i32 to index
      %get3A_4820 = arith.constant 16 : index
      %get3A_4821 = tpu.vector_load %arg7[%get3A_4819, %get3A_4820] {strides = array<i32>} : memref<100x64xf32, #tpu.memory_space<vmem>>, vector<1x16xf32>,
      %get3A_4822 = vector.shape_cast %get3A_4821 : vector<1x16xf32> to vector<16xf32>
      %add3A_4823 = arith.addf %add3A_4799, %get3A_4822 : vector<16xf32>
      %get3A_4824 = arith.constant 83 : i32
      %get3A_4825 = arith.index_cast %get3A_4824 : i32 to index
      %get3A_4826 = arith.constant 32 : index
      %get3A_4827 = tpu.vector_load %arg7[%get3A_4825, %get3A_4826] {strides = array<i32>} : memref<100x64xf32, #tpu.memory_space<vmem>>, vector<1x16xf32>,
      %get3A_4828 = vector.shape_cast %get3A_4827 : vector<1x16xf32> to vector<16xf32>
      %add3A_4829 = arith.addf %add3A_4805, %get3A_4828 : vector<16xf32>
      %get3A_4830 = arith.constant 83 : i32
      %get3A_4831 = arith.index_cast %get3A_4830 : i32 to index
      %get3A_4832 = arith.constant 48 : index
      %get3A_4833 = tpu.vector_load %arg7[%get3A_4831, %get3A_4832] {strides = array<i32>} : memref<100x64xf32, #tpu.memory_space<vmem>>, vector<1x16xf32>,
      %get3A_4834 = vector.shape_cast %get3A_4833 : vector<1x16xf32> to vector<16xf32>
      %add3A_4835 = arith.addf %add3A_4811, %get3A_4834 : vector<16xf32>
      %get3A_4836 = arith.constant 84 : i32
      %get3A_4837 = arith.index_cast %get3A_4836 : i32 to index
      %get3A_4838 = arith.constant 0 : index
      %get3A_4839 = tpu.vector_load %arg7[%get3A_4837, %get3A_4838] {strides = array<i32>} : memref<100x64xf32, #tpu.memory_space<vmem>>, vector<1x16xf32>,
      %get3A_4840 = vector.shape_cast %get3A_4839 : vector<1x16xf32> to vector<16xf32>
      %add3A_4841 = arith.addf %add3A_4817, %get3A_4840 : vector<16xf32>
      %get3A_4842 = arith.constant 84 : i32
      %get3A_4843 = arith.index_cast %get3A_4842 : i32 to index
      %get3A_4844 = arith.constant 16 : index
      %get3A_4845 = tpu.vector_load %arg7[%get3A_4843, %get3A_4844] {strides = array<i32>} : memref<100x64xf32, #tpu.memory_space<vmem>>, vector<1x16xf32>,
      %get3A_4846 = vector.shape_cast %get3A_4845 : vector<1x16xf32> to vector<16xf32>
      %add3A_4847 = arith.addf %add3A_4823, %get3A_4846 : vector<16xf32>
      %get3A_4848 = arith.constant 84 : i32
      %get3A_4849 = arith.index_cast %get3A_4848 : i32 to index
      %get3A_4850 = arith.constant 32 : index
      %get3A_4851 = tpu.vector_load %arg7[%get3A_4849, %get3A_4850] {strides = array<i32>} : memref<100x64xf32, #tpu.memory_space<vmem>>, vector<1x16xf32>,
      %get3A_4852 = vector.shape_cast %get3A_4851 : vector<1x16xf32> to vector<16xf32>
      %add3A_4853 = arith.addf %add3A_4829, %get3A_4852 : vector<16xf32>
      %get3A_4854 = arith.constant 84 : i32
      %get3A_4855 = arith.index_cast %get3A_4854 : i32 to index
      %get3A_4856 = arith.constant 48 : index
      %get3A_4857 = tpu.vector_load %arg7[%get3A_4855, %get3A_4856] {strides = array<i32>} : memref<100x64xf32, #tpu.memory_space<vmem>>, vector<1x16xf32>,
      %get3A_4858 = vector.shape_cast %get3A_4857 : vector<1x16xf32> to vector<16xf32>
      %add3A_4859 = arith.addf %add3A_4835, %get3A_4858 : vector<16xf32>
      %get3A_4860 = arith.constant 85 : i32
      %get3A_4861 = arith.index_cast %get3A_4860 : i32 to index
      %get3A_4862 = arith.constant 0 : index
      %get3A_4863 = tpu.vector_load %arg7[%get3A_4861, %get3A_4862] {strides = array<i32>} : memref<100x64xf32, #tpu.memory_space<vmem>>, vector<1x16xf32>,
      %get3A_4864 = vector.shape_cast %get3A_4863 : vector<1x16xf32> to vector<16xf32>
      %add3A_4865 = arith.addf %add3A_4841, %get3A_4864 : vector<16xf32>
      %get3A_4866 = arith.constant 85 : i32
      %get3A_4867 = arith.index_cast %get3A_4866 : i32 to index
      %get3A_4868 = arith.constant 16 : index
      %get3A_4869 = tpu.vector_load %arg7[%get3A_4867, %get3A_4868] {strides = array<i32>} : memref<100x64xf32, #tpu.memory_space<vmem>>, vector<1x16xf32>,
      %get3A_4870 = vector.shape_cast %get3A_4869 : vector<1x16xf32> to vector<16xf32>
      %add3A_4871 = arith.addf %add3A_4847, %get3A_4870 : vector<16xf32>
      %get3A_4872 = arith.constant 85 : i32
      %get3A_4873 = arith.index_cast %get3A_4872 : i32 to index
      %get3A_4874 = arith.constant 32 : index
      %get3A_4875 = tpu.vector_load %arg7[%get3A_4873, %get3A_4874] {strides = array<i32>} : memref<100x64xf32, #tpu.memory_space<vmem>>, vector<1x16xf32>,
      %get3A_4876 = vector.shape_cast %get3A_4875 : vector<1x16xf32> to vector<16xf32>
      %add3A_4877 = arith.addf %add3A_4853, %get3A_4876 : vector<16xf32>
      %get3A_4878 = arith.constant 85 : i32
      %get3A_4879 = arith.index_cast %get3A_4878 : i32 to index
      %get3A_4880 = arith.constant 48 : index
      %get3A_4881 = tpu.vector_load %arg7[%get3A_4879, %get3A_4880] {strides = array<i32>} : memref<100x64xf32, #tpu.memory_space<vmem>>, vector<1x16xf32>,
      %get3A_4882 = vector.shape_cast %get3A_4881 : vector<1x16xf32> to vector<16xf32>
      %add3A_4883 = arith.addf %add3A_4859, %get3A_4882 : vector<16xf32>
      %get3A_4884 = arith.constant 86 : i32
      %get3A_4885 = arith.index_cast %get3A_4884 : i32 to index
      %get3A_4886 = arith.constant 0 : index
      %get3A_4887 = tpu.vector_load %arg7[%get3A_4885, %get3A_4886] {strides = array<i32>} : memref<100x64xf32, #tpu.memory_space<vmem>>, vector<1x16xf32>,
      %get3A_4888 = vector.shape_cast %get3A_4887 : vector<1x16xf32> to vector<16xf32>
      %add3A_4889 = arith.addf %add3A_4865, %get3A_4888 : vector<16xf32>
      %get3A_4890 = arith.constant 86 : i32
      %get3A_4891 = arith.index_cast %get3A_4890 : i32 to index
      %get3A_4892 = arith.constant 16 : index
      %get3A_4893 = tpu.vector_load %arg7[%get3A_4891, %get3A_4892] {strides = array<i32>} : memref<100x64xf32, #tpu.memory_space<vmem>>, vector<1x16xf32>,
      %get3A_4894 = vector.shape_cast %get3A_4893 : vector<1x16xf32> to vector<16xf32>
      %add3A_4895 = arith.addf %add3A_4871, %get3A_4894 : vector<16xf32>
      %get3A_4896 = arith.constant 86 : i32
      %get3A_4897 = arith.index_cast %get3A_4896 : i32 to index
      %get3A_4898 = arith.constant 32 : index
      %get3A_4899 = tpu.vector_load %arg7[%get3A_4897, %get3A_4898] {strides = array<i32>} : memref<100x64xf32, #tpu.memory_space<vmem>>, vector<1x16xf32>,
      %get3A_4900 = vector.shape_cast %get3A_4899 : vector<1x16xf32> to vector<16xf32>
      %add3A_4901 = arith.addf %add3A_4877, %get3A_4900 : vector<16xf32>
      %get3A_4902 = arith.constant 86 : i32
      %get3A_4903 = arith.index_cast %get3A_4902 : i32 to index
      %get3A_4904 = arith.constant 48 : index
      %get3A_4905 = tpu.vector_load %arg7[%get3A_4903, %get3A_4904] {strides = array<i32>} : memref<100x64xf32, #tpu.memory_space<vmem>>, vector<1x16xf32>,
      %get3A_4906 = vector.shape_cast %get3A_4905 : vector<1x16xf32> to vector<16xf32>
      %add3A_4907 = arith.addf %add3A_4883, %get3A_4906 : vector<16xf32>
      %get3A_4908 = arith.constant 87 : i32
      %get3A_4909 = arith.index_cast %get3A_4908 : i32 to index
      %get3A_4910 = arith.constant 0 : index
      %get3A_4911 = tpu.vector_load %arg7[%get3A_4909, %get3A_4910] {strides = array<i32>} : memref<100x64xf32, #tpu.memory_space<vmem>>, vector<1x16xf32>,
      %get3A_4912 = vector.shape_cast %get3A_4911 : vector<1x16xf32> to vector<16xf32>
      %add3A_4913 = arith.addf %add3A_4889, %get3A_4912 : vector<16xf32>
      %get3A_4914 = arith.constant 87 : i32
      %get3A_4915 = arith.index_cast %get3A_4914 : i32 to index
      %get3A_4916 = arith.constant 16 : index
      %get3A_4917 = tpu.vector_load %arg7[%get3A_4915, %get3A_4916] {strides = array<i32>} : memref<100x64xf32, #tpu.memory_space<vmem>>, vector<1x16xf32>,
      %get3A_4918 = vector.shape_cast %get3A_4917 : vector<1x16xf32> to vector<16xf32>
      %add3A_4919 = arith.addf %add3A_4895, %get3A_4918 : vector<16xf32>
      %get3A_4920 = arith.constant 87 : i32
      %get3A_4921 = arith.index_cast %get3A_4920 : i32 to index
      %get3A_4922 = arith.constant 32 : index
      %get3A_4923 = tpu.vector_load %arg7[%get3A_4921, %get3A_4922] {strides = array<i32>} : memref<100x64xf32, #tpu.memory_space<vmem>>, vector<1x16xf32>,
      %get3A_4924 = vector.shape_cast %get3A_4923 : vector<1x16xf32> to vector<16xf32>
      %add3A_4925 = arith.addf %add3A_4901, %get3A_4924 : vector<16xf32>
      %get3A_4926 = arith.constant 87 : i32
      %get3A_4927 = arith.index_cast %get3A_4926 : i32 to index
      %get3A_4928 = arith.constant 48 : index
      %get3A_4929 = tpu.vector_load %arg7[%get3A_4927, %get3A_4928] {strides = array<i32>} : memref<100x64xf32, #tpu.memory_space<vmem>>, vector<1x16xf32>,
      %get3A_4930 = vector.shape_cast %get3A_4929 : vector<1x16xf32> to vector<16xf32>
      %add3A_4931 = arith.addf %add3A_4907, %get3A_4930 : vector<16xf32>
      %get3A_4932 = arith.constant 88 : i32
      %get3A_4933 = arith.index_cast %get3A_4932 : i32 to index
      %get3A_4934 = arith.constant 0 : index
      %get3A_4935 = tpu.vector_load %arg7[%get3A_4933, %get3A_4934] {strides = array<i32>} : memref<100x64xf32, #tpu.memory_space<vmem>>, vector<1x16xf32>,
      %get3A_4936 = vector.shape_cast %get3A_4935 : vector<1x16xf32> to vector<16xf32>
      %add3A_4937 = arith.addf %add3A_4913, %get3A_4936 : vector<16xf32>
      %get3A_4938 = arith.constant 88 : i32
      %get3A_4939 = arith.index_cast %get3A_4938 : i32 to index
      %get3A_4940 = arith.constant 16 : index
      %get3A_4941 = tpu.vector_load %arg7[%get3A_4939, %get3A_4940] {strides = array<i32>} : memref<100x64xf32, #tpu.memory_space<vmem>>, vector<1x16xf32>,
      %get3A_4942 = vector.shape_cast %get3A_4941 : vector<1x16xf32> to vector<16xf32>
      %add3A_4943 = arith.addf %add3A_4919, %get3A_4942 : vector<16xf32>
      %get3A_4944 = arith.constant 88 : i32
      %get3A_4945 = arith.index_cast %get3A_4944 : i32 to index
      %get3A_4946 = arith.constant 32 : index
      %get3A_4947 = tpu.vector_load %arg7[%get3A_4945, %get3A_4946] {strides = array<i32>} : memref<100x64xf32, #tpu.memory_space<vmem>>, vector<1x16xf32>,
      %get3A_4948 = vector.shape_cast %get3A_4947 : vector<1x16xf32> to vector<16xf32>
      %add3A_4949 = arith.addf %add3A_4925, %get3A_4948 : vector<16xf32>
      %get3A_4950 = arith.constant 88 : i32
      %get3A_4951 = arith.index_cast %get3A_4950 : i32 to index
      %get3A_4952 = arith.constant 48 : index
      %get3A_4953 = tpu.vector_load %arg7[%get3A_4951, %get3A_4952] {strides = array<i32>} : memref<100x64xf32, #tpu.memory_space<vmem>>, vector<1x16xf32>,
      %get3A_4954 = vector.shape_cast %get3A_4953 : vector<1x16xf32> to vector<16xf32>
      %add3A_4955 = arith.addf %add3A_4931, %get3A_4954 : vector<16xf32>
      %get3A_4956 = arith.constant 89 : i32
      %get3A_4957 = arith.index_cast %get3A_4956 : i32 to index
      %get3A_4958 = arith.constant 0 : index
      %get3A_4959 = tpu.vector_load %arg7[%get3A_4957, %get3A_4958] {strides = array<i32>} : memref<100x64xf32, #tpu.memory_space<vmem>>, vector<1x16xf32>,
      %get3A_4960 = vector.shape_cast %get3A_4959 : vector<1x16xf32> to vector<16xf32>
      %add3A_4961 = arith.addf %add3A_4937, %get3A_4960 : vector<16xf32>
      %get3A_4962 = arith.constant 89 : i32
      %get3A_4963 = arith.index_cast %get3A_4962 : i32 to index
      %get3A_4964 = arith.constant 16 : index
      %get3A_4965 = tpu.vector_load %arg7[%get3A_4963, %get3A_4964] {strides = array<i32>} : memref<100x64xf32, #tpu.memory_space<vmem>>, vector<1x16xf32>,
      %get3A_4966 = vector.shape_cast %get3A_4965 : vector<1x16xf32> to vector<16xf32>
      %add3A_4967 = arith.addf %add3A_4943, %get3A_4966 : vector<16xf32>
      %get3A_4968 = arith.constant 89 : i32
      %get3A_4969 = arith.index_cast %get3A_4968 : i32 to index
      %get3A_4970 = arith.constant 32 : index
      %get3A_4971 = tpu.vector_load %arg7[%get3A_4969, %get3A_4970] {strides = array<i32>} : memref<100x64xf32, #tpu.memory_space<vmem>>, vector<1x16xf32>,
      %get3A_4972 = vector.shape_cast %get3A_4971 : vector<1x16xf32> to vector<16xf32>
      %add3A_4973 = arith.addf %add3A_4949, %get3A_4972 : vector<16xf32>
      %get3A_4974 = arith.constant 89 : i32
      %get3A_4975 = arith.index_cast %get3A_4974 : i32 to index
      %get3A_4976 = arith.constant 48 : index
      %get3A_4977 = tpu.vector_load %arg7[%get3A_4975, %get3A_4976] {strides = array<i32>} : memref<100x64xf32, #tpu.memory_space<vmem>>, vector<1x16xf32>,
      %get3A_4978 = vector.shape_cast %get3A_4977 : vector<1x16xf32> to vector<16xf32>
      %add3A_4979 = arith.addf %add3A_4955, %get3A_4978 : vector<16xf32>
      %get3A_4980 = arith.constant 90 : i32
      %get3A_4981 = arith.index_cast %get3A_4980 : i32 to index
      %get3A_4982 = arith.constant 0 : index
      %get3A_4983 = tpu.vector_load %arg7[%get3A_4981, %get3A_4982] {strides = array<i32>} : memref<100x64xf32, #tpu.memory_space<vmem>>, vector<1x16xf32>,
      %get3A_4984 = vector.shape_cast %get3A_4983 : vector<1x16xf32> to vector<16xf32>
      %add3A_4985 = arith.addf %add3A_4961, %get3A_4984 : vector<16xf32>
      %get3A_4986 = arith.constant 90 : i32
      %get3A_4987 = arith.index_cast %get3A_4986 : i32 to index
      %get3A_4988 = arith.constant 16 : index
      %get3A_4989 = tpu.vector_load %arg7[%get3A_4987, %get3A_4988] {strides = array<i32>} : memref<100x64xf32, #tpu.memory_space<vmem>>, vector<1x16xf32>,
      %get3A_4990 = vector.shape_cast %get3A_4989 : vector<1x16xf32> to vector<16xf32>
      %add3A_4991 = arith.addf %add3A_4967, %get3A_4990 : vector<16xf32>
      %get3A_4992 = arith.constant 90 : i32
      %get3A_4993 = arith.index_cast %get3A_4992 : i32 to index
      %get3A_4994 = arith.constant 32 : index
      %get3A_4995 = tpu.vector_load %arg7[%get3A_4993, %get3A_4994] {strides = array<i32>} : memref<100x64xf32, #tpu.memory_space<vmem>>, vector<1x16xf32>,
      %get3A_4996 = vector.shape_cast %get3A_4995 : vector<1x16xf32> to vector<16xf32>
      %add3A_4997 = arith.addf %add3A_4973, %get3A_4996 : vector<16xf32>
      %get3A_4998 = arith.constant 90 : i32
      %get3A_4999 = arith.index_cast %get3A_4998 : i32 to index
      %get3A_5000 = arith.constant 48 : index
      %get3A_5001 = tpu.vector_load %arg7[%get3A_4999, %get3A_5000] {strides = array<i32>} : memref<100x64xf32, #tpu.memory_space<vmem>>, vector<1x16xf32>,
      %get3A_5002 = vector.shape_cast %get3A_5001 : vector<1x16xf32> to vector<16xf32>
      %add3A_5003 = arith.addf %add3A_4979, %get3A_5002 : vector<16xf32>
      %get3A_5004 = arith.constant 91 : i32
      %get3A_5005 = arith.index_cast %get3A_5004 : i32 to index
      %get3A_5006 = arith.constant 0 : index
      %get3A_5007 = tpu.vector_load %arg7[%get3A_5005, %get3A_5006] {strides = array<i32>} : memref<100x64xf32, #tpu.memory_space<vmem>>, vector<1x16xf32>,
      %get3A_5008 = vector.shape_cast %get3A_5007 : vector<1x16xf32> to vector<16xf32>
      %add3A_5009 = arith.addf %add3A_4985, %get3A_5008 : vector<16xf32>
      %get3A_5010 = arith.constant 91 : i32
      %get3A_5011 = arith.index_cast %get3A_5010 : i32 to index
      %get3A_5012 = arith.constant 16 : index
      %get3A_5013 = tpu.vector_load %arg7[%get3A_5011, %get3A_5012] {strides = array<i32>} : memref<100x64xf32, #tpu.memory_space<vmem>>, vector<1x16xf32>,
      %get3A_5014 = vector.shape_cast %get3A_5013 : vector<1x16xf32> to vector<16xf32>
      %add3A_5015 = arith.addf %add3A_4991, %get3A_5014 : vector<16xf32>
      %get3A_5016 = arith.constant 91 : i32
      %get3A_5017 = arith.index_cast %get3A_5016 : i32 to index
      %get3A_5018 = arith.constant 32 : index
      %get3A_5019 = tpu.vector_load %arg7[%get3A_5017, %get3A_5018] {strides = array<i32>} : memref<100x64xf32, #tpu.memory_space<vmem>>, vector<1x16xf32>,
      %get3A_5020 = vector.shape_cast %get3A_5019 : vector<1x16xf32> to vector<16xf32>
      %add3A_5021 = arith.addf %add3A_4997, %get3A_5020 : vector<16xf32>
      %get3A_5022 = arith.constant 91 : i32
      %get3A_5023 = arith.index_cast %get3A_5022 : i32 to index
      %get3A_5024 = arith.constant 48 : index
      %get3A_5025 = tpu.vector_load %arg7[%get3A_5023, %get3A_5024] {strides = array<i32>} : memref<100x64xf32, #tpu.memory_space<vmem>>, vector<1x16xf32>,
      %get3A_5026 = vector.shape_cast %get3A_5025 : vector<1x16xf32> to vector<16xf32>
      %add3A_5027 = arith.addf %add3A_5003, %get3A_5026 : vector<16xf32>
      %get3A_5028 = arith.constant 92 : i32
      %get3A_5029 = arith.index_cast %get3A_5028 : i32 to index
      %get3A_5030 = arith.constant 0 : index
      %get3A_5031 = tpu.vector_load %arg7[%get3A_5029, %get3A_5030] {strides = array<i32>} : memref<100x64xf32, #tpu.memory_space<vmem>>, vector<1x16xf32>,
      %get3A_5032 = vector.shape_cast %get3A_5031 : vector<1x16xf32> to vector<16xf32>
      %add3A_5033 = arith.addf %add3A_5009, %get3A_5032 : vector<16xf32>
      %get3A_5034 = arith.constant 92 : i32
      %get3A_5035 = arith.index_cast %get3A_5034 : i32 to index
      %get3A_5036 = arith.constant 16 : index
      %get3A_5037 = tpu.vector_load %arg7[%get3A_5035, %get3A_5036] {strides = array<i32>} : memref<100x64xf32, #tpu.memory_space<vmem>>, vector<1x16xf32>,
      %get3A_5038 = vector.shape_cast %get3A_5037 : vector<1x16xf32> to vector<16xf32>
      %add3A_5039 = arith.addf %add3A_5015, %get3A_5038 : vector<16xf32>
      %get3A_5040 = arith.constant 92 : i32
      %get3A_5041 = arith.index_cast %get3A_5040 : i32 to index
      %get3A_5042 = arith.constant 32 : index
      %get3A_5043 = tpu.vector_load %arg7[%get3A_5041, %get3A_5042] {strides = array<i32>} : memref<100x64xf32, #tpu.memory_space<vmem>>, vector<1x16xf32>,
      %get3A_5044 = vector.shape_cast %get3A_5043 : vector<1x16xf32> to vector<16xf32>
      %add3A_5045 = arith.addf %add3A_5021, %get3A_5044 : vector<16xf32>
      %get3A_5046 = arith.constant 92 : i32
      %get3A_5047 = arith.index_cast %get3A_5046 : i32 to index
      %get3A_5048 = arith.constant 48 : index
      %get3A_5049 = tpu.vector_load %arg7[%get3A_5047, %get3A_5048] {strides = array<i32>} : memref<100x64xf32, #tpu.memory_space<vmem>>, vector<1x16xf32>,
      %get3A_5050 = vector.shape_cast %get3A_5049 : vector<1x16xf32> to vector<16xf32>
      %add3A_5051 = arith.addf %add3A_5027, %get3A_5050 : vector<16xf32>
      %get3A_5052 = arith.constant 93 : i32
      %get3A_5053 = arith.index_cast %get3A_5052 : i32 to index
      %get3A_5054 = arith.constant 0 : index
      %get3A_5055 = tpu.vector_load %arg7[%get3A_5053, %get3A_5054] {strides = array<i32>} : memref<100x64xf32, #tpu.memory_space<vmem>>, vector<1x16xf32>,
      %get3A_5056 = vector.shape_cast %get3A_5055 : vector<1x16xf32> to vector<16xf32>
      %add3A_5057 = arith.addf %add3A_5033, %get3A_5056 : vector<16xf32>
      %get3A_5058 = arith.constant 93 : i32
      %get3A_5059 = arith.index_cast %get3A_5058 : i32 to index
      %get3A_5060 = arith.constant 16 : index
      %get3A_5061 = tpu.vector_load %arg7[%get3A_5059, %get3A_5060] {strides = array<i32>} : memref<100x64xf32, #tpu.memory_space<vmem>>, vector<1x16xf32>,
      %get3A_5062 = vector.shape_cast %get3A_5061 : vector<1x16xf32> to vector<16xf32>
      %add3A_5063 = arith.addf %add3A_5039, %get3A_5062 : vector<16xf32>
      %get3A_5064 = arith.constant 93 : i32
      %get3A_5065 = arith.index_cast %get3A_5064 : i32 to index
      %get3A_5066 = arith.constant 32 : index
      %get3A_5067 = tpu.vector_load %arg7[%get3A_5065, %get3A_5066] {strides = array<i32>} : memref<100x64xf32, #tpu.memory_space<vmem>>, vector<1x16xf32>,
      %get3A_5068 = vector.shape_cast %get3A_5067 : vector<1x16xf32> to vector<16xf32>
      %add3A_5069 = arith.addf %add3A_5045, %get3A_5068 : vector<16xf32>
      %get3A_5070 = arith.constant 93 : i32
      %get3A_5071 = arith.index_cast %get3A_5070 : i32 to index
      %get3A_5072 = arith.constant 48 : index
      %get3A_5073 = tpu.vector_load %arg7[%get3A_5071, %get3A_5072] {strides = array<i32>} : memref<100x64xf32, #tpu.memory_space<vmem>>, vector<1x16xf32>,
      %get3A_5074 = vector.shape_cast %get3A_5073 : vector<1x16xf32> to vector<16xf32>
      %add3A_5075 = arith.addf %add3A_5051, %get3A_5074 : vector<16xf32>
      %get3A_5076 = arith.constant 94 : i32
      %get3A_5077 = arith.index_cast %get3A_5076 : i32 to index
      %get3A_5078 = arith.constant 0 : index
      %get3A_5079 = tpu.vector_load %arg7[%get3A_5077, %get3A_5078] {strides = array<i32>} : memref<100x64xf32, #tpu.memory_space<vmem>>, vector<1x16xf32>,
      %get3A_5080 = vector.shape_cast %get3A_5079 : vector<1x16xf32> to vector<16xf32>
      %add3A_5081 = arith.addf %add3A_5057, %get3A_5080 : vector<16xf32>
      %get3A_5082 = arith.constant 94 : i32
      %get3A_5083 = arith.index_cast %get3A_5082 : i32 to index
      %get3A_5084 = arith.constant 16 : index
      %get3A_5085 = tpu.vector_load %arg7[%get3A_5083, %get3A_5084] {strides = array<i32>} : memref<100x64xf32, #tpu.memory_space<vmem>>, vector<1x16xf32>,
      %get3A_5086 = vector.shape_cast %get3A_5085 : vector<1x16xf32> to vector<16xf32>
      %add3A_5087 = arith.addf %add3A_5063, %get3A_5086 : vector<16xf32>
      %get3A_5088 = arith.constant 94 : i32
      %get3A_5089 = arith.index_cast %get3A_5088 : i32 to index
      %get3A_5090 = arith.constant 32 : index
      %get3A_5091 = tpu.vector_load %arg7[%get3A_5089, %get3A_5090] {strides = array<i32>} : memref<100x64xf32, #tpu.memory_space<vmem>>, vector<1x16xf32>,
      %get3A_5092 = vector.shape_cast %get3A_5091 : vector<1x16xf32> to vector<16xf32>
      %add3A_5093 = arith.addf %add3A_5069, %get3A_5092 : vector<16xf32>
      %get3A_5094 = arith.constant 94 : i32
      %get3A_5095 = arith.index_cast %get3A_5094 : i32 to index
      %get3A_5096 = arith.constant 48 : index
      %get3A_5097 = tpu.vector_load %arg7[%get3A_5095, %get3A_5096] {strides = array<i32>} : memref<100x64xf32, #tpu.memory_space<vmem>>, vector<1x16xf32>,
      %get3A_5098 = vector.shape_cast %get3A_5097 : vector<1x16xf32> to vector<16xf32>
      %add3A_5099 = arith.addf %add3A_5075, %get3A_5098 : vector<16xf32>
      %get3A_5100 = arith.constant 95 : i32
      %get3A_5101 = arith.index_cast %get3A_5100 : i32 to index
      %get3A_5102 = arith.constant 0 : index
      %get3A_5103 = tpu.vector_load %arg7[%get3A_5101, %get3A_5102] {strides = array<i32>} : memref<100x64xf32, #tpu.memory_space<vmem>>, vector<1x16xf32>,
      %get3A_5104 = vector.shape_cast %get3A_5103 : vector<1x16xf32> to vector<16xf32>
      %add3A_5105 = arith.addf %add3A_5081, %get3A_5104 : vector<16xf32>
      %get3A_5106 = arith.constant 95 : i32
      %get3A_5107 = arith.index_cast %get3A_5106 : i32 to index
      %get3A_5108 = arith.constant 16 : index
      %get3A_5109 = tpu.vector_load %arg7[%get3A_5107, %get3A_5108] {strides = array<i32>} : memref<100x64xf32, #tpu.memory_space<vmem>>, vector<1x16xf32>,
      %get3A_5110 = vector.shape_cast %get3A_5109 : vector<1x16xf32> to vector<16xf32>
      %add3A_5111 = arith.addf %add3A_5087, %get3A_5110 : vector<16xf32>
      %get3A_5112 = arith.constant 95 : i32
      %get3A_5113 = arith.index_cast %get3A_5112 : i32 to index
      %get3A_5114 = arith.constant 32 : index
      %get3A_5115 = tpu.vector_load %arg7[%get3A_5113, %get3A_5114] {strides = array<i32>} : memref<100x64xf32, #tpu.memory_space<vmem>>, vector<1x16xf32>,
      %get3A_5116 = vector.shape_cast %get3A_5115 : vector<1x16xf32> to vector<16xf32>
      %add3A_5117 = arith.addf %add3A_5093, %get3A_5116 : vector<16xf32>
      %get3A_5118 = arith.constant 95 : i32
      %get3A_5119 = arith.index_cast %get3A_5118 : i32 to index
      %get3A_5120 = arith.constant 48 : index
      %get3A_5121 = tpu.vector_load %arg7[%get3A_5119, %get3A_5120] {strides = array<i32>} : memref<100x64xf32, #tpu.memory_space<vmem>>, vector<1x16xf32>,
      %get3A_5122 = vector.shape_cast %get3A_5121 : vector<1x16xf32> to vector<16xf32>
      %add3A_5123 = arith.addf %add3A_5099, %get3A_5122 : vector<16xf32>
      %get3A_5124 = arith.constant 96 : i32
      %get3A_5125 = arith.index_cast %get3A_5124 : i32 to index
      %get3A_5126 = arith.constant 0 : index
      %get3A_5127 = tpu.vector_load %arg7[%get3A_5125, %get3A_5126] {strides = array<i32>} : memref<100x64xf32, #tpu.memory_space<vmem>>, vector<1x16xf32>,
      %get3A_5128 = vector.shape_cast %get3A_5127 : vector<1x16xf32> to vector<16xf32>
      %add3A_5129 = arith.addf %add3A_5105, %get3A_5128 : vector<16xf32>
      %get3A_5130 = arith.constant 96 : i32
      %get3A_5131 = arith.index_cast %get3A_5130 : i32 to index
      %get3A_5132 = arith.constant 16 : index
      %get3A_5133 = tpu.vector_load %arg7[%get3A_5131, %get3A_5132] {strides = array<i32>} : memref<100x64xf32, #tpu.memory_space<vmem>>, vector<1x16xf32>,
      %get3A_5134 = vector.shape_cast %get3A_5133 : vector<1x16xf32> to vector<16xf32>
      %add3A_5135 = arith.addf %add3A_5111, %get3A_5134 : vector<16xf32>
      %get3A_5136 = arith.constant 96 : i32
      %get3A_5137 = arith.index_cast %get3A_5136 : i32 to index
      %get3A_5138 = arith.constant 32 : index
      %get3A_5139 = tpu.vector_load %arg7[%get3A_5137, %get3A_5138] {strides = array<i32>} : memref<100x64xf32, #tpu.memory_space<vmem>>, vector<1x16xf32>,
      %get3A_5140 = vector.shape_cast %get3A_5139 : vector<1x16xf32> to vector<16xf32>
      %add3A_5141 = arith.addf %add3A_5117, %get3A_5140 : vector<16xf32>
      %get3A_5142 = arith.constant 96 : i32
      %get3A_5143 = arith.index_cast %get3A_5142 : i32 to index
      %get3A_5144 = arith.constant 48 : index
      %get3A_5145 = tpu.vector_load %arg7[%get3A_5143, %get3A_5144] {strides = array<i32>} : memref<100x64xf32, #tpu.memory_space<vmem>>, vector<1x16xf32>,
      %get3A_5146 = vector.shape_cast %get3A_5145 : vector<1x16xf32> to vector<16xf32>
      %add3A_5147 = arith.addf %add3A_5123, %get3A_5146 : vector<16xf32>
      %get3A_5148 = arith.constant 97 : i32
      %get3A_5149 = arith.index_cast %get3A_5148 : i32 to index
      %get3A_5150 = arith.constant 0 : index
      %get3A_5151 = tpu.vector_load %arg7[%get3A_5149, %get3A_5150] {strides = array<i32>} : memref<100x64xf32, #tpu.memory_space<vmem>>, vector<1x16xf32>,
      %get3A_5152 = vector.shape_cast %get3A_5151 : vector<1x16xf32> to vector<16xf32>
      %add3A_5153 = arith.addf %add3A_5129, %get3A_5152 : vector<16xf32>
      %get3A_5154 = arith.constant 97 : i32
      %get3A_5155 = arith.index_cast %get3A_5154 : i32 to index
      %get3A_5156 = arith.constant 16 : index
      %get3A_5157 = tpu.vector_load %arg7[%get3A_5155, %get3A_5156] {strides = array<i32>} : memref<100x64xf32, #tpu.memory_space<vmem>>, vector<1x16xf32>,
      %get3A_5158 = vector.shape_cast %get3A_5157 : vector<1x16xf32> to vector<16xf32>
      %add3A_5159 = arith.addf %add3A_5135, %get3A_5158 : vector<16xf32>
      %get3A_5160 = arith.constant 97 : i32
      %get3A_5161 = arith.index_cast %get3A_5160 : i32 to index
      %get3A_5162 = arith.constant 32 : index
      %get3A_5163 = tpu.vector_load %arg7[%get3A_5161, %get3A_5162] {strides = array<i32>} : memref<100x64xf32, #tpu.memory_space<vmem>>, vector<1x16xf32>,
      %get3A_5164 = vector.shape_cast %get3A_5163 : vector<1x16xf32> to vector<16xf32>
      %add3A_5165 = arith.addf %add3A_5141, %get3A_5164 : vector<16xf32>
      %get3A_5166 = arith.constant 97 : i32
      %get3A_5167 = arith.index_cast %get3A_5166 : i32 to index
      %get3A_5168 = arith.constant 48 : index
      %get3A_5169 = tpu.vector_load %arg7[%get3A_5167, %get3A_5168] {strides = array<i32>} : memref<100x64xf32, #tpu.memory_space<vmem>>, vector<1x16xf32>,
      %get3A_5170 = vector.shape_cast %get3A_5169 : vector<1x16xf32> to vector<16xf32>
      %add3A_5171 = arith.addf %add3A_5147, %get3A_5170 : vector<16xf32>
      %get3A_5172 = arith.constant 98 : i32
      %get3A_5173 = arith.index_cast %get3A_5172 : i32 to index
      %get3A_5174 = arith.constant 0 : index
      %get3A_5175 = tpu.vector_load %arg7[%get3A_5173, %get3A_5174] {strides = array<i32>} : memref<100x64xf32, #tpu.memory_space<vmem>>, vector<1x16xf32>,
      %get3A_5176 = vector.shape_cast %get3A_5175 : vector<1x16xf32> to vector<16xf32>
      %add3A_5177 = arith.addf %add3A_5153, %get3A_5176 : vector<16xf32>
      %get3A_5178 = arith.constant 98 : i32
      %get3A_5179 = arith.index_cast %get3A_5178 : i32 to index
      %get3A_5180 = arith.constant 16 : index
      %get3A_5181 = tpu.vector_load %arg7[%get3A_5179, %get3A_5180] {strides = array<i32>} : memref<100x64xf32, #tpu.memory_space<vmem>>, vector<1x16xf32>,
      %get3A_5182 = vector.shape_cast %get3A_5181 : vector<1x16xf32> to vector<16xf32>
      %add3A_5183 = arith.addf %add3A_5159, %get3A_5182 : vector<16xf32>
      %get3A_5184 = arith.constant 98 : i32
      %get3A_5185 = arith.index_cast %get3A_5184 : i32 to index
      %get3A_5186 = arith.constant 32 : index
      %get3A_5187 = tpu.vector_load %arg7[%get3A_5185, %get3A_5186] {strides = array<i32>} : memref<100x64xf32, #tpu.memory_space<vmem>>, vector<1x16xf32>,
      %get3A_5188 = vector.shape_cast %get3A_5187 : vector<1x16xf32> to vector<16xf32>
      %add3A_5189 = arith.addf %add3A_5165, %get3A_5188 : vector<16xf32>
      %get3A_5190 = arith.constant 98 : i32
      %get3A_5191 = arith.index_cast %get3A_5190 : i32 to index
      %get3A_5192 = arith.constant 48 : index
      %get3A_5193 = tpu.vector_load %arg7[%get3A_5191, %get3A_5192] {strides = array<i32>} : memref<100x64xf32, #tpu.memory_space<vmem>>, vector<1x16xf32>,
      %get3A_5194 = vector.shape_cast %get3A_5193 : vector<1x16xf32> to vector<16xf32>
      %add3A_5195 = arith.addf %add3A_5171, %get3A_5194 : vector<16xf32>
      %get3A_5196 = arith.constant 99 : i32
      %get3A_5197 = arith.index_cast %get3A_5196 : i32 to index
      %get3A_5198 = arith.constant 0 : index
      %get3A_5199 = tpu.vector_load %arg7[%get3A_5197, %get3A_5198] {strides = array<i32>} : memref<100x64xf32, #tpu.memory_space<vmem>>, vector<1x16xf32>,
      %get3A_5200 = vector.shape_cast %get3A_5199 : vector<1x16xf32> to vector<16xf32>
      %add3A_5201 = arith.addf %add3A_5177, %get3A_5200 : vector<16xf32>
      %get3A_5202 = arith.constant 99 : i32
      %get3A_5203 = arith.index_cast %get3A_5202 : i32 to index
      %get3A_5204 = arith.constant 16 : index
      %get3A_5205 = tpu.vector_load %arg7[%get3A_5203, %get3A_5204] {strides = array<i32>} : memref<100x64xf32, #tpu.memory_space<vmem>>, vector<1x16xf32>,
      %get3A_5206 = vector.shape_cast %get3A_5205 : vector<1x16xf32> to vector<16xf32>
      %add3A_5207 = arith.addf %add3A_5183, %get3A_5206 : vector<16xf32>
      %get3A_5208 = arith.constant 99 : i32
      %get3A_5209 = arith.index_cast %get3A_5208 : i32 to index
      %get3A_5210 = arith.constant 32 : index
      %get3A_5211 = tpu.vector_load %arg7[%get3A_5209, %get3A_5210] {strides = array<i32>} : memref<100x64xf32, #tpu.memory_space<vmem>>, vector<1x16xf32>,
      %get3A_5212 = vector.shape_cast %get3A_5211 : vector<1x16xf32> to vector<16xf32>
      %add3A_5213 = arith.addf %add3A_5189, %get3A_5212 : vector<16xf32>
      %get3A_5214 = arith.constant 99 : i32
      %get3A_5215 = arith.index_cast %get3A_5214 : i32 to index
      %get3A_5216 = arith.constant 48 : index
      %get3A_5217 = tpu.vector_load %arg7[%get3A_5215, %get3A_5216] {strides = array<i32>} : memref<100x64xf32, #tpu.memory_space<vmem>>, vector<1x16xf32>,
      %get3A_5218 = vector.shape_cast %get3A_5217 : vector<1x16xf32> to vector<16xf32>
      %add3A_5219 = arith.addf %add3A_5195, %get3A_5218 : vector<16xf32>
      %mul3A_5220 = arith.mulf %add3A_5201, %add3A_5201 : vector<16xf32>
      %mul3A_5221 = arith.mulf %add3A_5207, %add3A_5207 : vector<16xf32>
      %add3A_5222 = arith.addf %mul3A_5220, %mul3A_5221 : vector<16xf32>
      %mul3A_5223 = arith.mulf %add3A_5213, %add3A_5213 : vector<16xf32>
      %add3A_5224 = arith.addf %add3A_5222, %mul3A_5223 : vector<16xf32>
      %mul3A_5225 = arith.mulf %add3A_5219, %add3A_5219 : vector<16xf32>
      %add3A_5226 = arith.addf %add3A_5224, %mul3A_5225 : vector<16xf32>
      %iota3A_5227 = tpu.iota {dimensions = array<i32: 0>} : vector<16xi32>
      %xor3A_5228 = arith.constant 8 : i32
      %xor3A_5229 = vector.broadcast %xor3A_5228 : i32 to vector<16xi32>
      %xor3A_5230 = arith.xori %iota3A_5227, %xor3A_5229 : vector<16xi32>
      %lt3A_5231 = arith.constant 0 : i32
      %lt3A_5232 = vector.broadcast %lt3A_5231 : i32 to vector<16xi32>
      %lt3A_5233 = arith.cmpi slt, %xor3A_5230, %lt3A_5232 : vector<16xi32>
      %add3A_5234 = arith.constant 16 : i32
      %add3A_5235 = vector.broadcast %add3A_5234 : i32 to vector<16xi32>
      %add3A_5236 = arith.addi %xor3A_5230, %add3A_5235 : vector<16xi32>
      %select_n3A_5237 = arith.select %lt3A_5233, %add3A_5236, %xor3A_5230 : vector<16xi1>, vector<16xi32>
      %broadcast_in_dim3A_5238 = vector.shape_cast %select_n3A_5237 : vector<16xi32> to vector<16x1xi32>
      %gather3A_5239 = vector.shape_cast %broadcast_in_dim3A_5238 : vector<16x1xi32> to vector<16xi32>
      %gather3A_5240 = tpu.dynamic_gather %add3A_5226[%gather3A_5239] in [0] : vector<16xf32>, vector<16xi32> -> vector<16xf32>
      %add3A_5241 = arith.addf %add3A_5226, %gather3A_5240 : vector<16xf32>
      %xor3A_5242 = arith.constant 4 : i32
      %xor3A_5243 = vector.broadcast %xor3A_5242 : i32 to vector<16xi32>
      %xor3A_5244 = arith.xori %iota3A_5227, %xor3A_5243 : vector<16xi32>
      %lt3A_5245 = arith.constant 0 : i32
      %lt3A_5246 = vector.broadcast %lt3A_5245 : i32 to vector<16xi32>
      %lt3A_5247 = arith.cmpi slt, %xor3A_5244, %lt3A_5246 : vector<16xi32>
      %add3A_5248 = arith.constant 16 : i32
      %add3A_5249 = vector.broadcast %add3A_5248 : i32 to vector<16xi32>
      %add3A_5250 = arith.addi %xor3A_5244, %add3A_5249 : vector<16xi32>
      %select_n3A_5251 = arith.select %lt3A_5247, %add3A_5250, %xor3A_5244 : vector<16xi1>, vector<16xi32>
      %broadcast_in_dim3A_5252 = vector.shape_cast %select_n3A_5251 : vector<16xi32> to vector<16x1xi32>
      %gather3A_5253 = vector.shape_cast %broadcast_in_dim3A_5252 : vector<16x1xi32> to vector<16xi32>
      %gather3A_5254 = tpu.dynamic_gather %add3A_5241[%gather3A_5253] in [0] : vector<16xf32>, vector<16xi32> -> vector<16xf32>
      %add3A_5255 = arith.addf %add3A_5241, %gather3A_5254 : vector<16xf32>
      %xor3A_5256 = arith.constant 2 : i32
      %xor3A_5257 = vector.broadcast %xor3A_5256 : i32 to vector<16xi32>
      %xor3A_5258 = arith.xori %iota3A_5227, %xor3A_5257 : vector<16xi32>
      %lt3A_5259 = arith.constant 0 : i32
      %lt3A_5260 = vector.broadcast %lt3A_5259 : i32 to vector<16xi32>
      %lt3A_5261 = arith.cmpi slt, %xor3A_5258, %lt3A_5260 : vector<16xi32>
      %add3A_5262 = arith.constant 16 : i32
      %add3A_5263 = vector.broadcast %add3A_5262 : i32 to vector<16xi32>
      %add3A_5264 = arith.addi %xor3A_5258, %add3A_5263 : vector<16xi32>
      %select_n3A_5265 = arith.select %lt3A_5261, %add3A_5264, %xor3A_5258 : vector<16xi1>, vector<16xi32>
      %broadcast_in_dim3A_5266 = vector.shape_cast %select_n3A_5265 : vector<16xi32> to vector<16x1xi32>
      %gather3A_5267 = vector.shape_cast %broadcast_in_dim3A_5266 : vector<16x1xi32> to vector<16xi32>
      %gather3A_5268 = tpu.dynamic_gather %add3A_5255[%gather3A_5267] in [0] : vector<16xf32>, vector<16xi32> -> vector<16xf32>
      %add3A_5269 = arith.addf %add3A_5255, %gather3A_5268 : vector<16xf32>
      %xor3A_5270 = arith.constant 1 : i32
      %xor3A_5271 = vector.broadcast %xor3A_5270 : i32 to vector<16xi32>
      %xor3A_5272 = arith.xori %iota3A_5227, %xor3A_5271 : vector<16xi32>
      %lt3A_5273 = arith.constant 0 : i32
      %lt3A_5274 = vector.broadcast %lt3A_5273 : i32 to vector<16xi32>
      %lt3A_5275 = arith.cmpi slt, %xor3A_5272, %lt3A_5274 : vector<16xi32>
      %add3A_5276 = arith.constant 16 : i32
      %add3A_5277 = vector.broadcast %add3A_5276 : i32 to vector<16xi32>
      %add3A_5278 = arith.addi %xor3A_5272, %add3A_5277 : vector<16xi32>
      %select_n3A_5279 = arith.select %lt3A_5275, %add3A_5278, %xor3A_5272 : vector<16xi1>, vector<16xi32>
      %broadcast_in_dim3A_5280 = vector.shape_cast %select_n3A_5279 : vector<16xi32> to vector<16x1xi32>
      %gather3A_5281 = vector.shape_cast %broadcast_in_dim3A_5280 : vector<16x1xi32> to vector<16xi32>
      %gather3A_5282 = tpu.dynamic_gather %add3A_5269[%gather3A_5281] in [0] : vector<16xf32>, vector<16xi32> -> vector<16xf32>
      %add3A_5283 = arith.addf %add3A_5269, %gather3A_5282 : vector<16xf32>
      %max3A_5284 = arith.constant 1.000000e-24 : f32
      %max3A_5285 = vector.broadcast %max3A_5284 : f32 to vector<16xf32>
      %max3A_5286 = arith.maximumf %add3A_5283, %max3A_5285 : vector<16xf32>
      %bitcast_convert_type3A_5287 = tpu.bitcast %max3A_5286 : vector<16xf32> -> vector<16xi32>
      %shift_right_arithmetic3A_5288 = arith.constant 1 : i32
      %shift_right_arithmetic3A_5289 = vector.broadcast %shift_right_arithmetic3A_5288 : i32 to vector<16xi32>
      %shift_right_arithmetic3A_5290 = arith.shrsi %bitcast_convert_type3A_5287, %shift_right_arithmetic3A_5289 : vector<16xi32>
      %sub3A_5291 = arith.constant 1597463007 : i32
      %sub3A_5292 = vector.broadcast %sub3A_5291 : i32 to vector<16xi32>
      %sub3A_5293 = arith.subi %sub3A_5292, %shift_right_arithmetic3A_5290 : vector<16xi32>
      %bitcast_convert_type3A_5294 = tpu.bitcast %sub3A_5293 : vector<16xi32> -> vector<16xf32>
      %mul3A_5295 = arith.constant 5.000000e-01 : f32
      %mul3A_5296 = vector.broadcast %mul3A_5295 : f32 to vector<16xf32>
      %mul3A_5297 = arith.mulf %max3A_5286, %mul3A_5296 : vector<16xf32>
      %mul3A_5298 = arith.mulf %mul3A_5297, %bitcast_convert_type3A_5294 : vector<16xf32>
      %mul3A_5299 = arith.mulf %mul3A_5298, %bitcast_convert_type3A_5294 : vector<16xf32>
      %sub3A_5300 = arith.constant 1.500000e+00 : f32
      %sub3A_5301 = vector.broadcast %sub3A_5300 : f32 to vector<16xf32>
      %sub3A_5302 = arith.subf %sub3A_5301, %mul3A_5299 : vector<16xf32>
      %mul3A_5303 = arith.mulf %bitcast_convert_type3A_5294, %sub3A_5302 : vector<16xf32>
      %mul3A_5304 = arith.mulf %mul3A_5297, %mul3A_5303 : vector<16xf32>
      %mul3A_5305 = arith.mulf %mul3A_5304, %mul3A_5303 : vector<16xf32>
      %sub3A_5306 = arith.constant 1.500000e+00 : f32
      %sub3A_5307 = vector.broadcast %sub3A_5306 : f32 to vector<16xf32>
      %sub3A_5308 = arith.subf %sub3A_5307, %mul3A_5305 : vector<16xf32>
      %mul3A_5309 = arith.mulf %mul3A_5303, %sub3A_5308 : vector<16xf32>
      %mul3A_5310 = arith.mulf %mul3A_5297, %mul3A_5309 : vector<16xf32>
      %mul3A_5311 = arith.mulf %mul3A_5310, %mul3A_5309 : vector<16xf32>
      %sub3A_5312 = arith.constant 1.500000e+00 : f32
      %sub3A_5313 = vector.broadcast %sub3A_5312 : f32 to vector<16xf32>
      %sub3A_5314 = arith.subf %sub3A_5313, %mul3A_5311 : vector<16xf32>
      %mul3A_5315 = arith.mulf %mul3A_5309, %sub3A_5314 : vector<16xf32>
      %mul3A_5316 = arith.mulf %add3A_5201, %mul3A_5315 : vector<16xf32>
      %add3A_5317 = arith.constant 1 : i32
      %add3A_5318 = arith.addi %mul3A_2699, %add3A_5317 : i32
      %swap3A_5319 = arith.index_cast %add3A_5318 : i32 to index
      %swap3A_5320 = arith.constant 0 : index
      %swap3A_5321 = tpu.vector_load %arg8[%swap3A_5319, %swap3A_5320] {strides = array<i32>} : memref<128x64xf32, #tpu.memory_space<vmem>>, vector<1x16xf32>,
      %swap3A_5322 = vector.shape_cast %swap3A_5321 : vector<1x16xf32> to vector<16xf32>
      %swap3A_5323 = vector.shape_cast %mul3A_5316 : vector<16xf32> to vector<1x16xf32>
      tpu.vector_store %arg8[%swap3A_5319, %swap3A_5320], %swap3A_5323 {strides = array<i32>} : memref<128x64xf32, #tpu.memory_space<vmem>>, vector<1x16xf32>,
      %mul3A_5324 = arith.mulf %add3A_5207, %mul3A_5315 : vector<16xf32>
      %add3A_5325 = arith.constant 1 : i32
      %add3A_5326 = arith.addi %mul3A_2699, %add3A_5325 : i32
      %swap3A_5327 = arith.index_cast %add3A_5326 : i32 to index
      %swap3A_5328 = arith.constant 16 : index
      %swap3A_5329 = tpu.vector_load %arg8[%swap3A_5327, %swap3A_5328] {strides = array<i32>} : memref<128x64xf32, #tpu.memory_space<vmem>>, vector<1x16xf32>,
      %swap3A_5330 = vector.shape_cast %swap3A_5329 : vector<1x16xf32> to vector<16xf32>
      %swap3A_5331 = vector.shape_cast %mul3A_5324 : vector<16xf32> to vector<1x16xf32>
      tpu.vector_store %arg8[%swap3A_5327, %swap3A_5328], %swap3A_5331 {strides = array<i32>} : memref<128x64xf32, #tpu.memory_space<vmem>>, vector<1x16xf32>,
      %mul3A_5332 = arith.mulf %add3A_5213, %mul3A_5315 : vector<16xf32>
      %add3A_5333 = arith.constant 1 : i32
      %add3A_5334 = arith.addi %mul3A_2699, %add3A_5333 : i32
      %swap3A_5335 = arith.index_cast %add3A_5334 : i32 to index
      %swap3A_5336 = arith.constant 32 : index
      %swap3A_5337 = tpu.vector_load %arg8[%swap3A_5335, %swap3A_5336] {strides = array<i32>} : memref<128x64xf32, #tpu.memory_space<vmem>>, vector<1x16xf32>,
      %swap3A_5338 = vector.shape_cast %swap3A_5337 : vector<1x16xf32> to vector<16xf32>
      %swap3A_5339 = vector.shape_cast %mul3A_5332 : vector<16xf32> to vector<1x16xf32>
      tpu.vector_store %arg8[%swap3A_5335, %swap3A_5336], %swap3A_5339 {strides = array<i32>} : memref<128x64xf32, #tpu.memory_space<vmem>>, vector<1x16xf32>,
      %mul3A_5340 = arith.mulf %add3A_5219, %mul3A_5315 : vector<16xf32>
      %add3A_5341 = arith.constant 1 : i32
      %add3A_5342 = arith.addi %mul3A_2699, %add3A_5341 : i32
      %swap3A_5343 = arith.index_cast %add3A_5342 : i32 to index
      %swap3A_5344 = arith.constant 48 : index
      %swap3A_5345 = tpu.vector_load %arg8[%swap3A_5343, %swap3A_5344] {strides = array<i32>} : memref<128x64xf32, #tpu.memory_space<vmem>>, vector<1x16xf32>,
      %swap3A_5346 = vector.shape_cast %swap3A_5345 : vector<1x16xf32> to vector<16xf32>
      %swap3A_5347 = vector.shape_cast %mul3A_5340 : vector<16xf32> to vector<1x16xf32>
      tpu.vector_store %arg8[%swap3A_5343, %swap3A_5344], %swap3A_5347 {strides = array<i32>} : memref<128x64xf32, #tpu.memory_space<vmem>>, vector<1x16xf32>,
      %scan3A_5348 = arith.constant 0 : i32
      scf.yield %scan3A_5348 : i32
    }
    %scan3A_14 = arith.constant 32 : i32
    %dma_wait3A = arith.constant 0 : i32
    %dma_wait3A_15 = arith.constant 0 : i32
    %dma_wait3A_16 = tpu.memref_slice %arg5[%dma_wait3A, %dma_wait3A_15] : memref<64x100xi32, #tpu.memory_space<vmem>> -> memref<1x100xi32, #tpu.memory_space<vmem>>
    %dma_wait3A_17 = tpu.memref_squeeze %dma_wait3A_16 : memref<1x100xi32, #tpu.memory_space<vmem>> -> memref<100xi32, #tpu.memory_space<vmem>>
    %dma_wait3A_18 = arith.constant 0 : i32
    %dma_wait3A_19 = arith.constant 0 : i32
    %dma_wait3A_20 = tpu.memref_slice %arg3[%dma_wait3A_18, %dma_wait3A_19] : memref<100000x64xf32, #tpu.memory_space<hbm>> -> memref<100000x64xf32, #tpu.memory_space<hbm>>
    tpu.wait_indirect_dma semaphore(%arg9 : memref<!tpu.dma_semaphore, #tpu.memory_space<semaphore_mem>>) src(%dma_wait3A_20 : memref<100000x64xf32, #tpu.memory_space<hbm>>) dst(%arg6 : memref<100x64xf32, #tpu.memory_space<vmem>>)
    %mul3A_21 = arith.constant 128 : i32
    %mul3A_22 = arith.muli %add3A, %mul3A_21 : i32
    "tpu.region"() ({
      %run_scoped3A = tpu.sem_alloc : memref<!tpu.dma_semaphore, #tpu.memory_space<semaphore_mem>>
      %dma_start3A_23 = arith.constant 0 : i32
      %dma_start3A_24 = tpu.memref_slice %arg4[%mul3A_22, %dma_start3A_23] : memref<4096x64xf32, #tpu.memory_space<hbm>> -> memref<128x64xf32, #tpu.memory_space<hbm>>
      %dma_start3A_25 = arith.constant 0 : i32
      %dma_start3A_26 = tpu.memref_slice %arg4[%mul3A_22, %dma_start3A_25] : memref<4096x64xf32, #tpu.memory_space<hbm>> -> memref<128x64xf32, #tpu.memory_space<hbm>>
      tpu.enqueue_dma source(%arg8 : memref<128x64xf32, #tpu.memory_space<vmem>>) target(%dma_start3A_26 : memref<128x64xf32, #tpu.memory_space<hbm>>) target_semaphore(%run_scoped3A : memref<!tpu.dma_semaphore, #tpu.memory_space<semaphore_mem>>)
      %dma_wait3A_27 = arith.constant 0 : i32
      %dma_wait3A_28 = tpu.memref_slice %arg4[%mul3A_22, %dma_wait3A_27] : memref<4096x64xf32, #tpu.memory_space<hbm>> -> memref<128x64xf32, #tpu.memory_space<hbm>>
      %dma_wait3A_29 = arith.constant 0 : i32
      %dma_wait3A_30 = tpu.memref_slice %arg4[%mul3A_22, %dma_wait3A_29] : memref<4096x64xf32, #tpu.memory_space<hbm>> -> memref<128x64xf32, #tpu.memory_space<hbm>>
      tpu.wait_dma2 semaphore(%run_scoped3A : memref<!tpu.dma_semaphore, #tpu.memory_space<semaphore_mem>>) src(%arg8 : memref<128x64xf32, #tpu.memory_space<vmem>>) dst(%dma_wait3A_30 : memref<128x64xf32, #tpu.memory_space<hbm>>)
      tpu.yield
    }) : () -> ()
    return
  }
}

</mosaic_0001>

<sc_bundles>
// kernel: kernel.3.cloned.1.call-start
scs
__scs_entry_jumppad:
0x0: {  	(pc) =	sbr.rel $0x88, $3  }
0x1: {  	(tag) =	ssettag $0x0;
	lr =	simm.s32 $0x1  }
0x2: {  	[smem:$0x3F9F] =	sst lr;
	_ =	strace $0xD0000000  }
0x3: {  	_ = 	snop  }
0x4: {  	_ = 	snop  }
0x5: {  	_ = 	snop  }
0x6: {  	_ = 	snop  }
0x7: {  	_ = 	snop  }
__scs_overlays_trampoline_lowered:
0x8: {  	[smem:$0x3FAE] =	sst s0  }
0x9: {  	[smem:$0x3FAF] =	sst s1  }
0xa: {  	[smem:$0x3FB0] =	sst s2  }
0xb: {  	[smem:$0x3FB1] =	sst s3  }
0xc: {  	[smem:$0x3FB2] =	sst s4  }
0xd: {  	[smem:$0x3FB3] =	sst s5  }
0xe: {  	[smem:$0x3FB4] =	sst s6  }
0xf: {  	[smem:$0x3FB5] =	sst s7  }
0x10: {  	[smem:$0x3FB6] =	sst s8  }
0x11: {  	[smem:$0x3FB7] =	sst s9;
	s0 =	simm.s32 @!p0 $0x0  }
0x12: {  	s1 =	sld [smem:$0x3F9D];
	s0 =	simm.s32 @p0 $0x1  }
0x13: {  	[smem:$0x3FB8] =	sst s0;
	s0 =	simm.s32 @!p1 $0x0  }
0x14: {  	s2 =	sld [smem:$0x3F9C];
	s0 =	simm.s32 @p1 $0x1  }
0x15: {  	[smem:$0x3FB9] =	sst s0;
	s0 =	simm.s32 @!p2 $0x0  }
0x16: {  	s3 =	sld [smem:$0x3FDB];
	s0 =	simm.s32 @p2 $0x1  }
0x17: {  	s4 =	simm.s32 $0x1BF5;
	[smem:$0x3FBB] =	sst s0  }
0x18: {  	s0 =	sld [smem:$0x3F9E];
	_ =	swait.ge [sflag:s4], $0x0  }
0x19: {  	s7 =	sld [smem:$0x3F9F]  }
0x1a: {  	s8 =	sadd.s32 $0xFFFFE003, lr  }
0x1b: {  	s9 =	sadd.s32 $0xFFFFFEF7, lr;
	s5 =	simm.s32 $0xFFFFFFFF;
	p2 =	slt.u32 s8, $0xFFFFF086  }
0x1c: {  	p1 =	slt.u32 s9, $0xF7A;
	s5 =	simm.s32 @!p2 $0x0  }
0x1d: {  	s5 =	simm.s32 @p1 $0x1;
	p0 =	seq.s32 s7, s2  }
0x1e: {  	s7 =	smul.u32 @!p0 $0xF7A, s2;
	p2 =	seq.s32 @!p0 s5, $0x0  }
0x1f: {  	s9 =	smul.u32 $0xF7A, s1;
	s8 =	simm.s32 @!p0 $0x1BF5;
	p2 =	por !p2, p0  }
0x20: {  	[sflag:s8] =	ssyncset.s32 @!p0 $0xFFFFF086;
	s6 =	sadd.s32 @!p0 s3, s7;
	s7 =	simm.s32 @!p0 $0x108  }
0x21: {  	s3 =	sadd.s32 s3, s9;
	s6 =	sadd.s32 @!p0 $0x88, s6;
	s7 =	simm.s32 @p2 $0x1082  }
0x22: {  	[simem:s7], [sflag:s8] =	dma.local @!p0 [hbm:s6], $0xF7A  }
0x23: {  	s9 =	sor.u32 $0xD0000000, s2;
	s6 =	simm.s32 $0x108;
	_ =	swait.ge @!p0 [sflag:s8], $0x0  }
0x24: {  	s3 =	sadd.s32 $0x88, s3;
	s6 =	simm.s32 @!p1 $0x1082;
	[sflag:s4] =	ssyncset.s32 $0xFFFFF086  }
0x25: {  	[simem:s6], [sflag:s4] =	dma.local [hbm:s3], $0xF7A  }
0x26: {  	[smem:$0x3F9F] =	sst s1;
	(tag) =	ssettag s2;
	_ =	strace s9  }
0x27: {  	s1 =	sld [smem:$0x3FAF]  }
0x28: {  	s2 =	sld [smem:$0x3FB0]  }
0x29: {  	s4 =	sld [smem:$0x3FB2]  }
0x2a: {  	p0 =	seq.s32 s5, $0x0;
	s5 =	sld [smem:$0x3FB3]  }
0x2b: {  	s6 =	sld [smem:$0x3FB4]  }
0x2c: {  	s7 =	sld [smem:$0x3FB5]  }
0x2d: {  	s3 =	simm.s32 $0x108;
	s8 =	sld [smem:$0x3FB6]  }
0x2e: {  	s3 =	simm.s32 @!p0 $0x1082;
	s9 =	sld [smem:$0x3FB7]  }
0x2f: {  	lr =	sadd.s32 s0, s3;
	s0 =	sld [smem:$0x3FAE]  }
0x30: {  	s3 =	sld [smem:$0x3FB1]  }
0x31: {  	[smem:$0x3FBA] =	sst s10  }
0x32: {  	s10 =	sld [smem:$0x3FB8];
	_ =	sdelay $0x3  }
0x33: {  	p0 =	seq.s32 s10, $0x1;
	s10 =	sld [smem:$0x3FBA];
	_ =	sdelay $0x3  }
0x34: {  	[smem:$0x3FBA] =	sst s10  }
0x35: {  	s10 =	sld [smem:$0x3FB9];
	_ =	sdelay $0x3  }
0x36: {  	p1 =	seq.s32 s10, $0x1;
	s10 =	sld [smem:$0x3FBA];
	_ =	sdelay $0x3  }
0x37: {  	[smem:$0x3FBA] =	sst s10  }
0x38: {  	s10 =	sld [smem:$0x3FBB]  }
0x39: {  	_ = 	snop;
	(pc) =	sbr.ind lr, $3  }
0x3a: {  	_ = 	snop  }
0x3b: {  	_ = 	snop  }
0x3c: {  	p2 =	seq.s32 s10, $0x1;
	s10 =	sld [smem:$0x3FBA]  }
0x3d: {  	_ =	shalt  }
0x3e: {  	_ =	shalt  }
0x3f: {  	_ =	shalt  }
0x40: {  	_ =	shalt  }
0x41: {  	_ =	shalt  }
0x42: {  	_ =	shalt  }
0x43: {  	_ =	shalt  }
0x44: {  	_ =	shalt  }
0x45: {  	_ =	shalt  }
0x46: {  	_ =	shalt  }
0x47: {  	_ =	shalt  }
0x48: {  	_ =	shalt  }
0x49: {  	_ =	shalt  }
0x4a: {  	_ =	shalt  }
0x4b: {  	_ =	shalt  }
0x4c: {  	_ =	shalt  }
0x4d: {  	_ =	shalt  }
0x4e: {  	_ =	shalt  }
0x4f: {  	_ =	shalt  }
0x50: {  	_ =	shalt  }
0x51: {  	_ =	shalt  }
0x52: {  	_ =	shalt  }
0x53: {  	_ =	shalt  }
0x54: {  	_ =	shalt  }
0x55: {  	_ =	shalt  }
0x56: {  	_ =	shalt  }
0x57: {  	_ =	shalt  }
0x58: {  	_ =	shalt  }
0x59: {  	_ =	shalt  }
0x5a: {  	_ =	shalt  }
0x5b: {  	_ =	shalt  }
0x5c: {  	_ =	shalt  }
0x5d: {  	_ =	shalt  }
0x5e: {  	_ =	shalt  }
0x5f: {  	_ =	shalt  }
0x60: {  	_ =	shalt  }
0x61: {  	_ =	shalt  }
0x62: {  	_ =	shalt  }
0x63: {  	_ =	shalt  }
0x64: {  	_ =	shalt  }
0x65: {  	_ =	shalt  }
0x66: {  	_ =	shalt  }
0x67: {  	_ =	shalt  }
0x68: {  	_ =	shalt  }
0x69: {  	_ =	shalt  }
0x6a: {  	_ =	shalt  }
0x6b: {  	_ =	shalt  }
0x6c: {  	_ =	shalt  }
0x6d: {  	_ =	shalt  }
0x6e: {  	_ =	shalt  }
0x6f: {  	_ =	shalt  }
0x70: {  	_ =	shalt  }
0x71: {  	_ =	shalt  }
0x72: {  	_ =	shalt  }
0x73: {  	_ =	shalt  }
0x74: {  	_ =	shalt  }
0x75: {  	_ =	shalt  }
0x76: {  	_ =	shalt  }
0x77: {  	_ =	shalt  }
0x78: {  	_ =	shalt  }
0x79: {  	_ =	shalt  }
0x7a: {  	_ =	shalt  }
0x7b: {  	_ =	shalt  }
0x7c: {  	_ =	shalt  }
0x7d: {  	_ =	shalt  }
0x7e: {  	_ =	shalt  }
0x7f: {  	_ =	shalt  }
0x80: {  	_ =	shalt  }
0x81: {  	_ =	shalt  }
0x82: {  	_ =	shalt  }
0x83: {  	_ =	shalt  }
0x84: {  	_ =	shalt  }
0x85: {  	_ =	shalt  }
0x86: {  	_ =	shalt  }
0x87: {  	_ =	shalt  }
.Lfunc_end0:
.L_simem_size_0:
called_computation_lowered:
.L_overlay_start_0:
0x88: {  	s2 =	sld [smem:$0x3FD9]  }
0x89: {  	s3 =	sld [smem:$0x3FFE];
	_ =	sdelay $0x1  }
0x8a: {  	s1 =	srdreg.scid  }
0x8b: {  	s0 =	sand.u32 $0x1, s1  }
0x8c: {  	s17 =	sshll.u32 s0, $0xA;
	s2 =	sadd.s32 s3, s2  }
0x8d: {  	s2 =	sadd.s32 s2, s17  }
0x8e: {  	[smem:$0x3FC6] =	sst s2  }
0x8f: {  	_ = 	snop  }
0x90: {  	s2 =	sld [smem:$0x3FD0];
	(tm) =	ssettm $0x1  }
0x91: {  	s18 =	sld [smem:$0x3FFB];
	_ =	sdelay $0x3  }
0x92: {  	_ =	strace s18  }
0x93: {  	s3 =	sld [smem:$0x3FFC];
	_ =	sdelay $0x3  }
0x94: {  	_ =	strace s3  }
0x95: {  	s3 =	sld [smem:$0x3FFD];
	_ =	sdelay $0x3  }
0x96: {  	_ =	strace s3  }
0x97: {  	_ =	strace $0x8FFFFFFF  }
0x98: {  	s19 =	sld [smem:$0x3FDB];
	_ =	sdelay $0x1  }
0x99: {  	s4 =	simm.s32 $_scs_section_size  }
0x9a: {  	s5 =	simm.s32 $_size__tile_overlayer_lowered;
	s6 =	simm.s32 $_tile_overlayer_lowered  }
0x9b: {  	s22 =	simm.s32 $0x1BFF;
	s21 =	sshll.u32 s6, $0x1;
	s3 =	sadd.s32 s4, s19  }
0x9c: {  	s7 =	simm.s32 $0x0;
	s20 =	sshll.u32 s5, $0x1;
	s5 =	sadd.s32 s21, s3  }
0x9d: {  	[timem:s7], [sflag:s22] =	dma.local [hbm:s5], s20  }
0x9e: {  	_ =	swait.ge [sflag:s22], s20  }
0x9f: {  	s4 =	ssub.s32 $0x0, s20;
	[sflag:s22] =	ssyncset.done $0x0  }
0xa0: {  	[sflag:s22] =	ssyncadd.s32 s4;
	_ =	sdelay $0x1  }
0xa1: {  	s23 =	simm.s32 $0x1B8B  }
0xa2: {  	_ =	swait.ge [sflag:s23], $0x1  }
0xa3: {  	[sflag:s23] =	ssyncset.done $0x0  }
0xa4: {  	s25 =	simm.s32 $0x1B8E;
	s24 =	sld [smem:$0x3FFE];
	[sflag:s23] =	ssyncadd.s32 $0xFFFFFFFF  }
0xa5: {  	s26 =	simm.s32 $execute0_lowered;
	[smem:$0x3FD2] =	sst s25  }
0xa6: {  	s5 =	sshll.u32 s26, $0x1;
	_ =	strace $0x80000046;
	[dreg:$0x1] =	wrdreg $0xFFFFFFFF  }
0xa7: {  	s28 =	simm.s32 $_size_execute0_lowered;
	s3 =	sadd.s32 s3, s5;
	[dreg:$0x0] =	wrdreg $0x0  }
0xa8: {  	s5 =	sshll.u32 s28, $0x1;
	[dreg:$0x2] =	wrdreg s3  }
0xa9: {  	[dreg:$0x3] =	wrdreg s5  }
0xaa: {  	[dreg:$0x4] =	wrdreg $0xC0  }
0xab: {  	_ =	task [dreg:s7], $0x5FFFF  }
0xac: {  	[dreg:$0x1] =	wrdreg $0xFFFFFFFF  }
0xad: {  	[dreg:$0x0] =	wrdreg $0x60  }
0xae: {  	[dreg:$0x2] =	wrdreg s24  }
0xaf: {  	[dreg:$0x3] =	wrdreg s2  }
0xb0: {  	[dreg:$0x4] =	wrdreg $0x9  }
0xb1: {  	_ =	task.clear_ibuf [dreg:s7], $0x5FFFF;
	_ =	strace $0x90000046  }
0xb2: {  	s29 =	simm.s32 $0x9;
	_ =	strace $0x80000048  }
0xb3: {  	_ =	swait.ge [sflag:s29], $0x1  }
0xb4: {  	[sflag:s29] =	ssyncadd.s32 $0xFFFFFFFF  }
0xb5: {  	_ =	strace $0x90000048  }
0xb6: {  	_ =	sfence  }
0xb7: {  	s30 =	sld [smem:$0x0];
	_ =	sdelay $0x2  }
0xb8: {  	s31 =	sshll.u32 s1, $0xD;
	s1 =	sshrl.u32 s1, $0x2  }
0xb9: {  	s3 =	sand.u32 $0x4000, s31;
	s1 =	sadd.s32 s1, s30  }
0xba: {  	s0 =	sor.u32 s3, s0;
	s1 =	sshll.u32 s1, $0x11  }
0xbb: {  	s0 =	sor.u32 s1, s0  }
0xbc: {  	s0 =	sadd.s32 $0x8F2B, s0  }
0xbd: {  	[sflag:s0] =	ssyncadd.remote.s32 $0x1  }
0xbe: {  	_ =	sfence.sel $0xFFFF  }
0xbf: {  	[dreg:$0x0] =	wrdreg $0xFFFFFFFF;
	(pc) =	sbr.abs _section_cstart, $3  }
0xc0: {  	[dreg:$0x1] =	wrdreg $0xFFFFFFFF  }
0xc1: {  	_ =	task.clear_ibuf [dreg:s7], $0x2FFFF;
	_ =	strace $0x9FFFFFFF  }
0xc2: {  	(tm) =	ssettm $0x7FFFFFFF  }
0xc3: {  	_ =	shalt  }
tec
execute0_lowered:
.L_overlay_start_1:
0x0: {  	(tag) =	ssettag $0x1  }
0x1: {  	v0 =	vimm.s32 $0xFEDCBA98;
	v1 =	vimm.s32 $0x76543210;
	v2 =	vimm.s32 $0xBA98FEDC  }
0x2: {  	v3 =	vimm.s32 $0x32107654;
	v4 =	vimm.s32 $0xDCFE98BA;
	v5 =	vimm.s32 $0x54761032  }
0x3: {  	v6 =	vimm.s32 $0xEFCDAB89;
	v7 =	vimm.s32 $0x67452301;
	v0 =	vunpack.c.l.s4.s8 v0  }
0x4: {  	v1 =	vunpack.c.l.s4.s8 v1;
	v2 =	vunpack.c.l.s4.s8 v2;
	v3 =	vunpack.c.l.s4.s8 v3  }
0x5: {  	s1 =	srdreg.scid;
	s4 =	rddreg [dreg:$0x0];
	v4 =	vunpack.c.l.s4.s8 v4;
	v5 =	vunpack.c.l.s4.s8 v5;
	v6 =	vunpack.c.l.s4.s8 v6  }
0x6: {  	s0 =	stileid.u32;
	s6 =	rddreg [dreg:$0x1];
	s2 =	simm.s32 $0x0;
	v7 =	vunpack.c.l.s4.s8 v7;
	v0 =	vunpack.c.0.s8.s32 v0;
	v2 =	vunpack.c.0.s8.s32 v2  }
0x7: {  	s9 =	simm.s32 $0x1A00;
	s10 =	simm.s32 $0x3300;
	s11 =	simm.s32 $0x1;
	v3 =	vunpack.c.0.s8.s32 v3;
	v4 =	vunpack.c.0.s8.s32 v4;
	v1 =	vunpack.c.0.s8.s32 v1  }
0x8: {  	s12 =	simm.s32 $0x2;
	s13 =	simm.s32 $0x4C00;
	s14 =	simm.s32 $0x0;
	v5 =	vunpack.c.0.s8.s32 v5;
	v6 =	vunpack.c.0.s8.s32 v6;
	v0 =	vand.u32 $0xF, v0  }
0x9: {  	s3 =	sand.u32 $0x1, s1;
	s30 =	sshll.u32 s0, $0x1;
	s1 =	rddreg [dreg:$0x2];
	v7 =	vunpack.c.0.s8.s32 v7;
	v2 =	vcombine.low v3, v2;
	v63 =	vcombine.low v0, v1  }
0xa: {  	[smem:$0x7FF] =	sst s2;
	s5 =	sor.u32 s3, s30;
	s8 =	ssub.s32 $0x2, s3;
	v61 =	vcombine.low v5, v4  }
0xb: {  	_ =	strace $0x80000047;
	s7 =	smul.u32 $0x340, s5;
	s31 =	sshrl.u32 s8, $0x1;
	v62 =	vcombine.low v7, v6;
	v8 =	vand.u32 $0xF, v2;
	[tilespmem:$0x1FFC0] =	vst v63  }
0xc: {  	s3 =	sadd.s32 $0x187000, s4;
	s5 =	sshll.u32 s5, $0xA;
	s8 =	ssub.s32 s8, s31;
	v9 =	vand.u32 $0xF, v61;
	[tilespmem:$0x1FFD0] =	vst v8  }
0xd: {  	s5 =	sadd.s32 s6, s5;
	s7 =	sadd.s32 s7, s4;
	s6 =	smax.u32 s8, $0x1;
	v10 =	vand.u32 $0xF, v62;
	[tilespmem:$0x1FFE0] =	vst v9  }
0xe: {  	s8 =	simm.s32 $0x64;
	s4 =	sadd.s32 $0x600, s7;
	s7 =	simm.s32 $0x3;
	[tilespmem:$0x1FFF0] =	vst v10  }
.LBB2_1:
0xf: {  	[tilespmem:s2], [sflag:$0x3] =	stream.linear.gather [hbm4b:s4+s2], $0x1A00, $0x38;
	[tilespmem:$0x6C00] =	vst v63  }
0x10: {  	_ =	swait.ge [sflag:s7], $0x1A00  }
0x11: {  	s15 =	simm.s32 $0x68;
	[sflag:s7] =	ssyncset.done $0x0  }
0x12: {  	s16 =	simm.s32 $0x4C80;
	s17 =	simm.s32 $0x0;
	[sflag:s7] =	ssyncadd.s32 $0xFFFFE600  }
0x13: {  	[tilespmem:s9], [sflag:$0x1] =	stream.indirect.gather [hbm4b:s3+s8], $0x40, s2, s8, $0xb8;
	[tilespmem:$0x6C00] =	vst v63  }
.LBB2_2:
0x14: {  	[tilespmem:s10], [sflag:$0x2] =	stream.indirect.gather [hbm4b:s3+s8], $0x40, s15, s8, $0xb8;
	[tilespmem:$0x6C00] =	vst v63  }
0x15: {  	_ =	swait.ge [sflag:s11], $0x1900  }
0x16: {  	[sflag:s11] =	ssyncset.done $0x0  }
0x17: {  	[sflag:s11] =	ssyncadd.s32 $0xFFFFE700  }
0x18: {  	v60 =	vld [tilespmem:$0x1DF0];
	_ =	sdelay $0x4  }
0x19: {  	[tilespmem:$0x1F5A0] =	vst v60;
	v60 =	vld [tilespmem:$0x1E20];
	_ =	sdelay $0x4  }
0x1a: {  	[tilespmem:$0x1F5B0] =	vst v60;
	v60 =	vld [tilespmem:$0x1E30];
	_ =	sdelay $0x4  }
0x1b: {  	[tilespmem:$0x1F5E0] =	vst v60;
	v60 =	vld [tilespmem:$0x1E40];
	_ =	sdelay $0x4  }
0x1c: {  	[tilespmem:$0x1F5C0] =	vst v60;
	v60 =	vld [tilespmem:$0x1E50];
	_ =	sdelay $0x4  }
0x1d: {  	[tilespmem:$0x1F5D0] =	vst v60;
	v60 =	vld [tilespmem:$0x1E60];
	_ =	sdelay $0x4  }
0x1e: {  	[tilespmem:$0x1F5F0] =	vst v60;
	v60 =	vld [tilespmem:$0x1E70];
	_ =	sdelay $0x4  }
0x1f: {  	[tilespmem:$0x1F620] =	vst v60;
	v60 =	vld [tilespmem:$0x1E80];
	_ =	sdelay $0x4  }
0x20: {  	[tilespmem:$0x1F600] =	vst v60;
	v60 =	vld [tilespmem:$0x1E90];
	_ =	sdelay $0x4  }
0x21: {  	[tilespmem:$0x1F610] =	vst v60;
	v60 =	vld [tilespmem:$0x1EA0];
	_ =	sdelay $0x4  }
0x22: {  	[tilespmem:$0x1F630] =	vst v60;
	v60 =	vld [tilespmem:$0x1EB0];
	_ =	sdelay $0x4  }
0x23: {  	[tilespmem:$0x1F660] =	vst v60;
	v60 =	vld [tilespmem:$0x1EC0];
	_ =	sdelay $0x4  }
0x24: {  	[tilespmem:$0x1F640] =	vst v60;
	v60 =	vld [tilespmem:$0x1ED0];
	_ =	sdelay $0x4  }
0x25: {  	[tilespmem:$0x1F650] =	vst v60;
	v60 =	vld [tilespmem:$0x1EE0];
	_ =	sdelay $0x4  }
0x26: {  	[tilespmem:$0x1F670] =	vst v60;
	v60 =	vld [tilespmem:$0x1EF0];
	_ =	sdelay $0x4  }
0x27: {  	[tilespmem:$0x1F6A0] =	vst v60;
	v60 =	vld [tilespmem:$0x1F00];
	_ =	sdelay $0x4  }
0x28: {  	[tilespmem:$0x1F680] =	vst v60;
	v60 =	vld [tilespmem:$0x1F10];
	_ =	sdelay $0x4  }
0x29: {  	[tilespmem:$0x1F690] =	vst v60;
	v60 =	vld [tilespmem:$0x1F20];
	_ =	sdelay $0x4  }
0x2a: {  	[tilespmem:$0x1F6B0] =	vst v60;
	v60 =	vld [tilespmem:$0x1F30];
	_ =	sdelay $0x2  }
0x2b: {  	v6 =	vld [tilespmem:$0x1A00]  }
0x2c: {  	v10 =	vld [tilespmem:$0x1A10]  }
0x2d: {  	[tilespmem:$0x1F6E0] =	vst v60;
	v60 =	vld [tilespmem:$0x1F40]  }
0x2e: {  	v20 =	vld [tilespmem:$0x1A20]  }
0x2f: {  	v21 =	vld [tilespmem:$0x1A30]  }
0x30: {  	v15 =	vld [tilespmem:$0x1A40]  }
0x31: {  	v26 =	vld [tilespmem:$0x1A50]  }
0x32: {  	[tilespmem:$0x1F6C0] =	vst v60;
	v60 =	vld [tilespmem:$0x1F50]  }
0x33: {  	v27 =	vld [tilespmem:$0x1A60]  }
0x34: {  	v36 =	vld [tilespmem:$0x1A70]  }
0x35: {  	v37 =	vld [tilespmem:$0x1A80]  }
0x36: {  	v42 =	vld [tilespmem:$0x1A90]  }
0x37: {  	[tilespmem:$0x1F6D0] =	vst v60;
	v60 =	vld [tilespmem:$0x1F60]  }
0x38: {  	v43 =	vld [tilespmem:$0x1AA0]  }
0x39: {  	v52 =	vld [tilespmem:$0x1AB0]  }
0x3a: {  	v53 =	vld [tilespmem:$0x1AC0]  }
0x3b: {  	v58 =	vld [tilespmem:$0x1AD0]  }
0x3c: {  	[tilespmem:$0x1F6F0] =	vst v60;
	v60 =	vld [tilespmem:$0x1F70]  }
0x3d: {  	v59 =	vld [tilespmem:$0x1AE0]  }
0x3e: {  	v5 =	vld [tilespmem:$0x1AF0]  }
0x3f: {  	v1 =	vld [tilespmem:$0x1B00]  }
0x40: {  	v2 =	vld [tilespmem:$0x1B10]  }
0x41: {  	[tilespmem:$0x1F720] =	vst v60;
	v60 =	vld [tilespmem:$0x1F80]  }
0x42: {  	v3 =	vld [tilespmem:$0x1B20]  }
0x43: {  	v11 =	vld [tilespmem:$0x1B30]  }
0x44: {  	v0 =	vld [tilespmem:$0x1B40]  }
0x45: {  	v4 =	vld [tilespmem:$0x1B50]  }
0x46: {  	[tilespmem:$0x1F700] =	vst v60;
	v60 =	vld [tilespmem:$0x1F90]  }
0x47: {  	v7 =	vld [tilespmem:$0x1B60]  }
0x48: {  	v16 =	vld [tilespmem:$0x1B70]  }
0x49: {  	v8 =	vld [tilespmem:$0x1B80]  }
0x4a: {  	v9 =	vld [tilespmem:$0x1B90]  }
0x4b: {  	[tilespmem:$0x1F710] =	vst v60;
	v60 =	vld [tilespmem:$0x1FA0]  }
0x4c: {  	v12 =	vld [tilespmem:$0x1BA0]  }
0x4d: {  	v22 =	vld [tilespmem:$0x1BB0]  }
0x4e: {  	v13 =	vld [tilespmem:$0x1BC0]  }
0x4f: {  	v14 =	vld [tilespmem:$0x1BD0]  }
0x50: {  	[tilespmem:$0x1F730] =	vst v60;
	v60 =	vld [tilespmem:$0x1FB0]  }
0x51: {  	v17 =	vld [tilespmem:$0x1BE0]  }
0x52: {  	v28 =	vld [tilespmem:$0x1BF0]  }
0x53: {  	v18 =	vld [tilespmem:$0x1C00]  }
0x54: {  	v19 =	vld [tilespmem:$0x1C10]  }
0x55: {  	[tilespmem:$0x1F760] =	vst v60;
	v60 =	vld [tilespmem:$0x1FC0]  }
0x56: {  	v23 =	vld [tilespmem:$0x1C20]  }
0x57: {  	v32 =	vld [tilespmem:$0x1C30]  }
0x58: {  	v24 =	vld [tilespmem:$0x1C40]  }
0x59: {  	v25 =	vld [tilespmem:$0x1C50]  }
0x5a: {  	[tilespmem:$0x1F740] =	vst v60;
	v60 =	vld [tilespmem:$0x1FD0]  }
0x5b: {  	v29 =	vld [tilespmem:$0x1C60]  }
0x5c: {  	v38 =	vld [tilespmem:$0x1C70]  }
0x5d: {  	v30 =	vld [tilespmem:$0x1C80]  }
0x5e: {  	v31 =	vld [tilespmem:$0x1C90]  }
0x5f: {  	[tilespmem:$0x1F750] =	vst v60;
	v60 =	vld [tilespmem:$0x1FE0]  }
0x60: {  	v33 =	vld [tilespmem:$0x1CA0]  }
0x61: {  	v44 =	vld [tilespmem:$0x1CB0]  }
0x62: {  	v34 =	vld [tilespmem:$0x1CC0]  }
0x63: {  	v35 =	vld [tilespmem:$0x1CD0]  }
0x64: {  	[tilespmem:$0x1F770] =	vst v60;
	v60 =	vld [tilespmem:$0x1FF0]  }
0x65: {  	v39 =	vld [tilespmem:$0x1CE0]  }
0x66: {  	v48 =	vld [tilespmem:$0x1CF0]  }
0x67: {  	v40 =	vld [tilespmem:$0x1D00]  }
0x68: {  	v41 =	vld [tilespmem:$0x1D10]  }
0x69: {  	[tilespmem:$0x1F7A0] =	vst v60;
	v60 =	vld [tilespmem:$0x2000]  }
0x6a: {  	v45 =	vld [tilespmem:$0x1D20]  }
0x6b: {  	v54 =	vld [tilespmem:$0x1D30]  }
0x6c: {  	v46 =	vld [tilespmem:$0x1D40]  }
0x6d: {  	v47 =	vld [tilespmem:$0x1D50]  }
0x6e: {  	[tilespmem:$0x1F780] =	vst v60;
	v60 =	vld [tilespmem:$0x2010]  }
0x6f: {  	v49 =	vld [tilespmem:$0x1D60]  }
0x70: {  	v50 =	vld [tilespmem:$0x1D70]  }
0x71: {  	v51 =	vld [tilespmem:$0x1D90]  }
0x72: {  	v55 =	vld [tilespmem:$0x1DA0]  }
0x73: {  	[tilespmem:$0x1F790] =	vst v60;
	v60 =	vld [tilespmem:$0x2020]  }
0x74: {  	v56 =	vld [tilespmem:$0x1DB0]  }
0x75: {  	v57 =	vld [tilespmem:$0x1DD0]  }
0x76: {  	v61 =	vld [tilespmem:$0x1DE0]  }
0x77: {  	v62 =	vld [tilespmem:$0x1E00]  }
0x78: {  	[tilespmem:$0x1F7B0] =	vst v60;
	v60 =	vld [tilespmem:$0x2030]  }
0x79: {  	v63 =	vld [tilespmem:$0x1E10]  }
0x7a: {  	[tilespmem:$0x1F580] =	vst v50;
	v50 =	vld [tilespmem:$0x1D80]  }
0x7b: {  	[tilespmem:$0x1F590] =	vst v56;
	v56 =	vld [tilespmem:$0x1DC0]  }
0x7c: {  	v6 =	vadd.f32 v15, v6;
	v15 =	vld [tilespmem:$0x2090]  }
0x7d: {  	[tilespmem:$0x1F7E0] =	vst v60;
	v60 =	vld [tilespmem:$0x2040]  }
0x7e: {  	v26 =	vadd.f32 v26, v10;
	v20 =	vadd.f32 v27, v20;
	v10 =	vld [tilespmem:$0x20A0]  }
0x7f: {  	v27 =	vadd.f32 v37, v6;
	v6 =	vld [tilespmem:$0x20B0]  }
0x80: {  	v21 =	vadd.f32 v36, v21;
	v36 =	vadd.f32 v43, v20;
	v20 =	vld [tilespmem:$0x20C0]  }
0x81: {  	v26 =	vadd.f32 v42, v26;
	v43 =	vld [tilespmem:$0x2120]  }
0x82: {  	[tilespmem:$0x1F7C0] =	vst v60;
	v60 =	vld [tilespmem:$0x2050]  }
0x83: {  	v42 =	vadd.f32 v58, v26;
	v26 =	vld [tilespmem:$0x20D0]  }
0x84: {  	v37 =	vadd.f32 v53, v27;
	v27 =	vld [tilespmem:$0x20E0]  }
0x85: {  	v58 =	vadd.f32 v52, v21;
	v21 =	vld [tilespmem:$0x20F0]  }
0x86: {  	v36 =	vadd.f32 v59, v36;
	v59 =	vld [tilespmem:$0x2160]  }
0x87: {  	[tilespmem:$0x1F7D0] =	vst v60;
	v60 =	vld [tilespmem:$0x2060]  }
0x88: {  	v3 =	vadd.f32 v3, v36;
	v36 =	vld [tilespmem:$0x2100]  }
0x89: {  	v2 =	vadd.f32 v2, v42;
	v42 =	vld [tilespmem:$0x2110]  }
0x8a: {  	v1 =	vadd.f32 v1, v37;
	v5 =	vadd.f32 v5, v58;
	v37 =	vld [tilespmem:$0x2130]  }
0x8b: {  	v58 =	vld [tilespmem:$0x2150]  }
0x8c: {  	v53 =	vadd.f32 v11, v5;
	[tilespmem:$0x1F7F0] =	vst v60;
	v60 =	vld [tilespmem:$0x2070]  }
0x8d: {  	v52 =	vadd.f32 v4, v2;
	v3 =	vadd.f32 v7, v3;
	v4 =	vld [tilespmem:$0x2180]  }
0x8e: {  	v0 =	vadd.f32 v0, v1;
	v5 =	vld [tilespmem:$0x2190];
	v2 =	vadd.f32 v16, v53  }
0x8f: {  	v1 =	vadd.f32 v9, v52;
	v3 =	vadd.f32 v12, v3;
	v52 =	vld [tilespmem:$0x2140]  }
0x90: {  	v0 =	vadd.f32 v8, v0;
	v53 =	vld [tilespmem:$0x2170];
	v2 =	vadd.f32 v22, v2  }
0x91: {  	v3 =	vadd.f32 v17, v3;
	[tilespmem:$0x1F800] =	vst v60;
	v60 =	vld [tilespmem:$0x2080]  }
0x92: {  	v0 =	vadd.f32 v13, v0;
	v2 =	vadd.f32 v28, v2;
	v7 =	vld [tilespmem:$0x21A0]  }
0x93: {  	v1 =	vadd.f32 v14, v1;
	v3 =	vadd.f32 v23, v3;
	v8 =	vld [tilespmem:$0x21B0]  }
0x94: {  	v0 =	vadd.f32 v18, v0;
	v2 =	vadd.f32 v32, v2;
	v9 =	vld [tilespmem:$0x21C0]  }
0x95: {  	v1 =	vadd.f32 v19, v1;
	v3 =	vadd.f32 v29, v3;
	v11 =	vld [tilespmem:$0x21D0]  }
0x96: {  	v0 =	vadd.f32 v24, v0;
	v2 =	vadd.f32 v38, v2;
	v12 =	vld [tilespmem:$0x21E0]  }
0x97: {  	v1 =	vadd.f32 v25, v1;
	v3 =	vadd.f32 v33, v3;
	v13 =	vld [tilespmem:$0x21F0]  }
0x98: {  	v0 =	vadd.f32 v30, v0;
	v2 =	vadd.f32 v44, v2;
	v14 =	vld [tilespmem:$0x2200]  }
0x99: {  	v1 =	vadd.f32 v31, v1;
	v3 =	vadd.f32 v39, v3;
	v16 =	vld [tilespmem:$0x2210]  }
0x9a: {  	v0 =	vadd.f32 v34, v0;
	v2 =	vadd.f32 v48, v2;
	v17 =	vld [tilespmem:$0x2220]  }
0x9b: {  	v1 =	vadd.f32 v35, v1;
	v3 =	vadd.f32 v45, v3;
	v18 =	vld [tilespmem:$0x2230]  }
0x9c: {  	v0 =	vadd.f32 v40, v0;
	v2 =	vadd.f32 v54, v2;
	v54 =	vld [tilespmem:$0x1F580]  }
0x9d: {  	v1 =	vadd.f32 v41, v1;
	v3 =	vadd.f32 v49, v3;
	v19 =	vld [tilespmem:$0x2240]  }
0x9e: {  	v0 =	vadd.f32 v46, v0;
	v22 =	vld [tilespmem:$0x2250]  }
0x9f: {  	v1 =	vadd.f32 v47, v1;
	v3 =	vadd.f32 v55, v3;
	v55 =	vld [tilespmem:$0x1F590]  }
0xa0: {  	v0 =	vadd.f32 v50, v0;
	v23 =	vld [tilespmem:$0x2260]  }
0xa1: {  	v1 =	vadd.f32 v51, v1;
	v24 =	vld [tilespmem:$0x2270]  }
0xa2: {  	v0 =	vadd.f32 v56, v0;
	v56 =	vld [tilespmem:$0x1F5A0]  }
0xa3: {  	v1 =	vadd.f32 v57, v1;
	v57 =	vld [tilespmem:$0x1F5B0]  }
0xa4: {  	v25 =	vld [tilespmem:$0x2280]  }
0xa5: {  	v3 =	vadd.f32 v61, v3;
	v61 =	vld [tilespmem:$0x1F5C0]  }
0xa6: {  	v0 =	vadd.f32 v62, v0;
	v62 =	vld [tilespmem:$0x1F5D0]  }
0xa7: {  	v28 =	vld [tilespmem:$0x2290]  }
0xa8: {  	v1 =	vadd.f32 v63, v1;
	v63 =	vld [tilespmem:$0x1F5E0]  }
0xa9: {  	v32 =	vld [tilespmem:$0x1F5F0]  }
0xaa: {  	v29 =	vld [tilespmem:$0x22A0]  }
0xab: {  	v33 =	vld [tilespmem:$0x1F600]  }
0xac: {  	v34 =	vld [tilespmem:$0x1F610]  }
0xad: {  	v30 =	vld [tilespmem:$0x22B0]  }
0xae: {  	v35 =	vld [tilespmem:$0x1F620]  }
0xaf: {  	v38 =	vld [tilespmem:$0x1F630]  }
0xb0: {  	v31 =	vld [tilespmem:$0x22C0]  }
0xb1: {  	v39 =	vld [tilespmem:$0x1F640]  }
0xb2: {  	v40 =	vld [tilespmem:$0x1F650]  }
0xb3: {  	v41 =	vld [tilespmem:$0x1F660]  }
0xb4: {  	v44 =	vld [tilespmem:$0x1F670]  }
0xb5: {  	v45 =	vld [tilespmem:$0x1F680]  }
0xb6: {  	v46 =	vld [tilespmem:$0x1F690]  }
0xb7: {  	v47 =	vld [tilespmem:$0x1F6A0]  }
0xb8: {  	v48 =	vld [tilespmem:$0x1F6B0]  }
0xb9: {  	v49 =	vld [tilespmem:$0x1F6C0]  }
0xba: {  	v50 =	vld [tilespmem:$0x1F6D0]  }
0xbb: {  	v51 =	vld [tilespmem:$0x1F6E0]  }
0xbc: {  	v2 =	vadd.f32 v54, v2;
	v54 =	vld [tilespmem:$0x1F6F0]  }
0xbd: {  	v3 =	vadd.f32 v57, v3;
	v57 =	vld [tilespmem:$0x1F720]  }
0xbe: {  	v0 =	vadd.f32 v61, v0;
	v61 =	vld [tilespmem:$0x1F730]  }
0xbf: {  	v1 =	vadd.f32 v62, v1;
	v62 =	vld [tilespmem:$0x1F740]  }
0xc0: {  	v3 =	vadd.f32 v32, v3;
	v32 =	vld [tilespmem:$0x22D0]  }
0xc1: {  	v0 =	vadd.f32 v33, v0;
	v33 =	vld [tilespmem:$0x22E0]  }
0xc2: {  	v1 =	vadd.f32 v34, v1;
	v34 =	vld [tilespmem:$0x22F0]  }
0xc3: {  	v2 =	vadd.f32 v55, v2;
	v55 =	vld [tilespmem:$0x1F700]  }
0xc4: {  	v3 =	vadd.f32 v38, v3;
	v38 =	vld [tilespmem:$0x2310]  }
0xc5: {  	v0 =	vadd.f32 v39, v0;
	v39 =	vld [tilespmem:$0x2320]  }
0xc6: {  	v2 =	vadd.f32 v56, v2;
	v56 =	vld [tilespmem:$0x1F710]  }
0xc7: {  	v1 =	vadd.f32 v40, v1;
	v40 =	vld [tilespmem:$0x2330]  }
0xc8: {  	v2 =	vadd.f32 v63, v2;
	v63 =	vld [tilespmem:$0x1F750]  }
0xc9: {  	v3 =	vadd.f32 v44, v3;
	v44 =	vld [tilespmem:$0x2350]  }
0xca: {  	v0 =	vadd.f32 v45, v0;
	v45 =	vld [tilespmem:$0x2360]  }
0xcb: {  	v1 =	vadd.f32 v46, v1;
	v46 =	vld [tilespmem:$0x2370]  }
0xcc: {  	v2 =	vadd.f32 v35, v2;
	v35 =	vld [tilespmem:$0x2300]  }
0xcd: {  	v3 =	vadd.f32 v48, v3;
	v48 =	vld [tilespmem:$0x1F760]  }
0xce: {  	v0 =	vadd.f32 v49, v0;
	v49 =	vld [tilespmem:$0x1F770]  }
0xcf: {  	v1 =	vadd.f32 v50, v1;
	v50 =	vld [tilespmem:$0x1F780];
	v2 =	vadd.f32 v41, v2  }
0xd0: {  	v41 =	vld [tilespmem:$0x2340]  }
0xd1: {  	v3 =	vadd.f32 v54, v3;
	v54 =	vld [tilespmem:$0x1F7A0];
	v2 =	vadd.f32 v47, v2  }
0xd2: {  	v0 =	vadd.f32 v55, v0;
	v55 =	vld [tilespmem:$0x1F7B0]  }
0xd3: {  	v2 =	vadd.f32 v51, v2;
	v51 =	vld [tilespmem:$0x1F790]  }
0xd4: {  	v1 =	vadd.f32 v56, v1;
	v56 =	vld [tilespmem:$0x1F7C0];
	v3 =	vadd.f32 v61, v3  }
0xd5: {  	v0 =	vadd.f32 v62, v0;
	v2 =	vadd.f32 v57, v2;
	v57 =	vld [tilespmem:$0x1F7D0]  }
0xd6: {  	v1 =	vadd.f32 v63, v1;
	v62 =	vld [tilespmem:$0x1F7F0]  }
0xd7: {  	v61 =	vld [tilespmem:$0x1F7E0];
	v3 =	vadd.f32 v49, v3;
	v0 =	vadd.f32 v50, v0  }
0xd8: {  	v47 =	vld [tilespmem:$0x2380];
	v2 =	vadd.f32 v48, v2;
	v1 =	vadd.f32 v51, v1  }
0xd9: {  	v63 =	vld [tilespmem:$0x1F800];
	v3 =	vadd.f32 v55, v3;
	v0 =	vadd.f32 v56, v0  }
0xda: {  	v49 =	vld [tilespmem:$0x23A0];
	v2 =	vadd.f32 v54, v2;
	v1 =	vadd.f32 v57, v1  }
0xdb: {  	v50 =	vld [tilespmem:$0x2470];
	v3 =	vadd.f32 v62, v3;
	v0 =	vadd.f32 v60, v0  }
0xdc: {  	v55 =	vld [tilespmem:$0x24C0];
	v2 =	vadd.f32 v61, v2;
	v1 =	vadd.f32 v15, v1  }
0xdd: {  	v56 =	vld [tilespmem:$0x24D0];
	v3 =	vadd.f32 v10, v3;
	v0 =	vadd.f32 v20, v0  }
0xde: {  	v48 =	vld [tilespmem:$0x2390];
	v2 =	vadd.f32 v63, v2;
	v1 =	vadd.f32 v26, v1  }
0xdf: {  	v60 =	vld [tilespmem:$0x2510];
	v3 =	vadd.f32 v27, v3;
	v0 =	vadd.f32 v36, v0  }
0xe0: {  	v62 =	vld [tilespmem:$0x2530];
	v2 =	vadd.f32 v6, v2;
	v1 =	vadd.f32 v42, v1  }
0xe1: {  	v51 =	vld [tilespmem:$0x2480];
	v3 =	vadd.f32 v43, v3;
	v0 =	vadd.f32 v52, v0  }
0xe2: {  	v10 =	vld [tilespmem:$0x23C0];
	v2 =	vadd.f32 v21, v2;
	v1 =	vadd.f32 v58, v1  }
0xe3: {  	v20 =	vld [tilespmem:$0x23D0];
	v3 =	vadd.f32 v59, v3;
	v0 =	vadd.f32 v4, v0  }
0xe4: {  	v54 =	vld [tilespmem:$0x24B0];
	v2 =	vadd.f32 v37, v2;
	v1 =	vadd.f32 v5, v1  }
0xe5: {  	v57 =	vld [tilespmem:$0x24E0];
	v3 =	vadd.f32 v7, v3;
	v0 =	vadd.f32 v9, v0  }
0xe6: {  	v27 =	vld [tilespmem:$0x2410];
	v2 =	vadd.f32 v53, v2;
	v1 =	vadd.f32 v11, v1  }
0xe7: {  	v36 =	vld [tilespmem:$0x2420];
	v3 =	vadd.f32 v12, v3;
	v0 =	vadd.f32 v14, v0  }
0xe8: {  	v61 =	vld [tilespmem:$0x2520];
	v2 =	vadd.f32 v8, v2;
	v1 =	vadd.f32 v16, v1  }
0xe9: {  	v15 =	vld [tilespmem:$0x23B0];
	v3 =	vadd.f32 v17, v3;
	v0 =	vadd.f32 v19, v0  }
0xea: {  	v43 =	vld [tilespmem:$0x2460];
	v2 =	vadd.f32 v13, v2;
	v1 =	vadd.f32 v22, v1  }
0xeb: {  	v52 =	vld [tilespmem:$0x2490];
	v3 =	vadd.f32 v23, v3;
	v0 =	vadd.f32 v25, v0  }
0xec: {  	v63 =	vld [tilespmem:$0x2540];
	v2 =	vadd.f32 v18, v2;
	v1 =	vadd.f32 v28, v1  }
0xed: {  	v26 =	vld [tilespmem:$0x23F0];
	v3 =	vadd.f32 v29, v3;
	v0 =	vadd.f32 v31, v0  }
0xee: {  	v6 =	vld [tilespmem:$0x23E0];
	v2 =	vadd.f32 v24, v2;
	v1 =	vadd.f32 v32, v1  }
0xef: {  	v4 =	vld [tilespmem:$0x2430];
	v3 =	vadd.f32 v33, v3;
	v0 =	vadd.f32 v35, v0  }
0xf0: {  	v59 =	vld [tilespmem:$0x2500];
	v2 =	vadd.f32 v30, v2;
	v1 =	vadd.f32 v38, v1  }
0xf1: {  	v42 =	vld [tilespmem:$0x2450];
	v3 =	vadd.f32 v39, v3;
	v0 =	vadd.f32 v41, v0  }
0xf2: {  	v21 =	vld [tilespmem:$0x2400];
	v2 =	vadd.f32 v34, v2;
	v1 =	vadd.f32 v44, v1  }
0xf3: {  	v58 =	vld [tilespmem:$0x24F0];
	v3 =	vadd.f32 v45, v3;
	v0 =	vadd.f32 v47, v0  }
0xf4: {  	v37 =	vld [tilespmem:$0x2440];
	v2 =	vadd.f32 v40, v2;
	v1 =	vadd.f32 v48, v1  }
0xf5: {  	v53 =	vld [tilespmem:$0x24A0];
	v3 =	vadd.f32 v49, v3;
	v0 =	vadd.f32 v10, v0  }
0xf6: {  	v31 =	vld [tilespmem:$0x2550];
	v2 =	vadd.f32 v46, v2;
	v1 =	vadd.f32 v20, v1  }
0xf7: {  	v33 =	vld [tilespmem:$0x2570];
	v3 =	vadd.f32 v6, v3;
	v0 =	vadd.f32 v21, v0  }
0xf8: {  	v35 =	vld [tilespmem:$0x2590];
	v2 =	vadd.f32 v15, v2;
	v1 =	vadd.f32 v27, v1  }
0xf9: {  	v39 =	vld [tilespmem:$0x25D0];
	v3 =	vadd.f32 v36, v3;
	v0 =	vadd.f32 v37, v0  }
0xfa: {  	v41 =	vld [tilespmem:$0x25F0];
	v2 =	vadd.f32 v26, v2;
	v1 =	vadd.f32 v42, v1  }
0xfb: {  	v32 =	vld [tilespmem:$0x2560];
	v3 =	vadd.f32 v43, v3;
	v0 =	vadd.f32 v51, v0  }
0xfc: {  	v45 =	vld [tilespmem:$0x2640];
	v2 =	vadd.f32 v4, v2;
	v1 =	vadd.f32 v52, v1  }
0xfd: {  	v38 =	vld [tilespmem:$0x25C0];
	v3 =	vadd.f32 v53, v3;
	v0 =	vadd.f32 v55, v0  }
0xfe: {  	v34 =	vld [tilespmem:$0x2580];
	v2 =	vadd.f32 v50, v2;
	v1 =	vadd.f32 v56, v1  }
0xff: {  	v40 =	vld [tilespmem:$0x25E0];
	v3 =	vadd.f32 v57, v3;
	v0 =	vadd.f32 v59, v0  }
0x100: {  	v36 =	vld [tilespmem:$0x25A0];
	v2 =	vadd.f32 v54, v2;
	v1 =	vadd.f32 v60, v1  }
0x101: {  	v37 =	vld [tilespmem:$0x25B0];
	v3 =	vadd.f32 v61, v3;
	v0 =	vadd.f32 v63, v0  }
0x102: {  	v42 =	vld [tilespmem:$0x2600];
	v2 =	vadd.f32 v58, v2;
	v1 =	vadd.f32 v31, v1  }
0x103: {  	v43 =	vld [tilespmem:$0x2610];
	v3 =	vadd.f32 v32, v3;
	v0 =	vadd.f32 v34, v0  }
0x104: {  	v44 =	vld [tilespmem:$0x2620];
	v2 =	vadd.f32 v62, v2;
	v1 =	vadd.f32 v35, v1  }
0x105: {  	v46 =	vld [tilespmem:$0x2650];
	v3 =	vadd.f32 v36, v3;
	v0 =	vadd.f32 v38, v0  }
0x106: {  	v48 =	vld [tilespmem:$0x2660];
	v2 =	vadd.f32 v33, v2;
	v1 =	vadd.f32 v39, v1  }
0x107: {  	v47 =	vld [tilespmem:$0x2630];
	v3 =	vadd.f32 v40, v3;
	v0 =	vadd.f32 v42, v0  }
0x108: {  	v2 =	vadd.f32 v37, v2;
	v1 =	vadd.f32 v43, v1  }
0x109: {  	v49 =	vld [tilespmem:$0x2670];
	v3 =	vadd.f32 v44, v3;
	v0 =	vadd.f32 v45, v0  }
0x10a: {  	v2 =	vadd.f32 v41, v2;
	v1 =	vadd.f32 v46, v1  }
0x10b: {  	v3 =	vadd.f32 v48, v3  }
0x10c: {  	v50 =	vmul.f32 v0, v0;
	v2 =	vadd.f32 v47, v2;
	v51 =	vmul.f32 v1, v1;
	_ =	sdelay $0x1  }
0x10d: {  	v52 =	vmul.f32 v3, v3;
	v2 =	vadd.f32 v49, v2;
	v4 =	vadd.f32 v51, v50  }
0x10e: {  	v54 =	vld [tilespmem:$0x1FFC0]  }
0x10f: {  	v53 =	vmul.f32 v2, v2;
	v4 =	vadd.f32 v52, v4;
	_ =	sdelay $0x1  }
0x110: {  	v4 =	vadd.f32 v53, v4  }
0x111: {  	v55 =	vld [tilespmem:$0x1FFD0]  }
0x112: {  	v5 =	vperm.xlane v4, v54;
	_ =	sdelay $0x1  }
0x113: {  	v4 =	vadd.f32 v4, v5  }
0x114: {  	v56 =	vld [tilespmem:$0x1FFE0]  }
0x115: {  	v5 =	vperm.xlane v4, v55;
	_ =	sdelay $0x1  }
0x116: {  	v4 =	vadd.f32 v4, v5  }
0x117: {  	v57 =	vld [tilespmem:$0x1FFF0]  }
0x118: {  	v5 =	vperm.xlane v4, v56;
	_ =	sdelay $0x1  }
0x119: {  	v4 =	vadd.f32 v4, v5;
	_ =	sdelay $0x1  }
0x11a: {  	v5 =	vperm.xlane v4, v57;
	_ =	sdelay $0x1  }
0x11b: {  	v4 =	vadd.f32 v4, v5;
	_ =	sdelay $0x1  }
0x11c: {  	v4 =	vmax.f32 v4, $1.000000020e-24  }
0x11d: {  	v58 =	vshra.s32 v4, $0x1;
	v4 =	vmul.f32 $5.000000000e-01, v4  }
0x11e: {  	v5 =	vsub.s32 $0x5F3759DF, v58  }
0x11f: {  	v59 =	vmul.f32 v5, v4;
	_ =	sdelay $0x1  }
0x120: {  	v6 =	vmul.f32 v5, v59;
	_ =	sdelay $0x1  }
0x121: {  	v6 =	vsub.f32 $1.500000000e+00, v6;
	_ =	sdelay $0x1  }
0x122: {  	v5 =	vmul.f32 v5, v6;
	_ =	sdelay $0x1  }
0x123: {  	v6 =	vmul.f32 v5, v4;
	_ =	sdelay $0x1  }
0x124: {  	v6 =	vmul.f32 v6, v5;
	_ =	sdelay $0x1  }
0x125: {  	v6 =	vsub.f32 $1.500000000e+00, v6;
	_ =	sdelay $0x1  }
0x126: {  	v5 =	vmul.f32 v6, v5;
	_ =	sdelay $0x1  }
0x127: {  	v4 =	vmul.f32 v5, v4;
	_ =	sdelay $0x1  }
0x128: {  	v4 =	vmul.f32 v4, v5;
	_ =	sdelay $0x1  }
0x129: {  	v4 =	vsub.f32 $1.500000000e+00, v4;
	_ =	sdelay $0x1  }
0x12a: {  	v4 =	vmul.f32 v4, v5;
	_ =	sdelay $0x1  }
0x12b: {  	v0 =	vmul.f32 v4, v0  }
0x12c: {  	v1 =	vmul.f32 v4, v1  }
0x12d: {  	v60 =	vmul.f32 v4, v3;
	[tilespmem:s16+$0xFFFFFF80] =	vst v0  }
0x12e: {  	v61 =	vmul.f32 v4, v2;
	[tilespmem:s16+$0xFFFFFF90] =	vst v1  }
0x12f: {  	[tilespmem:s16+$0xFFFFFFA0] =	vst v60  }
0x130: {  	[tilespmem:s16+$0xFFFFFFB0] =	vst v61  }
0x131: {  	v60 =	vld [tilespmem:$0x2A70];
	_ =	sdelay $0x4  }
0x132: {  	[tilespmem:$0x1F830] =	vst v60;
	v60 =	vld [tilespmem:$0x2AA0]  }
0x133: {  	v0 =	vld [tilespmem:$0x2680]  }
0x134: {  	v1 =	vld [tilespmem:$0x2690]  }
0x135: {  	v2 =	vld [tilespmem:$0x26A0]  }
0x136: {  	v5 =	vld [tilespmem:$0x26B0]  }
0x137: {  	[tilespmem:$0x1F840] =	vst v60;
	v60 =	vld [tilespmem:$0x2AB0]  }
0x138: {  	v6 =	vld [tilespmem:$0x26C0]  }
0x139: {  	v10 =	vld [tilespmem:$0x26D0]  }
0x13a: {  	v20 =	vld [tilespmem:$0x26E0]  }
0x13b: {  	v21 =	vld [tilespmem:$0x26F0]  }
0x13c: {  	[tilespmem:$0x1F870] =	vst v60;
	v60 =	vld [tilespmem:$0x2AC0]  }
0x13d: {  	v26 =	vld [tilespmem:$0x2700]  }
0x13e: {  	v27 =	vld [tilespmem:$0x2710]  }
0x13f: {  	v36 =	vld [tilespmem:$0x2720]  }
0x140: {  	v37 =	vld [tilespmem:$0x2730]  }
0x141: {  	[tilespmem:$0x1F850] =	vst v60;
	v60 =	vld [tilespmem:$0x2AD0]  }
0x142: {  	v42 =	vld [tilespmem:$0x2740]  }
0x143: {  	v43 =	vld [tilespmem:$0x2750]  }
0x144: {  	v52 =	vld [tilespmem:$0x2760]  }
0x145: {  	v53 =	vld [tilespmem:$0x2770]  }
0x146: {  	[tilespmem:$0x1F860] =	vst v60;
	v60 =	vld [tilespmem:$0x2AE0]  }
0x147: {  	v58 =	vld [tilespmem:$0x2780]  }
0x148: {  	v59 =	vld [tilespmem:$0x2790]  }
0x149: {  	v15 =	vld [tilespmem:$0x27A0]  }
0x14a: {  	v11 =	vld [tilespmem:$0x27B0]  }
0x14b: {  	[tilespmem:$0x1F880] =	vst v60;
	v60 =	vld [tilespmem:$0x2AF0]  }
0x14c: {  	v3 =	vld [tilespmem:$0x27C0]  }
0x14d: {  	v4 =	vld [tilespmem:$0x27D0]  }
0x14e: {  	v7 =	vld [tilespmem:$0x27E0]  }
0x14f: {  	v16 =	vld [tilespmem:$0x27F0]  }
0x150: {  	[tilespmem:$0x1F8B0] =	vst v60;
	v60 =	vld [tilespmem:$0x2B00]  }
0x151: {  	v8 =	vld [tilespmem:$0x2800]  }
0x152: {  	v9 =	vld [tilespmem:$0x2810]  }
0x153: {  	v12 =	vld [tilespmem:$0x2820]  }
0x154: {  	v22 =	vld [tilespmem:$0x2830]  }
0x155: {  	[tilespmem:$0x1F890] =	vst v60;
	v60 =	vld [tilespmem:$0x2B10]  }
0x156: {  	v13 =	vld [tilespmem:$0x2840]  }
0x157: {  	v14 =	vld [tilespmem:$0x2850]  }
0x158: {  	v17 =	vld [tilespmem:$0x2860]  }
0x159: {  	v28 =	vld [tilespmem:$0x2870]  }
0x15a: {  	[tilespmem:$0x1F8A0] =	vst v60;
	v60 =	vld [tilespmem:$0x2B20]  }
0x15b: {  	v18 =	vld [tilespmem:$0x2880]  }
0x15c: {  	v19 =	vld [tilespmem:$0x2890]  }
0x15d: {  	v23 =	vld [tilespmem:$0x28A0]  }
0x15e: {  	v32 =	vld [tilespmem:$0x28B0]  }
0x15f: {  	[tilespmem:$0x1F8C0] =	vst v60;
	v60 =	vld [tilespmem:$0x2B30]  }
0x160: {  	v24 =	vld [tilespmem:$0x28C0]  }
0x161: {  	v25 =	vld [tilespmem:$0x28D0]  }
0x162: {  	v29 =	vld [tilespmem:$0x28E0]  }
0x163: {  	v38 =	vld [tilespmem:$0x28F0]  }
0x164: {  	[tilespmem:$0x1F8F0] =	vst v60;
	v60 =	vld [tilespmem:$0x2B40]  }
0x165: {  	v30 =	vld [tilespmem:$0x2900]  }
0x166: {  	v31 =	vld [tilespmem:$0x2910]  }
0x167: {  	v33 =	vld [tilespmem:$0x2920]  }
0x168: {  	v44 =	vld [tilespmem:$0x2930]  }
0x169: {  	[tilespmem:$0x1F8D0] =	vst v60;
	v60 =	vld [tilespmem:$0x2B50]  }
0x16a: {  	v34 =	vld [tilespmem:$0x2940]  }
0x16b: {  	v35 =	vld [tilespmem:$0x2950]  }
0x16c: {  	v39 =	vld [tilespmem:$0x2960]  }
0x16d: {  	v48 =	vld [tilespmem:$0x2970]  }
0x16e: {  	[tilespmem:$0x1F8E0] =	vst v60;
	v60 =	vld [tilespmem:$0x2B60]  }
0x16f: {  	v40 =	vld [tilespmem:$0x2980]  }
0x170: {  	v41 =	vld [tilespmem:$0x2990]  }
0x171: {  	v45 =	vld [tilespmem:$0x29A0]  }
0x172: {  	v54 =	vld [tilespmem:$0x29B0]  }
0x173: {  	[tilespmem:$0x1F900] =	vst v60;
	v60 =	vld [tilespmem:$0x2B70]  }
0x174: {  	v46 =	vld [tilespmem:$0x29C0]  }
0x175: {  	v47 =	vld [tilespmem:$0x29D0]  }
0x176: {  	v49 =	vld [tilespmem:$0x29E0]  }
0x177: {  	v62 =	vld [tilespmem:$0x29F0]  }
0x178: {  	[tilespmem:$0x1F930] =	vst v60;
	v60 =	vld [tilespmem:$0x2B80]  }
0x179: {  	v50 =	vld [tilespmem:$0x2A00]  }
0x17a: {  	v51 =	vld [tilespmem:$0x2A10]  }
0x17b: {  	v55 =	vld [tilespmem:$0x2A20]  }
0x17c: {  	v63 =	vld [tilespmem:$0x2A30]  }
0x17d: {  	[tilespmem:$0x1F910] =	vst v60;
	v60 =	vld [tilespmem:$0x2B90]  }
0x17e: {  	v56 =	vld [tilespmem:$0x2A40]  }
0x17f: {  	v57 =	vld [tilespmem:$0x2A50]  }
0x180: {  	v61 =	vld [tilespmem:$0x2A60]  }
0x181: {  	[tilespmem:$0x1F810] =	vst v62;
	v62 =	vld [tilespmem:$0x2A80]  }
0x182: {  	[tilespmem:$0x1F920] =	vst v60;
	v60 =	vld [tilespmem:$0x2BA0]  }
0x183: {  	[tilespmem:$0x1F820] =	vst v63;
	v63 =	vld [tilespmem:$0x2A90]  }
0x184: {  	v6 =	vadd.f32 v6, v0;
	v0 =	vld [tilespmem:$0x2D10]  }
0x185: {  	v1 =	vadd.f32 v10, v1;
	v10 =	vld [tilespmem:$0x2D20]  }
0x186: {  	v2 =	vadd.f32 v20, v2;
	v20 =	vld [tilespmem:$0x2D40]  }
0x187: {  	[tilespmem:$0x1F940] =	vst v60;
	v60 =	vld [tilespmem:$0x2BB0]  }
0x188: {  	v5 =	vadd.f32 v21, v5;
	v21 =	vld [tilespmem:$0x2D70]  }
0x189: {  	v26 =	vadd.f32 v26, v6;
	v6 =	vld [tilespmem:$0x2D30]  }
0x18a: {  	v1 =	vadd.f32 v27, v1;
	v27 =	vld [tilespmem:$0x2D60]  }
0x18b: {  	v2 =	vadd.f32 v36, v2;
	v36 =	vld [tilespmem:$0x2D80]  }
0x18c: {  	[tilespmem:$0x1F970] =	vst v60;
	v60 =	vld [tilespmem:$0x2BC0]  }
0x18d: {  	v5 =	vadd.f32 v37, v5;
	v37 =	vld [tilespmem:$0x2DB0]  }
0x18e: {  	v42 =	vadd.f32 v42, v26;
	v26 =	vld [tilespmem:$0x2D50]  }
0x18f: {  	v1 =	vadd.f32 v43, v1;
	v43 =	vld [tilespmem:$0x2DA0]  }
0x190: {  	v2 =	vadd.f32 v52, v2;
	v52 =	vadd.f32 v58, v42;
	v42 =	vld [tilespmem:$0x2D90]  }
0x191: {  	[tilespmem:$0x1F950] =	vst v60;
	v60 =	vld [tilespmem:$0x2BD0]  }
0x192: {  	v5 =	vadd.f32 v53, v5;
	v58 =	vld [tilespmem:$0x2DD0]  }
0x193: {  	v1 =	vadd.f32 v59, v1;
	v59 =	vld [tilespmem:$0x2DE0]  }
0x194: {  	v53 =	vadd.f32 v11, v5;
	v5 =	vld [tilespmem:$0x2E00]  }
0x195: {  	v11 =	vld [tilespmem:$0x2E40]  }
0x196: {  	[tilespmem:$0x1F960] =	vst v60;
	v60 =	vld [tilespmem:$0x2BE0]  }
0x197: {  	v2 =	vadd.f32 v15, v2;
	v15 =	vld [tilespmem:$0x2E80]  }
0x198: {  	v3 =	vadd.f32 v3, v52;
	v52 =	vld [tilespmem:$0x2DC0]  }
0x199: {  	v1 =	vadd.f32 v4, v1;
	v4 =	vadd.f32 v16, v53;
	v53 =	vld [tilespmem:$0x2DF0]  }
0x19a: {  	v2 =	vadd.f32 v7, v2;
	v7 =	vld [tilespmem:$0x2E10]  }
0x19b: {  	[tilespmem:$0x1F980] =	vst v60;
	v60 =	vld [tilespmem:$0x2BF0]  }
0x19c: {  	v16 =	vld [tilespmem:$0x2E90]  }
0x19d: {  	v3 =	vadd.f32 v8, v3;
	v8 =	vld [tilespmem:$0x2E20]  }
0x19e: {  	v1 =	vadd.f32 v9, v1;
	v9 =	vld [tilespmem:$0x2E30]  }
0x19f: {  	v2 =	vadd.f32 v12, v2;
	v12 =	vld [tilespmem:$0x2E50]  }
0x1a0: {  	[tilespmem:$0x1F9B0] =	vst v60;
	v60 =	vld [tilespmem:$0x2C00]  }
0x1a1: {  	v4 =	vadd.f32 v22, v4;
	v22 =	vld [tilespmem:$0x2ED0]  }
0x1a2: {  	v3 =	vadd.f32 v13, v3;
	v13 =	vld [tilespmem:$0x2E60]  }
0x1a3: {  	v1 =	vadd.f32 v14, v1;
	v14 =	vld [tilespmem:$0x2E70]  }
0x1a4: {  	v2 =	vadd.f32 v17, v2;
	v17 =	vld [tilespmem:$0x2EA0]  }
0x1a5: {  	[tilespmem:$0x1F990] =	vst v60;
	v60 =	vld [tilespmem:$0x2C10]  }
0x1a6: {  	v4 =	vadd.f32 v28, v4;
	v28 =	vld [tilespmem:$0x2F10];
	v2 =	vadd.f32 v23, v2  }
0x1a7: {  	v3 =	vadd.f32 v18, v3;
	v18 =	vld [tilespmem:$0x2EB0]  }
0x1a8: {  	v1 =	vadd.f32 v19, v1;
	v19 =	vld [tilespmem:$0x2EC0];
	v2 =	vadd.f32 v29, v2  }
0x1a9: {  	v4 =	vadd.f32 v32, v4;
	v23 =	vld [tilespmem:$0x2EE0];
	v3 =	vadd.f32 v24, v3  }
0x1aa: {  	v1 =	vadd.f32 v25, v1;
	v2 =	vadd.f32 v33, v2;
	[tilespmem:$0x1F9A0] =	vst v60;
	v60 =	vld [tilespmem:$0x2C20]  }
0x1ab: {  	v4 =	vadd.f32 v38, v4;
	v24 =	vld [tilespmem:$0x2EF0];
	v3 =	vadd.f32 v30, v3  }
0x1ac: {  	v25 =	vld [tilespmem:$0x2F00];
	v1 =	vadd.f32 v31, v1;
	v2 =	vadd.f32 v39, v2  }
0x1ad: {  	v29 =	vld [tilespmem:$0x2F20];
	v4 =	vadd.f32 v44, v4;
	v3 =	vadd.f32 v34, v3  }
0x1ae: {  	v30 =	vld [tilespmem:$0x2F30];
	v1 =	vadd.f32 v35, v1;
	v2 =	vadd.f32 v45, v2  }
0x1af: {  	v4 =	vadd.f32 v48, v4;
	v3 =	vadd.f32 v40, v3;
	[tilespmem:$0x1F9C0] =	vst v60;
	v60 =	vld [tilespmem:$0x2C30]  }
0x1b0: {  	v31 =	vld [tilespmem:$0x2F40];
	v1 =	vadd.f32 v41, v1;
	v2 =	vadd.f32 v49, v2  }
0x1b1: {  	v4 =	vadd.f32 v54, v4;
	v54 =	vld [tilespmem:$0x1F810];
	v3 =	vadd.f32 v46, v3  }
0x1b2: {  	v1 =	vadd.f32 v47, v1;
	v2 =	vadd.f32 v55, v2;
	v55 =	vld [tilespmem:$0x1F820]  }
0x1b3: {  	v3 =	vadd.f32 v50, v3;
	v32 =	vld [tilespmem:$0x1F880]  }
0x1b4: {  	v1 =	vadd.f32 v51, v1;
	[tilespmem:$0x1F9F0] =	vst v60;
	v60 =	vld [tilespmem:$0x2C40]  }
0x1b5: {  	v3 =	vadd.f32 v56, v3;
	v56 =	vld [tilespmem:$0x1F830]  }
0x1b6: {  	v1 =	vadd.f32 v57, v1;
	v57 =	vld [tilespmem:$0x1F840]  }
0x1b7: {  	v4 =	vadd.f32 v54, v4;
	v2 =	vadd.f32 v61, v2;
	v61 =	vld [tilespmem:$0x1F850]  }
0x1b8: {  	v1 =	vadd.f32 v63, v1;
	v63 =	vld [tilespmem:$0x1F870]  }
0x1b9: {  	v4 =	vadd.f32 v55, v4;
	[tilespmem:$0x1F9D0] =	vst v60;
	v60 =	vld [tilespmem:$0x2C50]  }
0x1ba: {  	v3 =	vadd.f32 v62, v3;
	v35 =	vld [tilespmem:$0x1F8B0]  }
0x1bb: {  	v62 =	vld [tilespmem:$0x1F860];
	v4 =	vadd.f32 v56, v4;
	v2 =	vadd.f32 v57, v2  }
0x1bc: {  	v33 =	vld [tilespmem:$0x1F890]  }
0x1bd: {  	v4 =	vadd.f32 v63, v4;
	v2 =	vadd.f32 v32, v2;
	v32 =	vld [tilespmem:$0x2F50]  }
0x1be: {  	[tilespmem:$0x1F9E0] =	vst v60;
	v60 =	vld [tilespmem:$0x2C60]  }
0x1bf: {  	v3 =	vadd.f32 v61, v3;
	v4 =	vadd.f32 v35, v4;
	v35 =	vld [tilespmem:$0x2F80]  }
0x1c0: {  	v34 =	vld [tilespmem:$0x1F8A0]  }
0x1c1: {  	v3 =	vadd.f32 v33, v3;
	v33 =	vld [tilespmem:$0x2F60]  }
0x1c2: {  	v38 =	vld [tilespmem:$0x1F8C0]  }
0x1c3: {  	v1 =	vadd.f32 v62, v1;
	[tilespmem:$0x1FA00] =	vst v60;
	v60 =	vld [tilespmem:$0x2C70]  }
0x1c4: {  	v41 =	vld [tilespmem:$0x1F8F0]  }
0x1c5: {  	v1 =	vadd.f32 v34, v1;
	v34 =	vld [tilespmem:$0x2F70]  }
0x1c6: {  	v39 =	vld [tilespmem:$0x1F8D0]  }
0x1c7: {  	v2 =	vadd.f32 v38, v2;
	v38 =	vld [tilespmem:$0x2F90]  }
0x1c8: {  	[tilespmem:$0x1FA30] =	vst v60;
	v60 =	vld [tilespmem:$0x2C80]  }
0x1c9: {  	v4 =	vadd.f32 v41, v4;
	v41 =	vld [tilespmem:$0x2FC0]  }
0x1ca: {  	v40 =	vld [tilespmem:$0x1F8E0]  }
0x1cb: {  	v3 =	vadd.f32 v39, v3;
	v39 =	vld [tilespmem:$0x2FA0]  }
0x1cc: {  	v44 =	vld [tilespmem:$0x1F900]  }
0x1cd: {  	[tilespmem:$0x1FA10] =	vst v60;
	v60 =	vld [tilespmem:$0x2C90]  }
0x1ce: {  	v47 =	vld [tilespmem:$0x1F930]  }
0x1cf: {  	v1 =	vadd.f32 v40, v1;
	v40 =	vld [tilespmem:$0x2FB0]  }
0x1d0: {  	v45 =	vld [tilespmem:$0x1F910]  }
0x1d1: {  	v2 =	vadd.f32 v44, v2;
	v44 =	vld [tilespmem:$0x2FD0]  }
0x1d2: {  	[tilespmem:$0x1FA20] =	vst v60;
	v60 =	vld [tilespmem:$0x2CA0]  }
0x1d3: {  	v4 =	vadd.f32 v47, v4;
	v47 =	vld [tilespmem:$0x3000]  }
0x1d4: {  	v46 =	vld [tilespmem:$0x1F920]  }
0x1d5: {  	v3 =	vadd.f32 v45, v3;
	v45 =	vld [tilespmem:$0x2FE0]  }
0x1d6: {  	v48 =	vld [tilespmem:$0x1F940]  }
0x1d7: {  	[tilespmem:$0x1FA40] =	vst v60;
	v60 =	vld [tilespmem:$0x2CB0]  }
0x1d8: {  	v51 =	vld [tilespmem:$0x1F970]  }
0x1d9: {  	v49 =	vld [tilespmem:$0x1F950]  }
0x1da: {  	v50 =	vld [tilespmem:$0x1F960]  }
0x1db: {  	v54 =	vld [tilespmem:$0x1F980]  }
0x1dc: {  	[tilespmem:$0x1FA70] =	vst v60;
	v60 =	vld [tilespmem:$0x2CC0]  }
0x1dd: {  	v57 =	vld [tilespmem:$0x1F9B0]  }
0x1de: {  	v55 =	vld [tilespmem:$0x1F990]  }
0x1df: {  	v56 =	vld [tilespmem:$0x1F9A0]  }
0x1e0: {  	v61 =	vld [tilespmem:$0x1F9C0]  }
0x1e1: {  	[tilespmem:$0x1FA50] =	vst v60;
	v60 =	vld [tilespmem:$0x2CD0]  }
0x1e2: {  	v2 =	vadd.f32 v48, v2;
	v48 =	vld [tilespmem:$0x1F9F0]  }
0x1e3: {  	v62 =	vld [tilespmem:$0x1F9D0]  }
0x1e4: {  	v63 =	vld [tilespmem:$0x1F9E0]  }
0x1e5: {  	v3 =	vadd.f32 v49, v3;
	v49 =	vld [tilespmem:$0x1FA00]  }
0x1e6: {  	v1 =	vadd.f32 v46, v1;
	[tilespmem:$0x1FA60] =	vst v60;
	v60 =	vld [tilespmem:$0x2CE0]  }
0x1e7: {  	v2 =	vadd.f32 v54, v2;
	v54 =	vld [tilespmem:$0x1FA30]  }
0x1e8: {  	v1 =	vadd.f32 v50, v1;
	v50 =	vld [tilespmem:$0x1FA10]  }
0x1e9: {  	v4 =	vadd.f32 v51, v4;
	v51 =	vld [tilespmem:$0x1FA20]  }
0x1ea: {  	v3 =	vadd.f32 v55, v3;
	v55 =	vld [tilespmem:$0x1FA40]  }
0x1eb: {  	[tilespmem:$0x1FA80] =	vst v60;
	v60 =	vld [tilespmem:$0x2CF0]  }
0x1ec: {  	v1 =	vadd.f32 v56, v1;
	v2 =	vadd.f32 v61, v2;
	v61 =	vld [tilespmem:$0x1FA70]  }
0x1ed: {  	v4 =	vadd.f32 v57, v4;
	v57 =	vld [tilespmem:$0x1FA60]  }
0x1ee: {  	v1 =	vadd.f32 v63, v1;
	v56 =	vld [tilespmem:$0x1FA50]  }
0x1ef: {  	v3 =	vadd.f32 v62, v3;
	v62 =	vld [tilespmem:$0x1FA80]  }
0x1f0: {  	v2 =	vadd.f32 v49, v2;
	v1 =	vadd.f32 v51, v1;
	[tilespmem:$0x1FA90] =	vst v60;
	v60 =	vld [tilespmem:$0x2D00]  }
0x1f1: {  	v46 =	vld [tilespmem:$0x2FF0];
	v4 =	vadd.f32 v48, v4;
	v3 =	vadd.f32 v50, v3  }
0x1f2: {  	v2 =	vadd.f32 v55, v2;
	v1 =	vadd.f32 v57, v1;
	v63 =	vld [tilespmem:$0x1FA90]  }
0x1f3: {  	v48 =	vld [tilespmem:$0x3010];
	v4 =	vadd.f32 v54, v4;
	v3 =	vadd.f32 v56, v3  }
0x1f4: {  	v49 =	vld [tilespmem:$0x3020];
	v0 =	vadd.f32 v0, v1;
	v2 =	vadd.f32 v62, v2  }
0x1f5: {  	v54 =	vld [tilespmem:$0x3130];
	v4 =	vadd.f32 v61, v4;
	v3 =	vadd.f32 v60, v3  }
0x1f6: {  	v50 =	vld [tilespmem:$0x30F0];
	v0 =	vadd.f32 v26, v0;
	v2 =	vadd.f32 v10, v2  }
0x1f7: {  	v51 =	vld [tilespmem:$0x3100];
	v4 =	vadd.f32 v63, v4;
	v3 =	vadd.f32 v20, v3  }
0x1f8: {  	v55 =	vld [tilespmem:$0x3140];
	v0 =	vadd.f32 v42, v0;
	v2 =	vadd.f32 v27, v2  }
0x1f9: {  	v61 =	vld [tilespmem:$0x31A0];
	v4 =	vadd.f32 v6, v4;
	v3 =	vadd.f32 v36, v3  }
0x1fa: {  	v56 =	vld [tilespmem:$0x3150];
	v0 =	vadd.f32 v58, v0;
	v2 =	vadd.f32 v43, v2  }
0x1fb: {  	v57 =	vld [tilespmem:$0x3160];
	v4 =	vadd.f32 v21, v4;
	v3 =	vadd.f32 v52, v3  }
0x1fc: {  	v1 =	vld [tilespmem:$0x3030];
	v0 =	vadd.f32 v7, v0;
	v2 =	vadd.f32 v59, v2  }
0x1fd: {  	v26 =	vld [tilespmem:$0x3070];
	v4 =	vadd.f32 v37, v4;
	v3 =	vadd.f32 v5, v3  }
0x1fe: {  	v62 =	vld [tilespmem:$0x31B0];
	v0 =	vadd.f32 v12, v0;
	v2 =	vadd.f32 v8, v2  }
0x1ff: {  	v42 =	vld [tilespmem:$0x30D0];
	v4 =	vadd.f32 v53, v4;
	v3 =	vadd.f32 v11, v3  }
0x200: {  	v10 =	vld [tilespmem:$0x3040];
	v0 =	vadd.f32 v16, v0;
	v2 =	vadd.f32 v13, v2  }
0x201: {  	v58 =	vld [tilespmem:$0x3170];
	v4 =	vadd.f32 v9, v4;
	v3 =	vadd.f32 v15, v3  }
0x202: {  	v27 =	vld [tilespmem:$0x3090];
	v0 =	vadd.f32 v22, v0;
	v2 =	vadd.f32 v17, v2  }
0x203: {  	v60 =	vld [tilespmem:$0x3190];
	v4 =	vadd.f32 v14, v4;
	v3 =	vadd.f32 v19, v3  }
0x204: {  	v63 =	vld [tilespmem:$0x31C0];
	v0 =	vadd.f32 v28, v0;
	v2 =	vadd.f32 v23, v2  }
0x205: {  	v20 =	vld [tilespmem:$0x3050];
	v4 =	vadd.f32 v18, v4;
	v3 =	vadd.f32 v25, v3  }
0x206: {  	v43 =	vld [tilespmem:$0x30E0];
	v0 =	vadd.f32 v32, v0;
	v2 =	vadd.f32 v29, v2  }
0x207: {  	v6 =	vld [tilespmem:$0x3060];
	v4 =	vadd.f32 v24, v4;
	v3 =	vadd.f32 v31, v3  }
0x208: {  	v36 =	vld [tilespmem:$0x30A0];
	v0 =	vadd.f32 v38, v0;
	v2 =	vadd.f32 v33, v2  }
0x209: {  	v59 =	vld [tilespmem:$0x3180];
	v4 =	vadd.f32 v30, v4;
	v3 =	vadd.f32 v35, v3  }
0x20a: {  	v21 =	vld [tilespmem:$0x3080];
	v0 =	vadd.f32 v44, v0;
	v2 =	vadd.f32 v39, v2  }
0x20b: {  	v52 =	vld [tilespmem:$0x3110];
	v4 =	vadd.f32 v34, v4;
	v3 =	vadd.f32 v41, v3  }
0x20c: {  	v37 =	vld [tilespmem:$0x30C0];
	v0 =	vadd.f32 v48, v0;
	v2 =	vadd.f32 v45, v2  }
0x20d: {  	v5 =	vld [tilespmem:$0x30B0];
	v4 =	vadd.f32 v40, v4;
	v3 =	vadd.f32 v47, v3  }
0x20e: {  	v53 =	vld [tilespmem:$0x3120];
	v0 =	vadd.f32 v20, v0;
	v2 =	vadd.f32 v49, v2  }
0x20f: {  	v32 =	vld [tilespmem:$0x31E0];
	v4 =	vadd.f32 v46, v4;
	v3 =	vadd.f32 v10, v3  }
0x210: {  	v38 =	vld [tilespmem:$0x3240];
	v0 =	vadd.f32 v27, v0;
	v2 =	vadd.f32 v6, v2  }
0x211: {  	v44 =	vld [tilespmem:$0x32A0];
	v1 =	vadd.f32 v1, v4;
	v3 =	vadd.f32 v21, v3  }
0x212: {  	v33 =	vld [tilespmem:$0x31F0];
	v0 =	vadd.f32 v42, v0;
	v2 =	vadd.f32 v36, v2  }
0x213: {  	v31 =	vld [tilespmem:$0x31D0];
	v1 =	vadd.f32 v26, v1;
	v3 =	vadd.f32 v37, v3  }
0x214: {  	v39 =	vld [tilespmem:$0x3250];
	v0 =	vadd.f32 v52, v0;
	v2 =	vadd.f32 v43, v2  }
0x215: {  	v35 =	vld [tilespmem:$0x3210];
	v1 =	vadd.f32 v5, v1;
	v3 =	vadd.f32 v51, v3  }
0x216: {  	v45 =	vld [tilespmem:$0x32C0];
	v0 =	vadd.f32 v56, v0;
	v2 =	vadd.f32 v53, v2  }
0x217: {  	v34 =	vld [tilespmem:$0x3200];
	v1 =	vadd.f32 v50, v1;
	v3 =	vadd.f32 v55, v3  }
0x218: {  	v40 =	vld [tilespmem:$0x3260];
	v0 =	vadd.f32 v60, v0;
	v2 =	vadd.f32 v57, v2  }
0x219: {  	v36 =	vld [tilespmem:$0x3220];
	v1 =	vadd.f32 v54, v1;
	v3 =	vadd.f32 v59, v3  }
0x21a: {  	v42 =	vld [tilespmem:$0x3280];
	v0 =	vadd.f32 v31, v0;
	v2 =	vadd.f32 v61, v2  }
0x21b: {  	v43 =	vld [tilespmem:$0x3290];
	v1 =	vadd.f32 v58, v1;
	v3 =	vadd.f32 v63, v3  }
0x21c: {  	v37 =	vld [tilespmem:$0x3230];
	v0 =	vadd.f32 v35, v0;
	v2 =	vadd.f32 v32, v2  }
0x21d: {  	v46 =	vld [tilespmem:$0x32D0];
	v1 =	vadd.f32 v62, v1;
	v3 =	vadd.f32 v34, v3  }
0x21e: {  	v41 =	vld [tilespmem:$0x3270];
	v0 =	vadd.f32 v39, v0;
	v2 =	vadd.f32 v36, v2  }
0x21f: {  	v48 =	vld [tilespmem:$0x32E0];
	v1 =	vadd.f32 v33, v1;
	v3 =	vadd.f32 v38, v3  }
0x220: {  	v47 =	vld [tilespmem:$0x32B0];
	v0 =	vadd.f32 v43, v0;
	v2 =	vadd.f32 v40, v2  }
0x221: {  	v1 =	vadd.f32 v37, v1;
	v3 =	vadd.f32 v42, v3  }
0x222: {  	v49 =	vld [tilespmem:$0x32F0];
	v0 =	vadd.f32 v46, v0;
	v2 =	vadd.f32 v44, v2  }
0x223: {  	v1 =	vadd.f32 v41, v1;
	v3 =	vadd.f32 v45, v3  }
0x224: {  	v51 =	vmul.f32 v0, v0  }
0x225: {  	v2 =	vadd.f32 v48, v2;
	v1 =	vadd.f32 v47, v1;
	v50 =	vmul.f32 v3, v3;
	_ =	sdelay $0x1  }
0x226: {  	v53 =	vmul.f32 v2, v2;
	v1 =	vadd.f32 v49, v1;
	v52 =	vadd.f32 v51, v50  }
0x227: {  	v55 =	vld [tilespmem:$0x1FFC0]  }
0x228: {  	v54 =	vmul.f32 v1, v1;
	v4 =	vadd.f32 v53, v52;
	_ =	sdelay $0x1  }
0x229: {  	v4 =	vadd.f32 v54, v4  }
0x22a: {  	v56 =	vld [tilespmem:$0x1FFD0]  }
0x22b: {  	v5 =	vperm.xlane v4, v55;
	_ =	sdelay $0x1  }
0x22c: {  	v4 =	vadd.f32 v4, v5  }
0x22d: {  	v57 =	vld [tilespmem:$0x1FFE0]  }
0x22e: {  	v5 =	vperm.xlane v4, v56;
	_ =	sdelay $0x1  }
0x22f: {  	v4 =	vadd.f32 v4, v5  }
0x230: {  	v58 =	vld [tilespmem:$0x1FFF0]  }
0x231: {  	v5 =	vperm.xlane v4, v57;
	_ =	sdelay $0x1  }
0x232: {  	v4 =	vadd.f32 v4, v5;
	_ =	sdelay $0x1  }
0x233: {  	v5 =	vperm.xlane v4, v58;
	_ =	sdelay $0x1  }
0x234: {  	v4 =	vadd.f32 v4, v5;
	_ =	sdelay $0x1  }
0x235: {  	v4 =	vmax.f32 v4, $1.000000020e-24  }
0x236: {  	v59 =	vshra.s32 v4, $0x1;
	v4 =	vmul.f32 $5.000000000e-01, v4  }
0x237: {  	v5 =	vsub.s32 $0x5F3759DF, v59  }
0x238: {  	v60 =	vmul.f32 v5, v4;
	_ =	sdelay $0x1  }
0x239: {  	v6 =	vmul.f32 v5, v60;
	_ =	sdelay $0x1  }
0x23a: {  	v6 =	vsub.f32 $1.500000000e+00, v6;
	_ =	sdelay $0x1  }
0x23b: {  	v5 =	vmul.f32 v5, v6;
	_ =	sdelay $0x1  }
0x23c: {  	v6 =	vmul.f32 v5, v4;
	_ =	sdelay $0x1  }
0x23d: {  	v6 =	vmul.f32 v6, v5;
	_ =	sdelay $0x1  }
0x23e: {  	v6 =	vsub.f32 $1.500000000e+00, v6;
	_ =	sdelay $0x1  }
0x23f: {  	v5 =	vmul.f32 v6, v5;
	_ =	sdelay $0x1  }
0x240: {  	v4 =	vmul.f32 v5, v4;
	_ =	sdelay $0x1  }
0x241: {  	v4 =	vmul.f32 v4, v5;
	_ =	sdelay $0x1  }
0x242: {  	v4 =	vsub.f32 $1.500000000e+00, v4;
	_ =	sdelay $0x1  }
0x243: {  	v4 =	vmul.f32 v4, v5;
	_ =	sdelay $0x1  }
0x244: {  	v3 =	vmul.f32 v4, v3  }
0x245: {  	s18 =	smin.u32 s17, $0x3D;
	v0 =	vmul.f32 v4, v0  }
0x246: {  	s18 =	smul.u32 $0x1A0, s18;
	v2 =	vmul.f32 v4, v2;
	[tilespmem:s16+$0xFFFFFFC0] =	vst v3  }
0x247: {  	v61 =	vmul.f32 v4, v1;
	[tilespmem:s16+$0xFFFFFFD0] =	vst v0  }
0x248: {  	s18 =	sshrl.u32 s18, $0x2;
	[tilespmem:s16+$0xFFFFFFE0] =	vst v2  }
0x249: {  	s18 =	sadd.s32 $0xD0, s18;
	[tilespmem:s16+$0xFFFFFFF0] =	vst v61  }
0x24a: {  	[tilespmem:s9], [sflag:$0x1] =	stream.indirect.gather [hbm4b:s3+s8], $0x40, s18, s8, $0xb8;
	[tilespmem:$0x6C00] =	vst v63  }
0x24b: {  	_ =	swait.ge [sflag:s12], $0x1900  }
0x24c: {  	[sflag:s12] =	ssyncset.done $0x0  }
0x24d: {  	[sflag:s12] =	ssyncadd.s32 $0xFFFFE700  }
0x24e: {  	v0 =	vld [tilespmem:$0x3300]  }
0x24f: {  	v1 =	vld [tilespmem:$0x3310]  }
0x250: {  	v2 =	vld [tilespmem:$0x3320]  }
0x251: {  	v5 =	vld [tilespmem:$0x3330]  }
0x252: {  	v6 =	vld [tilespmem:$0x3340]  }
0x253: {  	v10 =	vld [tilespmem:$0x3350]  }
0x254: {  	v20 =	vld [tilespmem:$0x3360]  }
0x255: {  	v21 =	vld [tilespmem:$0x3370]  }
0x256: {  	v26 =	vld [tilespmem:$0x3380]  }
0x257: {  	v27 =	vld [tilespmem:$0x3390]  }
0x258: {  	v36 =	vld [tilespmem:$0x33A0]  }
0x259: {  	v37 =	vld [tilespmem:$0x33B0]  }
0x25a: {  	v42 =	vld [tilespmem:$0x33C0]  }
0x25b: {  	v43 =	vld [tilespmem:$0x33D0]  }
0x25c: {  	v52 =	vld [tilespmem:$0x33E0]  }
0x25d: {  	v53 =	vld [tilespmem:$0x33F0]  }
0x25e: {  	v58 =	vld [tilespmem:$0x3400]  }
0x25f: {  	v59 =	vld [tilespmem:$0x3410]  }
0x260: {  	v15 =	vld [tilespmem:$0x3420]  }
0x261: {  	v11 =	vld [tilespmem:$0x3430]  }
0x262: {  	v3 =	vld [tilespmem:$0x3440]  }
0x263: {  	v4 =	vld [tilespmem:$0x3450]  }
0x264: {  	v7 =	vld [tilespmem:$0x3460]  }
0x265: {  	v16 =	vld [tilespmem:$0x3470]  }
0x266: {  	v8 =	vld [tilespmem:$0x3480]  }
0x267: {  	v9 =	vld [tilespmem:$0x3490]  }
0x268: {  	v12 =	vld [tilespmem:$0x34A0]  }
0x269: {  	v22 =	vld [tilespmem:$0x34B0]  }
0x26a: {  	v13 =	vld [tilespmem:$0x34C0]  }
0x26b: {  	v14 =	vld [tilespmem:$0x34D0]  }
0x26c: {  	v17 =	vld [tilespmem:$0x34E0]  }
0x26d: {  	v28 =	vld [tilespmem:$0x34F0]  }
0x26e: {  	v18 =	vld [tilespmem:$0x3500]  }
0x26f: {  	v19 =	vld [tilespmem:$0x3510]  }
0x270: {  	v23 =	vld [tilespmem:$0x3520]  }
0x271: {  	v32 =	vld [tilespmem:$0x3530]  }
0x272: {  	v60 =	vld [tilespmem:$0x36F0]  }
0x273: {  	v24 =	vld [tilespmem:$0x3540]  }
0x274: {  	v25 =	vld [tilespmem:$0x3550]  }
0x275: {  	v29 =	vld [tilespmem:$0x3560]  }
0x276: {  	v38 =	vld [tilespmem:$0x3570]  }
0x277: {  	[tilespmem:$0x1FAC0] =	vst v60;
	v60 =	vld [tilespmem:$0x3720]  }
0x278: {  	v30 =	vld [tilespmem:$0x3580]  }
0x279: {  	v31 =	vld [tilespmem:$0x3590]  }
0x27a: {  	v33 =	vld [tilespmem:$0x35A0]  }
0x27b: {  	v44 =	vld [tilespmem:$0x35B0]  }
0x27c: {  	[tilespmem:$0x1FAD0] =	vst v60;
	v60 =	vld [tilespmem:$0x3730]  }
0x27d: {  	v34 =	vld [tilespmem:$0x35C0]  }
0x27e: {  	v35 =	vld [tilespmem:$0x35D0]  }
0x27f: {  	v39 =	vld [tilespmem:$0x35E0]  }
0x280: {  	v48 =	vld [tilespmem:$0x35F0]  }
0x281: {  	[tilespmem:$0x1FB00] =	vst v60;
	v60 =	vld [tilespmem:$0x3740]  }
0x282: {  	v40 =	vld [tilespmem:$0x3600]  }
0x283: {  	v41 =	vld [tilespmem:$0x3610]  }
0x284: {  	v45 =	vld [tilespmem:$0x3620]  }
0x285: {  	v54 =	vld [tilespmem:$0x3630]  }
0x286: {  	[tilespmem:$0x1FAE0] =	vst v60;
	v60 =	vld [tilespmem:$0x3750]  }
0x287: {  	v46 =	vld [tilespmem:$0x3640]  }
0x288: {  	v47 =	vld [tilespmem:$0x3650]  }
0x289: {  	v49 =	vld [tilespmem:$0x3660]  }
0x28a: {  	v62 =	vld [tilespmem:$0x3670]  }
0x28b: {  	[tilespmem:$0x1FAF0] =	vst v60;
	v60 =	vld [tilespmem:$0x3760]  }
0x28c: {  	v50 =	vld [tilespmem:$0x3680]  }
0x28d: {  	v51 =	vld [tilespmem:$0x3690]  }
0x28e: {  	v55 =	vld [tilespmem:$0x36A0]  }
0x28f: {  	v63 =	vld [tilespmem:$0x36B0]  }
0x290: {  	[tilespmem:$0x1FB10] =	vst v60;
	v60 =	vld [tilespmem:$0x3770]  }
0x291: {  	v56 =	vld [tilespmem:$0x36C0]  }
0x292: {  	v57 =	vld [tilespmem:$0x36D0]  }
0x293: {  	v61 =	vld [tilespmem:$0x36E0];
	[tilespmem:$0x1FAA0] =	vst v62  }
0x294: {  	[tilespmem:$0x1FAB0] =	vst v63;
	v62 =	vld [tilespmem:$0x3700]  }
0x295: {  	v63 =	vld [tilespmem:$0x3710];
	[tilespmem:$0x1FB40] =	vst v60  }
0x296: {  	v60 =	vld [tilespmem:$0x3780];
	_ =	sdelay $0x4  }
0x297: {  	[tilespmem:$0x1FB20] =	vst v60;
	v60 =	vld [tilespmem:$0x3790];
	_ =	sdelay $0x4  }
0x298: {  	[tilespmem:$0x1FB30] =	vst v60;
	v60 =	vld [tilespmem:$0x37A0];
	_ =	sdelay $0x4  }
0x299: {  	[tilespmem:$0x1FB50] =	vst v60;
	v60 =	vld [tilespmem:$0x37B0];
	_ =	sdelay $0x4  }
0x29a: {  	[tilespmem:$0x1FB80] =	vst v60;
	v60 =	vld [tilespmem:$0x37C0];
	_ =	sdelay $0x4  }
0x29b: {  	[tilespmem:$0x1FB60] =	vst v60;
	v60 =	vld [tilespmem:$0x37D0];
	_ =	sdelay $0x4  }
0x29c: {  	[tilespmem:$0x1FB70] =	vst v60;
	v60 =	vld [tilespmem:$0x37E0];
	_ =	sdelay $0x4  }
0x29d: {  	[tilespmem:$0x1FB90] =	vst v60;
	v60 =	vld [tilespmem:$0x37F0];
	_ =	sdelay $0x4  }
0x29e: {  	[tilespmem:$0x1FBC0] =	vst v60;
	v60 =	vld [tilespmem:$0x3800];
	_ =	sdelay $0x4  }
0x29f: {  	[tilespmem:$0x1FBA0] =	vst v60;
	v60 =	vld [tilespmem:$0x3810];
	_ =	sdelay $0x4  }
0x2a0: {  	[tilespmem:$0x1FBB0] =	vst v60;
	v60 =	vld [tilespmem:$0x3820];
	_ =	sdelay $0x1  }
0x2a1: {  	v6 =	vadd.f32 v6, v0;
	v0 =	vld [tilespmem:$0x3990]  }
0x2a2: {  	v1 =	vadd.f32 v10, v1;
	v10 =	vld [tilespmem:$0x39A0]  }
0x2a3: {  	v26 =	vadd.f32 v26, v6;
	v6 =	vld [tilespmem:$0x39B0]  }
0x2a4: {  	[tilespmem:$0x1FBD0] =	vst v60;
	v60 =	vld [tilespmem:$0x3830]  }
0x2a5: {  	v2 =	vadd.f32 v20, v2;
	v20 =	vld [tilespmem:$0x39C0]  }
0x2a6: {  	v42 =	vadd.f32 v42, v26;
	v26 =	vld [tilespmem:$0x39D0]  }
0x2a7: {  	v1 =	vadd.f32 v27, v1;
	v27 =	vld [tilespmem:$0x39E0]  }
0x2a8: {  	v5 =	vadd.f32 v21, v5;
	v21 =	vld [tilespmem:$0x39F0]  }
0x2a9: {  	v2 =	vadd.f32 v36, v2;
	[tilespmem:$0x1FC00] =	vst v60;
	v60 =	vld [tilespmem:$0x3840]  }
0x2aa: {  	v36 =	vld [tilespmem:$0x3A00]  }
0x2ab: {  	v2 =	vadd.f32 v52, v2;
	v52 =	vadd.f32 v58, v42;
	v42 =	vld [tilespmem:$0x3A10]  }
0x2ac: {  	v5 =	vadd.f32 v37, v5;
	v1 =	vadd.f32 v43, v1;
	v43 =	vld [tilespmem:$0x3A20]  }
0x2ad: {  	v37 =	vld [tilespmem:$0x3A30]  }
0x2ae: {  	v5 =	vadd.f32 v53, v5;
	[tilespmem:$0x1FBE0] =	vst v60;
	v60 =	vld [tilespmem:$0x3850]  }
0x2af: {  	v3 =	vadd.f32 v3, v52;
	v52 =	vld [tilespmem:$0x3A40]  }
0x2b0: {  	v1 =	vadd.f32 v59, v1;
	v53 =	vadd.f32 v11, v5;
	v58 =	vld [tilespmem:$0x3A50]  }
0x2b1: {  	v2 =	vadd.f32 v15, v2;
	v59 =	vld [tilespmem:$0x3A60]  }
0x2b2: {  	v1 =	vadd.f32 v4, v1;
	v4 =	vadd.f32 v16, v53;
	v53 =	vld [tilespmem:$0x3A70]  }
0x2b3: {  	[tilespmem:$0x1FBF0] =	vst v60;
	v60 =	vld [tilespmem:$0x3860]  }
0x2b4: {  	v2 =	vadd.f32 v7, v2;
	v5 =	vld [tilespmem:$0x3A80]  }
0x2b5: {  	v7 =	vld [tilespmem:$0x3A90]  }
0x2b6: {  	v3 =	vadd.f32 v8, v3;
	v2 =	vadd.f32 v12, v2;
	v8 =	vld [tilespmem:$0x3AA0]  }
0x2b7: {  	v1 =	vadd.f32 v9, v1;
	v4 =	vadd.f32 v22, v4;
	v9 =	vld [tilespmem:$0x3AB0]  }
0x2b8: {  	v2 =	vadd.f32 v17, v2;
	[tilespmem:$0x1FC10] =	vst v60;
	v60 =	vld [tilespmem:$0x3870]  }
0x2b9: {  	v4 =	vadd.f32 v28, v4;
	v11 =	vld [tilespmem:$0x3AC0]  }
0x2ba: {  	v3 =	vadd.f32 v13, v3;
	v2 =	vadd.f32 v23, v2;
	v12 =	vld [tilespmem:$0x3AD0]  }
0x2bb: {  	v1 =	vadd.f32 v14, v1;
	v4 =	vadd.f32 v32, v4;
	v13 =	vld [tilespmem:$0x3AE0]  }
0x2bc: {  	v3 =	vadd.f32 v18, v3;
	v2 =	vadd.f32 v29, v2;
	v14 =	vld [tilespmem:$0x3AF0]  }
0x2bd: {  	v1 =	vadd.f32 v19, v1;
	v4 =	vadd.f32 v38, v4;
	[tilespmem:$0x1FC40] =	vst v60;
	v60 =	vld [tilespmem:$0x3880]  }
0x2be: {  	v3 =	vadd.f32 v24, v3;
	v2 =	vadd.f32 v33, v2;
	v15 =	vld [tilespmem:$0x3B00]  }
0x2bf: {  	v1 =	vadd.f32 v25, v1;
	v4 =	vadd.f32 v44, v4;
	v16 =	vld [tilespmem:$0x3B10]  }
0x2c0: {  	v3 =	vadd.f32 v30, v3;
	v2 =	vadd.f32 v39, v2;
	v17 =	vld [tilespmem:$0x3B20]  }
0x2c1: {  	v1 =	vadd.f32 v31, v1;
	v4 =	vadd.f32 v48, v4;
	v18 =	vld [tilespmem:$0x3B30]  }
0x2c2: {  	v3 =	vadd.f32 v34, v3;
	v2 =	vadd.f32 v45, v2;
	[tilespmem:$0x1FC20] =	vst v60;
	v60 =	vld [tilespmem:$0x3890]  }
0x2c3: {  	v1 =	vadd.f32 v35, v1;
	v4 =	vadd.f32 v54, v4;
	v54 =	vld [tilespmem:$0x1FAA0]  }
0x2c4: {  	v3 =	vadd.f32 v40, v3;
	v2 =	vadd.f32 v49, v2;
	v19 =	vld [tilespmem:$0x3B40]  }
0x2c5: {  	v1 =	vadd.f32 v41, v1;
	v22 =	vld [tilespmem:$0x3B50]  }
0x2c6: {  	v3 =	vadd.f32 v46, v3;
	v2 =	vadd.f32 v55, v2;
	v55 =	vld [tilespmem:$0x1FAB0]  }
0x2c7: {  	v1 =	vadd.f32 v47, v1;
	[tilespmem:$0x1FC30] =	vst v60;
	v60 =	vld [tilespmem:$0x38A0]  }
0x2c8: {  	v3 =	vadd.f32 v50, v3;
	v23 =	vld [tilespmem:$0x3B60]  }
0x2c9: {  	v1 =	vadd.f32 v51, v1;
	v24 =	vld [tilespmem:$0x3B70]  }
0x2ca: {  	v3 =	vadd.f32 v56, v3;
	v56 =	vld [tilespmem:$0x1FAC0]  }
0x2cb: {  	v1 =	vadd.f32 v57, v1;
	v57 =	vld [tilespmem:$0x1FAD0]  }
0x2cc: {  	[tilespmem:$0x1FC50] =	vst v60;
	v60 =	vld [tilespmem:$0x38B0]  }
0x2cd: {  	v25 =	vld [tilespmem:$0x3B80]  }
0x2ce: {  	v2 =	vadd.f32 v61, v2;
	v61 =	vld [tilespmem:$0x1FAE0]  }
0x2cf: {  	v3 =	vadd.f32 v62, v3;
	v62 =	vld [tilespmem:$0x1FAF0]  }
0x2d0: {  	v28 =	vld [tilespmem:$0x3B90]  }
0x2d1: {  	[tilespmem:$0x1FC80] =	vst v60;
	v60 =	vld [tilespmem:$0x38C0]  }
0x2d2: {  	v1 =	vadd.f32 v63, v1;
	v63 =	vld [tilespmem:$0x1FB00]  }
0x2d3: {  	v32 =	vld [tilespmem:$0x1FB10]  }
0x2d4: {  	v29 =	vld [tilespmem:$0x3BA0]  }
0x2d5: {  	v30 =	vld [tilespmem:$0x3BB0]  }
0x2d6: {  	v4 =	vadd.f32 v54, v4;
	[tilespmem:$0x1FC60] =	vst v60;
	v60 =	vld [tilespmem:$0x38D0]  }
0x2d7: {  	v35 =	vld [tilespmem:$0x1FB40]  }
0x2d8: {  	v2 =	vadd.f32 v57, v2;
	v33 =	vld [tilespmem:$0x1FB20];
	v4 =	vadd.f32 v55, v4  }
0x2d9: {  	v31 =	vld [tilespmem:$0x3BC0]  }
0x2da: {  	v2 =	vadd.f32 v32, v2;
	v32 =	vld [tilespmem:$0x3BD0];
	v4 =	vadd.f32 v56, v4  }
0x2db: {  	v3 =	vadd.f32 v61, v3;
	[tilespmem:$0x1FC70] =	vst v60;
	v60 =	vld [tilespmem:$0x38E0]  }
0x2dc: {  	v4 =	vadd.f32 v63, v4;
	v34 =	vld [tilespmem:$0x1FB30]  }
0x2dd: {  	v3 =	vadd.f32 v33, v3;
	v33 =	vld [tilespmem:$0x3BE0]  }
0x2de: {  	v4 =	vadd.f32 v35, v4;
	v35 =	vld [tilespmem:$0x3C00]  }
0x2df: {  	v38 =	vld [tilespmem:$0x1FB50]  }
0x2e0: {  	v1 =	vadd.f32 v62, v1;
	[tilespmem:$0x1FC90] =	vst v60;
	v60 =	vld [tilespmem:$0x38F0]  }
0x2e1: {  	v41 =	vld [tilespmem:$0x1FB80]  }
0x2e2: {  	v1 =	vadd.f32 v34, v1;
	v34 =	vld [tilespmem:$0x3BF0]  }
0x2e3: {  	v39 =	vld [tilespmem:$0x1FB60]  }
0x2e4: {  	v2 =	vadd.f32 v38, v2;
	v38 =	vld [tilespmem:$0x3C10]  }
0x2e5: {  	[tilespmem:$0x1FCC0] =	vst v60;
	v60 =	vld [tilespmem:$0x3900]  }
0x2e6: {  	v4 =	vadd.f32 v41, v4;
	v41 =	vld [tilespmem:$0x3C40]  }
0x2e7: {  	v40 =	vld [tilespmem:$0x1FB70]  }
0x2e8: {  	v3 =	vadd.f32 v39, v3;
	v39 =	vld [tilespmem:$0x3C20]  }
0x2e9: {  	v44 =	vld [tilespmem:$0x1FB90]  }
0x2ea: {  	[tilespmem:$0x1FCA0] =	vst v60;
	v60 =	vld [tilespmem:$0x3910]  }
0x2eb: {  	v47 =	vld [tilespmem:$0x1FBC0]  }
0x2ec: {  	v1 =	vadd.f32 v40, v1;
	v40 =	vld [tilespmem:$0x3C30]  }
0x2ed: {  	v45 =	vld [tilespmem:$0x1FBA0]  }
0x2ee: {  	v2 =	vadd.f32 v44, v2;
	v44 =	vld [tilespmem:$0x3C50]  }
0x2ef: {  	[tilespmem:$0x1FCB0] =	vst v60;
	v60 =	vld [tilespmem:$0x3920]  }
0x2f0: {  	v4 =	vadd.f32 v47, v4;
	v47 =	vld [tilespmem:$0x3C80]  }
0x2f1: {  	v46 =	vld [tilespmem:$0x1FBB0]  }
0x2f2: {  	v3 =	vadd.f32 v45, v3;
	v45 =	vld [tilespmem:$0x3C60]  }
0x2f3: {  	v48 =	vld [tilespmem:$0x1FBD0]  }
0x2f4: {  	[tilespmem:$0x1FCD0] =	vst v60;
	v60 =	vld [tilespmem:$0x3930]  }
0x2f5: {  	v51 =	vld [tilespmem:$0x1FC00]  }
0x2f6: {  	v49 =	vld [tilespmem:$0x1FBE0]  }
0x2f7: {  	v50 =	vld [tilespmem:$0x1FBF0]  }
0x2f8: {  	v54 =	vld [tilespmem:$0x1FC10]  }
0x2f9: {  	[tilespmem:$0x1FD00] =	vst v60;
	v60 =	vld [tilespmem:$0x3940]  }
0x2fa: {  	v57 =	vld [tilespmem:$0x1FC40]  }
0x2fb: {  	v55 =	vld [tilespmem:$0x1FC20]  }
0x2fc: {  	v56 =	vld [tilespmem:$0x1FC30]  }
0x2fd: {  	v61 =	vld [tilespmem:$0x1FC50]  }
0x2fe: {  	[tilespmem:$0x1FCE0] =	vst v60;
	v60 =	vld [tilespmem:$0x3950]  }
0x2ff: {  	v2 =	vadd.f32 v48, v2;
	v48 =	vld [tilespmem:$0x1FC80]  }
0x300: {  	v62 =	vld [tilespmem:$0x1FC60]  }
0x301: {  	v63 =	vld [tilespmem:$0x1FC70]  }
0x302: {  	v3 =	vadd.f32 v49, v3;
	v49 =	vld [tilespmem:$0x1FC90]  }
0x303: {  	v1 =	vadd.f32 v46, v1;
	[tilespmem:$0x1FCF0] =	vst v60;
	v60 =	vld [tilespmem:$0x3960]  }
0x304: {  	v2 =	vadd.f32 v54, v2;
	v54 =	vld [tilespmem:$0x1FCC0]  }
0x305: {  	v1 =	vadd.f32 v50, v1;
	v50 =	vld [tilespmem:$0x1FCA0]  }
0x306: {  	v4 =	vadd.f32 v51, v4;
	v51 =	vld [tilespmem:$0x1FCB0]  }
0x307: {  	v3 =	vadd.f32 v55, v3;
	v55 =	vld [tilespmem:$0x1FCD0]  }
0x308: {  	[tilespmem:$0x1FD10] =	vst v60;
	v60 =	vld [tilespmem:$0x3970]  }
0x309: {  	v1 =	vadd.f32 v56, v1;
	v2 =	vadd.f32 v61, v2;
	v61 =	vld [tilespmem:$0x1FD00]  }
0x30a: {  	v4 =	vadd.f32 v57, v4;
	v57 =	vld [tilespmem:$0x1FCF0]  }
0x30b: {  	v1 =	vadd.f32 v63, v1;
	v56 =	vld [tilespmem:$0x1FCE0]  }
0x30c: {  	v3 =	vadd.f32 v62, v3;
	v62 =	vld [tilespmem:$0x1FD10]  }
0x30d: {  	v2 =	vadd.f32 v49, v2;
	v1 =	vadd.f32 v51, v1;
	[tilespmem:$0x1FD20] =	vst v60;
	v60 =	vld [tilespmem:$0x3980]  }
0x30e: {  	v46 =	vld [tilespmem:$0x3C70];
	v4 =	vadd.f32 v48, v4;
	v3 =	vadd.f32 v50, v3  }
0x30f: {  	v2 =	vadd.f32 v55, v2;
	v1 =	vadd.f32 v57, v1;
	v63 =	vld [tilespmem:$0x1FD20]  }
0x310: {  	v48 =	vld [tilespmem:$0x3C90];
	v4 =	vadd.f32 v54, v4;
	v3 =	vadd.f32 v56, v3  }
0x311: {  	v49 =	vld [tilespmem:$0x3CA0];
	v0 =	vadd.f32 v0, v1;
	v2 =	vadd.f32 v62, v2  }
0x312: {  	v54 =	vld [tilespmem:$0x3DB0];
	v4 =	vadd.f32 v61, v4;
	v3 =	vadd.f32 v60, v3  }
0x313: {  	v50 =	vld [tilespmem:$0x3D70];
	v0 =	vadd.f32 v26, v0;
	v2 =	vadd.f32 v10, v2  }
0x314: {  	v51 =	vld [tilespmem:$0x3D80];
	v4 =	vadd.f32 v63, v4;
	v3 =	vadd.f32 v20, v3  }
0x315: {  	v55 =	vld [tilespmem:$0x3DC0];
	v0 =	vadd.f32 v42, v0;
	v2 =	vadd.f32 v27, v2  }
0x316: {  	v61 =	vld [tilespmem:$0x3E20];
	v4 =	vadd.f32 v6, v4;
	v3 =	vadd.f32 v36, v3  }
0x317: {  	v56 =	vld [tilespmem:$0x3DD0];
	v0 =	vadd.f32 v58, v0;
	v2 =	vadd.f32 v43, v2  }
0x318: {  	v57 =	vld [tilespmem:$0x3DE0];
	v4 =	vadd.f32 v21, v4;
	v3 =	vadd.f32 v52, v3  }
0x319: {  	v1 =	vld [tilespmem:$0x3CB0];
	v0 =	vadd.f32 v7, v0;
	v2 =	vadd.f32 v59, v2  }
0x31a: {  	v26 =	vld [tilespmem:$0x3CF0];
	v4 =	vadd.f32 v37, v4;
	v3 =	vadd.f32 v5, v3  }
0x31b: {  	v62 =	vld [tilespmem:$0x3E30];
	v0 =	vadd.f32 v12, v0;
	v2 =	vadd.f32 v8, v2  }
0x31c: {  	v42 =	vld [tilespmem:$0x3D50];
	v4 =	vadd.f32 v53, v4;
	v3 =	vadd.f32 v11, v3  }
0x31d: {  	v10 =	vld [tilespmem:$0x3CC0];
	v0 =	vadd.f32 v16, v0;
	v2 =	vadd.f32 v13, v2  }
0x31e: {  	v58 =	vld [tilespmem:$0x3DF0];
	v4 =	vadd.f32 v9, v4;
	v3 =	vadd.f32 v15, v3  }
0x31f: {  	v27 =	vld [tilespmem:$0x3D10];
	v0 =	vadd.f32 v22, v0;
	v2 =	vadd.f32 v17, v2  }
0x320: {  	v60 =	vld [tilespmem:$0x3E10];
	v4 =	vadd.f32 v14, v4;
	v3 =	vadd.f32 v19, v3  }
0x321: {  	v63 =	vld [tilespmem:$0x3E40];
	v0 =	vadd.f32 v28, v0;
	v2 =	vadd.f32 v23, v2  }
0x322: {  	v20 =	vld [tilespmem:$0x3CD0];
	v4 =	vadd.f32 v18, v4;
	v3 =	vadd.f32 v25, v3  }
0x323: {  	v43 =	vld [tilespmem:$0x3D60];
	v0 =	vadd.f32 v32, v0;
	v2 =	vadd.f32 v29, v2  }
0x324: {  	v6 =	vld [tilespmem:$0x3CE0];
	v4 =	vadd.f32 v24, v4;
	v3 =	vadd.f32 v31, v3  }
0x325: {  	v36 =	vld [tilespmem:$0x3D20];
	v0 =	vadd.f32 v38, v0;
	v2 =	vadd.f32 v33, v2  }
0x326: {  	v59 =	vld [tilespmem:$0x3E00];
	v4 =	vadd.f32 v30, v4;
	v3 =	vadd.f32 v35, v3  }
0x327: {  	v21 =	vld [tilespmem:$0x3D00];
	v0 =	vadd.f32 v44, v0;
	v2 =	vadd.f32 v39, v2  }
0x328: {  	v52 =	vld [tilespmem:$0x3D90];
	v4 =	vadd.f32 v34, v4;
	v3 =	vadd.f32 v41, v3  }
0x329: {  	v37 =	vld [tilespmem:$0x3D40];
	v0 =	vadd.f32 v48, v0;
	v2 =	vadd.f32 v45, v2  }
0x32a: {  	v5 =	vld [tilespmem:$0x3D30];
	v4 =	vadd.f32 v40, v4;
	v3 =	vadd.f32 v47, v3  }
0x32b: {  	v53 =	vld [tilespmem:$0x3DA0];
	v0 =	vadd.f32 v20, v0;
	v2 =	vadd.f32 v49, v2  }
0x32c: {  	v32 =	vld [tilespmem:$0x3E60];
	v4 =	vadd.f32 v46, v4;
	v3 =	vadd.f32 v10, v3  }
0x32d: {  	v38 =	vld [tilespmem:$0x3EC0];
	v0 =	vadd.f32 v27, v0;
	v2 =	vadd.f32 v6, v2  }
0x32e: {  	v44 =	vld [tilespmem:$0x3F20];
	v1 =	vadd.f32 v1, v4;
	v3 =	vadd.f32 v21, v3  }
0x32f: {  	v33 =	vld [tilespmem:$0x3E70];
	v0 =	vadd.f32 v42, v0;
	v2 =	vadd.f32 v36, v2  }
0x330: {  	v31 =	vld [tilespmem:$0x3E50];
	v1 =	vadd.f32 v26, v1;
	v3 =	vadd.f32 v37, v3  }
0x331: {  	v39 =	vld [tilespmem:$0x3ED0];
	v0 =	vadd.f32 v52, v0;
	v2 =	vadd.f32 v43, v2  }
0x332: {  	v35 =	vld [tilespmem:$0x3E90];
	v1 =	vadd.f32 v5, v1;
	v3 =	vadd.f32 v51, v3  }
0x333: {  	v45 =	vld [tilespmem:$0x3F40];
	v0 =	vadd.f32 v56, v0;
	v2 =	vadd.f32 v53, v2  }
0x334: {  	v34 =	vld [tilespmem:$0x3E80];
	v1 =	vadd.f32 v50, v1;
	v3 =	vadd.f32 v55, v3  }
0x335: {  	v40 =	vld [tilespmem:$0x3EE0];
	v0 =	vadd.f32 v60, v0;
	v2 =	vadd.f32 v57, v2  }
0x336: {  	v36 =	vld [tilespmem:$0x3EA0];
	v1 =	vadd.f32 v54, v1;
	v3 =	vadd.f32 v59, v3  }
0x337: {  	v42 =	vld [tilespmem:$0x3F00];
	v0 =	vadd.f32 v31, v0;
	v2 =	vadd.f32 v61, v2  }
0x338: {  	v43 =	vld [tilespmem:$0x3F10];
	v1 =	vadd.f32 v58, v1;
	v3 =	vadd.f32 v63, v3  }
0x339: {  	v37 =	vld [tilespmem:$0x3EB0];
	v0 =	vadd.f32 v35, v0;
	v2 =	vadd.f32 v32, v2  }
0x33a: {  	v46 =	vld [tilespmem:$0x3F50];
	v1 =	vadd.f32 v62, v1;
	v3 =	vadd.f32 v34, v3  }
0x33b: {  	v41 =	vld [tilespmem:$0x3EF0];
	v0 =	vadd.f32 v39, v0;
	v2 =	vadd.f32 v36, v2  }
0x33c: {  	v48 =	vld [tilespmem:$0x3F60];
	v1 =	vadd.f32 v33, v1;
	v3 =	vadd.f32 v38, v3  }
0x33d: {  	v47 =	vld [tilespmem:$0x3F30];
	v0 =	vadd.f32 v43, v0;
	v2 =	vadd.f32 v40, v2  }
0x33e: {  	v1 =	vadd.f32 v37, v1;
	v3 =	vadd.f32 v42, v3  }
0x33f: {  	v49 =	vld [tilespmem:$0x3F70];
	v0 =	vadd.f32 v46, v0;
	v2 =	vadd.f32 v44, v2  }
0x340: {  	v1 =	vadd.f32 v41, v1;
	v3 =	vadd.f32 v45, v3  }
0x341: {  	v51 =	vmul.f32 v0, v0  }
0x342: {  	v2 =	vadd.f32 v48, v2;
	v1 =	vadd.f32 v47, v1;
	v50 =	vmul.f32 v3, v3;
	_ =	sdelay $0x1  }
0x343: {  	v53 =	vmul.f32 v2, v2;
	v1 =	vadd.f32 v49, v1;
	v52 =	vadd.f32 v51, v50  }
0x344: {  	v55 =	vld [tilespmem:$0x1FFC0]  }
0x345: {  	v54 =	vmul.f32 v1, v1;
	v4 =	vadd.f32 v53, v52;
	_ =	sdelay $0x1  }
0x346: {  	v4 =	vadd.f32 v54, v4  }
0x347: {  	v56 =	vld [tilespmem:$0x1FFD0]  }
0x348: {  	v5 =	vperm.xlane v4, v55;
	_ =	sdelay $0x1  }
0x349: {  	v4 =	vadd.f32 v4, v5  }
0x34a: {  	v57 =	vld [tilespmem:$0x1FFE0]  }
0x34b: {  	v5 =	vperm.xlane v4, v56;
	_ =	sdelay $0x1  }
0x34c: {  	v4 =	vadd.f32 v4, v5  }
0x34d: {  	v58 =	vld [tilespmem:$0x1FFF0]  }
0x34e: {  	v5 =	vperm.xlane v4, v57;
	_ =	sdelay $0x1  }
0x34f: {  	v4 =	vadd.f32 v4, v5;
	_ =	sdelay $0x1  }
0x350: {  	v5 =	vperm.xlane v4, v58;
	_ =	sdelay $0x1  }
0x351: {  	v4 =	vadd.f32 v4, v5;
	_ =	sdelay $0x1  }
0x352: {  	v4 =	vmax.f32 v4, $1.000000020e-24  }
0x353: {  	v59 =	vshra.s32 v4, $0x1;
	v4 =	vmul.f32 $5.000000000e-01, v4  }
0x354: {  	v5 =	vsub.s32 $0x5F3759DF, v59  }
0x355: {  	v60 =	vmul.f32 v5, v4;
	_ =	sdelay $0x1  }
0x356: {  	v6 =	vmul.f32 v5, v60;
	_ =	sdelay $0x1  }
0x357: {  	v6 =	vsub.f32 $1.500000000e+00, v6;
	_ =	sdelay $0x1  }
0x358: {  	v5 =	vmul.f32 v5, v6;
	_ =	sdelay $0x1  }
0x359: {  	v6 =	vmul.f32 v5, v4;
	_ =	sdelay $0x1  }
0x35a: {  	v6 =	vmul.f32 v6, v5;
	_ =	sdelay $0x1  }
0x35b: {  	v6 =	vsub.f32 $1.500000000e+00, v6;
	_ =	sdelay $0x1  }
0x35c: {  	v5 =	vmul.f32 v6, v5;
	_ =	sdelay $0x1  }
0x35d: {  	v4 =	vmul.f32 v5, v4;
	_ =	sdelay $0x1  }
0x35e: {  	v4 =	vmul.f32 v4, v5;
	_ =	sdelay $0x1  }
0x35f: {  	v4 =	vsub.f32 $1.500000000e+00, v4;
	_ =	sdelay $0x1  }
0x360: {  	v4 =	vmul.f32 v4, v5;
	_ =	sdelay $0x1  }
0x361: {  	v3 =	vmul.f32 v4, v3  }
0x362: {  	v0 =	vmul.f32 v4, v0  }
0x363: {  	v2 =	vmul.f32 v4, v2;
	[tilespmem:s16+$0x0] =	vst v3  }
0x364: {  	v61 =	vmul.f32 v4, v1;
	[tilespmem:s16+$0x10] =	vst v0  }
0x365: {  	[tilespmem:s16+$0x20] =	vst v2  }
0x366: {  	[tilespmem:s16+$0x30] =	vst v61  }
0x367: {  	v60 =	vld [tilespmem:$0x4370];
	_ =	sdelay $0x4  }
0x368: {  	[tilespmem:$0x1FD50] =	vst v60;
	v60 =	vld [tilespmem:$0x43A0]  }
0x369: {  	v0 =	vld [tilespmem:$0x3F80]  }
0x36a: {  	v1 =	vld [tilespmem:$0x3F90]  }
0x36b: {  	v2 =	vld [tilespmem:$0x3FA0]  }
0x36c: {  	v5 =	vld [tilespmem:$0x3FB0]  }
0x36d: {  	[tilespmem:$0x1FD60] =	vst v60;
	v60 =	vld [tilespmem:$0x43B0]  }
0x36e: {  	v6 =	vld [tilespmem:$0x3FC0]  }
0x36f: {  	v10 =	vld [tilespmem:$0x3FD0]  }
0x370: {  	v20 =	vld [tilespmem:$0x3FE0]  }
0x371: {  	v21 =	vld [tilespmem:$0x3FF0]  }
0x372: {  	[tilespmem:$0x1FD90] =	vst v60;
	v60 =	vld [tilespmem:$0x43C0]  }
0x373: {  	v26 =	vld [tilespmem:$0x4000]  }
0x374: {  	v27 =	vld [tilespmem:$0x4010]  }
0x375: {  	v36 =	vld [tilespmem:$0x4020]  }
0x376: {  	v37 =	vld [tilespmem:$0x4030]  }
0x377: {  	[tilespmem:$0x1FD70] =	vst v60;
	v60 =	vld [tilespmem:$0x43D0]  }
0x378: {  	v42 =	vld [tilespmem:$0x4040]  }
0x379: {  	v43 =	vld [tilespmem:$0x4050]  }
0x37a: {  	v52 =	vld [tilespmem:$0x4060]  }
0x37b: {  	v53 =	vld [tilespmem:$0x4070]  }
0x37c: {  	[tilespmem:$0x1FD80] =	vst v60;
	v60 =	vld [tilespmem:$0x43E0]  }
0x37d: {  	v58 =	vld [tilespmem:$0x4080]  }
0x37e: {  	v59 =	vld [tilespmem:$0x4090]  }
0x37f: {  	v15 =	vld [tilespmem:$0x40A0]  }
0x380: {  	v11 =	vld [tilespmem:$0x40B0]  }
0x381: {  	[tilespmem:$0x1FDA0] =	vst v60;
	v60 =	vld [tilespmem:$0x43F0]  }
0x382: {  	v3 =	vld [tilespmem:$0x40C0]  }
0x383: {  	v4 =	vld [tilespmem:$0x40D0]  }
0x384: {  	v7 =	vld [tilespmem:$0x40E0]  }
0x385: {  	v16 =	vld [tilespmem:$0x40F0]  }
0x386: {  	[tilespmem:$0x1FDD0] =	vst v60;
	v60 =	vld [tilespmem:$0x4400]  }
0x387: {  	v8 =	vld [tilespmem:$0x4100]  }
0x388: {  	v9 =	vld [tilespmem:$0x4110]  }
0x389: {  	v12 =	vld [tilespmem:$0x4120]  }
0x38a: {  	v22 =	vld [tilespmem:$0x4130]  }
0x38b: {  	[tilespmem:$0x1FDB0] =	vst v60;
	v60 =	vld [tilespmem:$0x4410]  }
0x38c: {  	v13 =	vld [tilespmem:$0x4140]  }
0x38d: {  	v14 =	vld [tilespmem:$0x4150]  }
0x38e: {  	v17 =	vld [tilespmem:$0x4160]  }
0x38f: {  	v28 =	vld [tilespmem:$0x4170]  }
0x390: {  	[tilespmem:$0x1FDC0] =	vst v60;
	v60 =	vld [tilespmem:$0x4420]  }
0x391: {  	v18 =	vld [tilespmem:$0x4180]  }
0x392: {  	v19 =	vld [tilespmem:$0x4190]  }
0x393: {  	v23 =	vld [tilespmem:$0x41A0]  }
0x394: {  	v32 =	vld [tilespmem:$0x41B0]  }
0x395: {  	[tilespmem:$0x1FDE0] =	vst v60;
	v60 =	vld [tilespmem:$0x4430]  }
0x396: {  	v24 =	vld [tilespmem:$0x41C0]  }
0x397: {  	v25 =	vld [tilespmem:$0x41D0]  }
0x398: {  	v29 =	vld [tilespmem:$0x41E0]  }
0x399: {  	v38 =	vld [tilespmem:$0x41F0]  }
0x39a: {  	[tilespmem:$0x1FE10] =	vst v60;
	v60 =	vld [tilespmem:$0x4440]  }
0x39b: {  	v30 =	vld [tilespmem:$0x4200]  }
0x39c: {  	v31 =	vld [tilespmem:$0x4210]  }
0x39d: {  	v33 =	vld [tilespmem:$0x4220]  }
0x39e: {  	v44 =	vld [tilespmem:$0x4230]  }
0x39f: {  	[tilespmem:$0x1FDF0] =	vst v60;
	v60 =	vld [tilespmem:$0x4450]  }
0x3a0: {  	v34 =	vld [tilespmem:$0x4240]  }
0x3a1: {  	v35 =	vld [tilespmem:$0x4250]  }
0x3a2: {  	v39 =	vld [tilespmem:$0x4260]  }
0x3a3: {  	v48 =	vld [tilespmem:$0x4270]  }
0x3a4: {  	[tilespmem:$0x1FE00] =	vst v60;
	v60 =	vld [tilespmem:$0x4460]  }
0x3a5: {  	v40 =	vld [tilespmem:$0x4280]  }
0x3a6: {  	v41 =	vld [tilespmem:$0x4290]  }
0x3a7: {  	v45 =	vld [tilespmem:$0x42A0]  }
0x3a8: {  	v54 =	vld [tilespmem:$0x42B0]  }
0x3a9: {  	[tilespmem:$0x1FE20] =	vst v60;
	v60 =	vld [tilespmem:$0x4470]  }
0x3aa: {  	v46 =	vld [tilespmem:$0x42C0]  }
0x3ab: {  	v47 =	vld [tilespmem:$0x42D0]  }
0x3ac: {  	v49 =	vld [tilespmem:$0x42E0]  }
0x3ad: {  	v62 =	vld [tilespmem:$0x42F0]  }
0x3ae: {  	[tilespmem:$0x1FE50] =	vst v60;
	v60 =	vld [tilespmem:$0x4480]  }
0x3af: {  	v50 =	vld [tilespmem:$0x4300]  }
0x3b0: {  	v51 =	vld [tilespmem:$0x4310]  }
0x3b1: {  	v55 =	vld [tilespmem:$0x4320]  }
0x3b2: {  	v63 =	vld [tilespmem:$0x4330]  }
0x3b3: {  	[tilespmem:$0x1FE30] =	vst v60;
	v60 =	vld [tilespmem:$0x4490]  }
0x3b4: {  	v56 =	vld [tilespmem:$0x4340]  }
0x3b5: {  	v57 =	vld [tilespmem:$0x4350]  }
0x3b6: {  	v61 =	vld [tilespmem:$0x4360]  }
0x3b7: {  	[tilespmem:$0x1FD30] =	vst v62;
	v62 =	vld [tilespmem:$0x4380]  }
0x3b8: {  	[tilespmem:$0x1FE40] =	vst v60;
	v60 =	vld [tilespmem:$0x44A0]  }
0x3b9: {  	[tilespmem:$0x1FD40] =	vst v63;
	v63 =	vld [tilespmem:$0x4390]  }
0x3ba: {  	v6 =	vadd.f32 v6, v0;
	v0 =	vld [tilespmem:$0x4610]  }
0x3bb: {  	v1 =	vadd.f32 v10, v1;
	v10 =	vld [tilespmem:$0x4620]  }
0x3bc: {  	v2 =	vadd.f32 v20, v2;
	v20 =	vld [tilespmem:$0x4640]  }
0x3bd: {  	[tilespmem:$0x1FE60] =	vst v60;
	v60 =	vld [tilespmem:$0x44B0]  }
0x3be: {  	v5 =	vadd.f32 v21, v5;
	v21 =	vld [tilespmem:$0x4670]  }
0x3bf: {  	v26 =	vadd.f32 v26, v6;
	v6 =	vld [tilespmem:$0x4630]  }
0x3c0: {  	v1 =	vadd.f32 v27, v1;
	v27 =	vld [tilespmem:$0x4660]  }
0x3c1: {  	v2 =	vadd.f32 v36, v2;
	v36 =	vld [tilespmem:$0x4680]  }
0x3c2: {  	[tilespmem:$0x1FE90] =	vst v60;
	v60 =	vld [tilespmem:$0x44C0]  }
0x3c3: {  	v5 =	vadd.f32 v37, v5;
	v37 =	vld [tilespmem:$0x46B0]  }
0x3c4: {  	v42 =	vadd.f32 v42, v26;
	v26 =	vld [tilespmem:$0x4650]  }
0x3c5: {  	v1 =	vadd.f32 v43, v1;
	v43 =	vld [tilespmem:$0x46A0]  }
0x3c6: {  	v2 =	vadd.f32 v52, v2;
	v52 =	vadd.f32 v58, v42;
	v42 =	vld [tilespmem:$0x4690]  }
0x3c7: {  	[tilespmem:$0x1FE70] =	vst v60;
	v60 =	vld [tilespmem:$0x44D0]  }
0x3c8: {  	v5 =	vadd.f32 v53, v5;
	v58 =	vld [tilespmem:$0x46D0]  }
0x3c9: {  	v1 =	vadd.f32 v59, v1;
	v59 =	vld [tilespmem:$0x46E0]  }
0x3ca: {  	v53 =	vadd.f32 v11, v5;
	v5 =	vld [tilespmem:$0x4700]  }
0x3cb: {  	v11 =	vld [tilespmem:$0x4740]  }
0x3cc: {  	[tilespmem:$0x1FE80] =	vst v60;
	v60 =	vld [tilespmem:$0x44E0]  }
0x3cd: {  	v2 =	vadd.f32 v15, v2;
	v15 =	vld [tilespmem:$0x4780]  }
0x3ce: {  	v3 =	vadd.f32 v3, v52;
	v52 =	vld [tilespmem:$0x46C0]  }
0x3cf: {  	v1 =	vadd.f32 v4, v1;
	v4 =	vadd.f32 v16, v53;
	v53 =	vld [tilespmem:$0x46F0]  }
0x3d0: {  	v2 =	vadd.f32 v7, v2;
	v7 =	vld [tilespmem:$0x4710]  }
0x3d1: {  	[tilespmem:$0x1FEA0] =	vst v60;
	v60 =	vld [tilespmem:$0x44F0]  }
0x3d2: {  	v16 =	vld [tilespmem:$0x4790]  }
0x3d3: {  	v3 =	vadd.f32 v8, v3;
	v8 =	vld [tilespmem:$0x4720]  }
0x3d4: {  	v1 =	vadd.f32 v9, v1;
	v9 =	vld [tilespmem:$0x4730]  }
0x3d5: {  	v2 =	vadd.f32 v12, v2;
	v12 =	vld [tilespmem:$0x4750]  }
0x3d6: {  	[tilespmem:$0x1FED0] =	vst v60;
	v60 =	vld [tilespmem:$0x4500]  }
0x3d7: {  	v4 =	vadd.f32 v22, v4;
	v22 =	vld [tilespmem:$0x47D0]  }
0x3d8: {  	v3 =	vadd.f32 v13, v3;
	v13 =	vld [tilespmem:$0x4760]  }
0x3d9: {  	v1 =	vadd.f32 v14, v1;
	v14 =	vld [tilespmem:$0x4770]  }
0x3da: {  	v2 =	vadd.f32 v17, v2;
	v17 =	vld [tilespmem:$0x47A0]  }
0x3db: {  	[tilespmem:$0x1FEB0] =	vst v60;
	v60 =	vld [tilespmem:$0x4510]  }
0x3dc: {  	v4 =	vadd.f32 v28, v4;
	v28 =	vld [tilespmem:$0x4810];
	v2 =	vadd.f32 v23, v2  }
0x3dd: {  	v3 =	vadd.f32 v18, v3;
	v18 =	vld [tilespmem:$0x47B0]  }
0x3de: {  	v1 =	vadd.f32 v19, v1;
	v19 =	vld [tilespmem:$0x47C0];
	v2 =	vadd.f32 v29, v2  }
0x3df: {  	v4 =	vadd.f32 v32, v4;
	v23 =	vld [tilespmem:$0x47E0];
	v3 =	vadd.f32 v24, v3  }
0x3e0: {  	v1 =	vadd.f32 v25, v1;
	v2 =	vadd.f32 v33, v2;
	[tilespmem:$0x1FEC0] =	vst v60;
	v60 =	vld [tilespmem:$0x4520]  }
0x3e1: {  	v4 =	vadd.f32 v38, v4;
	v24 =	vld [tilespmem:$0x47F0];
	v3 =	vadd.f32 v30, v3  }
0x3e2: {  	v25 =	vld [tilespmem:$0x4800];
	v1 =	vadd.f32 v31, v1;
	v2 =	vadd.f32 v39, v2  }
0x3e3: {  	v29 =	vld [tilespmem:$0x4820];
	v4 =	vadd.f32 v44, v4;
	v3 =	vadd.f32 v34, v3  }
0x3e4: {  	v30 =	vld [tilespmem:$0x4830];
	v1 =	vadd.f32 v35, v1;
	v2 =	vadd.f32 v45, v2  }
0x3e5: {  	v4 =	vadd.f32 v48, v4;
	v3 =	vadd.f32 v40, v3;
	[tilespmem:$0x1FEE0] =	vst v60;
	v60 =	vld [tilespmem:$0x4530]  }
0x3e6: {  	v31 =	vld [tilespmem:$0x4840];
	v1 =	vadd.f32 v41, v1;
	v2 =	vadd.f32 v49, v2  }
0x3e7: {  	v4 =	vadd.f32 v54, v4;
	v54 =	vld [tilespmem:$0x1FD30];
	v3 =	vadd.f32 v46, v3  }
0x3e8: {  	v1 =	vadd.f32 v47, v1;
	v2 =	vadd.f32 v55, v2;
	v55 =	vld [tilespmem:$0x1FD40]  }
0x3e9: {  	v3 =	vadd.f32 v50, v3;
	v32 =	vld [tilespmem:$0x1FDA0]  }
0x3ea: {  	v1 =	vadd.f32 v51, v1;
	[tilespmem:$0x1FF10] =	vst v60;
	v60 =	vld [tilespmem:$0x4540]  }
0x3eb: {  	v3 =	vadd.f32 v56, v3;
	v56 =	vld [tilespmem:$0x1FD50]  }
0x3ec: {  	v1 =	vadd.f32 v57, v1;
	v57 =	vld [tilespmem:$0x1FD60]  }
0x3ed: {  	v4 =	vadd.f32 v54, v4;
	v2 =	vadd.f32 v61, v2;
	v61 =	vld [tilespmem:$0x1FD70]  }
0x3ee: {  	v1 =	vadd.f32 v63, v1;
	v63 =	vld [tilespmem:$0x1FD90]  }
0x3ef: {  	v4 =	vadd.f32 v55, v4;
	[tilespmem:$0x1FEF0] =	vst v60;
	v60 =	vld [tilespmem:$0x4550]  }
0x3f0: {  	v3 =	vadd.f32 v62, v3;
	v35 =	vld [tilespmem:$0x1FDD0]  }
0x3f1: {  	v62 =	vld [tilespmem:$0x1FD80];
	v4 =	vadd.f32 v56, v4;
	v2 =	vadd.f32 v57, v2  }
0x3f2: {  	v33 =	vld [tilespmem:$0x1FDB0]  }
0x3f3: {  	v4 =	vadd.f32 v63, v4;
	v2 =	vadd.f32 v32, v2;
	v32 =	vld [tilespmem:$0x4850]  }
0x3f4: {  	[tilespmem:$0x1FF00] =	vst v60;
	v60 =	vld [tilespmem:$0x4560]  }
0x3f5: {  	v3 =	vadd.f32 v61, v3;
	v4 =	vadd.f32 v35, v4;
	v35 =	vld [tilespmem:$0x4880]  }
0x3f6: {  	v34 =	vld [tilespmem:$0x1FDC0]  }
0x3f7: {  	v3 =	vadd.f32 v33, v3;
	v33 =	vld [tilespmem:$0x4860]  }
0x3f8: {  	v38 =	vld [tilespmem:$0x1FDE0]  }
0x3f9: {  	v1 =	vadd.f32 v62, v1;
	[tilespmem:$0x1FF20] =	vst v60;
	v60 =	vld [tilespmem:$0x4570]  }
0x3fa: {  	v41 =	vld [tilespmem:$0x1FE10]  }
0x3fb: {  	v1 =	vadd.f32 v34, v1;
	v34 =	vld [tilespmem:$0x4870]  }
0x3fc: {  	v39 =	vld [tilespmem:$0x1FDF0]  }
0x3fd: {  	v2 =	vadd.f32 v38, v2;
	v38 =	vld [tilespmem:$0x4890]  }
0x3fe: {  	[tilespmem:$0x1FF50] =	vst v60;
	v60 =	vld [tilespmem:$0x4580]  }
0x3ff: {  	v4 =	vadd.f32 v41, v4;
	v41 =	vld [tilespmem:$0x48C0]  }
0x400: {  	v40 =	vld [tilespmem:$0x1FE00]  }
0x401: {  	v3 =	vadd.f32 v39, v3;
	v39 =	vld [tilespmem:$0x48A0]  }
0x402: {  	v44 =	vld [tilespmem:$0x1FE20]  }
0x403: {  	[tilespmem:$0x1FF30] =	vst v60;
	v60 =	vld [tilespmem:$0x4590]  }
0x404: {  	v47 =	vld [tilespmem:$0x1FE50]  }
0x405: {  	v1 =	vadd.f32 v40, v1;
	v40 =	vld [tilespmem:$0x48B0]  }
0x406: {  	v45 =	vld [tilespmem:$0x1FE30]  }
0x407: {  	v2 =	vadd.f32 v44, v2;
	v44 =	vld [tilespmem:$0x48D0]  }
0x408: {  	[tilespmem:$0x1FF40] =	vst v60;
	v60 =	vld [tilespmem:$0x45A0]  }
0x409: {  	v4 =	vadd.f32 v47, v4;
	v47 =	vld [tilespmem:$0x4900]  }
0x40a: {  	v46 =	vld [tilespmem:$0x1FE40]  }
0x40b: {  	v3 =	vadd.f32 v45, v3;
	v45 =	vld [tilespmem:$0x48E0]  }
0x40c: {  	v48 =	vld [tilespmem:$0x1FE60]  }
0x40d: {  	[tilespmem:$0x1FF60] =	vst v60;
	v60 =	vld [tilespmem:$0x45B0]  }
0x40e: {  	v51 =	vld [tilespmem:$0x1FE90]  }
0x40f: {  	v49 =	vld [tilespmem:$0x1FE70]  }
0x410: {  	v50 =	vld [tilespmem:$0x1FE80]  }
0x411: {  	v54 =	vld [tilespmem:$0x1FEA0]  }
0x412: {  	[tilespmem:$0x1FF90] =	vst v60;
	v60 =	vld [tilespmem:$0x45C0]  }
0x413: {  	v57 =	vld [tilespmem:$0x1FED0]  }
0x414: {  	v55 =	vld [tilespmem:$0x1FEB0]  }
0x415: {  	v56 =	vld [tilespmem:$0x1FEC0]  }
0x416: {  	v61 =	vld [tilespmem:$0x1FEE0]  }
0x417: {  	[tilespmem:$0x1FF70] =	vst v60;
	v60 =	vld [tilespmem:$0x45D0]  }
0x418: {  	v2 =	vadd.f32 v48, v2;
	v48 =	vld [tilespmem:$0x1FF10]  }
0x419: {  	v62 =	vld [tilespmem:$0x1FEF0]  }
0x41a: {  	v63 =	vld [tilespmem:$0x1FF00]  }
0x41b: {  	v3 =	vadd.f32 v49, v3;
	v49 =	vld [tilespmem:$0x1FF20]  }
0x41c: {  	v1 =	vadd.f32 v46, v1;
	[tilespmem:$0x1FF80] =	vst v60;
	v60 =	vld [tilespmem:$0x45E0]  }
0x41d: {  	v2 =	vadd.f32 v54, v2;
	v54 =	vld [tilespmem:$0x1FF50]  }
0x41e: {  	v1 =	vadd.f32 v50, v1;
	v50 =	vld [tilespmem:$0x1FF30]  }
0x41f: {  	v4 =	vadd.f32 v51, v4;
	v51 =	vld [tilespmem:$0x1FF40]  }
0x420: {  	v3 =	vadd.f32 v55, v3;
	v55 =	vld [tilespmem:$0x1FF60]  }
0x421: {  	[tilespmem:$0x1FFA0] =	vst v60;
	v60 =	vld [tilespmem:$0x45F0]  }
0x422: {  	v1 =	vadd.f32 v56, v1;
	v2 =	vadd.f32 v61, v2;
	v61 =	vld [tilespmem:$0x1FF90]  }
0x423: {  	v4 =	vadd.f32 v57, v4;
	v57 =	vld [tilespmem:$0x1FF80]  }
0x424: {  	v1 =	vadd.f32 v63, v1;
	v56 =	vld [tilespmem:$0x1FF70]  }
0x425: {  	v3 =	vadd.f32 v62, v3;
	v62 =	vld [tilespmem:$0x1FFA0]  }
0x426: {  	v2 =	vadd.f32 v49, v2;
	v1 =	vadd.f32 v51, v1;
	[tilespmem:$0x1FFB0] =	vst v60;
	v60 =	vld [tilespmem:$0x4600]  }
0x427: {  	v46 =	vld [tilespmem:$0x48F0];
	v4 =	vadd.f32 v48, v4;
	v3 =	vadd.f32 v50, v3  }
0x428: {  	v2 =	vadd.f32 v55, v2;
	v1 =	vadd.f32 v57, v1;
	v63 =	vld [tilespmem:$0x1FFB0]  }
0x429: {  	v48 =	vld [tilespmem:$0x4910];
	v4 =	vadd.f32 v54, v4;
	v3 =	vadd.f32 v56, v3  }
0x42a: {  	v49 =	vld [tilespmem:$0x4920];
	v0 =	vadd.f32 v0, v1;
	v2 =	vadd.f32 v62, v2  }
0x42b: {  	v54 =	vld [tilespmem:$0x4A20];
	v4 =	vadd.f32 v61, v4;
	v3 =	vadd.f32 v60, v3  }
0x42c: {  	v50 =	vld [tilespmem:$0x49E0];
	v0 =	vadd.f32 v26, v0;
	v2 =	vadd.f32 v10, v2  }
0x42d: {  	v51 =	vld [tilespmem:$0x49F0];
	v4 =	vadd.f32 v63, v4;
	v3 =	vadd.f32 v20, v3  }
0x42e: {  	v55 =	vld [tilespmem:$0x4A30];
	v0 =	vadd.f32 v42, v0;
	v2 =	vadd.f32 v27, v2  }
0x42f: {  	v61 =	vld [tilespmem:$0x4A90];
	v4 =	vadd.f32 v6, v4;
	v3 =	vadd.f32 v36, v3  }
0x430: {  	v56 =	vld [tilespmem:$0x4A40];
	v0 =	vadd.f32 v58, v0;
	v2 =	vadd.f32 v43, v2  }
0x431: {  	v57 =	vld [tilespmem:$0x4A50];
	v4 =	vadd.f32 v21, v4;
	v3 =	vadd.f32 v52, v3  }
0x432: {  	v1 =	vld [tilespmem:$0x4930];
	v0 =	vadd.f32 v7, v0;
	v2 =	vadd.f32 v59, v2  }
0x433: {  	v26 =	vld [tilespmem:$0x4970];
	v4 =	vadd.f32 v37, v4;
	v3 =	vadd.f32 v5, v3  }
0x434: {  	v62 =	vld [tilespmem:$0x4AA0];
	v0 =	vadd.f32 v12, v0;
	v2 =	vadd.f32 v8, v2  }
0x435: {  	v42 =	vld [tilespmem:$0x49C0];
	v4 =	vadd.f32 v53, v4;
	v3 =	vadd.f32 v11, v3  }
0x436: {  	v10 =	vld [tilespmem:$0x4940];
	v0 =	vadd.f32 v16, v0;
	v2 =	vadd.f32 v13, v2  }
0x437: {  	v58 =	vld [tilespmem:$0x4A60];
	v4 =	vadd.f32 v9, v4;
	v3 =	vadd.f32 v15, v3  }
0x438: {  	v27 =	vld [tilespmem:$0x4990];
	v0 =	vadd.f32 v22, v0;
	v2 =	vadd.f32 v17, v2  }
0x439: {  	v60 =	vld [tilespmem:$0x4A80];
	v4 =	vadd.f32 v14, v4;
	v3 =	vadd.f32 v19, v3  }
0x43a: {  	v63 =	vld [tilespmem:$0x4AB0];
	v0 =	vadd.f32 v28, v0;
	v2 =	vadd.f32 v23, v2  }
0x43b: {  	v20 =	vld [tilespmem:$0x4950];
	v4 =	vadd.f32 v18, v4;
	v3 =	vadd.f32 v25, v3  }
0x43c: {  	v43 =	vld [tilespmem:$0x49D0];
	v0 =	vadd.f32 v32, v0;
	v2 =	vadd.f32 v29, v2  }
0x43d: {  	v6 =	vld [tilespmem:$0x4960];
	v4 =	vadd.f32 v24, v4;
	v3 =	vadd.f32 v31, v3  }
0x43e: {  	v36 =	vld [tilespmem:$0x49A0];
	v0 =	vadd.f32 v38, v0;
	v2 =	vadd.f32 v33, v2  }
0x43f: {  	v59 =	vld [tilespmem:$0x4A70];
	v4 =	vadd.f32 v30, v4;
	v3 =	vadd.f32 v35, v3  }
0x440: {  	v21 =	vld [tilespmem:$0x4980];
	v0 =	vadd.f32 v44, v0;
	v2 =	vadd.f32 v39, v2  }
0x441: {  	v52 =	vld [tilespmem:$0x4A00];
	v4 =	vadd.f32 v34, v4;
	v3 =	vadd.f32 v41, v3  }
0x442: {  	v37 =	vld [tilespmem:$0x4B10];
	v0 =	vadd.f32 v48, v0;
	v2 =	vadd.f32 v45, v2  }
0x443: {  	v5 =	vld [tilespmem:$0x49B0];
	v4 =	vadd.f32 v40, v4;
	v3 =	vadd.f32 v47, v3  }
0x444: {  	v53 =	vld [tilespmem:$0x4A10];
	v0 =	vadd.f32 v20, v0;
	v2 =	vadd.f32 v49, v2  }
0x445: {  	v32 =	vld [tilespmem:$0x4AC0];
	v4 =	vadd.f32 v46, v4;
	v3 =	vadd.f32 v10, v3  }
0x446: {  	v38 =	vld [tilespmem:$0x4B20];
	v0 =	vadd.f32 v27, v0;
	v2 =	vadd.f32 v6, v2  }
0x447: {  	v44 =	vld [tilespmem:$0x4B80];
	v1 =	vadd.f32 v1, v4;
	v3 =	vadd.f32 v21, v3  }
0x448: {  	v33 =	vld [tilespmem:$0x4AD0];
	v0 =	vadd.f32 v43, v0;
	v2 =	vadd.f32 v36, v2  }
0x449: {  	v48 =	vld [tilespmem:$0x4BD0];
	v1 =	vadd.f32 v26, v1;
	v3 =	vadd.f32 v42, v3  }
0x44a: {  	v39 =	vld [tilespmem:$0x4B30];
	v0 =	vadd.f32 v53, v0;
	v2 =	vadd.f32 v50, v2  }
0x44b: {  	v35 =	vld [tilespmem:$0x4AF0];
	v1 =	vadd.f32 v5, v1;
	v3 =	vadd.f32 v52, v3  }
0x44c: {  	v45 =	vld [tilespmem:$0x4B90];
	v0 =	vadd.f32 v57, v0;
	v2 =	vadd.f32 v54, v2  }
0x44d: {  	v34 =	vld [tilespmem:$0x4AE0];
	v1 =	vadd.f32 v51, v1;
	v3 =	vadd.f32 v56, v3  }
0x44e: {  	v36 =	vld [tilespmem:$0x4B00];
	v0 =	vadd.f32 v61, v0;
	v2 =	vadd.f32 v58, v2  }
0x44f: {  	v41 =	vld [tilespmem:$0x4B50];
	v1 =	vadd.f32 v55, v1;
	v3 =	vadd.f32 v60, v3  }
0x450: {  	v40 =	vld [tilespmem:$0x4B40];
	v0 =	vadd.f32 v33, v0;
	v2 =	vadd.f32 v62, v2  }
0x451: {  	v42 =	vld [tilespmem:$0x4B60];
	v1 =	vadd.f32 v59, v1;
	v3 =	vadd.f32 v32, v3  }
0x452: {  	v43 =	vld [tilespmem:$0x4B70];
	v0 =	vadd.f32 v37, v0;
	v2 =	vadd.f32 v34, v2  }
0x453: {  	v46 =	vld [tilespmem:$0x4BA0];
	v1 =	vadd.f32 v63, v1;
	v3 =	vadd.f32 v36, v3  }
0x454: {  	v47 =	vld [tilespmem:$0x4BC0];
	v0 =	vadd.f32 v41, v0;
	v2 =	vadd.f32 v38, v2  }
0x455: {  	v50 =	vld [tilespmem:$0x4BB0];
	v1 =	vadd.f32 v35, v1;
	v3 =	vadd.f32 v40, v3  }
0x456: {  	v51 =	vld [tilespmem:$0x4BE0];
	v0 =	vadd.f32 v45, v0;
	v2 =	vadd.f32 v42, v2  }
0x457: {  	v1 =	vadd.f32 v39, v1;
	v3 =	vadd.f32 v44, v3  }
0x458: {  	v53 =	vld [tilespmem:$0x4BF0];
	v0 =	vadd.f32 v48, v0;
	v2 =	vadd.f32 v46, v2  }
0x459: {  	v1 =	vadd.f32 v43, v1;
	v3 =	vadd.f32 v47, v3  }
0x45a: {  	v57 =	vmul.f32 v0, v0  }
0x45b: {  	v2 =	vadd.f32 v51, v2;
	v1 =	vadd.f32 v50, v1;
	v56 =	vmul.f32 v3, v3;
	_ =	sdelay $0x1  }
0x45c: {  	v59 =	vmul.f32 v2, v2;
	v1 =	vadd.f32 v53, v1;
	v58 =	vadd.f32 v57, v56  }
0x45d: {  	v54 =	vld [tilespmem:$0x1FFC0]  }
0x45e: {  	v60 =	vmul.f32 v1, v1;
	v4 =	vadd.f32 v59, v58;
	_ =	sdelay $0x1  }
0x45f: {  	v4 =	vadd.f32 v60, v4  }
0x460: {  	v55 =	vld [tilespmem:$0x1FFD0]  }
0x461: {  	v5 =	vperm.xlane v4, v54;
	_ =	sdelay $0x1  }
0x462: {  	v4 =	vadd.f32 v4, v5  }
0x463: {  	v49 =	vld [tilespmem:$0x1FFE0]  }
0x464: {  	v5 =	vperm.xlane v4, v55;
	_ =	sdelay $0x1  }
0x465: {  	v4 =	vadd.f32 v4, v5  }
0x466: {  	v52 =	vld [tilespmem:$0x1FFF0]  }
0x467: {  	v5 =	vperm.xlane v4, v49;
	_ =	sdelay $0x1  }
0x468: {  	v4 =	vadd.f32 v4, v5;
	_ =	sdelay $0x1  }
0x469: {  	v5 =	vperm.xlane v4, v52;
	_ =	sdelay $0x1  }
0x46a: {  	v4 =	vadd.f32 v4, v5;
	_ =	sdelay $0x1  }
0x46b: {  	v4 =	vmax.f32 v4, $1.000000020e-24  }
0x46c: {  	v61 =	vshra.s32 v4, $0x1;
	v4 =	vmul.f32 $5.000000000e-01, v4  }
0x46d: {  	v5 =	vsub.s32 $0x5F3759DF, v61  }
0x46e: {  	v62 =	vmul.f32 v5, v4;
	_ =	sdelay $0x1  }
0x46f: {  	v6 =	vmul.f32 v5, v62;
	_ =	sdelay $0x1  }
0x470: {  	v6 =	vsub.f32 $1.500000000e+00, v6;
	_ =	sdelay $0x1  }
0x471: {  	v5 =	vmul.f32 v5, v6;
	_ =	sdelay $0x1  }
0x472: {  	v6 =	vmul.f32 v5, v4;
	_ =	sdelay $0x1  }
0x473: {  	v6 =	vmul.f32 v6, v5;
	_ =	sdelay $0x1  }
0x474: {  	v6 =	vsub.f32 $1.500000000e+00, v6;
	_ =	sdelay $0x1  }
0x475: {  	v5 =	vmul.f32 v6, v5;
	_ =	sdelay $0x1  }
0x476: {  	v4 =	vmul.f32 v5, v4;
	_ =	sdelay $0x1  }
0x477: {  	v4 =	vmul.f32 v4, v5;
	_ =	sdelay $0x1  }
0x478: {  	v4 =	vsub.f32 $1.500000000e+00, v4;
	_ =	sdelay $0x1  }
0x479: {  	v4 =	vmul.f32 v4, v5;
	_ =	sdelay $0x1  }
0x47a: {  	p0 =	sne.s32 s17, $0x3E;
	v3 =	vmul.f32 v4, v3  }
.Ltmp0:
0x47b: {  	v0 =	vmul.f32 v4, v0;
	(pc) =	sbr.rel @p0 .LBB2_2-.Ltmp0, $4  }
0x47c: {  	v2 =	vmul.f32 v4, v2;
	[tilespmem:s16+$0x40] =	vst v3  }
0x47d: {  	v63 =	vmul.f32 v4, v1;
	[tilespmem:s16+$0x50] =	vst v0  }
0x47e: {  	[tilespmem:s16+$0x60] =	vst v2  }
0x47f: {  	s15 =	sadd.s32 $0xD0, s15;
	s17 =	sadd.s32 $0x2, s17;
	[tilespmem:s16+$0x70] =	vst v63;
	s16 =	sadd.s32 $0x100, s16  }
0x480: {  	_ =	swait.ge [sflag:s11], $0x1900;
	s14 =	sadd.s32 $0x1, s14  }
0x481: {  	[sflag:s11] =	ssyncset.done $0x0;
	p0 =	sne.s32 s14, s6  }
.Ltmp1:
0x482: {  	[sflag:s11] =	ssyncadd.s32 $0xFFFFE700;
	(pc) =	sbr.rel @p0 .LBB2_1-.Ltmp1, $4  }
0x483: {  	[hbm4b:s5+s2] =	stream.linear.scatter [tilespmem:s13], [sflag:$0x3], $0x2000, $0x38;
	[tilespmem:$0x6C00] =	vst v63  }
0x484: {  	_ =	swait.ge [sflag:s7], $0x2000  }
0x485: {  	[sflag:s7] =	ssyncset.done $0x0  }
0x486: {  	[sflag:s7] =	ssyncadd.s32 $0xFFFFE000  }
0x487: {  	_ =	sfence.sel $0x180000  }
0x488: {  	[bflag:$0x0] =	sbarrier.arrive $0xFFFF  }
0x489: {  	p0 =	sne.s32 s0, $0x0;
	_ =	strace $0x90000047  }
0x48a: {  	s0 =	sadd.s32 @!p0 $0x100000, s1;
	[bflag:$0x2] =	sbarrier.arrive $0xFFFF  }
0x48b: {  	[sflag:s0] =	ssyncadd.tile.s32 @!p0 $0x1;
	_ =	shalt  }
.Lfunc_end2:
_tile_overlayer_lowered:
.L_overlay_start_2:
0x48c: {  	(tag) =	ssettag $0x2  }
0x48d: {  	s0 =	rddreg [dreg:$0x0];
	s2 =	stileid.u32  }
0x48e: {  	s1 =	rddreg [dreg:$0x1];
	p0 =	sne.s32 s2, $0x0  }
0x48f: {  	s3 =	rddreg [dreg:$0x2];
	[bflag:$0x3] =	sbarrier.arrive $0xFFFF;
	s2 =	simm.s32 @!p0 $0x1C03  }
0x490: {  	[timem:s3], [sflag:s2] =	dma.local @!p0 [hbm:s0], s1  }
0x491: {  	s0 =	simm.s32 @!p0 $0x3  }
0x492: {  	_ =	swait.ge @!p0 [sflag:s0], s1  }
0x493: {  	s1 =	ssub.s32 @!p0 $0x0, s1;
	[sflag:s0] =	ssyncset.done @!p0 $0x0  }
0x494: {  	[sflag:s0] =	ssyncadd.s32 @!p0 s1  }
0x495: {  	[bflag:$0x3] =	sbarrier.arrive $0xFFFF  }
0x496: {  	_ =	shalt  }

</sc_bundles>
